<compile_context>
chip_gen: v7x
topology: tpu7x:2x2x1
jax: 0.10.2.dev20260603
libtpu: 0.0.44.dev20260713+nightly
codegen_flags: <defaults>
</compile_context>

<pallas_src>
import functools

import jax
import jax.numpy as jnp
from jax import lax
from jax.experimental import pallas as pl
from jax.experimental.pallas import tpu as pltpu
from jax.experimental.pallas import tpu_sc as plsc

N_NODES = 10000
CHUNK = 128
NC = 2
NS = 16
N_PAD = 10112


def _seg_sum_kernel(nct0, nct1, width):
    assert nct0 % 2 == 0 and nct1 % 2 == 0
    k0 = NS * nct0
    mesh = plsc.VectorSubcoreMesh(core_axis_name="c", subcore_axis_name="s")
    rows_per_tile = N_PAD // NS

    @functools.partial(
        pl.kernel,
        out_type=jax.ShapeDtypeStruct((NC, N_PAD, width), jnp.float32),
        mesh=mesh,
        compiler_params=pltpu.CompilerParams(
            use_tc_tiling_on_sc=(width % 128 == 0)),
        scratch_types=[
            pltpu.VMEM((CHUNK,), jnp.int32),
            pltpu.VMEM((CHUNK,), jnp.int32),
            pltpu.VMEM((CHUNK,), jnp.int32),
            pltpu.VMEM((CHUNK,), jnp.int32),
            pltpu.VMEM((CHUNK, width), jnp.float32),
            pltpu.VMEM((CHUNK, width), jnp.float32),
            pltpu.VMEM_SHARED((N_PAD, width), jnp.float32),
            pltpu.SemaphoreType.DMA,
            pltpu.SemaphoreType.DMA,
            pltpu.SemaphoreType.DMA,
            pltpu.SemaphoreType.DMA,
            pltpu.SemaphoreType.DMA,
            pltpu.SemaphoreType.DMA,
            pltpu.SemaphoreType.DMA,
            pltpu.SemaphoreType.DMA,
            pltpu.SemaphoreType.DMA,
        ],
    )
    def seg_sum(sup_hbm, src_hbm, dst_hbm, out_hbm,
                sidx0, sidx1, didx0, didx1, rows0, rows1, acc_sh,
                isem0, isem1, dsem0, dsem1, gsem0, gsem1, ssem0, ssem1, zsem):
        cid = lax.axis_index("c")
        sid = lax.axis_index("s")

        zrow = sid * rows_per_tile
        zv = jnp.zeros((16,), jnp.float32)

        def zbody(r, carry):
            for c in range(width // 16):
                rows0[r, pl.ds(c * 16, 16)] = zv
            return carry

        lax.fori_loop(0, CHUNK, zbody, 0)
        nfull = rows_per_tile // CHUNK
        rem = rows_per_tile - nfull * CHUNK
        for kz in range(nfull):
            pltpu.async_copy(rows0, acc_sh.at[pl.ds(zrow + kz * CHUNK, CHUNK)],
                             zsem)
        pltpu.async_copy(rows0.at[pl.ds(0, rem)],
                         acc_sh.at[pl.ds(zrow + nfull * CHUNK, rem)], zsem)
        for kz in range(nfull):
            pltpu.make_async_copy(
                rows0, acc_sh.at[pl.ds(zrow + kz * CHUNK, CHUNK)], zsem).wait()
        pltpu.make_async_copy(
            rows0.at[pl.ds(0, rem)],
            acc_sh.at[pl.ds(zrow + nfull * CHUNK, rem)], zsem).wait()

        def i_start(k, buf, sem):
            pltpu.async_copy(src_hbm.at[k], buf, sem)

        def i_wait(k, buf, sem):
            pltpu.make_async_copy(src_hbm.at[k], buf, sem).wait()

        def d_start(k, buf, sem):
            pltpu.async_copy(dst_hbm.at[k], buf, sem)

        def d_wait(k, buf, sem):
            pltpu.make_async_copy(dst_hbm.at[k], buf, sem).wait()

        def g_start(buf, ibuf, sem):
            pltpu.async_copy(sup_hbm.at[ibuf], buf, sem)

        def g_wait(buf, ibuf, sem):
            pltpu.make_async_copy(sup_hbm.at[ibuf], buf, sem).wait()

        def s_start(buf, dbuf, sem):
            pltpu.async_copy(buf, acc_sh.at[dbuf], sem, add=True)

        def s_wait(buf, dbuf, sem):
            pltpu.make_async_copy(buf, acc_sh.at[dbuf], sem).wait()

        def run(nct, base_k):
            i_start(base_k, sidx0, isem0)
            i_start(base_k + 1, sidx1, isem1)
            d_start(base_k, didx0, dsem0)
            d_start(base_k + 1, didx1, dsem1)
            plsc.subcore_barrier()
            i_wait(base_k, sidx0, isem0)
            g_start(rows0, sidx0, gsem0)
            i_wait(base_k + 1, sidx1, isem1)
            g_start(rows1, sidx1, gsem1)

            def body(p, carry):
                i0 = 2 * p
                g_wait(rows0, sidx0, gsem0)
                i_start(base_k + i0 + 2, sidx0, isem0)
                d_wait(base_k + i0, didx0, dsem0)
                s_start(rows0, didx0, ssem0)
                g_wait(rows1, sidx1, gsem1)
                i_start(base_k + i0 + 3, sidx1, isem1)
                d_wait(base_k + i0 + 1, didx1, dsem1)
                s_start(rows1, didx1, ssem1)
                s_wait(rows0, didx0, ssem0)
                d_start(base_k + i0 + 2, didx0, dsem0)
                i_wait(base_k + i0 + 2, sidx0, isem0)
                g_start(rows0, sidx0, gsem0)
                s_wait(rows1, didx1, ssem1)
                d_start(base_k + i0 + 3, didx1, dsem1)
                i_wait(base_k + i0 + 3, sidx1, isem1)
                g_start(rows1, sidx1, gsem1)
                return carry

            lax.fori_loop(0, nct // 2 - 1, body, 0)

            last = base_k + nct - 2
            g_wait(rows0, sidx0, gsem0)
            d_wait(last, didx0, dsem0)
            s_start(rows0, didx0, ssem0)
            g_wait(rows1, sidx1, gsem1)
            d_wait(last + 1, didx1, dsem1)
            s_start(rows1, didx1, ssem1)
            s_wait(rows0, didx0, ssem0)
            s_wait(rows1, didx1, ssem1)
            plsc.subcore_barrier()

        @pl.when(cid == 0)
        def _():
            run(nct0, sid * nct0)

        @pl.when(cid == 1)
        def _():
            run(nct1, k0 + sid * nct1)

        pltpu.sync_copy(acc_sh.at[pl.ds(zrow, rows_per_tile)],
                        out_hbm.at[cid, pl.ds(zrow, rows_per_tile)])

    return seg_sum


def _stage_a_body(x_ref, w1_ref, dsw_ref, dsb_ref, s1_ref, ox_ref):
    x = x_ref[...]
    s1_ref[...] = jnp.dot(x, w1_ref[...], preferred_element_type=jnp.float32)
    ox_ref[...] = jnp.dot(x, dsw_ref[...],
                          preferred_element_type=jnp.float32) + dsb_ref[...]


def _stage_b_body(pa_ref, pb_ref, b1_ref, w2_ref, w3_ref, s2_ref, s3_ref):
    h = jnp.maximum(pa_ref[...] + pb_ref[...] + b1_ref[...], 0.0)
    s2_ref[...] = jnp.dot(h, w2_ref[...], preferred_element_type=jnp.float32)
    s3_ref[...] = jnp.dot(h, w3_ref[...], preferred_element_type=jnp.float32)


def _stage_c1_body(p3a_ref, p3b_ref, ox_ref, b3_ref,
                   l2w_ref, l2b_ref, l3w_ref, l3b_ref, r2_ref, r3_ref):
    h2 = jnp.maximum(p3a_ref[...] + p3b_ref[...] + b3_ref[...], 0.0)
    h2 = h2 + ox_ref[...]
    r2_ref[...] = jnp.dot(h2, l2w_ref[...],
                          preferred_element_type=jnp.float32) + l2b_ref[...]
    r3_ref[...] = jnp.dot(h2, l3w_ref[...],
                          preferred_element_type=jnp.float32) + l3b_ref[...]


def _stage_c2_body(p2a_ref, p2b_ref, b2_ref, r1_ref):
    nclass = b2_ref.shape[1]
    c = (p2a_ref[...] + p2b_ref[...])[:, :nclass] + b2_ref[...]
    c = c - jnp.max(c, axis=1, keepdims=True)
    r1_ref[...] = c - jnp.log(jnp.sum(jnp.exp(c), axis=1, keepdims=True))


_ROW_BLK = N_PAD // 8


def _row_spec(cols):
    return pl.BlockSpec((_ROW_BLK, cols), lambda i: (i, 0))


def _full_spec(rows, cols):
    return pl.BlockSpec((rows, cols), lambda i: (0, 0))


def kernel(x, adj, gc1_W, gc1_b, gc2_W, gc2_b, gc3_W, gc3_b, ds_W, ds_b,
           lin2_W, lin2_b, lin3_W, lin3_b):
    n, d = x.shape
    e = adj.shape[1]
    nclass = gc2_W.shape[1]
    ndeg = lin3_W.shape[1]
    w2pad = 48

    epw = NC * NS * CHUNK * 2
    e_pad = ((e + epw - 1) // epw) * epw
    pad = e_pad - e
    total_chunks_per_tile = e_pad // (NC * NS * CHUNK)
    nct0 = total_chunks_per_tile + 64
    nct1 = 2 * total_chunks_per_tile - nct0
    src = jnp.concatenate([adj[0], jnp.zeros((pad,), jnp.int32)])
    dst = jnp.concatenate([adj[1], jnp.full((pad,), n, jnp.int32)])
    src = src.reshape(e_pad // CHUNK, CHUNK)
    dst = dst.reshape(e_pad // CHUNK, CHUNK)
    x_p = jnp.concatenate([x, jnp.zeros((N_PAD - n, d), jnp.float32)])
    gc2_Wp = jnp.concatenate(
        [gc2_W, jnp.zeros((d, w2pad - nclass), jnp.float32)], axis=1)

    seg_sum_d = _seg_sum_kernel(nct0, nct1, d)
    seg_sum_n = _seg_sum_kernel(nct0, nct1, w2pad)

    s1, ox = pl.pallas_call(
        _stage_a_body,
        grid=(N_PAD // _ROW_BLK,),
        in_specs=[_row_spec(d), _full_spec(d, d), _full_spec(d, d),
                  _full_spec(1, d)],
        out_specs=[_row_spec(d), _row_spec(d)],
        out_shape=[jax.ShapeDtypeStruct((N_PAD, d), jnp.float32),
                   jax.ShapeDtypeStruct((N_PAD, d), jnp.float32)],
    )(x_p, gc1_W, ds_W, ds_b.reshape(1, d))

    p1 = seg_sum_d(s1, src, dst)

    s2, s3 = pl.pallas_call(
        _stage_b_body,
        grid=(N_PAD // _ROW_BLK,),
        in_specs=[_row_spec(d), _row_spec(d), _full_spec(1, d),
                  _full_spec(d, w2pad), _full_spec(d, d)],
        out_specs=[_row_spec(w2pad), _row_spec(d)],
        out_shape=[jax.ShapeDtypeStruct((N_PAD, w2pad), jnp.float32),
                   jax.ShapeDtypeStruct((N_PAD, d), jnp.float32)],
    )(p1[0], p1[1], gc1_b.reshape(1, d), gc2_Wp, gc3_W)

    p3 = seg_sum_d(s3, src, dst)
    p2 = seg_sum_n(s2, src, dst)

    r2, r3 = pl.pallas_call(
        _stage_c1_body,
        grid=(N_PAD // _ROW_BLK,),
        in_specs=[
            _row_spec(d), _row_spec(d), _row_spec(d), _full_spec(1, d),
            _full_spec(d, 1), _full_spec(1, 1),
            _full_spec(d, ndeg), _full_spec(1, ndeg),
        ],
        out_specs=[_row_spec(1), _row_spec(ndeg)],
        out_shape=[
            jax.ShapeDtypeStruct((N_PAD, 1), jnp.float32),
            jax.ShapeDtypeStruct((N_PAD, ndeg), jnp.float32),
        ],
    )(p3[0], p3[1], ox, gc3_b.reshape(1, d),
      lin2_W, lin2_b.reshape(1, 1),
      lin3_W, lin3_b.reshape(1, ndeg))

    r1 = pl.pallas_call(
        _stage_c2_body,
        grid=(N_PAD // _ROW_BLK,),
        in_specs=[_row_spec(w2pad), _row_spec(w2pad), _full_spec(1, nclass)],
        out_specs=_row_spec(nclass),
        out_shape=jax.ShapeDtypeStruct((N_PAD, nclass), jnp.float32),
    )(p2[0], p2[1], gc2_b.reshape(1, nclass))

    return (r1[:n], r2[:n, 0], r3[:n])

# --- scband reference (transcript-rebuilt; emitter-appended) ---
"""Pipeline reference for scband-gcn-prompt-45397804319434 (READ-ONLY COPY).

The authoritative reference and input builder live on the scoring server;
editing this copy changes nothing except your own understanding.
"""

import jax, jax.numpy as jnp
import numpy as np

N = 10000
E = 320000
NFEAT = 128
NHID = 128
NCLASS = 40
DEGREE_MAX = 64


def setup_inputs(seed: int = 0) -> dict:
    key = jax.random.key(seed)
    ks = jax.random.split(key, 16)
    inp = {}
    inp["x"] = jax.random.normal(ks[0], (N, NFEAT), dtype=jnp.float32)
    inp["adj"] = jax.random.randint(ks[1], (2, E), 0, N, dtype=jnp.int32)
    s_feat = 1.0 / np.sqrt(NFEAT)
    s_hid = 1.0 / np.sqrt(NHID)
    inp["gc1_W"] = jax.random.uniform(ks[2], (NFEAT, NHID), jnp.float32, -s_feat, s_feat)
    inp["gc1_b"] = jnp.zeros((NHID,), jnp.float32)
    inp["gc2_W"] = jax.random.uniform(ks[3], (NHID, NCLASS), jnp.float32, -s_hid, s_hid)
    inp["gc2_b"] = jnp.zeros((NCLASS,), jnp.float32)
    inp["gc3_W"] = jax.random.uniform(ks[4], (NHID, NHID), jnp.float32, -s_hid, s_hid)
    inp["gc3_b"] = jnp.zeros((NHID,), jnp.float32)
    inp["ds_W"] = jax.random.uniform(ks[5], (NFEAT, NHID), jnp.float32, -s_feat, s_feat)
    inp["ds_b"] = jnp.zeros((NHID,), jnp.float32)
    inp["lin2_W"] = jax.random.uniform(ks[6], (NHID, 1), jnp.float32, -s_hid, s_hid)
    inp["lin2_b"] = jnp.zeros((1,), jnp.float32)
    inp["lin3_W"] = jax.random.uniform(ks[7], (NHID, DEGREE_MAX), jnp.float32, -s_hid, s_hid)
    inp["lin3_b"] = jnp.zeros((DEGREE_MAX,), jnp.float32)
    return inp


def reference(x, adj, gc1_W, gc1_b, gc2_W, gc2_b, gc3_W, gc3_b, ds_W, ds_b, lin2_W, lin2_b, lin3_W, lin3_b):
    # eval mode: dropout is identity
    src = adj[0]
    dst = adj[1]
    n = x.shape[0]

    def gcn_layer(h, W, b):
        support = h @ W
        msgs = jnp.take(support, src, axis=0)
        agg = jax.ops.segment_sum(msgs, dst, num_segments=n)
        return agg + b

    original_x = x @ ds_W + ds_b
    h = jax.nn.relu(gcn_layer(x, gc1_W, gc1_b))
    classify_x = gcn_layer(h, gc2_W, gc2_b)
    h2 = jax.nn.relu(gcn_layer(h, gc3_W, gc3_b))
    h2 = h2 + original_x
    result1 = jax.nn.log_softmax(classify_x, axis=1)
    result2 = (h2 @ lin2_W + lin2_b).squeeze(-1)
    result3 = h2 @ lin3_W + lin3_b
    return (result1, result2, result3)

if __name__ == "__main__":
    import jax
    _d = setup_inputs()
    print(jax.jit(kernel)(*tuple(_d.values())))

</pallas_src>

<mosaic_0001>
#map = affine_map<(d0, d1) -> (0, 0)>
#map1 = affine_map<(d0, d1) -> (0, 0, 0)>
module attributes {stable_mosaic.version = 14 : i64} {
  func.func @seg_sum(%arg0: i32, %arg1: i32, %arg2: memref<10112x128xf32, #tpu.memory_space<hbm>>, %arg3: memref<2560x128xi32, #tpu.memory_space<hbm>>, %arg4: memref<2560x128xi32, #tpu.memory_space<hbm>>, %arg5: memref<2x10112x128xf32, #tpu.memory_space<hbm>>, %arg6: memref<128xi32, #tpu.memory_space<vmem>>, %arg7: memref<128xi32, #tpu.memory_space<vmem>>, %arg8: memref<128xi32, #tpu.memory_space<vmem>>, %arg9: memref<128xi32, #tpu.memory_space<vmem>>, %arg10: memref<128x128xf32, #tpu.memory_space<vmem>>, %arg11: memref<128x128xf32, #tpu.memory_space<vmem>>, %arg12: memref<10112x128xf32, #tpu.memory_space<vmem_shared>>, %arg13: memref<!tpu.dma_semaphore, #tpu.memory_space<semaphore_mem>>, %arg14: memref<!tpu.dma_semaphore, #tpu.memory_space<semaphore_mem>>, %arg15: memref<!tpu.dma_semaphore, #tpu.memory_space<semaphore_mem>>, %arg16: memref<!tpu.dma_semaphore, #tpu.memory_space<semaphore_mem>>, %arg17: memref<!tpu.dma_semaphore, #tpu.memory_space<semaphore_mem>>, %arg18: memref<!tpu.dma_semaphore, #tpu.memory_space<semaphore_mem>>, %arg19: memref<!tpu.dma_semaphore, #tpu.memory_space<semaphore_mem>>, %arg20: memref<!tpu.dma_semaphore, #tpu.memory_space<semaphore_mem>>, %arg21: memref<!tpu.dma_semaphore, #tpu.memory_space<semaphore_mem>>) attributes {dimension_semantics = [#tpu.dimension_semantics<core_parallel>, #tpu.dimension_semantics<subcore_parallel>], iteration_bounds = array<i64: 2, 16>, scalar_prefetch = 0 : i64, scratch_operands = 16 : i64, tpu.core_type = #tpu.core_type<sc_vector_subcore>, window_params = [{transform_indices = #map}, {transform_indices = #map}, {transform_indices = #map}, {transform_indices = #map1}]} {
    %mul3A = arith.constant 632 : i32
    %mul3A_0 = arith.muli %arg1, %mul3A : i32
    %broadcast_in_dim3A = arith.constant 0.000000e+00 : f32
    %broadcast_in_dim3A_1 = vector.broadcast %broadcast_in_dim3A : f32 to vector<16xf32>
    %scan3A = arith.constant 0 : i32
    %scan3A_2 = arith.constant 0 : i32
    %scan3A_3 = arith.constant 128 : i32
    %scan3A_4 = arith.addi %scan3A_2, %scan3A_3 : i32
    %scan3A_5 = arith.constant 1 : i32
    scf.for %scan3A_83 = %scan3A_2 to %scan3A_4 step %scan3A_5  : i32 {
      %swap3A = arith.index_cast %scan3A_83 : i32 to index
      %swap3A_84 = arith.constant 0 : index
      %swap3A_85 = tpu.vector_load %arg10[%swap3A, %swap3A_84] {strides = array<i32>} : memref<128x128xf32, #tpu.memory_space<vmem>>, vector<1x16xf32>,
      %swap3A_86 = vector.shape_cast %swap3A_85 : vector<1x16xf32> to vector<16xf32>
      %swap3A_87 = vector.shape_cast %broadcast_in_dim3A_1 : vector<16xf32> to vector<1x16xf32>
      tpu.vector_store %arg10[%swap3A, %swap3A_84], %swap3A_87 {strides = array<i32>} : memref<128x128xf32, #tpu.memory_space<vmem>>, vector<1x16xf32>,
      %swap3A_88 = arith.index_cast %scan3A_83 : i32 to index
      %swap3A_89 = arith.constant 16 : index
      %swap3A_90 = tpu.vector_load %arg10[%swap3A_88, %swap3A_89] {strides = array<i32>} : memref<128x128xf32, #tpu.memory_space<vmem>>, vector<1x16xf32>,
      %swap3A_91 = vector.shape_cast %swap3A_90 : vector<1x16xf32> to vector<16xf32>
      %swap3A_92 = vector.shape_cast %broadcast_in_dim3A_1 : vector<16xf32> to vector<1x16xf32>
      tpu.vector_store %arg10[%swap3A_88, %swap3A_89], %swap3A_92 {strides = array<i32>} : memref<128x128xf32, #tpu.memory_space<vmem>>, vector<1x16xf32>,
      %swap3A_93 = arith.index_cast %scan3A_83 : i32 to index
      %swap3A_94 = arith.constant 32 : index
      %swap3A_95 = tpu.vector_load %arg10[%swap3A_93, %swap3A_94] {strides = array<i32>} : memref<128x128xf32, #tpu.memory_space<vmem>>, vector<1x16xf32>,
      %swap3A_96 = vector.shape_cast %swap3A_95 : vector<1x16xf32> to vector<16xf32>
      %swap3A_97 = vector.shape_cast %broadcast_in_dim3A_1 : vector<16xf32> to vector<1x16xf32>
      tpu.vector_store %arg10[%swap3A_93, %swap3A_94], %swap3A_97 {strides = array<i32>} : memref<128x128xf32, #tpu.memory_space<vmem>>, vector<1x16xf32>,
      %swap3A_98 = arith.index_cast %scan3A_83 : i32 to index
      %swap3A_99 = arith.constant 48 : index
      %swap3A_100 = tpu.vector_load %arg10[%swap3A_98, %swap3A_99] {strides = array<i32>} : memref<128x128xf32, #tpu.memory_space<vmem>>, vector<1x16xf32>,
      %swap3A_101 = vector.shape_cast %swap3A_100 : vector<1x16xf32> to vector<16xf32>
      %swap3A_102 = vector.shape_cast %broadcast_in_dim3A_1 : vector<16xf32> to vector<1x16xf32>
      tpu.vector_store %arg10[%swap3A_98, %swap3A_99], %swap3A_102 {strides = array<i32>} : memref<128x128xf32, #tpu.memory_space<vmem>>, vector<1x16xf32>,
      %swap3A_103 = arith.index_cast %scan3A_83 : i32 to index
      %swap3A_104 = arith.constant 64 : index
      %swap3A_105 = tpu.vector_load %arg10[%swap3A_103, %swap3A_104] {strides = array<i32>} : memref<128x128xf32, #tpu.memory_space<vmem>>, vector<1x16xf32>,
      %swap3A_106 = vector.shape_cast %swap3A_105 : vector<1x16xf32> to vector<16xf32>
      %swap3A_107 = vector.shape_cast %broadcast_in_dim3A_1 : vector<16xf32> to vector<1x16xf32>
      tpu.vector_store %arg10[%swap3A_103, %swap3A_104], %swap3A_107 {strides = array<i32>} : memref<128x128xf32, #tpu.memory_space<vmem>>, vector<1x16xf32>,
      %swap3A_108 = arith.index_cast %scan3A_83 : i32 to index
      %swap3A_109 = arith.constant 80 : index
      %swap3A_110 = tpu.vector_load %arg10[%swap3A_108, %swap3A_109] {strides = array<i32>} : memref<128x128xf32, #tpu.memory_space<vmem>>, vector<1x16xf32>,
      %swap3A_111 = vector.shape_cast %swap3A_110 : vector<1x16xf32> to vector<16xf32>
      %swap3A_112 = vector.shape_cast %broadcast_in_dim3A_1 : vector<16xf32> to vector<1x16xf32>
      tpu.vector_store %arg10[%swap3A_108, %swap3A_109], %swap3A_112 {strides = array<i32>} : memref<128x128xf32, #tpu.memory_space<vmem>>, vector<1x16xf32>,
      %swap3A_113 = arith.index_cast %scan3A_83 : i32 to index
      %swap3A_114 = arith.constant 96 : index
      %swap3A_115 = tpu.vector_load %arg10[%swap3A_113, %swap3A_114] {strides = array<i32>} : memref<128x128xf32, #tpu.memory_space<vmem>>, vector<1x16xf32>,
      %swap3A_116 = vector.shape_cast %swap3A_115 : vector<1x16xf32> to vector<16xf32>
      %swap3A_117 = vector.shape_cast %broadcast_in_dim3A_1 : vector<16xf32> to vector<1x16xf32>
      tpu.vector_store %arg10[%swap3A_113, %swap3A_114], %swap3A_117 {strides = array<i32>} : memref<128x128xf32, #tpu.memory_space<vmem>>, vector<1x16xf32>,
      %swap3A_118 = arith.index_cast %scan3A_83 : i32 to index
      %swap3A_119 = arith.constant 112 : index
      %swap3A_120 = tpu.vector_load %arg10[%swap3A_118, %swap3A_119] {strides = array<i32>} : memref<128x128xf32, #tpu.memory_space<vmem>>, vector<1x16xf32>,
      %swap3A_121 = vector.shape_cast %swap3A_120 : vector<1x16xf32> to vector<16xf32>
      %swap3A_122 = vector.shape_cast %broadcast_in_dim3A_1 : vector<16xf32> to vector<1x16xf32>
      tpu.vector_store %arg10[%swap3A_118, %swap3A_119], %swap3A_122 {strides = array<i32>} : memref<128x128xf32, #tpu.memory_space<vmem>>, vector<1x16xf32>,
    }
    %scan3A_6 = arith.constant 128 : i32
    %add3A = arith.constant 0 : i32
    %add3A_7 = arith.addi %mul3A_0, %add3A : i32
    %dma_start3A = arith.constant 0 : i32
    %dma_start3A_8 = tpu.memref_slice %arg12[%add3A_7, %dma_start3A] : memref<10112x128xf32, #tpu.memory_space<vmem_shared>> -> memref<128x128xf32, #tpu.memory_space<vmem_shared>>
    %dma_start3A_9 = arith.constant 0 : i32
    %dma_start3A_10 = tpu.memref_slice %arg12[%add3A_7, %dma_start3A_9] : memref<10112x128xf32, #tpu.memory_space<vmem_shared>> -> memref<128x128xf32, #tpu.memory_space<vmem_shared>>
    tpu.enqueue_dma source(%arg10 : memref<128x128xf32, #tpu.memory_space<vmem>>) target(%dma_start3A_10 : memref<128x128xf32, #tpu.memory_space<vmem_shared>>) target_semaphore(%arg21 : memref<!tpu.dma_semaphore, #tpu.memory_space<semaphore_mem>>)
    %add3A_11 = arith.constant 128 : i32
    %add3A_12 = arith.addi %mul3A_0, %add3A_11 : i32
    %dma_start3A_13 = arith.constant 0 : i32
    %dma_start3A_14 = tpu.memref_slice %arg12[%add3A_12, %dma_start3A_13] : memref<10112x128xf32, #tpu.memory_space<vmem_shared>> -> memref<128x128xf32, #tpu.memory_space<vmem_shared>>
    %dma_start3A_15 = arith.constant 0 : i32
    %dma_start3A_16 = tpu.memref_slice %arg12[%add3A_12, %dma_start3A_15] : memref<10112x128xf32, #tpu.memory_space<vmem_shared>> -> memref<128x128xf32, #tpu.memory_space<vmem_shared>>
    tpu.enqueue_dma source(%arg10 : memref<128x128xf32, #tpu.memory_space<vmem>>) target(%dma_start3A_16 : memref<128x128xf32, #tpu.memory_space<vmem_shared>>) target_semaphore(%arg21 : memref<!tpu.dma_semaphore, #tpu.memory_space<semaphore_mem>>)
    %add3A_17 = arith.constant 256 : i32
    %add3A_18 = arith.addi %mul3A_0, %add3A_17 : i32
    %dma_start3A_19 = arith.constant 0 : i32
    %dma_start3A_20 = tpu.memref_slice %arg12[%add3A_18, %dma_start3A_19] : memref<10112x128xf32, #tpu.memory_space<vmem_shared>> -> memref<128x128xf32, #tpu.memory_space<vmem_shared>>
    %dma_start3A_21 = arith.constant 0 : i32
    %dma_start3A_22 = tpu.memref_slice %arg12[%add3A_18, %dma_start3A_21] : memref<10112x128xf32, #tpu.memory_space<vmem_shared>> -> memref<128x128xf32, #tpu.memory_space<vmem_shared>>
    tpu.enqueue_dma source(%arg10 : memref<128x128xf32, #tpu.memory_space<vmem>>) target(%dma_start3A_22 : memref<128x128xf32, #tpu.memory_space<vmem_shared>>) target_semaphore(%arg21 : memref<!tpu.dma_semaphore, #tpu.memory_space<semaphore_mem>>)
    %add3A_23 = arith.constant 384 : i32
    %add3A_24 = arith.addi %mul3A_0, %add3A_23 : i32
    %dma_start3A_25 = arith.constant 0 : i32
    %dma_start3A_26 = tpu.memref_slice %arg12[%add3A_24, %dma_start3A_25] : memref<10112x128xf32, #tpu.memory_space<vmem_shared>> -> memref<128x128xf32, #tpu.memory_space<vmem_shared>>
    %dma_start3A_27 = arith.constant 0 : i32
    %dma_start3A_28 = tpu.memref_slice %arg12[%add3A_24, %dma_start3A_27] : memref<10112x128xf32, #tpu.memory_space<vmem_shared>> -> memref<128x128xf32, #tpu.memory_space<vmem_shared>>
    tpu.enqueue_dma source(%arg10 : memref<128x128xf32, #tpu.memory_space<vmem>>) target(%dma_start3A_28 : memref<128x128xf32, #tpu.memory_space<vmem_shared>>) target_semaphore(%arg21 : memref<!tpu.dma_semaphore, #tpu.memory_space<semaphore_mem>>)
    %add3A_29 = arith.constant 512 : i32
    %add3A_30 = arith.addi %mul3A_0, %add3A_29 : i32
    %dma_start3A_31 = arith.constant 0 : i32
    %dma_start3A_32 = arith.constant 0 : i32
    %dma_start3A_33 = tpu.memref_slice %arg10[%dma_start3A_31, %dma_start3A_32] : memref<128x128xf32, #tpu.memory_space<vmem>> -> memref<120x128xf32, #tpu.memory_space<vmem>>
    %dma_start3A_34 = arith.constant 0 : i32
    %dma_start3A_35 = tpu.memref_slice %arg12[%add3A_30, %dma_start3A_34] : memref<10112x128xf32, #tpu.memory_space<vmem_shared>> -> memref<120x128xf32, #tpu.memory_space<vmem_shared>>
    %dma_start3A_36 = arith.constant 0 : i32
    %dma_start3A_37 = tpu.memref_slice %arg12[%add3A_30, %dma_start3A_36] : memref<10112x128xf32, #tpu.memory_space<vmem_shared>> -> memref<120x128xf32, #tpu.memory_space<vmem_shared>>
    %dma_start3A_38 = arith.constant 0 : i32
    %dma_start3A_39 = arith.constant 0 : i32
    %dma_start3A_40 = tpu.memref_slice %arg10[%dma_start3A_38, %dma_start3A_39] : memref<128x128xf32, #tpu.memory_space<vmem>> -> memref<120x128xf32, #tpu.memory_space<vmem>>
    tpu.enqueue_dma source(%dma_start3A_40 : memref<120x128xf32, #tpu.memory_space<vmem>>) target(%dma_start3A_37 : memref<120x128xf32, #tpu.memory_space<vmem_shared>>) target_semaphore(%arg21 : memref<!tpu.dma_semaphore, #tpu.memory_space<semaphore_mem>>)
    %add3A_41 = arith.constant 0 : i32
    %add3A_42 = arith.addi %mul3A_0, %add3A_41 : i32
    %dma_wait3A = arith.constant 0 : i32
    %dma_wait3A_43 = tpu.memref_slice %arg12[%add3A_42, %dma_wait3A] : memref<10112x128xf32, #tpu.memory_space<vmem_shared>> -> memref<128x128xf32, #tpu.memory_space<vmem_shared>>
    %dma_wait3A_44 = arith.constant 0 : i32
    %dma_wait3A_45 = tpu.memref_slice %arg12[%add3A_42, %dma_wait3A_44] : memref<10112x128xf32, #tpu.memory_space<vmem_shared>> -> memref<128x128xf32, #tpu.memory_space<vmem_shared>>
    tpu.wait_dma2 semaphore(%arg21 : memref<!tpu.dma_semaphore, #tpu.memory_space<semaphore_mem>>) src(%arg10 : memref<128x128xf32, #tpu.memory_space<vmem>>) dst(%dma_wait3A_45 : memref<128x128xf32, #tpu.memory_space<vmem_shared>>)
    %add3A_46 = arith.constant 128 : i32
    %add3A_47 = arith.addi %mul3A_0, %add3A_46 : i32
    %dma_wait3A_48 = arith.constant 0 : i32
    %dma_wait3A_49 = tpu.memref_slice %arg12[%add3A_47, %dma_wait3A_48] : memref<10112x128xf32, #tpu.memory_space<vmem_shared>> -> memref<128x128xf32, #tpu.memory_space<vmem_shared>>
    %dma_wait3A_50 = arith.constant 0 : i32
    %dma_wait3A_51 = tpu.memref_slice %arg12[%add3A_47, %dma_wait3A_50] : memref<10112x128xf32, #tpu.memory_space<vmem_shared>> -> memref<128x128xf32, #tpu.memory_space<vmem_shared>>
    tpu.wait_dma2 semaphore(%arg21 : memref<!tpu.dma_semaphore, #tpu.memory_space<semaphore_mem>>) src(%arg10 : memref<128x128xf32, #tpu.memory_space<vmem>>) dst(%dma_wait3A_51 : memref<128x128xf32, #tpu.memory_space<vmem_shared>>)
    %add3A_52 = arith.constant 256 : i32
    %add3A_53 = arith.addi %mul3A_0, %add3A_52 : i32
    %dma_wait3A_54 = arith.constant 0 : i32
    %dma_wait3A_55 = tpu.memref_slice %arg12[%add3A_53, %dma_wait3A_54] : memref<10112x128xf32, #tpu.memory_space<vmem_shared>> -> memref<128x128xf32, #tpu.memory_space<vmem_shared>>
    %dma_wait3A_56 = arith.constant 0 : i32
    %dma_wait3A_57 = tpu.memref_slice %arg12[%add3A_53, %dma_wait3A_56] : memref<10112x128xf32, #tpu.memory_space<vmem_shared>> -> memref<128x128xf32, #tpu.memory_space<vmem_shared>>
    tpu.wait_dma2 semaphore(%arg21 : memref<!tpu.dma_semaphore, #tpu.memory_space<semaphore_mem>>) src(%arg10 : memref<128x128xf32, #tpu.memory_space<vmem>>) dst(%dma_wait3A_57 : memref<128x128xf32, #tpu.memory_space<vmem_shared>>)
    %add3A_58 = arith.constant 384 : i32
    %add3A_59 = arith.addi %mul3A_0, %add3A_58 : i32
    %dma_wait3A_60 = arith.constant 0 : i32
    %dma_wait3A_61 = tpu.memref_slice %arg12[%add3A_59, %dma_wait3A_60] : memref<10112x128xf32, #tpu.memory_space<vmem_shared>> -> memref<128x128xf32, #tpu.memory_space<vmem_shared>>
    %dma_wait3A_62 = arith.constant 0 : i32
    %dma_wait3A_63 = tpu.memref_slice %arg12[%add3A_59, %dma_wait3A_62] : memref<10112x128xf32, #tpu.memory_space<vmem_shared>> -> memref<128x128xf32, #tpu.memory_space<vmem_shared>>
    tpu.wait_dma2 semaphore(%arg21 : memref<!tpu.dma_semaphore, #tpu.memory_space<semaphore_mem>>) src(%arg10 : memref<128x128xf32, #tpu.memory_space<vmem>>) dst(%dma_wait3A_63 : memref<128x128xf32, #tpu.memory_space<vmem_shared>>)
    %add3A_64 = arith.constant 512 : i32
    %add3A_65 = arith.addi %mul3A_0, %add3A_64 : i32
    %dma_wait3A_66 = arith.constant 0 : i32
    %dma_wait3A_67 = arith.constant 0 : i32
    %dma_wait3A_68 = tpu.memref_slice %arg10[%dma_wait3A_66, %dma_wait3A_67] : memref<128x128xf32, #tpu.memory_space<vmem>> -> memref<120x128xf32, #tpu.memory_space<vmem>>
    %dma_wait3A_69 = arith.constant 0 : i32
    %dma_wait3A_70 = tpu.memref_slice %arg12[%add3A_65, %dma_wait3A_69] : memref<10112x128xf32, #tpu.memory_space<vmem_shared>> -> memref<120x128xf32, #tpu.memory_space<vmem_shared>>
    %dma_wait3A_71 = arith.constant 0 : i32
    %dma_wait3A_72 = tpu.memref_slice %arg12[%add3A_65, %dma_wait3A_71] : memref<10112x128xf32, #tpu.memory_space<vmem_shared>> -> memref<120x128xf32, #tpu.memory_space<vmem_shared>>
    %dma_wait3A_73 = arith.constant 0 : i32
    %dma_wait3A_74 = arith.constant 0 : i32
    %dma_wait3A_75 = tpu.memref_slice %arg10[%dma_wait3A_73, %dma_wait3A_74] : memref<128x128xf32, #tpu.memory_space<vmem>> -> memref<120x128xf32, #tpu.memory_space<vmem>>
    tpu.wait_dma2 semaphore(%arg21 : memref<!tpu.dma_semaphore, #tpu.memory_space<semaphore_mem>>) src(%dma_wait3A_75 : memref<120x128xf32, #tpu.memory_space<vmem>>) dst(%dma_wait3A_72 : memref<120x128xf32, #tpu.memory_space<vmem_shared>>)
    %eq3A = arith.constant 0 : i32
    %eq3A_76 = arith.cmpi eq, %arg0, %eq3A : i32
    %convert_element_type3A = arith.extui %eq3A_76 : i1 to i32
    %cond3A = arith.constant 0 : i32
    %cond3A_77 = arith.cmpi ne, %convert_element_type3A, %cond3A : i32
    scf.if %cond3A_77 {
      %mul3A_83 = arith.constant 144 : i32
      %mul3A_84 = arith.muli %arg1, %mul3A_83 : i32
      %dma_start3A_85 = arith.constant 0 : i32
      %dma_start3A_86 = tpu.memref_slice %arg3[%mul3A_84, %dma_start3A_85] : memref<2560x128xi32, #tpu.memory_space<hbm>> -> memref<1x128xi32, #tpu.memory_space<hbm>>
      %dma_start3A_87 = tpu.memref_squeeze %dma_start3A_86 : memref<1x128xi32, #tpu.memory_space<hbm>> -> memref<128xi32, #tpu.memory_space<hbm>>
      %dma_start3A_88 = arith.constant 0 : i32
      %dma_start3A_89 = tpu.memref_slice %arg3[%mul3A_84, %dma_start3A_88] : memref<2560x128xi32, #tpu.memory_space<hbm>> -> memref<1x128xi32, #tpu.memory_space<hbm>>
      %dma_start3A_90 = tpu.memref_squeeze %dma_start3A_89 : memref<1x128xi32, #tpu.memory_space<hbm>> -> memref<128xi32, #tpu.memory_space<hbm>>
      tpu.enqueue_dma source(%dma_start3A_90 : memref<128xi32, #tpu.memory_space<hbm>>) target(%arg6 : memref<128xi32, #tpu.memory_space<vmem>>) target_semaphore(%arg13 : memref<!tpu.dma_semaphore, #tpu.memory_space<semaphore_mem>>)
      %add3A_91 = arith.constant 1 : i32
      %add3A_92 = arith.addi %mul3A_84, %add3A_91 : i32
      %dma_start3A_93 = arith.constant 0 : i32
      %dma_start3A_94 = tpu.memref_slice %arg3[%add3A_92, %dma_start3A_93] : memref<2560x128xi32, #tpu.memory_space<hbm>> -> memref<1x128xi32, #tpu.memory_space<hbm>>
      %dma_start3A_95 = tpu.memref_squeeze %dma_start3A_94 : memref<1x128xi32, #tpu.memory_space<hbm>> -> memref<128xi32, #tpu.memory_space<hbm>>
      %dma_start3A_96 = arith.constant 0 : i32
      %dma_start3A_97 = tpu.memref_slice %arg3[%add3A_92, %dma_start3A_96] : memref<2560x128xi32, #tpu.memory_space<hbm>> -> memref<1x128xi32, #tpu.memory_space<hbm>>
      %dma_start3A_98 = tpu.memref_squeeze %dma_start3A_97 : memref<1x128xi32, #tpu.memory_space<hbm>> -> memref<128xi32, #tpu.memory_space<hbm>>
      tpu.enqueue_dma source(%dma_start3A_98 : memref<128xi32, #tpu.memory_space<hbm>>) target(%arg7 : memref<128xi32, #tpu.memory_space<vmem>>) target_semaphore(%arg14 : memref<!tpu.dma_semaphore, #tpu.memory_space<semaphore_mem>>)
      %dma_start3A_99 = arith.constant 0 : i32
      %dma_start3A_100 = tpu.memref_slice %arg4[%mul3A_84, %dma_start3A_99] : memref<2560x128xi32, #tpu.memory_space<hbm>> -> memref<1x128xi32, #tpu.memory_space<hbm>>
      %dma_start3A_101 = tpu.memref_squeeze %dma_start3A_100 : memref<1x128xi32, #tpu.memory_space<hbm>> -> memref<128xi32, #tpu.memory_space<hbm>>
      %dma_start3A_102 = arith.constant 0 : i32
      %dma_start3A_103 = tpu.memref_slice %arg4[%mul3A_84, %dma_start3A_102] : memref<2560x128xi32, #tpu.memory_space<hbm>> -> memref<1x128xi32, #tpu.memory_space<hbm>>
      %dma_start3A_104 = tpu.memref_squeeze %dma_start3A_103 : memref<1x128xi32, #tpu.memory_space<hbm>> -> memref<128xi32, #tpu.memory_space<hbm>>
      tpu.enqueue_dma source(%dma_start3A_104 : memref<128xi32, #tpu.memory_space<hbm>>) target(%arg8 : memref<128xi32, #tpu.memory_space<vmem>>) target_semaphore(%arg15 : memref<!tpu.dma_semaphore, #tpu.memory_space<semaphore_mem>>)
      %add3A_105 = arith.constant 1 : i32
      %add3A_106 = arith.addi %mul3A_84, %add3A_105 : i32
      %dma_start3A_107 = arith.constant 0 : i32
      %dma_start3A_108 = tpu.memref_slice %arg4[%add3A_106, %dma_start3A_107] : memref<2560x128xi32, #tpu.memory_space<hbm>> -> memref<1x128xi32, #tpu.memory_space<hbm>>
      %dma_start3A_109 = tpu.memref_squeeze %dma_start3A_108 : memref<1x128xi32, #tpu.memory_space<hbm>> -> memref<128xi32, #tpu.memory_space<hbm>>
      %dma_start3A_110 = arith.constant 0 : i32
      %dma_start3A_111 = tpu.memref_slice %arg4[%add3A_106, %dma_start3A_110] : memref<2560x128xi32, #tpu.memory_space<hbm>> -> memref<1x128xi32, #tpu.memory_space<hbm>>
      %dma_start3A_112 = tpu.memref_squeeze %dma_start3A_111 : memref<1x128xi32, #tpu.memory_space<hbm>> -> memref<128xi32, #tpu.memory_space<hbm>>
      tpu.enqueue_dma source(%dma_start3A_112 : memref<128xi32, #tpu.memory_space<hbm>>) target(%arg9 : memref<128xi32, #tpu.memory_space<vmem>>) target_semaphore(%arg16 : memref<!tpu.dma_semaphore, #tpu.memory_space<semaphore_mem>>)
      %barrier3A = arith.constant 0 : index
      tpu.barrier barrier_id(%barrier3A)
      %dma_wait3A_113 = arith.constant 0 : i32
      %dma_wait3A_114 = tpu.memref_slice %arg3[%mul3A_84, %dma_wait3A_113] : memref<2560x128xi32, #tpu.memory_space<hbm>> -> memref<1x128xi32, #tpu.memory_space<hbm>>
      %dma_wait3A_115 = tpu.memref_squeeze %dma_wait3A_114 : memref<1x128xi32, #tpu.memory_space<hbm>> -> memref<128xi32, #tpu.memory_space<hbm>>
      %dma_wait3A_116 = arith.constant 0 : i32
      %dma_wait3A_117 = tpu.memref_slice %arg3[%mul3A_84, %dma_wait3A_116] : memref<2560x128xi32, #tpu.memory_space<hbm>> -> memref<1x128xi32, #tpu.memory_space<hbm>>
      %dma_wait3A_118 = tpu.memref_squeeze %dma_wait3A_117 : memref<1x128xi32, #tpu.memory_space<hbm>> -> memref<128xi32, #tpu.memory_space<hbm>>
      tpu.wait_dma2 semaphore(%arg13 : memref<!tpu.dma_semaphore, #tpu.memory_space<semaphore_mem>>) src(%dma_wait3A_118 : memref<128xi32, #tpu.memory_space<hbm>>) dst(%arg6 : memref<128xi32, #tpu.memory_space<vmem>>)
      %dma_start3A_119 = arith.constant 0 : i32
      %dma_start3A_120 = arith.constant 0 : i32
      %dma_start3A_121 = tpu.memref_slice %arg2[%dma_start3A_119, %dma_start3A_120] : memref<10112x128xf32, #tpu.memory_space<hbm>> -> memref<10112x128xf32, #tpu.memory_space<hbm>>
      tpu.enqueue_indirect_dma source(%dma_start3A_121 : memref<10112x128xf32, #tpu.memory_space<hbm>>) target(%arg10 : memref<128x128xf32, #tpu.memory_space<vmem>>) offsets(%arg6 : memref<128xi32, #tpu.memory_space<vmem>>) semaphore(%arg17 : memref<!tpu.dma_semaphore, #tpu.memory_space<semaphore_mem>>)
      %add3A_122 = arith.constant 1 : i32
      %add3A_123 = arith.addi %mul3A_84, %add3A_122 : i32
      %dma_wait3A_124 = arith.constant 0 : i32
      %dma_wait3A_125 = tpu.memref_slice %arg3[%add3A_123, %dma_wait3A_124] : memref<2560x128xi32, #tpu.memory_space<hbm>> -> memref<1x128xi32, #tpu.memory_space<hbm>>
      %dma_wait3A_126 = tpu.memref_squeeze %dma_wait3A_125 : memref<1x128xi32, #tpu.memory_space<hbm>> -> memref<128xi32, #tpu.memory_space<hbm>>
      %dma_wait3A_127 = arith.constant 0 : i32
      %dma_wait3A_128 = tpu.memref_slice %arg3[%add3A_123, %dma_wait3A_127] : memref<2560x128xi32, #tpu.memory_space<hbm>> -> memref<1x128xi32, #tpu.memory_space<hbm>>
      %dma_wait3A_129 = tpu.memref_squeeze %dma_wait3A_128 : memref<1x128xi32, #tpu.memory_space<hbm>> -> memref<128xi32, #tpu.memory_space<hbm>>
      tpu.wait_dma2 semaphore(%arg14 : memref<!tpu.dma_semaphore, #tpu.memory_space<semaphore_mem>>) src(%dma_wait3A_129 : memref<128xi32, #tpu.memory_space<hbm>>) dst(%arg7 : memref<128xi32, #tpu.memory_space<vmem>>)
      %dma_start3A_130 = arith.constant 0 : i32
      %dma_start3A_131 = arith.constant 0 : i32
      %dma_start3A_132 = tpu.memref_slice %arg2[%dma_start3A_130, %dma_start3A_131] : memref<10112x128xf32, #tpu.memory_space<hbm>> -> memref<10112x128xf32, #tpu.memory_space<hbm>>
      tpu.enqueue_indirect_dma source(%dma_start3A_132 : memref<10112x128xf32, #tpu.memory_space<hbm>>) target(%arg11 : memref<128x128xf32, #tpu.memory_space<vmem>>) offsets(%arg7 : memref<128xi32, #tpu.memory_space<vmem>>) semaphore(%arg18 : memref<!tpu.dma_semaphore, #tpu.memory_space<semaphore_mem>>)
      %scan3A_133 = arith.constant 0 : i32
      %scan3A_134 = arith.constant 0 : i32
      %scan3A_135 = arith.constant 71 : i32
      %scan3A_136 = arith.addi %scan3A_134, %scan3A_135 : i32
      %scan3A_137 = arith.constant 1 : i32
      scf.for %scan3A_175 = %scan3A_134 to %scan3A_136 step %scan3A_137  : i32 {
        %mul3A_176 = arith.constant 2 : i32
        %mul3A_177 = arith.muli %mul3A_176, %scan3A_175 : i32
        %dma_wait3A_178 = arith.constant 0 : i32
        %dma_wait3A_179 = arith.constant 0 : i32
        %dma_wait3A_180 = tpu.memref_slice %arg2[%dma_wait3A_178, %dma_wait3A_179] : memref<10112x128xf32, #tpu.memory_space<hbm>> -> memref<10112x128xf32, #tpu.memory_space<hbm>>
        tpu.wait_indirect_dma semaphore(%arg17 : memref<!tpu.dma_semaphore, #tpu.memory_space<semaphore_mem>>) src(%dma_wait3A_180 : memref<10112x128xf32, #tpu.memory_space<hbm>>) dst(%arg10 : memref<128x128xf32, #tpu.memory_space<vmem>>)
        %add3A_181 = arith.addi %mul3A_84, %mul3A_177 : i32
        %add3A_182 = arith.constant 2 : i32
        %add3A_183 = arith.addi %add3A_181, %add3A_182 : i32
        %dma_start3A_184 = arith.constant 0 : i32
        %dma_start3A_185 = tpu.memref_slice %arg3[%add3A_183, %dma_start3A_184] : memref<2560x128xi32, #tpu.memory_space<hbm>> -> memref<1x128xi32, #tpu.memory_space<hbm>>
        %dma_start3A_186 = tpu.memref_squeeze %dma_start3A_185 : memref<1x128xi32, #tpu.memory_space<hbm>> -> memref<128xi32, #tpu.memory_space<hbm>>
        %dma_start3A_187 = arith.constant 0 : i32
        %dma_start3A_188 = tpu.memref_slice %arg3[%add3A_183, %dma_start3A_187] : memref<2560x128xi32, #tpu.memory_space<hbm>> -> memref<1x128xi32, #tpu.memory_space<hbm>>
        %dma_start3A_189 = tpu.memref_squeeze %dma_start3A_188 : memref<1x128xi32, #tpu.memory_space<hbm>> -> memref<128xi32, #tpu.memory_space<hbm>>
        tpu.enqueue_dma source(%dma_start3A_189 : memref<128xi32, #tpu.memory_space<hbm>>) target(%arg6 : memref<128xi32, #tpu.memory_space<vmem>>) target_semaphore(%arg13 : memref<!tpu.dma_semaphore, #tpu.memory_space<semaphore_mem>>)
        %add3A_190 = arith.addi %mul3A_84, %mul3A_177 : i32
        %dma_wait3A_191 = arith.constant 0 : i32
        %dma_wait3A_192 = tpu.memref_slice %arg4[%add3A_190, %dma_wait3A_191] : memref<2560x128xi32, #tpu.memory_space<hbm>> -> memref<1x128xi32, #tpu.memory_space<hbm>>
        %dma_wait3A_193 = tpu.memref_squeeze %dma_wait3A_192 : memref<1x128xi32, #tpu.memory_space<hbm>> -> memref<128xi32, #tpu.memory_space<hbm>>
        %dma_wait3A_194 = arith.constant 0 : i32
        %dma_wait3A_195 = tpu.memref_slice %arg4[%add3A_190, %dma_wait3A_194] : memref<2560x128xi32, #tpu.memory_space<hbm>> -> memref<1x128xi32, #tpu.memory_space<hbm>>
        %dma_wait3A_196 = tpu.memref_squeeze %dma_wait3A_195 : memref<1x128xi32, #tpu.memory_space<hbm>> -> memref<128xi32, #tpu.memory_space<hbm>>
        tpu.wait_dma2 semaphore(%arg15 : memref<!tpu.dma_semaphore, #tpu.memory_space<semaphore_mem>>) src(%dma_wait3A_196 : memref<128xi32, #tpu.memory_space<hbm>>) dst(%arg8 : memref<128xi32, #tpu.memory_space<vmem>>)
        %dma_start3A_197 = arith.constant 0 : i32
        %dma_start3A_198 = arith.constant 0 : i32
        %dma_start3A_199 = tpu.memref_slice %arg12[%dma_start3A_197, %dma_start3A_198] : memref<10112x128xf32, #tpu.memory_space<vmem_shared>> -> memref<10112x128xf32, #tpu.memory_space<vmem_shared>>
        tpu.enqueue_indirect_dma source(%arg10 : memref<128x128xf32, #tpu.memory_space<vmem>>) target(%dma_start3A_199 : memref<10112x128xf32, #tpu.memory_space<vmem_shared>>) offsets(%arg8 : memref<128xi32, #tpu.memory_space<vmem>>) semaphore(%arg19 : memref<!tpu.dma_semaphore, #tpu.memory_space<semaphore_mem>>) {add = true}
        %dma_wait3A_200 = arith.constant 0 : i32
        %dma_wait3A_201 = arith.constant 0 : i32
        %dma_wait3A_202 = tpu.memref_slice %arg2[%dma_wait3A_200, %dma_wait3A_201] : memref<10112x128xf32, #tpu.memory_space<hbm>> -> memref<10112x128xf32, #tpu.memory_space<hbm>>
        tpu.wait_indirect_dma semaphore(%arg18 : memref<!tpu.dma_semaphore, #tpu.memory_space<semaphore_mem>>) src(%dma_wait3A_202 : memref<10112x128xf32, #tpu.memory_space<hbm>>) dst(%arg11 : memref<128x128xf32, #tpu.memory_space<vmem>>)
        %add3A_203 = arith.addi %mul3A_84, %mul3A_177 : i32
        %add3A_204 = arith.constant 3 : i32
        %add3A_205 = arith.addi %add3A_203, %add3A_204 : i32
        %dma_start3A_206 = arith.constant 0 : i32
        %dma_start3A_207 = tpu.memref_slice %arg3[%add3A_205, %dma_start3A_206] : memref<2560x128xi32, #tpu.memory_space<hbm>> -> memref<1x128xi32, #tpu.memory_space<hbm>>
        %dma_start3A_208 = tpu.memref_squeeze %dma_start3A_207 : memref<1x128xi32, #tpu.memory_space<hbm>> -> memref<128xi32, #tpu.memory_space<hbm>>
        %dma_start3A_209 = arith.constant 0 : i32
        %dma_start3A_210 = tpu.memref_slice %arg3[%add3A_205, %dma_start3A_209] : memref<2560x128xi32, #tpu.memory_space<hbm>> -> memref<1x128xi32, #tpu.memory_space<hbm>>
        %dma_start3A_211 = tpu.memref_squeeze %dma_start3A_210 : memref<1x128xi32, #tpu.memory_space<hbm>> -> memref<128xi32, #tpu.memory_space<hbm>>
        tpu.enqueue_dma source(%dma_start3A_211 : memref<128xi32, #tpu.memory_space<hbm>>) target(%arg7 : memref<128xi32, #tpu.memory_space<vmem>>) target_semaphore(%arg14 : memref<!tpu.dma_semaphore, #tpu.memory_space<semaphore_mem>>)
        %add3A_212 = arith.addi %mul3A_84, %mul3A_177 : i32
        %add3A_213 = arith.constant 1 : i32
        %add3A_214 = arith.addi %add3A_212, %add3A_213 : i32
        %dma_wait3A_215 = arith.constant 0 : i32
        %dma_wait3A_216 = tpu.memref_slice %arg4[%add3A_214, %dma_wait3A_215] : memref<2560x128xi32, #tpu.memory_space<hbm>> -> memref<1x128xi32, #tpu.memory_space<hbm>>
        %dma_wait3A_217 = tpu.memref_squeeze %dma_wait3A_216 : memref<1x128xi32, #tpu.memory_space<hbm>> -> memref<128xi32, #tpu.memory_space<hbm>>
        %dma_wait3A_218 = arith.constant 0 : i32
        %dma_wait3A_219 = tpu.memref_slice %arg4[%add3A_214, %dma_wait3A_218] : memref<2560x128xi32, #tpu.memory_space<hbm>> -> memref<1x128xi32, #tpu.memory_space<hbm>>
        %dma_wait3A_220 = tpu.memref_squeeze %dma_wait3A_219 : memref<1x128xi32, #tpu.memory_space<hbm>> -> memref<128xi32, #tpu.memory_space<hbm>>
        tpu.wait_dma2 semaphore(%arg16 : memref<!tpu.dma_semaphore, #tpu.memory_space<semaphore_mem>>) src(%dma_wait3A_220 : memref<128xi32, #tpu.memory_space<hbm>>) dst(%arg9 : memref<128xi32, #tpu.memory_space<vmem>>)
        %dma_start3A_221 = arith.constant 0 : i32
        %dma_start3A_222 = arith.constant 0 : i32
        %dma_start3A_223 = tpu.memref_slice %arg12[%dma_start3A_221, %dma_start3A_222] : memref<10112x128xf32, #tpu.memory_space<vmem_shared>> -> memref<10112x128xf32, #tpu.memory_space<vmem_shared>>
        tpu.enqueue_indirect_dma source(%arg11 : memref<128x128xf32, #tpu.memory_space<vmem>>) target(%dma_start3A_223 : memref<10112x128xf32, #tpu.memory_space<vmem_shared>>) offsets(%arg9 : memref<128xi32, #tpu.memory_space<vmem>>) semaphore(%arg20 : memref<!tpu.dma_semaphore, #tpu.memory_space<semaphore_mem>>) {add = true}
        %dma_wait3A_224 = arith.constant 0 : i32
        %dma_wait3A_225 = arith.constant 0 : i32
        %dma_wait3A_226 = tpu.memref_slice %arg12[%dma_wait3A_224, %dma_wait3A_225] : memref<10112x128xf32, #tpu.memory_space<vmem_shared>> -> memref<10112x128xf32, #tpu.memory_space<vmem_shared>>
        tpu.wait_indirect_dma semaphore(%arg19 : memref<!tpu.dma_semaphore, #tpu.memory_space<semaphore_mem>>) src(%arg10 : memref<128x128xf32, #tpu.memory_space<vmem>>) dst(%dma_wait3A_226 : memref<10112x128xf32, #tpu.memory_space<vmem_shared>>)
        %add3A_227 = arith.addi %mul3A_84, %mul3A_177 : i32
        %add3A_228 = arith.constant 2 : i32
        %add3A_229 = arith.addi %add3A_227, %add3A_228 : i32
        %dma_start3A_230 = arith.constant 0 : i32
        %dma_start3A_231 = tpu.memref_slice %arg4[%add3A_229, %dma_start3A_230] : memref<2560x128xi32, #tpu.memory_space<hbm>> -> memref<1x128xi32, #tpu.memory_space<hbm>>
        %dma_start3A_232 = tpu.memref_squeeze %dma_start3A_231 : memref<1x128xi32, #tpu.memory_space<hbm>> -> memref<128xi32, #tpu.memory_space<hbm>>
        %dma_start3A_233 = arith.constant 0 : i32
        %dma_start3A_234 = tpu.memref_slice %arg4[%add3A_229, %dma_start3A_233] : memref<2560x128xi32, #tpu.memory_space<hbm>> -> memref<1x128xi32, #tpu.memory_space<hbm>>
        %dma_start3A_235 = tpu.memref_squeeze %dma_start3A_234 : memref<1x128xi32, #tpu.memory_space<hbm>> -> memref<128xi32, #tpu.memory_space<hbm>>
        tpu.enqueue_dma source(%dma_start3A_235 : memref<128xi32, #tpu.memory_space<hbm>>) target(%arg8 : memref<128xi32, #tpu.memory_space<vmem>>) target_semaphore(%arg15 : memref<!tpu.dma_semaphore, #tpu.memory_space<semaphore_mem>>)
        %add3A_236 = arith.addi %mul3A_84, %mul3A_177 : i32
        %add3A_237 = arith.constant 2 : i32
        %add3A_238 = arith.addi %add3A_236, %add3A_237 : i32
        %dma_wait3A_239 = arith.constant 0 : i32
        %dma_wait3A_240 = tpu.memref_slice %arg3[%add3A_238, %dma_wait3A_239] : memref<2560x128xi32, #tpu.memory_space<hbm>> -> memref<1x128xi32, #tpu.memory_space<hbm>>
        %dma_wait3A_241 = tpu.memref_squeeze %dma_wait3A_240 : memref<1x128xi32, #tpu.memory_space<hbm>> -> memref<128xi32, #tpu.memory_space<hbm>>
        %dma_wait3A_242 = arith.constant 0 : i32
        %dma_wait3A_243 = tpu.memref_slice %arg3[%add3A_238, %dma_wait3A_242] : memref<2560x128xi32, #tpu.memory_space<hbm>> -> memref<1x128xi32, #tpu.memory_space<hbm>>
        %dma_wait3A_244 = tpu.memref_squeeze %dma_wait3A_243 : memref<1x128xi32, #tpu.memory_space<hbm>> -> memref<128xi32, #tpu.memory_space<hbm>>
        tpu.wait_dma2 semaphore(%arg13 : memref<!tpu.dma_semaphore, #tpu.memory_space<semaphore_mem>>) src(%dma_wait3A_244 : memref<128xi32, #tpu.memory_space<hbm>>) dst(%arg6 : memref<128xi32, #tpu.memory_space<vmem>>)
        %dma_start3A_245 = arith.constant 0 : i32
        %dma_start3A_246 = arith.constant 0 : i32
        %dma_start3A_247 = tpu.memref_slice %arg2[%dma_start3A_245, %dma_start3A_246] : memref<10112x128xf32, #tpu.memory_space<hbm>> -> memref<10112x128xf32, #tpu.memory_space<hbm>>
        tpu.enqueue_indirect_dma source(%dma_start3A_247 : memref<10112x128xf32, #tpu.memory_space<hbm>>) target(%arg10 : memref<128x128xf32, #tpu.memory_space<vmem>>) offsets(%arg6 : memref<128xi32, #tpu.memory_space<vmem>>) semaphore(%arg17 : memref<!tpu.dma_semaphore, #tpu.memory_space<semaphore_mem>>)
        %dma_wait3A_248 = arith.constant 0 : i32
        %dma_wait3A_249 = arith.constant 0 : i32
        %dma_wait3A_250 = tpu.memref_slice %arg12[%dma_wait3A_248, %dma_wait3A_249] : memref<10112x128xf32, #tpu.memory_space<vmem_shared>> -> memref<10112x128xf32, #tpu.memory_space<vmem_shared>>
        tpu.wait_indirect_dma semaphore(%arg20 : memref<!tpu.dma_semaphore, #tpu.memory_space<semaphore_mem>>) src(%arg11 : memref<128x128xf32, #tpu.memory_space<vmem>>) dst(%dma_wait3A_250 : memref<10112x128xf32, #tpu.memory_space<vmem_shared>>)
        %add3A_251 = arith.addi %mul3A_84, %mul3A_177 : i32
        %add3A_252 = arith.constant 3 : i32
        %add3A_253 = arith.addi %add3A_251, %add3A_252 : i32
        %dma_start3A_254 = arith.constant 0 : i32
        %dma_start3A_255 = tpu.memref_slice %arg4[%add3A_253, %dma_start3A_254] : memref<2560x128xi32, #tpu.memory_space<hbm>> -> memref<1x128xi32, #tpu.memory_space<hbm>>
        %dma_start3A_256 = tpu.memref_squeeze %dma_start3A_255 : memref<1x128xi32, #tpu.memory_space<hbm>> -> memref<128xi32, #tpu.memory_space<hbm>>
        %dma_start3A_257 = arith.constant 0 : i32
        %dma_start3A_258 = tpu.memref_slice %arg4[%add3A_253, %dma_start3A_257] : memref<2560x128xi32, #tpu.memory_space<hbm>> -> memref<1x128xi32, #tpu.memory_space<hbm>>
        %dma_start3A_259 = tpu.memref_squeeze %dma_start3A_258 : memref<1x128xi32, #tpu.memory_space<hbm>> -> memref<128xi32, #tpu.memory_space<hbm>>
        tpu.enqueue_dma source(%dma_start3A_259 : memref<128xi32, #tpu.memory_space<hbm>>) target(%arg9 : memref<128xi32, #tpu.memory_space<vmem>>) target_semaphore(%arg16 : memref<!tpu.dma_semaphore, #tpu.memory_space<semaphore_mem>>)
        %add3A_260 = arith.addi %mul3A_84, %mul3A_177 : i32
        %add3A_261 = arith.constant 3 : i32
        %add3A_262 = arith.addi %add3A_260, %add3A_261 : i32
        %dma_wait3A_263 = arith.constant 0 : i32
        %dma_wait3A_264 = tpu.memref_slice %arg3[%add3A_262, %dma_wait3A_263] : memref<2560x128xi32, #tpu.memory_space<hbm>> -> memref<1x128xi32, #tpu.memory_space<hbm>>
        %dma_wait3A_265 = tpu.memref_squeeze %dma_wait3A_264 : memref<1x128xi32, #tpu.memory_space<hbm>> -> memref<128xi32, #tpu.memory_space<hbm>>
        %dma_wait3A_266 = arith.constant 0 : i32
        %dma_wait3A_267 = tpu.memref_slice %arg3[%add3A_262, %dma_wait3A_266] : memref<2560x128xi32, #tpu.memory_space<hbm>> -> memref<1x128xi32, #tpu.memory_space<hbm>>
        %dma_wait3A_268 = tpu.memref_squeeze %dma_wait3A_267 : memref<1x128xi32, #tpu.memory_space<hbm>> -> memref<128xi32, #tpu.memory_space<hbm>>
        tpu.wait_dma2 semaphore(%arg14 : memref<!tpu.dma_semaphore, #tpu.memory_space<semaphore_mem>>) src(%dma_wait3A_268 : memref<128xi32, #tpu.memory_space<hbm>>) dst(%arg7 : memref<128xi32, #tpu.memory_space<vmem>>)
        %dma_start3A_269 = arith.constant 0 : i32
        %dma_start3A_270 = arith.constant 0 : i32
        %dma_start3A_271 = tpu.memref_slice %arg2[%dma_start3A_269, %dma_start3A_270] : memref<10112x128xf32, #tpu.memory_space<hbm>> -> memref<10112x128xf32, #tpu.memory_space<hbm>>
        tpu.enqueue_indirect_dma source(%dma_start3A_271 : memref<10112x128xf32, #tpu.memory_space<hbm>>) target(%arg11 : memref<128x128xf32, #tpu.memory_space<vmem>>) offsets(%arg7 : memref<128xi32, #tpu.memory_space<vmem>>) semaphore(%arg18 : memref<!tpu.dma_semaphore, #tpu.memory_space<semaphore_mem>>)
      }
      %scan3A_138 = arith.constant 71 : i32
      %add3A_139 = arith.constant 144 : i32
      %add3A_140 = arith.addi %mul3A_84, %add3A_139 : i32
      %sub3A = arith.constant 2 : i32
      %sub3A_141 = arith.subi %add3A_140, %sub3A : i32
      %dma_wait3A_142 = arith.constant 0 : i32
      %dma_wait3A_143 = arith.constant 0 : i32
      %dma_wait3A_144 = tpu.memref_slice %arg2[%dma_wait3A_142, %dma_wait3A_143] : memref<10112x128xf32, #tpu.memory_space<hbm>> -> memref<10112x128xf32, #tpu.memory_space<hbm>>
      tpu.wait_indirect_dma semaphore(%arg17 : memref<!tpu.dma_semaphore, #tpu.memory_space<semaphore_mem>>) src(%dma_wait3A_144 : memref<10112x128xf32, #tpu.memory_space<hbm>>) dst(%arg10 : memref<128x128xf32, #tpu.memory_space<vmem>>)
      %dma_wait3A_145 = arith.constant 0 : i32
      %dma_wait3A_146 = tpu.memref_slice %arg4[%sub3A_141, %dma_wait3A_145] : memref<2560x128xi32, #tpu.memory_space<hbm>> -> memref<1x128xi32, #tpu.memory_space<hbm>>
      %dma_wait3A_147 = tpu.memref_squeeze %dma_wait3A_146 : memref<1x128xi32, #tpu.memory_space<hbm>> -> memref<128xi32, #tpu.memory_space<hbm>>
      %dma_wait3A_148 = arith.constant 0 : i32
      %dma_wait3A_149 = tpu.memref_slice %arg4[%sub3A_141, %dma_wait3A_148] : memref<2560x128xi32, #tpu.memory_space<hbm>> -> memref<1x128xi32, #tpu.memory_space<hbm>>
      %dma_wait3A_150 = tpu.memref_squeeze %dma_wait3A_149 : memref<1x128xi32, #tpu.memory_space<hbm>> -> memref<128xi32, #tpu.memory_space<hbm>>
      tpu.wait_dma2 semaphore(%arg15 : memref<!tpu.dma_semaphore, #tpu.memory_space<semaphore_mem>>) src(%dma_wait3A_150 : memref<128xi32, #tpu.memory_space<hbm>>) dst(%arg8 : memref<128xi32, #tpu.memory_space<vmem>>)
      %dma_start3A_151 = arith.constant 0 : i32
      %dma_start3A_152 = arith.constant 0 : i32
      %dma_start3A_153 = tpu.memref_slice %arg12[%dma_start3A_151, %dma_start3A_152] : memref<10112x128xf32, #tpu.memory_space<vmem_shared>> -> memref<10112x128xf32, #tpu.memory_space<vmem_shared>>
      tpu.enqueue_indirect_dma source(%arg10 : memref<128x128xf32, #tpu.memory_space<vmem>>) target(%dma_start3A_153 : memref<10112x128xf32, #tpu.memory_space<vmem_shared>>) offsets(%arg8 : memref<128xi32, #tpu.memory_space<vmem>>) semaphore(%arg19 : memref<!tpu.dma_semaphore, #tpu.memory_space<semaphore_mem>>) {add = true}
      %dma_wait3A_154 = arith.constant 0 : i32
      %dma_wait3A_155 = arith.constant 0 : i32
      %dma_wait3A_156 = tpu.memref_slice %arg2[%dma_wait3A_154, %dma_wait3A_155] : memref<10112x128xf32, #tpu.memory_space<hbm>> -> memref<10112x128xf32, #tpu.memory_space<hbm>>
      tpu.wait_indirect_dma semaphore(%arg18 : memref<!tpu.dma_semaphore, #tpu.memory_space<semaphore_mem>>) src(%dma_wait3A_156 : memref<10112x128xf32, #tpu.memory_space<hbm>>) dst(%arg11 : memref<128x128xf32, #tpu.memory_space<vmem>>)
      %add3A_157 = arith.constant 1 : i32
      %add3A_158 = arith.addi %sub3A_141, %add3A_157 : i32
      %dma_wait3A_159 = arith.constant 0 : i32
      %dma_wait3A_160 = tpu.memref_slice %arg4[%add3A_158, %dma_wait3A_159] : memref<2560x128xi32, #tpu.memory_space<hbm>> -> memref<1x128xi32, #tpu.memory_space<hbm>>
      %dma_wait3A_161 = tpu.memref_squeeze %dma_wait3A_160 : memref<1x128xi32, #tpu.memory_space<hbm>> -> memref<128xi32, #tpu.memory_space<hbm>>
      %dma_wait3A_162 = arith.constant 0 : i32
      %dma_wait3A_163 = tpu.memref_slice %arg4[%add3A_158, %dma_wait3A_162] : memref<2560x128xi32, #tpu.memory_space<hbm>> -> memref<1x128xi32, #tpu.memory_space<hbm>>
      %dma_wait3A_164 = tpu.memref_squeeze %dma_wait3A_163 : memref<1x128xi32, #tpu.memory_space<hbm>> -> memref<128xi32, #tpu.memory_space<hbm>>
      tpu.wait_dma2 semaphore(%arg16 : memref<!tpu.dma_semaphore, #tpu.memory_space<semaphore_mem>>) src(%dma_wait3A_164 : memref<128xi32, #tpu.memory_space<hbm>>) dst(%arg9 : memref<128xi32, #tpu.memory_space<vmem>>)
      %dma_start3A_165 = arith.constant 0 : i32
      %dma_start3A_166 = arith.constant 0 : i32
      %dma_start3A_167 = tpu.memref_slice %arg12[%dma_start3A_165, %dma_start3A_166] : memref<10112x128xf32, #tpu.memory_space<vmem_shared>> -> memref<10112x128xf32, #tpu.memory_space<vmem_shared>>
      tpu.enqueue_indirect_dma source(%arg11 : memref<128x128xf32, #tpu.memory_space<vmem>>) target(%dma_start3A_167 : memref<10112x128xf32, #tpu.memory_space<vmem_shared>>) offsets(%arg9 : memref<128xi32, #tpu.memory_space<vmem>>) semaphore(%arg20 : memref<!tpu.dma_semaphore, #tpu.memory_space<semaphore_mem>>) {add = true}
      %dma_wait3A_168 = arith.constant 0 : i32
      %dma_wait3A_169 = arith.constant 0 : i32
      %dma_wait3A_170 = tpu.memref_slice %arg12[%dma_wait3A_168, %dma_wait3A_169] : memref<10112x128xf32, #tpu.memory_space<vmem_shared>> -> memref<10112x128xf32, #tpu.memory_space<vmem_shared>>
      tpu.wait_indirect_dma semaphore(%arg19 : memref<!tpu.dma_semaphore, #tpu.memory_space<semaphore_mem>>) src(%arg10 : memref<128x128xf32, #tpu.memory_space<vmem>>) dst(%dma_wait3A_170 : memref<10112x128xf32, #tpu.memory_space<vmem_shared>>)
      %dma_wait3A_171 = arith.constant 0 : i32
      %dma_wait3A_172 = arith.constant 0 : i32
      %dma_wait3A_173 = tpu.memref_slice %arg12[%dma_wait3A_171, %dma_wait3A_172] : memref<10112x128xf32, #tpu.memory_space<vmem_shared>> -> memref<10112x128xf32, #tpu.memory_space<vmem_shared>>
      tpu.wait_indirect_dma semaphore(%arg20 : memref<!tpu.dma_semaphore, #tpu.memory_space<semaphore_mem>>) src(%arg11 : memref<128x128xf32, #tpu.memory_space<vmem>>) dst(%dma_wait3A_173 : memref<10112x128xf32, #tpu.memory_space<vmem_shared>>)
      %barrier3A_174 = arith.constant 0 : index
      tpu.barrier barrier_id(%barrier3A_174)
    } else {
    }
    %eq3A_78 = arith.constant 1 : i32
    %eq3A_79 = arith.cmpi eq, %arg0, %eq3A_78 : i32
    %convert_element_type3A_80 = arith.extui %eq3A_79 : i1 to i32
    %cond3A_81 = arith.constant 0 : i32
    %cond3A_82 = arith.cmpi ne, %convert_element_type3A_80, %cond3A_81 : i32
    scf.if %cond3A_82 {
      %mul3A_83 = arith.constant 16 : i32
      %mul3A_84 = arith.muli %arg1, %mul3A_83 : i32
      %add3A_85 = arith.constant 2304 : i32
      %add3A_86 = arith.addi %add3A_85, %mul3A_84 : i32
      %dma_start3A_87 = arith.constant 0 : i32
      %dma_start3A_88 = tpu.memref_slice %arg3[%add3A_86, %dma_start3A_87] : memref<2560x128xi32, #tpu.memory_space<hbm>> -> memref<1x128xi32, #tpu.memory_space<hbm>>
      %dma_start3A_89 = tpu.memref_squeeze %dma_start3A_88 : memref<1x128xi32, #tpu.memory_space<hbm>> -> memref<128xi32, #tpu.memory_space<hbm>>
      %dma_start3A_90 = arith.constant 0 : i32
      %dma_start3A_91 = tpu.memref_slice %arg3[%add3A_86, %dma_start3A_90] : memref<2560x128xi32, #tpu.memory_space<hbm>> -> memref<1x128xi32, #tpu.memory_space<hbm>>
      %dma_start3A_92 = tpu.memref_squeeze %dma_start3A_91 : memref<1x128xi32, #tpu.memory_space<hbm>> -> memref<128xi32, #tpu.memory_space<hbm>>
      tpu.enqueue_dma source(%dma_start3A_92 : memref<128xi32, #tpu.memory_space<hbm>>) target(%arg6 : memref<128xi32, #tpu.memory_space<vmem>>) target_semaphore(%arg13 : memref<!tpu.dma_semaphore, #tpu.memory_space<semaphore_mem>>)
      %add3A_93 = arith.constant 1 : i32
      %add3A_94 = arith.addi %add3A_86, %add3A_93 : i32
      %dma_start3A_95 = arith.constant 0 : i32
      %dma_start3A_96 = tpu.memref_slice %arg3[%add3A_94, %dma_start3A_95] : memref<2560x128xi32, #tpu.memory_space<hbm>> -> memref<1x128xi32, #tpu.memory_space<hbm>>
      %dma_start3A_97 = tpu.memref_squeeze %dma_start3A_96 : memref<1x128xi32, #tpu.memory_space<hbm>> -> memref<128xi32, #tpu.memory_space<hbm>>
      %dma_start3A_98 = arith.constant 0 : i32
      %dma_start3A_99 = tpu.memref_slice %arg3[%add3A_94, %dma_start3A_98] : memref<2560x128xi32, #tpu.memory_space<hbm>> -> memref<1x128xi32, #tpu.memory_space<hbm>>
      %dma_start3A_100 = tpu.memref_squeeze %dma_start3A_99 : memref<1x128xi32, #tpu.memory_space<hbm>> -> memref<128xi32, #tpu.memory_space<hbm>>
      tpu.enqueue_dma source(%dma_start3A_100 : memref<128xi32, #tpu.memory_space<hbm>>) target(%arg7 : memref<128xi32, #tpu.memory_space<vmem>>) target_semaphore(%arg14 : memref<!tpu.dma_semaphore, #tpu.memory_space<semaphore_mem>>)
      %dma_start3A_101 = arith.constant 0 : i32
      %dma_start3A_102 = tpu.memref_slice %arg4[%add3A_86, %dma_start3A_101] : memref<2560x128xi32, #tpu.memory_space<hbm>> -> memref<1x128xi32, #tpu.memory_space<hbm>>
      %dma_start3A_103 = tpu.memref_squeeze %dma_start3A_102 : memref<1x128xi32, #tpu.memory_space<hbm>> -> memref<128xi32, #tpu.memory_space<hbm>>
      %dma_start3A_104 = arith.constant 0 : i32
      %dma_start3A_105 = tpu.memref_slice %arg4[%add3A_86, %dma_start3A_104] : memref<2560x128xi32, #tpu.memory_space<hbm>> -> memref<1x128xi32, #tpu.memory_space<hbm>>
      %dma_start3A_106 = tpu.memref_squeeze %dma_start3A_105 : memref<1x128xi32, #tpu.memory_space<hbm>> -> memref<128xi32, #tpu.memory_space<hbm>>
      tpu.enqueue_dma source(%dma_start3A_106 : memref<128xi32, #tpu.memory_space<hbm>>) target(%arg8 : memref<128xi32, #tpu.memory_space<vmem>>) target_semaphore(%arg15 : memref<!tpu.dma_semaphore, #tpu.memory_space<semaphore_mem>>)
      %add3A_107 = arith.constant 1 : i32
      %add3A_108 = arith.addi %add3A_86, %add3A_107 : i32
      %dma_start3A_109 = arith.constant 0 : i32
      %dma_start3A_110 = tpu.memref_slice %arg4[%add3A_108, %dma_start3A_109] : memref<2560x128xi32, #tpu.memory_space<hbm>> -> memref<1x128xi32, #tpu.memory_space<hbm>>
      %dma_start3A_111 = tpu.memref_squeeze %dma_start3A_110 : memref<1x128xi32, #tpu.memory_space<hbm>> -> memref<128xi32, #tpu.memory_space<hbm>>
      %dma_start3A_112 = arith.constant 0 : i32
      %dma_start3A_113 = tpu.memref_slice %arg4[%add3A_108, %dma_start3A_112] : memref<2560x128xi32, #tpu.memory_space<hbm>> -> memref<1x128xi32, #tpu.memory_space<hbm>>
      %dma_start3A_114 = tpu.memref_squeeze %dma_start3A_113 : memref<1x128xi32, #tpu.memory_space<hbm>> -> memref<128xi32, #tpu.memory_space<hbm>>
      tpu.enqueue_dma source(%dma_start3A_114 : memref<128xi32, #tpu.memory_space<hbm>>) target(%arg9 : memref<128xi32, #tpu.memory_space<vmem>>) target_semaphore(%arg16 : memref<!tpu.dma_semaphore, #tpu.memory_space<semaphore_mem>>)
      %barrier3A = arith.constant 0 : index
      tpu.barrier barrier_id(%barrier3A)
      %dma_wait3A_115 = arith.constant 0 : i32
      %dma_wait3A_116 = tpu.memref_slice %arg3[%add3A_86, %dma_wait3A_115] : memref<2560x128xi32, #tpu.memory_space<hbm>> -> memref<1x128xi32, #tpu.memory_space<hbm>>
      %dma_wait3A_117 = tpu.memref_squeeze %dma_wait3A_116 : memref<1x128xi32, #tpu.memory_space<hbm>> -> memref<128xi32, #tpu.memory_space<hbm>>
      %dma_wait3A_118 = arith.constant 0 : i32
      %dma_wait3A_119 = tpu.memref_slice %arg3[%add3A_86, %dma_wait3A_118] : memref<2560x128xi32, #tpu.memory_space<hbm>> -> memref<1x128xi32, #tpu.memory_space<hbm>>
      %dma_wait3A_120 = tpu.memref_squeeze %dma_wait3A_119 : memref<1x128xi32, #tpu.memory_space<hbm>> -> memref<128xi32, #tpu.memory_space<hbm>>
      tpu.wait_dma2 semaphore(%arg13 : memref<!tpu.dma_semaphore, #tpu.memory_space<semaphore_mem>>) src(%dma_wait3A_120 : memref<128xi32, #tpu.memory_space<hbm>>) dst(%arg6 : memref<128xi32, #tpu.memory_space<vmem>>)
      %dma_start3A_121 = arith.constant 0 : i32
      %dma_start3A_122 = arith.constant 0 : i32
      %dma_start3A_123 = tpu.memref_slice %arg2[%dma_start3A_121, %dma_start3A_122] : memref<10112x128xf32, #tpu.memory_space<hbm>> -> memref<10112x128xf32, #tpu.memory_space<hbm>>
      tpu.enqueue_indirect_dma source(%dma_start3A_123 : memref<10112x128xf32, #tpu.memory_space<hbm>>) target(%arg10 : memref<128x128xf32, #tpu.memory_space<vmem>>) offsets(%arg6 : memref<128xi32, #tpu.memory_space<vmem>>) semaphore(%arg17 : memref<!tpu.dma_semaphore, #tpu.memory_space<semaphore_mem>>)
      %add3A_124 = arith.constant 1 : i32
      %add3A_125 = arith.addi %add3A_86, %add3A_124 : i32
      %dma_wait3A_126 = arith.constant 0 : i32
      %dma_wait3A_127 = tpu.memref_slice %arg3[%add3A_125, %dma_wait3A_126] : memref<2560x128xi32, #tpu.memory_space<hbm>> -> memref<1x128xi32, #tpu.memory_space<hbm>>
      %dma_wait3A_128 = tpu.memref_squeeze %dma_wait3A_127 : memref<1x128xi32, #tpu.memory_space<hbm>> -> memref<128xi32, #tpu.memory_space<hbm>>
      %dma_wait3A_129 = arith.constant 0 : i32
      %dma_wait3A_130 = tpu.memref_slice %arg3[%add3A_125, %dma_wait3A_129] : memref<2560x128xi32, #tpu.memory_space<hbm>> -> memref<1x128xi32, #tpu.memory_space<hbm>>
      %dma_wait3A_131 = tpu.memref_squeeze %dma_wait3A_130 : memref<1x128xi32, #tpu.memory_space<hbm>> -> memref<128xi32, #tpu.memory_space<hbm>>
      tpu.wait_dma2 semaphore(%arg14 : memref<!tpu.dma_semaphore, #tpu.memory_space<semaphore_mem>>) src(%dma_wait3A_131 : memref<128xi32, #tpu.memory_space<hbm>>) dst(%arg7 : memref<128xi32, #tpu.memory_space<vmem>>)
      %dma_start3A_132 = arith.constant 0 : i32
      %dma_start3A_133 = arith.constant 0 : i32
      %dma_start3A_134 = tpu.memref_slice %arg2[%dma_start3A_132, %dma_start3A_133] : memref<10112x128xf32, #tpu.memory_space<hbm>> -> memref<10112x128xf32, #tpu.memory_space<hbm>>
      tpu.enqueue_indirect_dma source(%dma_start3A_134 : memref<10112x128xf32, #tpu.memory_space<hbm>>) target(%arg11 : memref<128x128xf32, #tpu.memory_space<vmem>>) offsets(%arg7 : memref<128xi32, #tpu.memory_space<vmem>>) semaphore(%arg18 : memref<!tpu.dma_semaphore, #tpu.memory_space<semaphore_mem>>)
      %scan3A_135 = arith.constant 0 : i32
      %scan3A_136 = arith.constant 0 : i32
      %scan3A_137 = arith.constant 7 : i32
      %scan3A_138 = arith.addi %scan3A_136, %scan3A_137 : i32
      %scan3A_139 = arith.constant 1 : i32
      scf.for %scan3A_177 = %scan3A_136 to %scan3A_138 step %scan3A_139  : i32 {
        %mul3A_178 = arith.constant 2 : i32
        %mul3A_179 = arith.muli %mul3A_178, %scan3A_177 : i32
        %dma_wait3A_180 = arith.constant 0 : i32
        %dma_wait3A_181 = arith.constant 0 : i32
        %dma_wait3A_182 = tpu.memref_slice %arg2[%dma_wait3A_180, %dma_wait3A_181] : memref<10112x128xf32, #tpu.memory_space<hbm>> -> memref<10112x128xf32, #tpu.memory_space<hbm>>
        tpu.wait_indirect_dma semaphore(%arg17 : memref<!tpu.dma_semaphore, #tpu.memory_space<semaphore_mem>>) src(%dma_wait3A_182 : memref<10112x128xf32, #tpu.memory_space<hbm>>) dst(%arg10 : memref<128x128xf32, #tpu.memory_space<vmem>>)
        %add3A_183 = arith.addi %add3A_86, %mul3A_179 : i32
        %add3A_184 = arith.constant 2 : i32
        %add3A_185 = arith.addi %add3A_183, %add3A_184 : i32
        %dma_start3A_186 = arith.constant 0 : i32
        %dma_start3A_187 = tpu.memref_slice %arg3[%add3A_185, %dma_start3A_186] : memref<2560x128xi32, #tpu.memory_space<hbm>> -> memref<1x128xi32, #tpu.memory_space<hbm>>
        %dma_start3A_188 = tpu.memref_squeeze %dma_start3A_187 : memref<1x128xi32, #tpu.memory_space<hbm>> -> memref<128xi32, #tpu.memory_space<hbm>>
        %dma_start3A_189 = arith.constant 0 : i32
        %dma_start3A_190 = tpu.memref_slice %arg3[%add3A_185, %dma_start3A_189] : memref<2560x128xi32, #tpu.memory_space<hbm>> -> memref<1x128xi32, #tpu.memory_space<hbm>>
        %dma_start3A_191 = tpu.memref_squeeze %dma_start3A_190 : memref<1x128xi32, #tpu.memory_space<hbm>> -> memref<128xi32, #tpu.memory_space<hbm>>
        tpu.enqueue_dma source(%dma_start3A_191 : memref<128xi32, #tpu.memory_space<hbm>>) target(%arg6 : memref<128xi32, #tpu.memory_space<vmem>>) target_semaphore(%arg13 : memref<!tpu.dma_semaphore, #tpu.memory_space<semaphore_mem>>)
        %add3A_192 = arith.addi %add3A_86, %mul3A_179 : i32
        %dma_wait3A_193 = arith.constant 0 : i32
        %dma_wait3A_194 = tpu.memref_slice %arg4[%add3A_192, %dma_wait3A_193] : memref<2560x128xi32, #tpu.memory_space<hbm>> -> memref<1x128xi32, #tpu.memory_space<hbm>>
        %dma_wait3A_195 = tpu.memref_squeeze %dma_wait3A_194 : memref<1x128xi32, #tpu.memory_space<hbm>> -> memref<128xi32, #tpu.memory_space<hbm>>
        %dma_wait3A_196 = arith.constant 0 : i32
        %dma_wait3A_197 = tpu.memref_slice %arg4[%add3A_192, %dma_wait3A_196] : memref<2560x128xi32, #tpu.memory_space<hbm>> -> memref<1x128xi32, #tpu.memory_space<hbm>>
        %dma_wait3A_198 = tpu.memref_squeeze %dma_wait3A_197 : memref<1x128xi32, #tpu.memory_space<hbm>> -> memref<128xi32, #tpu.memory_space<hbm>>
        tpu.wait_dma2 semaphore(%arg15 : memref<!tpu.dma_semaphore, #tpu.memory_space<semaphore_mem>>) src(%dma_wait3A_198 : memref<128xi32, #tpu.memory_space<hbm>>) dst(%arg8 : memref<128xi32, #tpu.memory_space<vmem>>)
        %dma_start3A_199 = arith.constant 0 : i32
        %dma_start3A_200 = arith.constant 0 : i32
        %dma_start3A_201 = tpu.memref_slice %arg12[%dma_start3A_199, %dma_start3A_200] : memref<10112x128xf32, #tpu.memory_space<vmem_shared>> -> memref<10112x128xf32, #tpu.memory_space<vmem_shared>>
        tpu.enqueue_indirect_dma source(%arg10 : memref<128x128xf32, #tpu.memory_space<vmem>>) target(%dma_start3A_201 : memref<10112x128xf32, #tpu.memory_space<vmem_shared>>) offsets(%arg8 : memref<128xi32, #tpu.memory_space<vmem>>) semaphore(%arg19 : memref<!tpu.dma_semaphore, #tpu.memory_space<semaphore_mem>>) {add = true}
        %dma_wait3A_202 = arith.constant 0 : i32
        %dma_wait3A_203 = arith.constant 0 : i32
        %dma_wait3A_204 = tpu.memref_slice %arg2[%dma_wait3A_202, %dma_wait3A_203] : memref<10112x128xf32, #tpu.memory_space<hbm>> -> memref<10112x128xf32, #tpu.memory_space<hbm>>
        tpu.wait_indirect_dma semaphore(%arg18 : memref<!tpu.dma_semaphore, #tpu.memory_space<semaphore_mem>>) src(%dma_wait3A_204 : memref<10112x128xf32, #tpu.memory_space<hbm>>) dst(%arg11 : memref<128x128xf32, #tpu.memory_space<vmem>>)
        %add3A_205 = arith.addi %add3A_86, %mul3A_179 : i32
        %add3A_206 = arith.constant 3 : i32
        %add3A_207 = arith.addi %add3A_205, %add3A_206 : i32
        %dma_start3A_208 = arith.constant 0 : i32
        %dma_start3A_209 = tpu.memref_slice %arg3[%add3A_207, %dma_start3A_208] : memref<2560x128xi32, #tpu.memory_space<hbm>> -> memref<1x128xi32, #tpu.memory_space<hbm>>
        %dma_start3A_210 = tpu.memref_squeeze %dma_start3A_209 : memref<1x128xi32, #tpu.memory_space<hbm>> -> memref<128xi32, #tpu.memory_space<hbm>>
        %dma_start3A_211 = arith.constant 0 : i32
        %dma_start3A_212 = tpu.memref_slice %arg3[%add3A_207, %dma_start3A_211] : memref<2560x128xi32, #tpu.memory_space<hbm>> -> memref<1x128xi32, #tpu.memory_space<hbm>>
        %dma_start3A_213 = tpu.memref_squeeze %dma_start3A_212 : memref<1x128xi32, #tpu.memory_space<hbm>> -> memref<128xi32, #tpu.memory_space<hbm>>
        tpu.enqueue_dma source(%dma_start3A_213 : memref<128xi32, #tpu.memory_space<hbm>>) target(%arg7 : memref<128xi32, #tpu.memory_space<vmem>>) target_semaphore(%arg14 : memref<!tpu.dma_semaphore, #tpu.memory_space<semaphore_mem>>)
        %add3A_214 = arith.addi %add3A_86, %mul3A_179 : i32
        %add3A_215 = arith.constant 1 : i32
        %add3A_216 = arith.addi %add3A_214, %add3A_215 : i32
        %dma_wait3A_217 = arith.constant 0 : i32
        %dma_wait3A_218 = tpu.memref_slice %arg4[%add3A_216, %dma_wait3A_217] : memref<2560x128xi32, #tpu.memory_space<hbm>> -> memref<1x128xi32, #tpu.memory_space<hbm>>
        %dma_wait3A_219 = tpu.memref_squeeze %dma_wait3A_218 : memref<1x128xi32, #tpu.memory_space<hbm>> -> memref<128xi32, #tpu.memory_space<hbm>>
        %dma_wait3A_220 = arith.constant 0 : i32
        %dma_wait3A_221 = tpu.memref_slice %arg4[%add3A_216, %dma_wait3A_220] : memref<2560x128xi32, #tpu.memory_space<hbm>> -> memref<1x128xi32, #tpu.memory_space<hbm>>
        %dma_wait3A_222 = tpu.memref_squeeze %dma_wait3A_221 : memref<1x128xi32, #tpu.memory_space<hbm>> -> memref<128xi32, #tpu.memory_space<hbm>>
        tpu.wait_dma2 semaphore(%arg16 : memref<!tpu.dma_semaphore, #tpu.memory_space<semaphore_mem>>) src(%dma_wait3A_222 : memref<128xi32, #tpu.memory_space<hbm>>) dst(%arg9 : memref<128xi32, #tpu.memory_space<vmem>>)
        %dma_start3A_223 = arith.constant 0 : i32
        %dma_start3A_224 = arith.constant 0 : i32
        %dma_start3A_225 = tpu.memref_slice %arg12[%dma_start3A_223, %dma_start3A_224] : memref<10112x128xf32, #tpu.memory_space<vmem_shared>> -> memref<10112x128xf32, #tpu.memory_space<vmem_shared>>
        tpu.enqueue_indirect_dma source(%arg11 : memref<128x128xf32, #tpu.memory_space<vmem>>) target(%dma_start3A_225 : memref<10112x128xf32, #tpu.memory_space<vmem_shared>>) offsets(%arg9 : memref<128xi32, #tpu.memory_space<vmem>>) semaphore(%arg20 : memref<!tpu.dma_semaphore, #tpu.memory_space<semaphore_mem>>) {add = true}
        %dma_wait3A_226 = arith.constant 0 : i32
        %dma_wait3A_227 = arith.constant 0 : i32
        %dma_wait3A_228 = tpu.memref_slice %arg12[%dma_wait3A_226, %dma_wait3A_227] : memref<10112x128xf32, #tpu.memory_space<vmem_shared>> -> memref<10112x128xf32, #tpu.memory_space<vmem_shared>>
        tpu.wait_indirect_dma semaphore(%arg19 : memref<!tpu.dma_semaphore, #tpu.memory_space<semaphore_mem>>) src(%arg10 : memref<128x128xf32, #tpu.memory_space<vmem>>) dst(%dma_wait3A_228 : memref<10112x128xf32, #tpu.memory_space<vmem_shared>>)
        %add3A_229 = arith.addi %add3A_86, %mul3A_179 : i32
        %add3A_230 = arith.constant 2 : i32
        %add3A_231 = arith.addi %add3A_229, %add3A_230 : i32
        %dma_start3A_232 = arith.constant 0 : i32
        %dma_start3A_233 = tpu.memref_slice %arg4[%add3A_231, %dma_start3A_232] : memref<2560x128xi32, #tpu.memory_space<hbm>> -> memref<1x128xi32, #tpu.memory_space<hbm>>
        %dma_start3A_234 = tpu.memref_squeeze %dma_start3A_233 : memref<1x128xi32, #tpu.memory_space<hbm>> -> memref<128xi32, #tpu.memory_space<hbm>>
        %dma_start3A_235 = arith.constant 0 : i32
        %dma_start3A_236 = tpu.memref_slice %arg4[%add3A_231, %dma_start3A_235] : memref<2560x128xi32, #tpu.memory_space<hbm>> -> memref<1x128xi32, #tpu.memory_space<hbm>>
        %dma_start3A_237 = tpu.memref_squeeze %dma_start3A_236 : memref<1x128xi32, #tpu.memory_space<hbm>> -> memref<128xi32, #tpu.memory_space<hbm>>
        tpu.enqueue_dma source(%dma_start3A_237 : memref<128xi32, #tpu.memory_space<hbm>>) target(%arg8 : memref<128xi32, #tpu.memory_space<vmem>>) target_semaphore(%arg15 : memref<!tpu.dma_semaphore, #tpu.memory_space<semaphore_mem>>)
        %add3A_238 = arith.addi %add3A_86, %mul3A_179 : i32
        %add3A_239 = arith.constant 2 : i32
        %add3A_240 = arith.addi %add3A_238, %add3A_239 : i32
        %dma_wait3A_241 = arith.constant 0 : i32
        %dma_wait3A_242 = tpu.memref_slice %arg3[%add3A_240, %dma_wait3A_241] : memref<2560x128xi32, #tpu.memory_space<hbm>> -> memref<1x128xi32, #tpu.memory_space<hbm>>
        %dma_wait3A_243 = tpu.memref_squeeze %dma_wait3A_242 : memref<1x128xi32, #tpu.memory_space<hbm>> -> memref<128xi32, #tpu.memory_space<hbm>>
        %dma_wait3A_244 = arith.constant 0 : i32
        %dma_wait3A_245 = tpu.memref_slice %arg3[%add3A_240, %dma_wait3A_244] : memref<2560x128xi32, #tpu.memory_space<hbm>> -> memref<1x128xi32, #tpu.memory_space<hbm>>
        %dma_wait3A_246 = tpu.memref_squeeze %dma_wait3A_245 : memref<1x128xi32, #tpu.memory_space<hbm>> -> memref<128xi32, #tpu.memory_space<hbm>>
        tpu.wait_dma2 semaphore(%arg13 : memref<!tpu.dma_semaphore, #tpu.memory_space<semaphore_mem>>) src(%dma_wait3A_246 : memref<128xi32, #tpu.memory_space<hbm>>) dst(%arg6 : memref<128xi32, #tpu.memory_space<vmem>>)
        %dma_start3A_247 = arith.constant 0 : i32
        %dma_start3A_248 = arith.constant 0 : i32
        %dma_start3A_249 = tpu.memref_slice %arg2[%dma_start3A_247, %dma_start3A_248] : memref<10112x128xf32, #tpu.memory_space<hbm>> -> memref<10112x128xf32, #tpu.memory_space<hbm>>
        tpu.enqueue_indirect_dma source(%dma_start3A_249 : memref<10112x128xf32, #tpu.memory_space<hbm>>) target(%arg10 : memref<128x128xf32, #tpu.memory_space<vmem>>) offsets(%arg6 : memref<128xi32, #tpu.memory_space<vmem>>) semaphore(%arg17 : memref<!tpu.dma_semaphore, #tpu.memory_space<semaphore_mem>>)
        %dma_wait3A_250 = arith.constant 0 : i32
        %dma_wait3A_251 = arith.constant 0 : i32
        %dma_wait3A_252 = tpu.memref_slice %arg12[%dma_wait3A_250, %dma_wait3A_251] : memref<10112x128xf32, #tpu.memory_space<vmem_shared>> -> memref<10112x128xf32, #tpu.memory_space<vmem_shared>>
        tpu.wait_indirect_dma semaphore(%arg20 : memref<!tpu.dma_semaphore, #tpu.memory_space<semaphore_mem>>) src(%arg11 : memref<128x128xf32, #tpu.memory_space<vmem>>) dst(%dma_wait3A_252 : memref<10112x128xf32, #tpu.memory_space<vmem_shared>>)
        %add3A_253 = arith.addi %add3A_86, %mul3A_179 : i32
        %add3A_254 = arith.constant 3 : i32
        %add3A_255 = arith.addi %add3A_253, %add3A_254 : i32
        %dma_start3A_256 = arith.constant 0 : i32
        %dma_start3A_257 = tpu.memref_slice %arg4[%add3A_255, %dma_start3A_256] : memref<2560x128xi32, #tpu.memory_space<hbm>> -> memref<1x128xi32, #tpu.memory_space<hbm>>
        %dma_start3A_258 = tpu.memref_squeeze %dma_start3A_257 : memref<1x128xi32, #tpu.memory_space<hbm>> -> memref<128xi32, #tpu.memory_space<hbm>>
        %dma_start3A_259 = arith.constant 0 : i32
        %dma_start3A_260 = tpu.memref_slice %arg4[%add3A_255, %dma_start3A_259] : memref<2560x128xi32, #tpu.memory_space<hbm>> -> memref<1x128xi32, #tpu.memory_space<hbm>>
        %dma_start3A_261 = tpu.memref_squeeze %dma_start3A_260 : memref<1x128xi32, #tpu.memory_space<hbm>> -> memref<128xi32, #tpu.memory_space<hbm>>
        tpu.enqueue_dma source(%dma_start3A_261 : memref<128xi32, #tpu.memory_space<hbm>>) target(%arg9 : memref<128xi32, #tpu.memory_space<vmem>>) target_semaphore(%arg16 : memref<!tpu.dma_semaphore, #tpu.memory_space<semaphore_mem>>)
        %add3A_262 = arith.addi %add3A_86, %mul3A_179 : i32
        %add3A_263 = arith.constant 3 : i32
        %add3A_264 = arith.addi %add3A_262, %add3A_263 : i32
        %dma_wait3A_265 = arith.constant 0 : i32
        %dma_wait3A_266 = tpu.memref_slice %arg3[%add3A_264, %dma_wait3A_265] : memref<2560x128xi32, #tpu.memory_space<hbm>> -> memref<1x128xi32, #tpu.memory_space<hbm>>
        %dma_wait3A_267 = tpu.memref_squeeze %dma_wait3A_266 : memref<1x128xi32, #tpu.memory_space<hbm>> -> memref<128xi32, #tpu.memory_space<hbm>>
        %dma_wait3A_268 = arith.constant 0 : i32
        %dma_wait3A_269 = tpu.memref_slice %arg3[%add3A_264, %dma_wait3A_268] : memref<2560x128xi32, #tpu.memory_space<hbm>> -> memref<1x128xi32, #tpu.memory_space<hbm>>
        %dma_wait3A_270 = tpu.memref_squeeze %dma_wait3A_269 : memref<1x128xi32, #tpu.memory_space<hbm>> -> memref<128xi32, #tpu.memory_space<hbm>>
        tpu.wait_dma2 semaphore(%arg14 : memref<!tpu.dma_semaphore, #tpu.memory_space<semaphore_mem>>) src(%dma_wait3A_270 : memref<128xi32, #tpu.memory_space<hbm>>) dst(%arg7 : memref<128xi32, #tpu.memory_space<vmem>>)
        %dma_start3A_271 = arith.constant 0 : i32
        %dma_start3A_272 = arith.constant 0 : i32
        %dma_start3A_273 = tpu.memref_slice %arg2[%dma_start3A_271, %dma_start3A_272] : memref<10112x128xf32, #tpu.memory_space<hbm>> -> memref<10112x128xf32, #tpu.memory_space<hbm>>
        tpu.enqueue_indirect_dma source(%dma_start3A_273 : memref<10112x128xf32, #tpu.memory_space<hbm>>) target(%arg11 : memref<128x128xf32, #tpu.memory_space<vmem>>) offsets(%arg7 : memref<128xi32, #tpu.memory_space<vmem>>) semaphore(%arg18 : memref<!tpu.dma_semaphore, #tpu.memory_space<semaphore_mem>>)
      }
      %scan3A_140 = arith.constant 7 : i32
      %add3A_141 = arith.constant 16 : i32
      %add3A_142 = arith.addi %add3A_86, %add3A_141 : i32
      %sub3A = arith.constant 2 : i32
      %sub3A_143 = arith.subi %add3A_142, %sub3A : i32
      %dma_wait3A_144 = arith.constant 0 : i32
      %dma_wait3A_145 = arith.constant 0 : i32
      %dma_wait3A_146 = tpu.memref_slice %arg2[%dma_wait3A_144, %dma_wait3A_145] : memref<10112x128xf32, #tpu.memory_space<hbm>> -> memref<10112x128xf32, #tpu.memory_space<hbm>>
      tpu.wait_indirect_dma semaphore(%arg17 : memref<!tpu.dma_semaphore, #tpu.memory_space<semaphore_mem>>) src(%dma_wait3A_146 : memref<10112x128xf32, #tpu.memory_space<hbm>>) dst(%arg10 : memref<128x128xf32, #tpu.memory_space<vmem>>)
      %dma_wait3A_147 = arith.constant 0 : i32
      %dma_wait3A_148 = tpu.memref_slice %arg4[%sub3A_143, %dma_wait3A_147] : memref<2560x128xi32, #tpu.memory_space<hbm>> -> memref<1x128xi32, #tpu.memory_space<hbm>>
      %dma_wait3A_149 = tpu.memref_squeeze %dma_wait3A_148 : memref<1x128xi32, #tpu.memory_space<hbm>> -> memref<128xi32, #tpu.memory_space<hbm>>
      %dma_wait3A_150 = arith.constant 0 : i32
      %dma_wait3A_151 = tpu.memref_slice %arg4[%sub3A_143, %dma_wait3A_150] : memref<2560x128xi32, #tpu.memory_space<hbm>> -> memref<1x128xi32, #tpu.memory_space<hbm>>
      %dma_wait3A_152 = tpu.memref_squeeze %dma_wait3A_151 : memref<1x128xi32, #tpu.memory_space<hbm>> -> memref<128xi32, #tpu.memory_space<hbm>>
      tpu.wait_dma2 semaphore(%arg15 : memref<!tpu.dma_semaphore, #tpu.memory_space<semaphore_mem>>) src(%dma_wait3A_152 : memref<128xi32, #tpu.memory_space<hbm>>) dst(%arg8 : memref<128xi32, #tpu.memory_space<vmem>>)
      %dma_start3A_153 = arith.constant 0 : i32
      %dma_start3A_154 = arith.constant 0 : i32
      %dma_start3A_155 = tpu.memref_slice %arg12[%dma_start3A_153, %dma_start3A_154] : memref<10112x128xf32, #tpu.memory_space<vmem_shared>> -> memref<10112x128xf32, #tpu.memory_space<vmem_shared>>
      tpu.enqueue_indirect_dma source(%arg10 : memref<128x128xf32, #tpu.memory_space<vmem>>) target(%dma_start3A_155 : memref<10112x128xf32, #tpu.memory_space<vmem_shared>>) offsets(%arg8 : memref<128xi32, #tpu.memory_space<vmem>>) semaphore(%arg19 : memref<!tpu.dma_semaphore, #tpu.memory_space<semaphore_mem>>) {add = true}
      %dma_wait3A_156 = arith.constant 0 : i32
      %dma_wait3A_157 = arith.constant 0 : i32
      %dma_wait3A_158 = tpu.memref_slice %arg2[%dma_wait3A_156, %dma_wait3A_157] : memref<10112x128xf32, #tpu.memory_space<hbm>> -> memref<10112x128xf32, #tpu.memory_space<hbm>>
      tpu.wait_indirect_dma semaphore(%arg18 : memref<!tpu.dma_semaphore, #tpu.memory_space<semaphore_mem>>) src(%dma_wait3A_158 : memref<10112x128xf32, #tpu.memory_space<hbm>>) dst(%arg11 : memref<128x128xf32, #tpu.memory_space<vmem>>)
      %add3A_159 = arith.constant 1 : i32
      %add3A_160 = arith.addi %sub3A_143, %add3A_159 : i32
      %dma_wait3A_161 = arith.constant 0 : i32
      %dma_wait3A_162 = tpu.memref_slice %arg4[%add3A_160, %dma_wait3A_161] : memref<2560x128xi32, #tpu.memory_space<hbm>> -> memref<1x128xi32, #tpu.memory_space<hbm>>
      %dma_wait3A_163 = tpu.memref_squeeze %dma_wait3A_162 : memref<1x128xi32, #tpu.memory_space<hbm>> -> memref<128xi32, #tpu.memory_space<hbm>>
      %dma_wait3A_164 = arith.constant 0 : i32
      %dma_wait3A_165 = tpu.memref_slice %arg4[%add3A_160, %dma_wait3A_164] : memref<2560x128xi32, #tpu.memory_space<hbm>> -> memref<1x128xi32, #tpu.memory_space<hbm>>
      %dma_wait3A_166 = tpu.memref_squeeze %dma_wait3A_165 : memref<1x128xi32, #tpu.memory_space<hbm>> -> memref<128xi32, #tpu.memory_space<hbm>>
      tpu.wait_dma2 semaphore(%arg16 : memref<!tpu.dma_semaphore, #tpu.memory_space<semaphore_mem>>) src(%dma_wait3A_166 : memref<128xi32, #tpu.memory_space<hbm>>) dst(%arg9 : memref<128xi32, #tpu.memory_space<vmem>>)
      %dma_start3A_167 = arith.constant 0 : i32
      %dma_start3A_168 = arith.constant 0 : i32
      %dma_start3A_169 = tpu.memref_slice %arg12[%dma_start3A_167, %dma_start3A_168] : memref<10112x128xf32, #tpu.memory_space<vmem_shared>> -> memref<10112x128xf32, #tpu.memory_space<vmem_shared>>
      tpu.enqueue_indirect_dma source(%arg11 : memref<128x128xf32, #tpu.memory_space<vmem>>) target(%dma_start3A_169 : memref<10112x128xf32, #tpu.memory_space<vmem_shared>>) offsets(%arg9 : memref<128xi32, #tpu.memory_space<vmem>>) semaphore(%arg20 : memref<!tpu.dma_semaphore, #tpu.memory_space<semaphore_mem>>) {add = true}
      %dma_wait3A_170 = arith.constant 0 : i32
      %dma_wait3A_171 = arith.constant 0 : i32
      %dma_wait3A_172 = tpu.memref_slice %arg12[%dma_wait3A_170, %dma_wait3A_171] : memref<10112x128xf32, #tpu.memory_space<vmem_shared>> -> memref<10112x128xf32, #tpu.memory_space<vmem_shared>>
      tpu.wait_indirect_dma semaphore(%arg19 : memref<!tpu.dma_semaphore, #tpu.memory_space<semaphore_mem>>) src(%arg10 : memref<128x128xf32, #tpu.memory_space<vmem>>) dst(%dma_wait3A_172 : memref<10112x128xf32, #tpu.memory_space<vmem_shared>>)
      %dma_wait3A_173 = arith.constant 0 : i32
      %dma_wait3A_174 = arith.constant 0 : i32
      %dma_wait3A_175 = tpu.memref_slice %arg12[%dma_wait3A_173, %dma_wait3A_174] : memref<10112x128xf32, #tpu.memory_space<vmem_shared>> -> memref<10112x128xf32, #tpu.memory_space<vmem_shared>>
      tpu.wait_indirect_dma semaphore(%arg20 : memref<!tpu.dma_semaphore, #tpu.memory_space<semaphore_mem>>) src(%arg11 : memref<128x128xf32, #tpu.memory_space<vmem>>) dst(%dma_wait3A_175 : memref<10112x128xf32, #tpu.memory_space<vmem_shared>>)
      %barrier3A_176 = arith.constant 0 : index
      tpu.barrier barrier_id(%barrier3A_176)
    } else {
    }
    "tpu.region"() ({
      %run_scoped3A = tpu.sem_alloc : memref<!tpu.dma_semaphore, #tpu.memory_space<semaphore_mem>>
      %dma_start3A_83 = arith.constant 0 : i32
      %dma_start3A_84 = tpu.memref_slice %arg5[%arg0, %mul3A_0, %dma_start3A_83] : memref<2x10112x128xf32, #tpu.memory_space<hbm>> -> memref<1x632x128xf32, #tpu.memory_space<hbm>>
      %dma_start3A_85 = tpu.memref_squeeze %dma_start3A_84 : memref<1x632x128xf32, #tpu.memory_space<hbm>> -> memref<632x128xf32, #tpu.memory_space<hbm>>
      %dma_start3A_86 = arith.constant 0 : i32
      %dma_start3A_87 = tpu.memref_slice %arg12[%mul3A_0, %dma_start3A_86] : memref<10112x128xf32, #tpu.memory_space<vmem_shared>> -> memref<632x128xf32, #tpu.memory_space<vmem_shared>>
      tpu.enqueue_dma source(%dma_start3A_87 : memref<632x128xf32, #tpu.memory_space<vmem_shared>>) target(%dma_start3A_85 : memref<632x128xf32, #tpu.memory_space<hbm>>) target_semaphore(%run_scoped3A : memref<!tpu.dma_semaphore, #tpu.memory_space<semaphore_mem>>)
      %dma_wait3A_88 = arith.constant 0 : i32
      %dma_wait3A_89 = tpu.memref_slice %arg5[%arg0, %mul3A_0, %dma_wait3A_88] : memref<2x10112x128xf32, #tpu.memory_space<hbm>> -> memref<1x632x128xf32, #tpu.memory_space<hbm>>
      %dma_wait3A_90 = tpu.memref_squeeze %dma_wait3A_89 : memref<1x632x128xf32, #tpu.memory_space<hbm>> -> memref<632x128xf32, #tpu.memory_space<hbm>>
      %dma_wait3A_91 = arith.constant 0 : i32
      %dma_wait3A_92 = tpu.memref_slice %arg12[%mul3A_0, %dma_wait3A_91] : memref<10112x128xf32, #tpu.memory_space<vmem_shared>> -> memref<632x128xf32, #tpu.memory_space<vmem_shared>>
      tpu.wait_dma2 semaphore(%run_scoped3A : memref<!tpu.dma_semaphore, #tpu.memory_space<semaphore_mem>>) src(%dma_wait3A_92 : memref<632x128xf32, #tpu.memory_space<vmem_shared>>) dst(%dma_wait3A_90 : memref<632x128xf32, #tpu.memory_space<hbm>>)
      tpu.yield
    }) : () -> ()
    return
  }
}

#map = affine_map<(d0, d1) -> (0, 0)>
#map1 = affine_map<(d0, d1) -> (0, 0, 0)>
module attributes {stable_mosaic.version = 14 : i64} {
  func.func @seg_sum(%arg0: i32, %arg1: i32, %arg2: memref<10112x48xf32, #tpu.memory_space<hbm>>, %arg3: memref<2560x128xi32, #tpu.memory_space<hbm>>, %arg4: memref<2560x128xi32, #tpu.memory_space<hbm>>, %arg5: memref<2x10112x48xf32, #tpu.memory_space<hbm>>, %arg6: memref<128xi32, #tpu.memory_space<vmem>>, %arg7: memref<128xi32, #tpu.memory_space<vmem>>, %arg8: memref<128xi32, #tpu.memory_space<vmem>>, %arg9: memref<128xi32, #tpu.memory_space<vmem>>, %arg10: memref<128x48xf32, #tpu.memory_space<vmem>>, %arg11: memref<128x48xf32, #tpu.memory_space<vmem>>, %arg12: memref<10112x48xf32, #tpu.memory_space<vmem_shared>>, %arg13: memref<!tpu.dma_semaphore, #tpu.memory_space<semaphore_mem>>, %arg14: memref<!tpu.dma_semaphore, #tpu.memory_space<semaphore_mem>>, %arg15: memref<!tpu.dma_semaphore, #tpu.memory_space<semaphore_mem>>, %arg16: memref<!tpu.dma_semaphore, #tpu.memory_space<semaphore_mem>>, %arg17: memref<!tpu.dma_semaphore, #tpu.memory_space<semaphore_mem>>, %arg18: memref<!tpu.dma_semaphore, #tpu.memory_space<semaphore_mem>>, %arg19: memref<!tpu.dma_semaphore, #tpu.memory_space<semaphore_mem>>, %arg20: memref<!tpu.dma_semaphore, #tpu.memory_space<semaphore_mem>>, %arg21: memref<!tpu.dma_semaphore, #tpu.memory_space<semaphore_mem>>) attributes {dimension_semantics = [#tpu.dimension_semantics<core_parallel>, #tpu.dimension_semantics<subcore_parallel>], iteration_bounds = array<i64: 2, 16>, scalar_prefetch = 0 : i64, scratch_operands = 16 : i64, tpu.core_type = #tpu.core_type<sc_vector_subcore>, window_params = [{transform_indices = #map}, {transform_indices = #map}, {transform_indices = #map}, {transform_indices = #map1}]} {
    %mul3A = arith.constant 632 : i32
    %mul3A_0 = arith.muli %arg1, %mul3A : i32
    %broadcast_in_dim3A = arith.constant 0.000000e+00 : f32
    %broadcast_in_dim3A_1 = vector.broadcast %broadcast_in_dim3A : f32 to vector<16xf32>
    %scan3A = arith.constant 0 : i32
    %scan3A_2 = arith.constant 0 : i32
    %scan3A_3 = arith.constant 128 : i32
    %scan3A_4 = arith.addi %scan3A_2, %scan3A_3 : i32
    %scan3A_5 = arith.constant 1 : i32
    scf.for %scan3A_83 = %scan3A_2 to %scan3A_4 step %scan3A_5  : i32 {
      %swap3A = arith.index_cast %scan3A_83 : i32 to index
      %swap3A_84 = arith.constant 0 : index
      %swap3A_85 = tpu.vector_load %arg10[%swap3A, %swap3A_84] {strides = array<i32>} : memref<128x48xf32, #tpu.memory_space<vmem>>, vector<1x16xf32>,
      %swap3A_86 = vector.shape_cast %swap3A_85 : vector<1x16xf32> to vector<16xf32>
      %swap3A_87 = vector.shape_cast %broadcast_in_dim3A_1 : vector<16xf32> to vector<1x16xf32>
      tpu.vector_store %arg10[%swap3A, %swap3A_84], %swap3A_87 {strides = array<i32>} : memref<128x48xf32, #tpu.memory_space<vmem>>, vector<1x16xf32>,
      %swap3A_88 = arith.index_cast %scan3A_83 : i32 to index
      %swap3A_89 = arith.constant 16 : index
      %swap3A_90 = tpu.vector_load %arg10[%swap3A_88, %swap3A_89] {strides = array<i32>} : memref<128x48xf32, #tpu.memory_space<vmem>>, vector<1x16xf32>,
      %swap3A_91 = vector.shape_cast %swap3A_90 : vector<1x16xf32> to vector<16xf32>
      %swap3A_92 = vector.shape_cast %broadcast_in_dim3A_1 : vector<16xf32> to vector<1x16xf32>
      tpu.vector_store %arg10[%swap3A_88, %swap3A_89], %swap3A_92 {strides = array<i32>} : memref<128x48xf32, #tpu.memory_space<vmem>>, vector<1x16xf32>,
      %swap3A_93 = arith.index_cast %scan3A_83 : i32 to index
      %swap3A_94 = arith.constant 32 : index
      %swap3A_95 = tpu.vector_load %arg10[%swap3A_93, %swap3A_94] {strides = array<i32>} : memref<128x48xf32, #tpu.memory_space<vmem>>, vector<1x16xf32>,
      %swap3A_96 = vector.shape_cast %swap3A_95 : vector<1x16xf32> to vector<16xf32>
      %swap3A_97 = vector.shape_cast %broadcast_in_dim3A_1 : vector<16xf32> to vector<1x16xf32>
      tpu.vector_store %arg10[%swap3A_93, %swap3A_94], %swap3A_97 {strides = array<i32>} : memref<128x48xf32, #tpu.memory_space<vmem>>, vector<1x16xf32>,
    }
    %scan3A_6 = arith.constant 128 : i32
    %add3A = arith.constant 0 : i32
    %add3A_7 = arith.addi %mul3A_0, %add3A : i32
    %dma_start3A = arith.constant 0 : i32
    %dma_start3A_8 = tpu.memref_slice %arg12[%add3A_7, %dma_start3A] : memref<10112x48xf32, #tpu.memory_space<vmem_shared>> -> memref<128x48xf32, #tpu.memory_space<vmem_shared>>
    %dma_start3A_9 = arith.constant 0 : i32
    %dma_start3A_10 = tpu.memref_slice %arg12[%add3A_7, %dma_start3A_9] : memref<10112x48xf32, #tpu.memory_space<vmem_shared>> -> memref<128x48xf32, #tpu.memory_space<vmem_shared>>
    tpu.enqueue_dma source(%arg10 : memref<128x48xf32, #tpu.memory_space<vmem>>) target(%dma_start3A_10 : memref<128x48xf32, #tpu.memory_space<vmem_shared>>) target_semaphore(%arg21 : memref<!tpu.dma_semaphore, #tpu.memory_space<semaphore_mem>>)
    %add3A_11 = arith.constant 128 : i32
    %add3A_12 = arith.addi %mul3A_0, %add3A_11 : i32
    %dma_start3A_13 = arith.constant 0 : i32
    %dma_start3A_14 = tpu.memref_slice %arg12[%add3A_12, %dma_start3A_13] : memref<10112x48xf32, #tpu.memory_space<vmem_shared>> -> memref<128x48xf32, #tpu.memory_space<vmem_shared>>
    %dma_start3A_15 = arith.constant 0 : i32
    %dma_start3A_16 = tpu.memref_slice %arg12[%add3A_12, %dma_start3A_15] : memref<10112x48xf32, #tpu.memory_space<vmem_shared>> -> memref<128x48xf32, #tpu.memory_space<vmem_shared>>
    tpu.enqueue_dma source(%arg10 : memref<128x48xf32, #tpu.memory_space<vmem>>) target(%dma_start3A_16 : memref<128x48xf32, #tpu.memory_space<vmem_shared>>) target_semaphore(%arg21 : memref<!tpu.dma_semaphore, #tpu.memory_space<semaphore_mem>>)
    %add3A_17 = arith.constant 256 : i32
    %add3A_18 = arith.addi %mul3A_0, %add3A_17 : i32
    %dma_start3A_19 = arith.constant 0 : i32
    %dma_start3A_20 = tpu.memref_slice %arg12[%add3A_18, %dma_start3A_19] : memref<10112x48xf32, #tpu.memory_space<vmem_shared>> -> memref<128x48xf32, #tpu.memory_space<vmem_shared>>
    %dma_start3A_21 = arith.constant 0 : i32
    %dma_start3A_22 = tpu.memref_slice %arg12[%add3A_18, %dma_start3A_21] : memref<10112x48xf32, #tpu.memory_space<vmem_shared>> -> memref<128x48xf32, #tpu.memory_space<vmem_shared>>
    tpu.enqueue_dma source(%arg10 : memref<128x48xf32, #tpu.memory_space<vmem>>) target(%dma_start3A_22 : memref<128x48xf32, #tpu.memory_space<vmem_shared>>) target_semaphore(%arg21 : memref<!tpu.dma_semaphore, #tpu.memory_space<semaphore_mem>>)
    %add3A_23 = arith.constant 384 : i32
    %add3A_24 = arith.addi %mul3A_0, %add3A_23 : i32
    %dma_start3A_25 = arith.constant 0 : i32
    %dma_start3A_26 = tpu.memref_slice %arg12[%add3A_24, %dma_start3A_25] : memref<10112x48xf32, #tpu.memory_space<vmem_shared>> -> memref<128x48xf32, #tpu.memory_space<vmem_shared>>
    %dma_start3A_27 = arith.constant 0 : i32
    %dma_start3A_28 = tpu.memref_slice %arg12[%add3A_24, %dma_start3A_27] : memref<10112x48xf32, #tpu.memory_space<vmem_shared>> -> memref<128x48xf32, #tpu.memory_space<vmem_shared>>
    tpu.enqueue_dma source(%arg10 : memref<128x48xf32, #tpu.memory_space<vmem>>) target(%dma_start3A_28 : memref<128x48xf32, #tpu.memory_space<vmem_shared>>) target_semaphore(%arg21 : memref<!tpu.dma_semaphore, #tpu.memory_space<semaphore_mem>>)
    %add3A_29 = arith.constant 512 : i32
    %add3A_30 = arith.addi %mul3A_0, %add3A_29 : i32
    %dma_start3A_31 = arith.constant 0 : i32
    %dma_start3A_32 = arith.constant 0 : i32
    %dma_start3A_33 = tpu.memref_slice %arg10[%dma_start3A_31, %dma_start3A_32] : memref<128x48xf32, #tpu.memory_space<vmem>> -> memref<120x48xf32, #tpu.memory_space<vmem>>
    %dma_start3A_34 = arith.constant 0 : i32
    %dma_start3A_35 = tpu.memref_slice %arg12[%add3A_30, %dma_start3A_34] : memref<10112x48xf32, #tpu.memory_space<vmem_shared>> -> memref<120x48xf32, #tpu.memory_space<vmem_shared>>
    %dma_start3A_36 = arith.constant 0 : i32
    %dma_start3A_37 = tpu.memref_slice %arg12[%add3A_30, %dma_start3A_36] : memref<10112x48xf32, #tpu.memory_space<vmem_shared>> -> memref<120x48xf32, #tpu.memory_space<vmem_shared>>
    %dma_start3A_38 = arith.constant 0 : i32
    %dma_start3A_39 = arith.constant 0 : i32
    %dma_start3A_40 = tpu.memref_slice %arg10[%dma_start3A_38, %dma_start3A_39] : memref<128x48xf32, #tpu.memory_space<vmem>> -> memref<120x48xf32, #tpu.memory_space<vmem>>
    tpu.enqueue_dma source(%dma_start3A_40 : memref<120x48xf32, #tpu.memory_space<vmem>>) target(%dma_start3A_37 : memref<120x48xf32, #tpu.memory_space<vmem_shared>>) target_semaphore(%arg21 : memref<!tpu.dma_semaphore, #tpu.memory_space<semaphore_mem>>)
    %add3A_41 = arith.constant 0 : i32
    %add3A_42 = arith.addi %mul3A_0, %add3A_41 : i32
    %dma_wait3A = arith.constant 0 : i32
    %dma_wait3A_43 = tpu.memref_slice %arg12[%add3A_42, %dma_wait3A] : memref<10112x48xf32, #tpu.memory_space<vmem_shared>> -> memref<128x48xf32, #tpu.memory_space<vmem_shared>>
    %dma_wait3A_44 = arith.constant 0 : i32
    %dma_wait3A_45 = tpu.memref_slice %arg12[%add3A_42, %dma_wait3A_44] : memref<10112x48xf32, #tpu.memory_space<vmem_shared>> -> memref<128x48xf32, #tpu.memory_space<vmem_shared>>
    tpu.wait_dma2 semaphore(%arg21 : memref<!tpu.dma_semaphore, #tpu.memory_space<semaphore_mem>>) src(%arg10 : memref<128x48xf32, #tpu.memory_space<vmem>>) dst(%dma_wait3A_45 : memref<128x48xf32, #tpu.memory_space<vmem_shared>>)
    %add3A_46 = arith.constant 128 : i32
    %add3A_47 = arith.addi %mul3A_0, %add3A_46 : i32
    %dma_wait3A_48 = arith.constant 0 : i32
    %dma_wait3A_49 = tpu.memref_slice %arg12[%add3A_47, %dma_wait3A_48] : memref<10112x48xf32, #tpu.memory_space<vmem_shared>> -> memref<128x48xf32, #tpu.memory_space<vmem_shared>>
    %dma_wait3A_50 = arith.constant 0 : i32
    %dma_wait3A_51 = tpu.memref_slice %arg12[%add3A_47, %dma_wait3A_50] : memref<10112x48xf32, #tpu.memory_space<vmem_shared>> -> memref<128x48xf32, #tpu.memory_space<vmem_shared>>
    tpu.wait_dma2 semaphore(%arg21 : memref<!tpu.dma_semaphore, #tpu.memory_space<semaphore_mem>>) src(%arg10 : memref<128x48xf32, #tpu.memory_space<vmem>>) dst(%dma_wait3A_51 : memref<128x48xf32, #tpu.memory_space<vmem_shared>>)
    %add3A_52 = arith.constant 256 : i32
    %add3A_53 = arith.addi %mul3A_0, %add3A_52 : i32
    %dma_wait3A_54 = arith.constant 0 : i32
    %dma_wait3A_55 = tpu.memref_slice %arg12[%add3A_53, %dma_wait3A_54] : memref<10112x48xf32, #tpu.memory_space<vmem_shared>> -> memref<128x48xf32, #tpu.memory_space<vmem_shared>>
    %dma_wait3A_56 = arith.constant 0 : i32
    %dma_wait3A_57 = tpu.memref_slice %arg12[%add3A_53, %dma_wait3A_56] : memref<10112x48xf32, #tpu.memory_space<vmem_shared>> -> memref<128x48xf32, #tpu.memory_space<vmem_shared>>
    tpu.wait_dma2 semaphore(%arg21 : memref<!tpu.dma_semaphore, #tpu.memory_space<semaphore_mem>>) src(%arg10 : memref<128x48xf32, #tpu.memory_space<vmem>>) dst(%dma_wait3A_57 : memref<128x48xf32, #tpu.memory_space<vmem_shared>>)
    %add3A_58 = arith.constant 384 : i32
    %add3A_59 = arith.addi %mul3A_0, %add3A_58 : i32
    %dma_wait3A_60 = arith.constant 0 : i32
    %dma_wait3A_61 = tpu.memref_slice %arg12[%add3A_59, %dma_wait3A_60] : memref<10112x48xf32, #tpu.memory_space<vmem_shared>> -> memref<128x48xf32, #tpu.memory_space<vmem_shared>>
    %dma_wait3A_62 = arith.constant 0 : i32
    %dma_wait3A_63 = tpu.memref_slice %arg12[%add3A_59, %dma_wait3A_62] : memref<10112x48xf32, #tpu.memory_space<vmem_shared>> -> memref<128x48xf32, #tpu.memory_space<vmem_shared>>
    tpu.wait_dma2 semaphore(%arg21 : memref<!tpu.dma_semaphore, #tpu.memory_space<semaphore_mem>>) src(%arg10 : memref<128x48xf32, #tpu.memory_space<vmem>>) dst(%dma_wait3A_63 : memref<128x48xf32, #tpu.memory_space<vmem_shared>>)
    %add3A_64 = arith.constant 512 : i32
    %add3A_65 = arith.addi %mul3A_0, %add3A_64 : i32
    %dma_wait3A_66 = arith.constant 0 : i32
    %dma_wait3A_67 = arith.constant 0 : i32
    %dma_wait3A_68 = tpu.memref_slice %arg10[%dma_wait3A_66, %dma_wait3A_67] : memref<128x48xf32, #tpu.memory_space<vmem>> -> memref<120x48xf32, #tpu.memory_space<vmem>>
    %dma_wait3A_69 = arith.constant 0 : i32
    %dma_wait3A_70 = tpu.memref_slice %arg12[%add3A_65, %dma_wait3A_69] : memref<10112x48xf32, #tpu.memory_space<vmem_shared>> -> memref<120x48xf32, #tpu.memory_space<vmem_shared>>
    %dma_wait3A_71 = arith.constant 0 : i32
    %dma_wait3A_72 = tpu.memref_slice %arg12[%add3A_65, %dma_wait3A_71] : memref<10112x48xf32, #tpu.memory_space<vmem_shared>> -> memref<120x48xf32, #tpu.memory_space<vmem_shared>>
    %dma_wait3A_73 = arith.constant 0 : i32
    %dma_wait3A_74 = arith.constant 0 : i32
    %dma_wait3A_75 = tpu.memref_slice %arg10[%dma_wait3A_73, %dma_wait3A_74] : memref<128x48xf32, #tpu.memory_space<vmem>> -> memref<120x48xf32, #tpu.memory_space<vmem>>
    tpu.wait_dma2 semaphore(%arg21 : memref<!tpu.dma_semaphore, #tpu.memory_space<semaphore_mem>>) src(%dma_wait3A_75 : memref<120x48xf32, #tpu.memory_space<vmem>>) dst(%dma_wait3A_72 : memref<120x48xf32, #tpu.memory_space<vmem_shared>>)
    %eq3A = arith.constant 0 : i32
    %eq3A_76 = arith.cmpi eq, %arg0, %eq3A : i32
    %convert_element_type3A = arith.extui %eq3A_76 : i1 to i32
    %cond3A = arith.constant 0 : i32
    %cond3A_77 = arith.cmpi ne, %convert_element_type3A, %cond3A : i32
    scf.if %cond3A_77 {
      %mul3A_83 = arith.constant 144 : i32
      %mul3A_84 = arith.muli %arg1, %mul3A_83 : i32
      %dma_start3A_85 = arith.constant 0 : i32
      %dma_start3A_86 = tpu.memref_slice %arg3[%mul3A_84, %dma_start3A_85] : memref<2560x128xi32, #tpu.memory_space<hbm>> -> memref<1x128xi32, #tpu.memory_space<hbm>>
      %dma_start3A_87 = tpu.memref_squeeze %dma_start3A_86 : memref<1x128xi32, #tpu.memory_space<hbm>> -> memref<128xi32, #tpu.memory_space<hbm>>
      %dma_start3A_88 = arith.constant 0 : i32
      %dma_start3A_89 = tpu.memref_slice %arg3[%mul3A_84, %dma_start3A_88] : memref<2560x128xi32, #tpu.memory_space<hbm>> -> memref<1x128xi32, #tpu.memory_space<hbm>>
      %dma_start3A_90 = tpu.memref_squeeze %dma_start3A_89 : memref<1x128xi32, #tpu.memory_space<hbm>> -> memref<128xi32, #tpu.memory_space<hbm>>
      tpu.enqueue_dma source(%dma_start3A_90 : memref<128xi32, #tpu.memory_space<hbm>>) target(%arg6 : memref<128xi32, #tpu.memory_space<vmem>>) target_semaphore(%arg13 : memref<!tpu.dma_semaphore, #tpu.memory_space<semaphore_mem>>)
      %add3A_91 = arith.constant 1 : i32
      %add3A_92 = arith.addi %mul3A_84, %add3A_91 : i32
      %dma_start3A_93 = arith.constant 0 : i32
      %dma_start3A_94 = tpu.memref_slice %arg3[%add3A_92, %dma_start3A_93] : memref<2560x128xi32, #tpu.memory_space<hbm>> -> memref<1x128xi32, #tpu.memory_space<hbm>>
      %dma_start3A_95 = tpu.memref_squeeze %dma_start3A_94 : memref<1x128xi32, #tpu.memory_space<hbm>> -> memref<128xi32, #tpu.memory_space<hbm>>
      %dma_start3A_96 = arith.constant 0 : i32
      %dma_start3A_97 = tpu.memref_slice %arg3[%add3A_92, %dma_start3A_96] : memref<2560x128xi32, #tpu.memory_space<hbm>> -> memref<1x128xi32, #tpu.memory_space<hbm>>
      %dma_start3A_98 = tpu.memref_squeeze %dma_start3A_97 : memref<1x128xi32, #tpu.memory_space<hbm>> -> memref<128xi32, #tpu.memory_space<hbm>>
      tpu.enqueue_dma source(%dma_start3A_98 : memref<128xi32, #tpu.memory_space<hbm>>) target(%arg7 : memref<128xi32, #tpu.memory_space<vmem>>) target_semaphore(%arg14 : memref<!tpu.dma_semaphore, #tpu.memory_space<semaphore_mem>>)
      %dma_start3A_99 = arith.constant 0 : i32
      %dma_start3A_100 = tpu.memref_slice %arg4[%mul3A_84, %dma_start3A_99] : memref<2560x128xi32, #tpu.memory_space<hbm>> -> memref<1x128xi32, #tpu.memory_space<hbm>>
      %dma_start3A_101 = tpu.memref_squeeze %dma_start3A_100 : memref<1x128xi32, #tpu.memory_space<hbm>> -> memref<128xi32, #tpu.memory_space<hbm>>
      %dma_start3A_102 = arith.constant 0 : i32
      %dma_start3A_103 = tpu.memref_slice %arg4[%mul3A_84, %dma_start3A_102] : memref<2560x128xi32, #tpu.memory_space<hbm>> -> memref<1x128xi32, #tpu.memory_space<hbm>>
      %dma_start3A_104 = tpu.memref_squeeze %dma_start3A_103 : memref<1x128xi32, #tpu.memory_space<hbm>> -> memref<128xi32, #tpu.memory_space<hbm>>
      tpu.enqueue_dma source(%dma_start3A_104 : memref<128xi32, #tpu.memory_space<hbm>>) target(%arg8 : memref<128xi32, #tpu.memory_space<vmem>>) target_semaphore(%arg15 : memref<!tpu.dma_semaphore, #tpu.memory_space<semaphore_mem>>)
      %add3A_105 = arith.constant 1 : i32
      %add3A_106 = arith.addi %mul3A_84, %add3A_105 : i32
      %dma_start3A_107 = arith.constant 0 : i32
      %dma_start3A_108 = tpu.memref_slice %arg4[%add3A_106, %dma_start3A_107] : memref<2560x128xi32, #tpu.memory_space<hbm>> -> memref<1x128xi32, #tpu.memory_space<hbm>>
      %dma_start3A_109 = tpu.memref_squeeze %dma_start3A_108 : memref<1x128xi32, #tpu.memory_space<hbm>> -> memref<128xi32, #tpu.memory_space<hbm>>
      %dma_start3A_110 = arith.constant 0 : i32
      %dma_start3A_111 = tpu.memref_slice %arg4[%add3A_106, %dma_start3A_110] : memref<2560x128xi32, #tpu.memory_space<hbm>> -> memref<1x128xi32, #tpu.memory_space<hbm>>
      %dma_start3A_112 = tpu.memref_squeeze %dma_start3A_111 : memref<1x128xi32, #tpu.memory_space<hbm>> -> memref<128xi32, #tpu.memory_space<hbm>>
      tpu.enqueue_dma source(%dma_start3A_112 : memref<128xi32, #tpu.memory_space<hbm>>) target(%arg9 : memref<128xi32, #tpu.memory_space<vmem>>) target_semaphore(%arg16 : memref<!tpu.dma_semaphore, #tpu.memory_space<semaphore_mem>>)
      %barrier3A = arith.constant 0 : index
      tpu.barrier barrier_id(%barrier3A)
      %dma_wait3A_113 = arith.constant 0 : i32
      %dma_wait3A_114 = tpu.memref_slice %arg3[%mul3A_84, %dma_wait3A_113] : memref<2560x128xi32, #tpu.memory_space<hbm>> -> memref<1x128xi32, #tpu.memory_space<hbm>>
      %dma_wait3A_115 = tpu.memref_squeeze %dma_wait3A_114 : memref<1x128xi32, #tpu.memory_space<hbm>> -> memref<128xi32, #tpu.memory_space<hbm>>
      %dma_wait3A_116 = arith.constant 0 : i32
      %dma_wait3A_117 = tpu.memref_slice %arg3[%mul3A_84, %dma_wait3A_116] : memref<2560x128xi32, #tpu.memory_space<hbm>> -> memref<1x128xi32, #tpu.memory_space<hbm>>
      %dma_wait3A_118 = tpu.memref_squeeze %dma_wait3A_117 : memref<1x128xi32, #tpu.memory_space<hbm>> -> memref<128xi32, #tpu.memory_space<hbm>>
      tpu.wait_dma2 semaphore(%arg13 : memref<!tpu.dma_semaphore, #tpu.memory_space<semaphore_mem>>) src(%dma_wait3A_118 : memref<128xi32, #tpu.memory_space<hbm>>) dst(%arg6 : memref<128xi32, #tpu.memory_space<vmem>>)
      %dma_start3A_119 = arith.constant 0 : i32
      %dma_start3A_120 = arith.constant 0 : i32
      %dma_start3A_121 = tpu.memref_slice %arg2[%dma_start3A_119, %dma_start3A_120] : memref<10112x48xf32, #tpu.memory_space<hbm>> -> memref<10112x48xf32, #tpu.memory_space<hbm>>
      tpu.enqueue_indirect_dma source(%dma_start3A_121 : memref<10112x48xf32, #tpu.memory_space<hbm>>) target(%arg10 : memref<128x48xf32, #tpu.memory_space<vmem>>) offsets(%arg6 : memref<128xi32, #tpu.memory_space<vmem>>) semaphore(%arg17 : memref<!tpu.dma_semaphore, #tpu.memory_space<semaphore_mem>>)
      %add3A_122 = arith.constant 1 : i32
      %add3A_123 = arith.addi %mul3A_84, %add3A_122 : i32
      %dma_wait3A_124 = arith.constant 0 : i32
      %dma_wait3A_125 = tpu.memref_slice %arg3[%add3A_123, %dma_wait3A_124] : memref<2560x128xi32, #tpu.memory_space<hbm>> -> memref<1x128xi32, #tpu.memory_space<hbm>>
      %dma_wait3A_126 = tpu.memref_squeeze %dma_wait3A_125 : memref<1x128xi32, #tpu.memory_space<hbm>> -> memref<128xi32, #tpu.memory_space<hbm>>
      %dma_wait3A_127 = arith.constant 0 : i32
      %dma_wait3A_128 = tpu.memref_slice %arg3[%add3A_123, %dma_wait3A_127] : memref<2560x128xi32, #tpu.memory_space<hbm>> -> memref<1x128xi32, #tpu.memory_space<hbm>>
      %dma_wait3A_129 = tpu.memref_squeeze %dma_wait3A_128 : memref<1x128xi32, #tpu.memory_space<hbm>> -> memref<128xi32, #tpu.memory_space<hbm>>
      tpu.wait_dma2 semaphore(%arg14 : memref<!tpu.dma_semaphore, #tpu.memory_space<semaphore_mem>>) src(%dma_wait3A_129 : memref<128xi32, #tpu.memory_space<hbm>>) dst(%arg7 : memref<128xi32, #tpu.memory_space<vmem>>)
      %dma_start3A_130 = arith.constant 0 : i32
      %dma_start3A_131 = arith.constant 0 : i32
      %dma_start3A_132 = tpu.memref_slice %arg2[%dma_start3A_130, %dma_start3A_131] : memref<10112x48xf32, #tpu.memory_space<hbm>> -> memref<10112x48xf32, #tpu.memory_space<hbm>>
      tpu.enqueue_indirect_dma source(%dma_start3A_132 : memref<10112x48xf32, #tpu.memory_space<hbm>>) target(%arg11 : memref<128x48xf32, #tpu.memory_space<vmem>>) offsets(%arg7 : memref<128xi32, #tpu.memory_space<vmem>>) semaphore(%arg18 : memref<!tpu.dma_semaphore, #tpu.memory_space<semaphore_mem>>)
      %scan3A_133 = arith.constant 0 : i32
      %scan3A_134 = arith.constant 0 : i32
      %scan3A_135 = arith.constant 71 : i32
      %scan3A_136 = arith.addi %scan3A_134, %scan3A_135 : i32
      %scan3A_137 = arith.constant 1 : i32
      scf.for %scan3A_175 = %scan3A_134 to %scan3A_136 step %scan3A_137  : i32 {
        %mul3A_176 = arith.constant 2 : i32
        %mul3A_177 = arith.muli %mul3A_176, %scan3A_175 : i32
        %dma_wait3A_178 = arith.constant 0 : i32
        %dma_wait3A_179 = arith.constant 0 : i32
        %dma_wait3A_180 = tpu.memref_slice %arg2[%dma_wait3A_178, %dma_wait3A_179] : memref<10112x48xf32, #tpu.memory_space<hbm>> -> memref<10112x48xf32, #tpu.memory_space<hbm>>
        tpu.wait_indirect_dma semaphore(%arg17 : memref<!tpu.dma_semaphore, #tpu.memory_space<semaphore_mem>>) src(%dma_wait3A_180 : memref<10112x48xf32, #tpu.memory_space<hbm>>) dst(%arg10 : memref<128x48xf32, #tpu.memory_space<vmem>>)
        %add3A_181 = arith.addi %mul3A_84, %mul3A_177 : i32
        %add3A_182 = arith.constant 2 : i32
        %add3A_183 = arith.addi %add3A_181, %add3A_182 : i32
        %dma_start3A_184 = arith.constant 0 : i32
        %dma_start3A_185 = tpu.memref_slice %arg3[%add3A_183, %dma_start3A_184] : memref<2560x128xi32, #tpu.memory_space<hbm>> -> memref<1x128xi32, #tpu.memory_space<hbm>>
        %dma_start3A_186 = tpu.memref_squeeze %dma_start3A_185 : memref<1x128xi32, #tpu.memory_space<hbm>> -> memref<128xi32, #tpu.memory_space<hbm>>
        %dma_start3A_187 = arith.constant 0 : i32
        %dma_start3A_188 = tpu.memref_slice %arg3[%add3A_183, %dma_start3A_187] : memref<2560x128xi32, #tpu.memory_space<hbm>> -> memref<1x128xi32, #tpu.memory_space<hbm>>
        %dma_start3A_189 = tpu.memref_squeeze %dma_start3A_188 : memref<1x128xi32, #tpu.memory_space<hbm>> -> memref<128xi32, #tpu.memory_space<hbm>>
        tpu.enqueue_dma source(%dma_start3A_189 : memref<128xi32, #tpu.memory_space<hbm>>) target(%arg6 : memref<128xi32, #tpu.memory_space<vmem>>) target_semaphore(%arg13 : memref<!tpu.dma_semaphore, #tpu.memory_space<semaphore_mem>>)
        %add3A_190 = arith.addi %mul3A_84, %mul3A_177 : i32
        %dma_wait3A_191 = arith.constant 0 : i32
        %dma_wait3A_192 = tpu.memref_slice %arg4[%add3A_190, %dma_wait3A_191] : memref<2560x128xi32, #tpu.memory_space<hbm>> -> memref<1x128xi32, #tpu.memory_space<hbm>>
        %dma_wait3A_193 = tpu.memref_squeeze %dma_wait3A_192 : memref<1x128xi32, #tpu.memory_space<hbm>> -> memref<128xi32, #tpu.memory_space<hbm>>
        %dma_wait3A_194 = arith.constant 0 : i32
        %dma_wait3A_195 = tpu.memref_slice %arg4[%add3A_190, %dma_wait3A_194] : memref<2560x128xi32, #tpu.memory_space<hbm>> -> memref<1x128xi32, #tpu.memory_space<hbm>>
        %dma_wait3A_196 = tpu.memref_squeeze %dma_wait3A_195 : memref<1x128xi32, #tpu.memory_space<hbm>> -> memref<128xi32, #tpu.memory_space<hbm>>
        tpu.wait_dma2 semaphore(%arg15 : memref<!tpu.dma_semaphore, #tpu.memory_space<semaphore_mem>>) src(%dma_wait3A_196 : memref<128xi32, #tpu.memory_space<hbm>>) dst(%arg8 : memref<128xi32, #tpu.memory_space<vmem>>)
        %dma_start3A_197 = arith.constant 0 : i32
        %dma_start3A_198 = arith.constant 0 : i32
        %dma_start3A_199 = tpu.memref_slice %arg12[%dma_start3A_197, %dma_start3A_198] : memref<10112x48xf32, #tpu.memory_space<vmem_shared>> -> memref<10112x48xf32, #tpu.memory_space<vmem_shared>>
        tpu.enqueue_indirect_dma source(%arg10 : memref<128x48xf32, #tpu.memory_space<vmem>>) target(%dma_start3A_199 : memref<10112x48xf32, #tpu.memory_space<vmem_shared>>) offsets(%arg8 : memref<128xi32, #tpu.memory_space<vmem>>) semaphore(%arg19 : memref<!tpu.dma_semaphore, #tpu.memory_space<semaphore_mem>>) {add = true}
        %dma_wait3A_200 = arith.constant 0 : i32
        %dma_wait3A_201 = arith.constant 0 : i32
        %dma_wait3A_202 = tpu.memref_slice %arg2[%dma_wait3A_200, %dma_wait3A_201] : memref<10112x48xf32, #tpu.memory_space<hbm>> -> memref<10112x48xf32, #tpu.memory_space<hbm>>
        tpu.wait_indirect_dma semaphore(%arg18 : memref<!tpu.dma_semaphore, #tpu.memory_space<semaphore_mem>>) src(%dma_wait3A_202 : memref<10112x48xf32, #tpu.memory_space<hbm>>) dst(%arg11 : memref<128x48xf32, #tpu.memory_space<vmem>>)
        %add3A_203 = arith.addi %mul3A_84, %mul3A_177 : i32
        %add3A_204 = arith.constant 3 : i32
        %add3A_205 = arith.addi %add3A_203, %add3A_204 : i32
        %dma_start3A_206 = arith.constant 0 : i32
        %dma_start3A_207 = tpu.memref_slice %arg3[%add3A_205, %dma_start3A_206] : memref<2560x128xi32, #tpu.memory_space<hbm>> -> memref<1x128xi32, #tpu.memory_space<hbm>>
        %dma_start3A_208 = tpu.memref_squeeze %dma_start3A_207 : memref<1x128xi32, #tpu.memory_space<hbm>> -> memref<128xi32, #tpu.memory_space<hbm>>
        %dma_start3A_209 = arith.constant 0 : i32
        %dma_start3A_210 = tpu.memref_slice %arg3[%add3A_205, %dma_start3A_209] : memref<2560x128xi32, #tpu.memory_space<hbm>> -> memref<1x128xi32, #tpu.memory_space<hbm>>
        %dma_start3A_211 = tpu.memref_squeeze %dma_start3A_210 : memref<1x128xi32, #tpu.memory_space<hbm>> -> memref<128xi32, #tpu.memory_space<hbm>>
        tpu.enqueue_dma source(%dma_start3A_211 : memref<128xi32, #tpu.memory_space<hbm>>) target(%arg7 : memref<128xi32, #tpu.memory_space<vmem>>) target_semaphore(%arg14 : memref<!tpu.dma_semaphore, #tpu.memory_space<semaphore_mem>>)
        %add3A_212 = arith.addi %mul3A_84, %mul3A_177 : i32
        %add3A_213 = arith.constant 1 : i32
        %add3A_214 = arith.addi %add3A_212, %add3A_213 : i32
        %dma_wait3A_215 = arith.constant 0 : i32
        %dma_wait3A_216 = tpu.memref_slice %arg4[%add3A_214, %dma_wait3A_215] : memref<2560x128xi32, #tpu.memory_space<hbm>> -> memref<1x128xi32, #tpu.memory_space<hbm>>
        %dma_wait3A_217 = tpu.memref_squeeze %dma_wait3A_216 : memref<1x128xi32, #tpu.memory_space<hbm>> -> memref<128xi32, #tpu.memory_space<hbm>>
        %dma_wait3A_218 = arith.constant 0 : i32
        %dma_wait3A_219 = tpu.memref_slice %arg4[%add3A_214, %dma_wait3A_218] : memref<2560x128xi32, #tpu.memory_space<hbm>> -> memref<1x128xi32, #tpu.memory_space<hbm>>
        %dma_wait3A_220 = tpu.memref_squeeze %dma_wait3A_219 : memref<1x128xi32, #tpu.memory_space<hbm>> -> memref<128xi32, #tpu.memory_space<hbm>>
        tpu.wait_dma2 semaphore(%arg16 : memref<!tpu.dma_semaphore, #tpu.memory_space<semaphore_mem>>) src(%dma_wait3A_220 : memref<128xi32, #tpu.memory_space<hbm>>) dst(%arg9 : memref<128xi32, #tpu.memory_space<vmem>>)
        %dma_start3A_221 = arith.constant 0 : i32
        %dma_start3A_222 = arith.constant 0 : i32
        %dma_start3A_223 = tpu.memref_slice %arg12[%dma_start3A_221, %dma_start3A_222] : memref<10112x48xf32, #tpu.memory_space<vmem_shared>> -> memref<10112x48xf32, #tpu.memory_space<vmem_shared>>
        tpu.enqueue_indirect_dma source(%arg11 : memref<128x48xf32, #tpu.memory_space<vmem>>) target(%dma_start3A_223 : memref<10112x48xf32, #tpu.memory_space<vmem_shared>>) offsets(%arg9 : memref<128xi32, #tpu.memory_space<vmem>>) semaphore(%arg20 : memref<!tpu.dma_semaphore, #tpu.memory_space<semaphore_mem>>) {add = true}
        %dma_wait3A_224 = arith.constant 0 : i32
        %dma_wait3A_225 = arith.constant 0 : i32
        %dma_wait3A_226 = tpu.memref_slice %arg12[%dma_wait3A_224, %dma_wait3A_225] : memref<10112x48xf32, #tpu.memory_space<vmem_shared>> -> memref<10112x48xf32, #tpu.memory_space<vmem_shared>>
        tpu.wait_indirect_dma semaphore(%arg19 : memref<!tpu.dma_semaphore, #tpu.memory_space<semaphore_mem>>) src(%arg10 : memref<128x48xf32, #tpu.memory_space<vmem>>) dst(%dma_wait3A_226 : memref<10112x48xf32, #tpu.memory_space<vmem_shared>>)
        %add3A_227 = arith.addi %mul3A_84, %mul3A_177 : i32
        %add3A_228 = arith.constant 2 : i32
        %add3A_229 = arith.addi %add3A_227, %add3A_228 : i32
        %dma_start3A_230 = arith.constant 0 : i32
        %dma_start3A_231 = tpu.memref_slice %arg4[%add3A_229, %dma_start3A_230] : memref<2560x128xi32, #tpu.memory_space<hbm>> -> memref<1x128xi32, #tpu.memory_space<hbm>>
        %dma_start3A_232 = tpu.memref_squeeze %dma_start3A_231 : memref<1x128xi32, #tpu.memory_space<hbm>> -> memref<128xi32, #tpu.memory_space<hbm>>
        %dma_start3A_233 = arith.constant 0 : i32
        %dma_start3A_234 = tpu.memref_slice %arg4[%add3A_229, %dma_start3A_233] : memref<2560x128xi32, #tpu.memory_space<hbm>> -> memref<1x128xi32, #tpu.memory_space<hbm>>
        %dma_start3A_235 = tpu.memref_squeeze %dma_start3A_234 : memref<1x128xi32, #tpu.memory_space<hbm>> -> memref<128xi32, #tpu.memory_space<hbm>>
        tpu.enqueue_dma source(%dma_start3A_235 : memref<128xi32, #tpu.memory_space<hbm>>) target(%arg8 : memref<128xi32, #tpu.memory_space<vmem>>) target_semaphore(%arg15 : memref<!tpu.dma_semaphore, #tpu.memory_space<semaphore_mem>>)
        %add3A_236 = arith.addi %mul3A_84, %mul3A_177 : i32
        %add3A_237 = arith.constant 2 : i32
        %add3A_238 = arith.addi %add3A_236, %add3A_237 : i32
        %dma_wait3A_239 = arith.constant 0 : i32
        %dma_wait3A_240 = tpu.memref_slice %arg3[%add3A_238, %dma_wait3A_239] : memref<2560x128xi32, #tpu.memory_space<hbm>> -> memref<1x128xi32, #tpu.memory_space<hbm>>
        %dma_wait3A_241 = tpu.memref_squeeze %dma_wait3A_240 : memref<1x128xi32, #tpu.memory_space<hbm>> -> memref<128xi32, #tpu.memory_space<hbm>>
        %dma_wait3A_242 = arith.constant 0 : i32
        %dma_wait3A_243 = tpu.memref_slice %arg3[%add3A_238, %dma_wait3A_242] : memref<2560x128xi32, #tpu.memory_space<hbm>> -> memref<1x128xi32, #tpu.memory_space<hbm>>
        %dma_wait3A_244 = tpu.memref_squeeze %dma_wait3A_243 : memref<1x128xi32, #tpu.memory_space<hbm>> -> memref<128xi32, #tpu.memory_space<hbm>>
        tpu.wait_dma2 semaphore(%arg13 : memref<!tpu.dma_semaphore, #tpu.memory_space<semaphore_mem>>) src(%dma_wait3A_244 : memref<128xi32, #tpu.memory_space<hbm>>) dst(%arg6 : memref<128xi32, #tpu.memory_space<vmem>>)
        %dma_start3A_245 = arith.constant 0 : i32
        %dma_start3A_246 = arith.constant 0 : i32
        %dma_start3A_247 = tpu.memref_slice %arg2[%dma_start3A_245, %dma_start3A_246] : memref<10112x48xf32, #tpu.memory_space<hbm>> -> memref<10112x48xf32, #tpu.memory_space<hbm>>
        tpu.enqueue_indirect_dma source(%dma_start3A_247 : memref<10112x48xf32, #tpu.memory_space<hbm>>) target(%arg10 : memref<128x48xf32, #tpu.memory_space<vmem>>) offsets(%arg6 : memref<128xi32, #tpu.memory_space<vmem>>) semaphore(%arg17 : memref<!tpu.dma_semaphore, #tpu.memory_space<semaphore_mem>>)
        %dma_wait3A_248 = arith.constant 0 : i32
        %dma_wait3A_249 = arith.constant 0 : i32
        %dma_wait3A_250 = tpu.memref_slice %arg12[%dma_wait3A_248, %dma_wait3A_249] : memref<10112x48xf32, #tpu.memory_space<vmem_shared>> -> memref<10112x48xf32, #tpu.memory_space<vmem_shared>>
        tpu.wait_indirect_dma semaphore(%arg20 : memref<!tpu.dma_semaphore, #tpu.memory_space<semaphore_mem>>) src(%arg11 : memref<128x48xf32, #tpu.memory_space<vmem>>) dst(%dma_wait3A_250 : memref<10112x48xf32, #tpu.memory_space<vmem_shared>>)
        %add3A_251 = arith.addi %mul3A_84, %mul3A_177 : i32
        %add3A_252 = arith.constant 3 : i32
        %add3A_253 = arith.addi %add3A_251, %add3A_252 : i32
        %dma_start3A_254 = arith.constant 0 : i32
        %dma_start3A_255 = tpu.memref_slice %arg4[%add3A_253, %dma_start3A_254] : memref<2560x128xi32, #tpu.memory_space<hbm>> -> memref<1x128xi32, #tpu.memory_space<hbm>>
        %dma_start3A_256 = tpu.memref_squeeze %dma_start3A_255 : memref<1x128xi32, #tpu.memory_space<hbm>> -> memref<128xi32, #tpu.memory_space<hbm>>
        %dma_start3A_257 = arith.constant 0 : i32
        %dma_start3A_258 = tpu.memref_slice %arg4[%add3A_253, %dma_start3A_257] : memref<2560x128xi32, #tpu.memory_space<hbm>> -> memref<1x128xi32, #tpu.memory_space<hbm>>
        %dma_start3A_259 = tpu.memref_squeeze %dma_start3A_258 : memref<1x128xi32, #tpu.memory_space<hbm>> -> memref<128xi32, #tpu.memory_space<hbm>>
        tpu.enqueue_dma source(%dma_start3A_259 : memref<128xi32, #tpu.memory_space<hbm>>) target(%arg9 : memref<128xi32, #tpu.memory_space<vmem>>) target_semaphore(%arg16 : memref<!tpu.dma_semaphore, #tpu.memory_space<semaphore_mem>>)
        %add3A_260 = arith.addi %mul3A_84, %mul3A_177 : i32
        %add3A_261 = arith.constant 3 : i32
        %add3A_262 = arith.addi %add3A_260, %add3A_261 : i32
        %dma_wait3A_263 = arith.constant 0 : i32
        %dma_wait3A_264 = tpu.memref_slice %arg3[%add3A_262, %dma_wait3A_263] : memref<2560x128xi32, #tpu.memory_space<hbm>> -> memref<1x128xi32, #tpu.memory_space<hbm>>
        %dma_wait3A_265 = tpu.memref_squeeze %dma_wait3A_264 : memref<1x128xi32, #tpu.memory_space<hbm>> -> memref<128xi32, #tpu.memory_space<hbm>>
        %dma_wait3A_266 = arith.constant 0 : i32
        %dma_wait3A_267 = tpu.memref_slice %arg3[%add3A_262, %dma_wait3A_266] : memref<2560x128xi32, #tpu.memory_space<hbm>> -> memref<1x128xi32, #tpu.memory_space<hbm>>
        %dma_wait3A_268 = tpu.memref_squeeze %dma_wait3A_267 : memref<1x128xi32, #tpu.memory_space<hbm>> -> memref<128xi32, #tpu.memory_space<hbm>>
        tpu.wait_dma2 semaphore(%arg14 : memref<!tpu.dma_semaphore, #tpu.memory_space<semaphore_mem>>) src(%dma_wait3A_268 : memref<128xi32, #tpu.memory_space<hbm>>) dst(%arg7 : memref<128xi32, #tpu.memory_space<vmem>>)
        %dma_start3A_269 = arith.constant 0 : i32
        %dma_start3A_270 = arith.constant 0 : i32
        %dma_start3A_271 = tpu.memref_slice %arg2[%dma_start3A_269, %dma_start3A_270] : memref<10112x48xf32, #tpu.memory_space<hbm>> -> memref<10112x48xf32, #tpu.memory_space<hbm>>
        tpu.enqueue_indirect_dma source(%dma_start3A_271 : memref<10112x48xf32, #tpu.memory_space<hbm>>) target(%arg11 : memref<128x48xf32, #tpu.memory_space<vmem>>) offsets(%arg7 : memref<128xi32, #tpu.memory_space<vmem>>) semaphore(%arg18 : memref<!tpu.dma_semaphore, #tpu.memory_space<semaphore_mem>>)
      }
      %scan3A_138 = arith.constant 71 : i32
      %add3A_139 = arith.constant 144 : i32
      %add3A_140 = arith.addi %mul3A_84, %add3A_139 : i32
      %sub3A = arith.constant 2 : i32
      %sub3A_141 = arith.subi %add3A_140, %sub3A : i32
      %dma_wait3A_142 = arith.constant 0 : i32
      %dma_wait3A_143 = arith.constant 0 : i32
      %dma_wait3A_144 = tpu.memref_slice %arg2[%dma_wait3A_142, %dma_wait3A_143] : memref<10112x48xf32, #tpu.memory_space<hbm>> -> memref<10112x48xf32, #tpu.memory_space<hbm>>
      tpu.wait_indirect_dma semaphore(%arg17 : memref<!tpu.dma_semaphore, #tpu.memory_space<semaphore_mem>>) src(%dma_wait3A_144 : memref<10112x48xf32, #tpu.memory_space<hbm>>) dst(%arg10 : memref<128x48xf32, #tpu.memory_space<vmem>>)
      %dma_wait3A_145 = arith.constant 0 : i32
      %dma_wait3A_146 = tpu.memref_slice %arg4[%sub3A_141, %dma_wait3A_145] : memref<2560x128xi32, #tpu.memory_space<hbm>> -> memref<1x128xi32, #tpu.memory_space<hbm>>
      %dma_wait3A_147 = tpu.memref_squeeze %dma_wait3A_146 : memref<1x128xi32, #tpu.memory_space<hbm>> -> memref<128xi32, #tpu.memory_space<hbm>>
      %dma_wait3A_148 = arith.constant 0 : i32
      %dma_wait3A_149 = tpu.memref_slice %arg4[%sub3A_141, %dma_wait3A_148] : memref<2560x128xi32, #tpu.memory_space<hbm>> -> memref<1x128xi32, #tpu.memory_space<hbm>>
      %dma_wait3A_150 = tpu.memref_squeeze %dma_wait3A_149 : memref<1x128xi32, #tpu.memory_space<hbm>> -> memref<128xi32, #tpu.memory_space<hbm>>
      tpu.wait_dma2 semaphore(%arg15 : memref<!tpu.dma_semaphore, #tpu.memory_space<semaphore_mem>>) src(%dma_wait3A_150 : memref<128xi32, #tpu.memory_space<hbm>>) dst(%arg8 : memref<128xi32, #tpu.memory_space<vmem>>)
      %dma_start3A_151 = arith.constant 0 : i32
      %dma_start3A_152 = arith.constant 0 : i32
      %dma_start3A_153 = tpu.memref_slice %arg12[%dma_start3A_151, %dma_start3A_152] : memref<10112x48xf32, #tpu.memory_space<vmem_shared>> -> memref<10112x48xf32, #tpu.memory_space<vmem_shared>>
      tpu.enqueue_indirect_dma source(%arg10 : memref<128x48xf32, #tpu.memory_space<vmem>>) target(%dma_start3A_153 : memref<10112x48xf32, #tpu.memory_space<vmem_shared>>) offsets(%arg8 : memref<128xi32, #tpu.memory_space<vmem>>) semaphore(%arg19 : memref<!tpu.dma_semaphore, #tpu.memory_space<semaphore_mem>>) {add = true}
      %dma_wait3A_154 = arith.constant 0 : i32
      %dma_wait3A_155 = arith.constant 0 : i32
      %dma_wait3A_156 = tpu.memref_slice %arg2[%dma_wait3A_154, %dma_wait3A_155] : memref<10112x48xf32, #tpu.memory_space<hbm>> -> memref<10112x48xf32, #tpu.memory_space<hbm>>
      tpu.wait_indirect_dma semaphore(%arg18 : memref<!tpu.dma_semaphore, #tpu.memory_space<semaphore_mem>>) src(%dma_wait3A_156 : memref<10112x48xf32, #tpu.memory_space<hbm>>) dst(%arg11 : memref<128x48xf32, #tpu.memory_space<vmem>>)
      %add3A_157 = arith.constant 1 : i32
      %add3A_158 = arith.addi %sub3A_141, %add3A_157 : i32
      %dma_wait3A_159 = arith.constant 0 : i32
      %dma_wait3A_160 = tpu.memref_slice %arg4[%add3A_158, %dma_wait3A_159] : memref<2560x128xi32, #tpu.memory_space<hbm>> -> memref<1x128xi32, #tpu.memory_space<hbm>>
      %dma_wait3A_161 = tpu.memref_squeeze %dma_wait3A_160 : memref<1x128xi32, #tpu.memory_space<hbm>> -> memref<128xi32, #tpu.memory_space<hbm>>
      %dma_wait3A_162 = arith.constant 0 : i32
      %dma_wait3A_163 = tpu.memref_slice %arg4[%add3A_158, %dma_wait3A_162] : memref<2560x128xi32, #tpu.memory_space<hbm>> -> memref<1x128xi32, #tpu.memory_space<hbm>>
      %dma_wait3A_164 = tpu.memref_squeeze %dma_wait3A_163 : memref<1x128xi32, #tpu.memory_space<hbm>> -> memref<128xi32, #tpu.memory_space<hbm>>
      tpu.wait_dma2 semaphore(%arg16 : memref<!tpu.dma_semaphore, #tpu.memory_space<semaphore_mem>>) src(%dma_wait3A_164 : memref<128xi32, #tpu.memory_space<hbm>>) dst(%arg9 : memref<128xi32, #tpu.memory_space<vmem>>)
      %dma_start3A_165 = arith.constant 0 : i32
      %dma_start3A_166 = arith.constant 0 : i32
      %dma_start3A_167 = tpu.memref_slice %arg12[%dma_start3A_165, %dma_start3A_166] : memref<10112x48xf32, #tpu.memory_space<vmem_shared>> -> memref<10112x48xf32, #tpu.memory_space<vmem_shared>>
      tpu.enqueue_indirect_dma source(%arg11 : memref<128x48xf32, #tpu.memory_space<vmem>>) target(%dma_start3A_167 : memref<10112x48xf32, #tpu.memory_space<vmem_shared>>) offsets(%arg9 : memref<128xi32, #tpu.memory_space<vmem>>) semaphore(%arg20 : memref<!tpu.dma_semaphore, #tpu.memory_space<semaphore_mem>>) {add = true}
      %dma_wait3A_168 = arith.constant 0 : i32
      %dma_wait3A_169 = arith.constant 0 : i32
      %dma_wait3A_170 = tpu.memref_slice %arg12[%dma_wait3A_168, %dma_wait3A_169] : memref<10112x48xf32, #tpu.memory_space<vmem_shared>> -> memref<10112x48xf32, #tpu.memory_space<vmem_shared>>
      tpu.wait_indirect_dma semaphore(%arg19 : memref<!tpu.dma_semaphore, #tpu.memory_space<semaphore_mem>>) src(%arg10 : memref<128x48xf32, #tpu.memory_space<vmem>>) dst(%dma_wait3A_170 : memref<10112x48xf32, #tpu.memory_space<vmem_shared>>)
      %dma_wait3A_171 = arith.constant 0 : i32
      %dma_wait3A_172 = arith.constant 0 : i32
      %dma_wait3A_173 = tpu.memref_slice %arg12[%dma_wait3A_171, %dma_wait3A_172] : memref<10112x48xf32, #tpu.memory_space<vmem_shared>> -> memref<10112x48xf32, #tpu.memory_space<vmem_shared>>
      tpu.wait_indirect_dma semaphore(%arg20 : memref<!tpu.dma_semaphore, #tpu.memory_space<semaphore_mem>>) src(%arg11 : memref<128x48xf32, #tpu.memory_space<vmem>>) dst(%dma_wait3A_173 : memref<10112x48xf32, #tpu.memory_space<vmem_shared>>)
      %barrier3A_174 = arith.constant 0 : index
      tpu.barrier barrier_id(%barrier3A_174)
    } else {
    }
    %eq3A_78 = arith.constant 1 : i32
    %eq3A_79 = arith.cmpi eq, %arg0, %eq3A_78 : i32
    %convert_element_type3A_80 = arith.extui %eq3A_79 : i1 to i32
    %cond3A_81 = arith.constant 0 : i32
    %cond3A_82 = arith.cmpi ne, %convert_element_type3A_80, %cond3A_81 : i32
    scf.if %cond3A_82 {
      %mul3A_83 = arith.constant 16 : i32
      %mul3A_84 = arith.muli %arg1, %mul3A_83 : i32
      %add3A_85 = arith.constant 2304 : i32
      %add3A_86 = arith.addi %add3A_85, %mul3A_84 : i32
      %dma_start3A_87 = arith.constant 0 : i32
      %dma_start3A_88 = tpu.memref_slice %arg3[%add3A_86, %dma_start3A_87] : memref<2560x128xi32, #tpu.memory_space<hbm>> -> memref<1x128xi32, #tpu.memory_space<hbm>>
      %dma_start3A_89 = tpu.memref_squeeze %dma_start3A_88 : memref<1x128xi32, #tpu.memory_space<hbm>> -> memref<128xi32, #tpu.memory_space<hbm>>
      %dma_start3A_90 = arith.constant 0 : i32
      %dma_start3A_91 = tpu.memref_slice %arg3[%add3A_86, %dma_start3A_90] : memref<2560x128xi32, #tpu.memory_space<hbm>> -> memref<1x128xi32, #tpu.memory_space<hbm>>
      %dma_start3A_92 = tpu.memref_squeeze %dma_start3A_91 : memref<1x128xi32, #tpu.memory_space<hbm>> -> memref<128xi32, #tpu.memory_space<hbm>>
      tpu.enqueue_dma source(%dma_start3A_92 : memref<128xi32, #tpu.memory_space<hbm>>) target(%arg6 : memref<128xi32, #tpu.memory_space<vmem>>) target_semaphore(%arg13 : memref<!tpu.dma_semaphore, #tpu.memory_space<semaphore_mem>>)
      %add3A_93 = arith.constant 1 : i32
      %add3A_94 = arith.addi %add3A_86, %add3A_93 : i32
      %dma_start3A_95 = arith.constant 0 : i32
      %dma_start3A_96 = tpu.memref_slice %arg3[%add3A_94, %dma_start3A_95] : memref<2560x128xi32, #tpu.memory_space<hbm>> -> memref<1x128xi32, #tpu.memory_space<hbm>>
      %dma_start3A_97 = tpu.memref_squeeze %dma_start3A_96 : memref<1x128xi32, #tpu.memory_space<hbm>> -> memref<128xi32, #tpu.memory_space<hbm>>
      %dma_start3A_98 = arith.constant 0 : i32
      %dma_start3A_99 = tpu.memref_slice %arg3[%add3A_94, %dma_start3A_98] : memref<2560x128xi32, #tpu.memory_space<hbm>> -> memref<1x128xi32, #tpu.memory_space<hbm>>
      %dma_start3A_100 = tpu.memref_squeeze %dma_start3A_99 : memref<1x128xi32, #tpu.memory_space<hbm>> -> memref<128xi32, #tpu.memory_space<hbm>>
      tpu.enqueue_dma source(%dma_start3A_100 : memref<128xi32, #tpu.memory_space<hbm>>) target(%arg7 : memref<128xi32, #tpu.memory_space<vmem>>) target_semaphore(%arg14 : memref<!tpu.dma_semaphore, #tpu.memory_space<semaphore_mem>>)
      %dma_start3A_101 = arith.constant 0 : i32
      %dma_start3A_102 = tpu.memref_slice %arg4[%add3A_86, %dma_start3A_101] : memref<2560x128xi32, #tpu.memory_space<hbm>> -> memref<1x128xi32, #tpu.memory_space<hbm>>
      %dma_start3A_103 = tpu.memref_squeeze %dma_start3A_102 : memref<1x128xi32, #tpu.memory_space<hbm>> -> memref<128xi32, #tpu.memory_space<hbm>>
      %dma_start3A_104 = arith.constant 0 : i32
      %dma_start3A_105 = tpu.memref_slice %arg4[%add3A_86, %dma_start3A_104] : memref<2560x128xi32, #tpu.memory_space<hbm>> -> memref<1x128xi32, #tpu.memory_space<hbm>>
      %dma_start3A_106 = tpu.memref_squeeze %dma_start3A_105 : memref<1x128xi32, #tpu.memory_space<hbm>> -> memref<128xi32, #tpu.memory_space<hbm>>
      tpu.enqueue_dma source(%dma_start3A_106 : memref<128xi32, #tpu.memory_space<hbm>>) target(%arg8 : memref<128xi32, #tpu.memory_space<vmem>>) target_semaphore(%arg15 : memref<!tpu.dma_semaphore, #tpu.memory_space<semaphore_mem>>)
      %add3A_107 = arith.constant 1 : i32
      %add3A_108 = arith.addi %add3A_86, %add3A_107 : i32
      %dma_start3A_109 = arith.constant 0 : i32
      %dma_start3A_110 = tpu.memref_slice %arg4[%add3A_108, %dma_start3A_109] : memref<2560x128xi32, #tpu.memory_space<hbm>> -> memref<1x128xi32, #tpu.memory_space<hbm>>
      %dma_start3A_111 = tpu.memref_squeeze %dma_start3A_110 : memref<1x128xi32, #tpu.memory_space<hbm>> -> memref<128xi32, #tpu.memory_space<hbm>>
      %dma_start3A_112 = arith.constant 0 : i32
      %dma_start3A_113 = tpu.memref_slice %arg4[%add3A_108, %dma_start3A_112] : memref<2560x128xi32, #tpu.memory_space<hbm>> -> memref<1x128xi32, #tpu.memory_space<hbm>>
      %dma_start3A_114 = tpu.memref_squeeze %dma_start3A_113 : memref<1x128xi32, #tpu.memory_space<hbm>> -> memref<128xi32, #tpu.memory_space<hbm>>
      tpu.enqueue_dma source(%dma_start3A_114 : memref<128xi32, #tpu.memory_space<hbm>>) target(%arg9 : memref<128xi32, #tpu.memory_space<vmem>>) target_semaphore(%arg16 : memref<!tpu.dma_semaphore, #tpu.memory_space<semaphore_mem>>)
      %barrier3A = arith.constant 0 : index
      tpu.barrier barrier_id(%barrier3A)
      %dma_wait3A_115 = arith.constant 0 : i32
      %dma_wait3A_116 = tpu.memref_slice %arg3[%add3A_86, %dma_wait3A_115] : memref<2560x128xi32, #tpu.memory_space<hbm>> -> memref<1x128xi32, #tpu.memory_space<hbm>>
      %dma_wait3A_117 = tpu.memref_squeeze %dma_wait3A_116 : memref<1x128xi32, #tpu.memory_space<hbm>> -> memref<128xi32, #tpu.memory_space<hbm>>
      %dma_wait3A_118 = arith.constant 0 : i32
      %dma_wait3A_119 = tpu.memref_slice %arg3[%add3A_86, %dma_wait3A_118] : memref<2560x128xi32, #tpu.memory_space<hbm>> -> memref<1x128xi32, #tpu.memory_space<hbm>>
      %dma_wait3A_120 = tpu.memref_squeeze %dma_wait3A_119 : memref<1x128xi32, #tpu.memory_space<hbm>> -> memref<128xi32, #tpu.memory_space<hbm>>
      tpu.wait_dma2 semaphore(%arg13 : memref<!tpu.dma_semaphore, #tpu.memory_space<semaphore_mem>>) src(%dma_wait3A_120 : memref<128xi32, #tpu.memory_space<hbm>>) dst(%arg6 : memref<128xi32, #tpu.memory_space<vmem>>)
      %dma_start3A_121 = arith.constant 0 : i32
      %dma_start3A_122 = arith.constant 0 : i32
      %dma_start3A_123 = tpu.memref_slice %arg2[%dma_start3A_121, %dma_start3A_122] : memref<10112x48xf32, #tpu.memory_space<hbm>> -> memref<10112x48xf32, #tpu.memory_space<hbm>>
      tpu.enqueue_indirect_dma source(%dma_start3A_123 : memref<10112x48xf32, #tpu.memory_space<hbm>>) target(%arg10 : memref<128x48xf32, #tpu.memory_space<vmem>>) offsets(%arg6 : memref<128xi32, #tpu.memory_space<vmem>>) semaphore(%arg17 : memref<!tpu.dma_semaphore, #tpu.memory_space<semaphore_mem>>)
      %add3A_124 = arith.constant 1 : i32
      %add3A_125 = arith.addi %add3A_86, %add3A_124 : i32
      %dma_wait3A_126 = arith.constant 0 : i32
      %dma_wait3A_127 = tpu.memref_slice %arg3[%add3A_125, %dma_wait3A_126] : memref<2560x128xi32, #tpu.memory_space<hbm>> -> memref<1x128xi32, #tpu.memory_space<hbm>>
      %dma_wait3A_128 = tpu.memref_squeeze %dma_wait3A_127 : memref<1x128xi32, #tpu.memory_space<hbm>> -> memref<128xi32, #tpu.memory_space<hbm>>
      %dma_wait3A_129 = arith.constant 0 : i32
      %dma_wait3A_130 = tpu.memref_slice %arg3[%add3A_125, %dma_wait3A_129] : memref<2560x128xi32, #tpu.memory_space<hbm>> -> memref<1x128xi32, #tpu.memory_space<hbm>>
      %dma_wait3A_131 = tpu.memref_squeeze %dma_wait3A_130 : memref<1x128xi32, #tpu.memory_space<hbm>> -> memref<128xi32, #tpu.memory_space<hbm>>
      tpu.wait_dma2 semaphore(%arg14 : memref<!tpu.dma_semaphore, #tpu.memory_space<semaphore_mem>>) src(%dma_wait3A_131 : memref<128xi32, #tpu.memory_space<hbm>>) dst(%arg7 : memref<128xi32, #tpu.memory_space<vmem>>)
      %dma_start3A_132 = arith.constant 0 : i32
      %dma_start3A_133 = arith.constant 0 : i32
      %dma_start3A_134 = tpu.memref_slice %arg2[%dma_start3A_132, %dma_start3A_133] : memref<10112x48xf32, #tpu.memory_space<hbm>> -> memref<10112x48xf32, #tpu.memory_space<hbm>>
      tpu.enqueue_indirect_dma source(%dma_start3A_134 : memref<10112x48xf32, #tpu.memory_space<hbm>>) target(%arg11 : memref<128x48xf32, #tpu.memory_space<vmem>>) offsets(%arg7 : memref<128xi32, #tpu.memory_space<vmem>>) semaphore(%arg18 : memref<!tpu.dma_semaphore, #tpu.memory_space<semaphore_mem>>)
      %scan3A_135 = arith.constant 0 : i32
      %scan3A_136 = arith.constant 0 : i32
      %scan3A_137 = arith.constant 7 : i32
      %scan3A_138 = arith.addi %scan3A_136, %scan3A_137 : i32
      %scan3A_139 = arith.constant 1 : i32
      scf.for %scan3A_177 = %scan3A_136 to %scan3A_138 step %scan3A_139  : i32 {
        %mul3A_178 = arith.constant 2 : i32
        %mul3A_179 = arith.muli %mul3A_178, %scan3A_177 : i32
        %dma_wait3A_180 = arith.constant 0 : i32
        %dma_wait3A_181 = arith.constant 0 : i32
        %dma_wait3A_182 = tpu.memref_slice %arg2[%dma_wait3A_180, %dma_wait3A_181] : memref<10112x48xf32, #tpu.memory_space<hbm>> -> memref<10112x48xf32, #tpu.memory_space<hbm>>
        tpu.wait_indirect_dma semaphore(%arg17 : memref<!tpu.dma_semaphore, #tpu.memory_space<semaphore_mem>>) src(%dma_wait3A_182 : memref<10112x48xf32, #tpu.memory_space<hbm>>) dst(%arg10 : memref<128x48xf32, #tpu.memory_space<vmem>>)
        %add3A_183 = arith.addi %add3A_86, %mul3A_179 : i32
        %add3A_184 = arith.constant 2 : i32
        %add3A_185 = arith.addi %add3A_183, %add3A_184 : i32
        %dma_start3A_186 = arith.constant 0 : i32
        %dma_start3A_187 = tpu.memref_slice %arg3[%add3A_185, %dma_start3A_186] : memref<2560x128xi32, #tpu.memory_space<hbm>> -> memref<1x128xi32, #tpu.memory_space<hbm>>
        %dma_start3A_188 = tpu.memref_squeeze %dma_start3A_187 : memref<1x128xi32, #tpu.memory_space<hbm>> -> memref<128xi32, #tpu.memory_space<hbm>>
        %dma_start3A_189 = arith.constant 0 : i32
        %dma_start3A_190 = tpu.memref_slice %arg3[%add3A_185, %dma_start3A_189] : memref<2560x128xi32, #tpu.memory_space<hbm>> -> memref<1x128xi32, #tpu.memory_space<hbm>>
        %dma_start3A_191 = tpu.memref_squeeze %dma_start3A_190 : memref<1x128xi32, #tpu.memory_space<hbm>> -> memref<128xi32, #tpu.memory_space<hbm>>
        tpu.enqueue_dma source(%dma_start3A_191 : memref<128xi32, #tpu.memory_space<hbm>>) target(%arg6 : memref<128xi32, #tpu.memory_space<vmem>>) target_semaphore(%arg13 : memref<!tpu.dma_semaphore, #tpu.memory_space<semaphore_mem>>)
        %add3A_192 = arith.addi %add3A_86, %mul3A_179 : i32
        %dma_wait3A_193 = arith.constant 0 : i32
        %dma_wait3A_194 = tpu.memref_slice %arg4[%add3A_192, %dma_wait3A_193] : memref<2560x128xi32, #tpu.memory_space<hbm>> -> memref<1x128xi32, #tpu.memory_space<hbm>>
        %dma_wait3A_195 = tpu.memref_squeeze %dma_wait3A_194 : memref<1x128xi32, #tpu.memory_space<hbm>> -> memref<128xi32, #tpu.memory_space<hbm>>
        %dma_wait3A_196 = arith.constant 0 : i32
        %dma_wait3A_197 = tpu.memref_slice %arg4[%add3A_192, %dma_wait3A_196] : memref<2560x128xi32, #tpu.memory_space<hbm>> -> memref<1x128xi32, #tpu.memory_space<hbm>>
        %dma_wait3A_198 = tpu.memref_squeeze %dma_wait3A_197 : memref<1x128xi32, #tpu.memory_space<hbm>> -> memref<128xi32, #tpu.memory_space<hbm>>
        tpu.wait_dma2 semaphore(%arg15 : memref<!tpu.dma_semaphore, #tpu.memory_space<semaphore_mem>>) src(%dma_wait3A_198 : memref<128xi32, #tpu.memory_space<hbm>>) dst(%arg8 : memref<128xi32, #tpu.memory_space<vmem>>)
        %dma_start3A_199 = arith.constant 0 : i32
        %dma_start3A_200 = arith.constant 0 : i32
        %dma_start3A_201 = tpu.memref_slice %arg12[%dma_start3A_199, %dma_start3A_200] : memref<10112x48xf32, #tpu.memory_space<vmem_shared>> -> memref<10112x48xf32, #tpu.memory_space<vmem_shared>>
        tpu.enqueue_indirect_dma source(%arg10 : memref<128x48xf32, #tpu.memory_space<vmem>>) target(%dma_start3A_201 : memref<10112x48xf32, #tpu.memory_space<vmem_shared>>) offsets(%arg8 : memref<128xi32, #tpu.memory_space<vmem>>) semaphore(%arg19 : memref<!tpu.dma_semaphore, #tpu.memory_space<semaphore_mem>>) {add = true}
        %dma_wait3A_202 = arith.constant 0 : i32
        %dma_wait3A_203 = arith.constant 0 : i32
        %dma_wait3A_204 = tpu.memref_slice %arg2[%dma_wait3A_202, %dma_wait3A_203] : memref<10112x48xf32, #tpu.memory_space<hbm>> -> memref<10112x48xf32, #tpu.memory_space<hbm>>
        tpu.wait_indirect_dma semaphore(%arg18 : memref<!tpu.dma_semaphore, #tpu.memory_space<semaphore_mem>>) src(%dma_wait3A_204 : memref<10112x48xf32, #tpu.memory_space<hbm>>) dst(%arg11 : memref<128x48xf32, #tpu.memory_space<vmem>>)
        %add3A_205 = arith.addi %add3A_86, %mul3A_179 : i32
        %add3A_206 = arith.constant 3 : i32
        %add3A_207 = arith.addi %add3A_205, %add3A_206 : i32
        %dma_start3A_208 = arith.constant 0 : i32
        %dma_start3A_209 = tpu.memref_slice %arg3[%add3A_207, %dma_start3A_208] : memref<2560x128xi32, #tpu.memory_space<hbm>> -> memref<1x128xi32, #tpu.memory_space<hbm>>
        %dma_start3A_210 = tpu.memref_squeeze %dma_start3A_209 : memref<1x128xi32, #tpu.memory_space<hbm>> -> memref<128xi32, #tpu.memory_space<hbm>>
        %dma_start3A_211 = arith.constant 0 : i32
        %dma_start3A_212 = tpu.memref_slice %arg3[%add3A_207, %dma_start3A_211] : memref<2560x128xi32, #tpu.memory_space<hbm>> -> memref<1x128xi32, #tpu.memory_space<hbm>>
        %dma_start3A_213 = tpu.memref_squeeze %dma_start3A_212 : memref<1x128xi32, #tpu.memory_space<hbm>> -> memref<128xi32, #tpu.memory_space<hbm>>
        tpu.enqueue_dma source(%dma_start3A_213 : memref<128xi32, #tpu.memory_space<hbm>>) target(%arg7 : memref<128xi32, #tpu.memory_space<vmem>>) target_semaphore(%arg14 : memref<!tpu.dma_semaphore, #tpu.memory_space<semaphore_mem>>)
        %add3A_214 = arith.addi %add3A_86, %mul3A_179 : i32
        %add3A_215 = arith.constant 1 : i32
        %add3A_216 = arith.addi %add3A_214, %add3A_215 : i32
        %dma_wait3A_217 = arith.constant 0 : i32
        %dma_wait3A_218 = tpu.memref_slice %arg4[%add3A_216, %dma_wait3A_217] : memref<2560x128xi32, #tpu.memory_space<hbm>> -> memref<1x128xi32, #tpu.memory_space<hbm>>
        %dma_wait3A_219 = tpu.memref_squeeze %dma_wait3A_218 : memref<1x128xi32, #tpu.memory_space<hbm>> -> memref<128xi32, #tpu.memory_space<hbm>>
        %dma_wait3A_220 = arith.constant 0 : i32
        %dma_wait3A_221 = tpu.memref_slice %arg4[%add3A_216, %dma_wait3A_220] : memref<2560x128xi32, #tpu.memory_space<hbm>> -> memref<1x128xi32, #tpu.memory_space<hbm>>
        %dma_wait3A_222 = tpu.memref_squeeze %dma_wait3A_221 : memref<1x128xi32, #tpu.memory_space<hbm>> -> memref<128xi32, #tpu.memory_space<hbm>>
        tpu.wait_dma2 semaphore(%arg16 : memref<!tpu.dma_semaphore, #tpu.memory_space<semaphore_mem>>) src(%dma_wait3A_222 : memref<128xi32, #tpu.memory_space<hbm>>) dst(%arg9 : memref<128xi32, #tpu.memory_space<vmem>>)
        %dma_start3A_223 = arith.constant 0 : i32
        %dma_start3A_224 = arith.constant 0 : i32
        %dma_start3A_225 = tpu.memref_slice %arg12[%dma_start3A_223, %dma_start3A_224] : memref<10112x48xf32, #tpu.memory_space<vmem_shared>> -> memref<10112x48xf32, #tpu.memory_space<vmem_shared>>
        tpu.enqueue_indirect_dma source(%arg11 : memref<128x48xf32, #tpu.memory_space<vmem>>) target(%dma_start3A_225 : memref<10112x48xf32, #tpu.memory_space<vmem_shared>>) offsets(%arg9 : memref<128xi32, #tpu.memory_space<vmem>>) semaphore(%arg20 : memref<!tpu.dma_semaphore, #tpu.memory_space<semaphore_mem>>) {add = true}
        %dma_wait3A_226 = arith.constant 0 : i32
        %dma_wait3A_227 = arith.constant 0 : i32
        %dma_wait3A_228 = tpu.memref_slice %arg12[%dma_wait3A_226, %dma_wait3A_227] : memref<10112x48xf32, #tpu.memory_space<vmem_shared>> -> memref<10112x48xf32, #tpu.memory_space<vmem_shared>>
        tpu.wait_indirect_dma semaphore(%arg19 : memref<!tpu.dma_semaphore, #tpu.memory_space<semaphore_mem>>) src(%arg10 : memref<128x48xf32, #tpu.memory_space<vmem>>) dst(%dma_wait3A_228 : memref<10112x48xf32, #tpu.memory_space<vmem_shared>>)
        %add3A_229 = arith.addi %add3A_86, %mul3A_179 : i32
        %add3A_230 = arith.constant 2 : i32
        %add3A_231 = arith.addi %add3A_229, %add3A_230 : i32
        %dma_start3A_232 = arith.constant 0 : i32
        %dma_start3A_233 = tpu.memref_slice %arg4[%add3A_231, %dma_start3A_232] : memref<2560x128xi32, #tpu.memory_space<hbm>> -> memref<1x128xi32, #tpu.memory_space<hbm>>
        %dma_start3A_234 = tpu.memref_squeeze %dma_start3A_233 : memref<1x128xi32, #tpu.memory_space<hbm>> -> memref<128xi32, #tpu.memory_space<hbm>>
        %dma_start3A_235 = arith.constant 0 : i32
        %dma_start3A_236 = tpu.memref_slice %arg4[%add3A_231, %dma_start3A_235] : memref<2560x128xi32, #tpu.memory_space<hbm>> -> memref<1x128xi32, #tpu.memory_space<hbm>>
        %dma_start3A_237 = tpu.memref_squeeze %dma_start3A_236 : memref<1x128xi32, #tpu.memory_space<hbm>> -> memref<128xi32, #tpu.memory_space<hbm>>
        tpu.enqueue_dma source(%dma_start3A_237 : memref<128xi32, #tpu.memory_space<hbm>>) target(%arg8 : memref<128xi32, #tpu.memory_space<vmem>>) target_semaphore(%arg15 : memref<!tpu.dma_semaphore, #tpu.memory_space<semaphore_mem>>)
        %add3A_238 = arith.addi %add3A_86, %mul3A_179 : i32
        %add3A_239 = arith.constant 2 : i32
        %add3A_240 = arith.addi %add3A_238, %add3A_239 : i32
        %dma_wait3A_241 = arith.constant 0 : i32
        %dma_wait3A_242 = tpu.memref_slice %arg3[%add3A_240, %dma_wait3A_241] : memref<2560x128xi32, #tpu.memory_space<hbm>> -> memref<1x128xi32, #tpu.memory_space<hbm>>
        %dma_wait3A_243 = tpu.memref_squeeze %dma_wait3A_242 : memref<1x128xi32, #tpu.memory_space<hbm>> -> memref<128xi32, #tpu.memory_space<hbm>>
        %dma_wait3A_244 = arith.constant 0 : i32
        %dma_wait3A_245 = tpu.memref_slice %arg3[%add3A_240, %dma_wait3A_244] : memref<2560x128xi32, #tpu.memory_space<hbm>> -> memref<1x128xi32, #tpu.memory_space<hbm>>
        %dma_wait3A_246 = tpu.memref_squeeze %dma_wait3A_245 : memref<1x128xi32, #tpu.memory_space<hbm>> -> memref<128xi32, #tpu.memory_space<hbm>>
        tpu.wait_dma2 semaphore(%arg13 : memref<!tpu.dma_semaphore, #tpu.memory_space<semaphore_mem>>) src(%dma_wait3A_246 : memref<128xi32, #tpu.memory_space<hbm>>) dst(%arg6 : memref<128xi32, #tpu.memory_space<vmem>>)
        %dma_start3A_247 = arith.constant 0 : i32
        %dma_start3A_248 = arith.constant 0 : i32
        %dma_start3A_249 = tpu.memref_slice %arg2[%dma_start3A_247, %dma_start3A_248] : memref<10112x48xf32, #tpu.memory_space<hbm>> -> memref<10112x48xf32, #tpu.memory_space<hbm>>
        tpu.enqueue_indirect_dma source(%dma_start3A_249 : memref<10112x48xf32, #tpu.memory_space<hbm>>) target(%arg10 : memref<128x48xf32, #tpu.memory_space<vmem>>) offsets(%arg6 : memref<128xi32, #tpu.memory_space<vmem>>) semaphore(%arg17 : memref<!tpu.dma_semaphore, #tpu.memory_space<semaphore_mem>>)
        %dma_wait3A_250 = arith.constant 0 : i32
        %dma_wait3A_251 = arith.constant 0 : i32
        %dma_wait3A_252 = tpu.memref_slice %arg12[%dma_wait3A_250, %dma_wait3A_251] : memref<10112x48xf32, #tpu.memory_space<vmem_shared>> -> memref<10112x48xf32, #tpu.memory_space<vmem_shared>>
        tpu.wait_indirect_dma semaphore(%arg20 : memref<!tpu.dma_semaphore, #tpu.memory_space<semaphore_mem>>) src(%arg11 : memref<128x48xf32, #tpu.memory_space<vmem>>) dst(%dma_wait3A_252 : memref<10112x48xf32, #tpu.memory_space<vmem_shared>>)
        %add3A_253 = arith.addi %add3A_86, %mul3A_179 : i32
        %add3A_254 = arith.constant 3 : i32
        %add3A_255 = arith.addi %add3A_253, %add3A_254 : i32
        %dma_start3A_256 = arith.constant 0 : i32
        %dma_start3A_257 = tpu.memref_slice %arg4[%add3A_255, %dma_start3A_256] : memref<2560x128xi32, #tpu.memory_space<hbm>> -> memref<1x128xi32, #tpu.memory_space<hbm>>
        %dma_start3A_258 = tpu.memref_squeeze %dma_start3A_257 : memref<1x128xi32, #tpu.memory_space<hbm>> -> memref<128xi32, #tpu.memory_space<hbm>>
        %dma_start3A_259 = arith.constant 0 : i32
        %dma_start3A_260 = tpu.memref_slice %arg4[%add3A_255, %dma_start3A_259] : memref<2560x128xi32, #tpu.memory_space<hbm>> -> memref<1x128xi32, #tpu.memory_space<hbm>>
        %dma_start3A_261 = tpu.memref_squeeze %dma_start3A_260 : memref<1x128xi32, #tpu.memory_space<hbm>> -> memref<128xi32, #tpu.memory_space<hbm>>
        tpu.enqueue_dma source(%dma_start3A_261 : memref<128xi32, #tpu.memory_space<hbm>>) target(%arg9 : memref<128xi32, #tpu.memory_space<vmem>>) target_semaphore(%arg16 : memref<!tpu.dma_semaphore, #tpu.memory_space<semaphore_mem>>)
        %add3A_262 = arith.addi %add3A_86, %mul3A_179 : i32
        %add3A_263 = arith.constant 3 : i32
        %add3A_264 = arith.addi %add3A_262, %add3A_263 : i32
        %dma_wait3A_265 = arith.constant 0 : i32
        %dma_wait3A_266 = tpu.memref_slice %arg3[%add3A_264, %dma_wait3A_265] : memref<2560x128xi32, #tpu.memory_space<hbm>> -> memref<1x128xi32, #tpu.memory_space<hbm>>
        %dma_wait3A_267 = tpu.memref_squeeze %dma_wait3A_266 : memref<1x128xi32, #tpu.memory_space<hbm>> -> memref<128xi32, #tpu.memory_space<hbm>>
        %dma_wait3A_268 = arith.constant 0 : i32
        %dma_wait3A_269 = tpu.memref_slice %arg3[%add3A_264, %dma_wait3A_268] : memref<2560x128xi32, #tpu.memory_space<hbm>> -> memref<1x128xi32, #tpu.memory_space<hbm>>
        %dma_wait3A_270 = tpu.memref_squeeze %dma_wait3A_269 : memref<1x128xi32, #tpu.memory_space<hbm>> -> memref<128xi32, #tpu.memory_space<hbm>>
        tpu.wait_dma2 semaphore(%arg14 : memref<!tpu.dma_semaphore, #tpu.memory_space<semaphore_mem>>) src(%dma_wait3A_270 : memref<128xi32, #tpu.memory_space<hbm>>) dst(%arg7 : memref<128xi32, #tpu.memory_space<vmem>>)
        %dma_start3A_271 = arith.constant 0 : i32
        %dma_start3A_272 = arith.constant 0 : i32
        %dma_start3A_273 = tpu.memref_slice %arg2[%dma_start3A_271, %dma_start3A_272] : memref<10112x48xf32, #tpu.memory_space<hbm>> -> memref<10112x48xf32, #tpu.memory_space<hbm>>
        tpu.enqueue_indirect_dma source(%dma_start3A_273 : memref<10112x48xf32, #tpu.memory_space<hbm>>) target(%arg11 : memref<128x48xf32, #tpu.memory_space<vmem>>) offsets(%arg7 : memref<128xi32, #tpu.memory_space<vmem>>) semaphore(%arg18 : memref<!tpu.dma_semaphore, #tpu.memory_space<semaphore_mem>>)
      }
      %scan3A_140 = arith.constant 7 : i32
      %add3A_141 = arith.constant 16 : i32
      %add3A_142 = arith.addi %add3A_86, %add3A_141 : i32
      %sub3A = arith.constant 2 : i32
      %sub3A_143 = arith.subi %add3A_142, %sub3A : i32
      %dma_wait3A_144 = arith.constant 0 : i32
      %dma_wait3A_145 = arith.constant 0 : i32
      %dma_wait3A_146 = tpu.memref_slice %arg2[%dma_wait3A_144, %dma_wait3A_145] : memref<10112x48xf32, #tpu.memory_space<hbm>> -> memref<10112x48xf32, #tpu.memory_space<hbm>>
      tpu.wait_indirect_dma semaphore(%arg17 : memref<!tpu.dma_semaphore, #tpu.memory_space<semaphore_mem>>) src(%dma_wait3A_146 : memref<10112x48xf32, #tpu.memory_space<hbm>>) dst(%arg10 : memref<128x48xf32, #tpu.memory_space<vmem>>)
      %dma_wait3A_147 = arith.constant 0 : i32
      %dma_wait3A_148 = tpu.memref_slice %arg4[%sub3A_143, %dma_wait3A_147] : memref<2560x128xi32, #tpu.memory_space<hbm>> -> memref<1x128xi32, #tpu.memory_space<hbm>>
      %dma_wait3A_149 = tpu.memref_squeeze %dma_wait3A_148 : memref<1x128xi32, #tpu.memory_space<hbm>> -> memref<128xi32, #tpu.memory_space<hbm>>
      %dma_wait3A_150 = arith.constant 0 : i32
      %dma_wait3A_151 = tpu.memref_slice %arg4[%sub3A_143, %dma_wait3A_150] : memref<2560x128xi32, #tpu.memory_space<hbm>> -> memref<1x128xi32, #tpu.memory_space<hbm>>
      %dma_wait3A_152 = tpu.memref_squeeze %dma_wait3A_151 : memref<1x128xi32, #tpu.memory_space<hbm>> -> memref<128xi32, #tpu.memory_space<hbm>>
      tpu.wait_dma2 semaphore(%arg15 : memref<!tpu.dma_semaphore, #tpu.memory_space<semaphore_mem>>) src(%dma_wait3A_152 : memref<128xi32, #tpu.memory_space<hbm>>) dst(%arg8 : memref<128xi32, #tpu.memory_space<vmem>>)
      %dma_start3A_153 = arith.constant 0 : i32
      %dma_start3A_154 = arith.constant 0 : i32
      %dma_start3A_155 = tpu.memref_slice %arg12[%dma_start3A_153, %dma_start3A_154] : memref<10112x48xf32, #tpu.memory_space<vmem_shared>> -> memref<10112x48xf32, #tpu.memory_space<vmem_shared>>
      tpu.enqueue_indirect_dma source(%arg10 : memref<128x48xf32, #tpu.memory_space<vmem>>) target(%dma_start3A_155 : memref<10112x48xf32, #tpu.memory_space<vmem_shared>>) offsets(%arg8 : memref<128xi32, #tpu.memory_space<vmem>>) semaphore(%arg19 : memref<!tpu.dma_semaphore, #tpu.memory_space<semaphore_mem>>) {add = true}
      %dma_wait3A_156 = arith.constant 0 : i32
      %dma_wait3A_157 = arith.constant 0 : i32
      %dma_wait3A_158 = tpu.memref_slice %arg2[%dma_wait3A_156, %dma_wait3A_157] : memref<10112x48xf32, #tpu.memory_space<hbm>> -> memref<10112x48xf32, #tpu.memory_space<hbm>>
      tpu.wait_indirect_dma semaphore(%arg18 : memref<!tpu.dma_semaphore, #tpu.memory_space<semaphore_mem>>) src(%dma_wait3A_158 : memref<10112x48xf32, #tpu.memory_space<hbm>>) dst(%arg11 : memref<128x48xf32, #tpu.memory_space<vmem>>)
      %add3A_159 = arith.constant 1 : i32
      %add3A_160 = arith.addi %sub3A_143, %add3A_159 : i32
      %dma_wait3A_161 = arith.constant 0 : i32
      %dma_wait3A_162 = tpu.memref_slice %arg4[%add3A_160, %dma_wait3A_161] : memref<2560x128xi32, #tpu.memory_space<hbm>> -> memref<1x128xi32, #tpu.memory_space<hbm>>
      %dma_wait3A_163 = tpu.memref_squeeze %dma_wait3A_162 : memref<1x128xi32, #tpu.memory_space<hbm>> -> memref<128xi32, #tpu.memory_space<hbm>>
      %dma_wait3A_164 = arith.constant 0 : i32
      %dma_wait3A_165 = tpu.memref_slice %arg4[%add3A_160, %dma_wait3A_164] : memref<2560x128xi32, #tpu.memory_space<hbm>> -> memref<1x128xi32, #tpu.memory_space<hbm>>
      %dma_wait3A_166 = tpu.memref_squeeze %dma_wait3A_165 : memref<1x128xi32, #tpu.memory_space<hbm>> -> memref<128xi32, #tpu.memory_space<hbm>>
      tpu.wait_dma2 semaphore(%arg16 : memref<!tpu.dma_semaphore, #tpu.memory_space<semaphore_mem>>) src(%dma_wait3A_166 : memref<128xi32, #tpu.memory_space<hbm>>) dst(%arg9 : memref<128xi32, #tpu.memory_space<vmem>>)
      %dma_start3A_167 = arith.constant 0 : i32
      %dma_start3A_168 = arith.constant 0 : i32
      %dma_start3A_169 = tpu.memref_slice %arg12[%dma_start3A_167, %dma_start3A_168] : memref<10112x48xf32, #tpu.memory_space<vmem_shared>> -> memref<10112x48xf32, #tpu.memory_space<vmem_shared>>
      tpu.enqueue_indirect_dma source(%arg11 : memref<128x48xf32, #tpu.memory_space<vmem>>) target(%dma_start3A_169 : memref<10112x48xf32, #tpu.memory_space<vmem_shared>>) offsets(%arg9 : memref<128xi32, #tpu.memory_space<vmem>>) semaphore(%arg20 : memref<!tpu.dma_semaphore, #tpu.memory_space<semaphore_mem>>) {add = true}
      %dma_wait3A_170 = arith.constant 0 : i32
      %dma_wait3A_171 = arith.constant 0 : i32
      %dma_wait3A_172 = tpu.memref_slice %arg12[%dma_wait3A_170, %dma_wait3A_171] : memref<10112x48xf32, #tpu.memory_space<vmem_shared>> -> memref<10112x48xf32, #tpu.memory_space<vmem_shared>>
      tpu.wait_indirect_dma semaphore(%arg19 : memref<!tpu.dma_semaphore, #tpu.memory_space<semaphore_mem>>) src(%arg10 : memref<128x48xf32, #tpu.memory_space<vmem>>) dst(%dma_wait3A_172 : memref<10112x48xf32, #tpu.memory_space<vmem_shared>>)
      %dma_wait3A_173 = arith.constant 0 : i32
      %dma_wait3A_174 = arith.constant 0 : i32
      %dma_wait3A_175 = tpu.memref_slice %arg12[%dma_wait3A_173, %dma_wait3A_174] : memref<10112x48xf32, #tpu.memory_space<vmem_shared>> -> memref<10112x48xf32, #tpu.memory_space<vmem_shared>>
      tpu.wait_indirect_dma semaphore(%arg20 : memref<!tpu.dma_semaphore, #tpu.memory_space<semaphore_mem>>) src(%arg11 : memref<128x48xf32, #tpu.memory_space<vmem>>) dst(%dma_wait3A_175 : memref<10112x48xf32, #tpu.memory_space<vmem_shared>>)
      %barrier3A_176 = arith.constant 0 : index
      tpu.barrier barrier_id(%barrier3A_176)
    } else {
    }
    "tpu.region"() ({
      %run_scoped3A = tpu.sem_alloc : memref<!tpu.dma_semaphore, #tpu.memory_space<semaphore_mem>>
      %dma_start3A_83 = arith.constant 0 : i32
      %dma_start3A_84 = tpu.memref_slice %arg5[%arg0, %mul3A_0, %dma_start3A_83] : memref<2x10112x48xf32, #tpu.memory_space<hbm>> -> memref<1x632x48xf32, #tpu.memory_space<hbm>>
      %dma_start3A_85 = tpu.memref_squeeze %dma_start3A_84 : memref<1x632x48xf32, #tpu.memory_space<hbm>> -> memref<632x48xf32, #tpu.memory_space<hbm>>
      %dma_start3A_86 = arith.constant 0 : i32
      %dma_start3A_87 = tpu.memref_slice %arg12[%mul3A_0, %dma_start3A_86] : memref<10112x48xf32, #tpu.memory_space<vmem_shared>> -> memref<632x48xf32, #tpu.memory_space<vmem_shared>>
      tpu.enqueue_dma source(%dma_start3A_87 : memref<632x48xf32, #tpu.memory_space<vmem_shared>>) target(%dma_start3A_85 : memref<632x48xf32, #tpu.memory_space<hbm>>) target_semaphore(%run_scoped3A : memref<!tpu.dma_semaphore, #tpu.memory_space<semaphore_mem>>)
      %dma_wait3A_88 = arith.constant 0 : i32
      %dma_wait3A_89 = tpu.memref_slice %arg5[%arg0, %mul3A_0, %dma_wait3A_88] : memref<2x10112x48xf32, #tpu.memory_space<hbm>> -> memref<1x632x48xf32, #tpu.memory_space<hbm>>
      %dma_wait3A_90 = tpu.memref_squeeze %dma_wait3A_89 : memref<1x632x48xf32, #tpu.memory_space<hbm>> -> memref<632x48xf32, #tpu.memory_space<hbm>>
      %dma_wait3A_91 = arith.constant 0 : i32
      %dma_wait3A_92 = tpu.memref_slice %arg12[%mul3A_0, %dma_wait3A_91] : memref<10112x48xf32, #tpu.memory_space<vmem_shared>> -> memref<632x48xf32, #tpu.memory_space<vmem_shared>>
      tpu.wait_dma2 semaphore(%run_scoped3A : memref<!tpu.dma_semaphore, #tpu.memory_space<semaphore_mem>>) src(%dma_wait3A_92 : memref<632x48xf32, #tpu.memory_space<vmem_shared>>) dst(%dma_wait3A_90 : memref<632x48xf32, #tpu.memory_space<hbm>>)
      tpu.yield
    }) : () -> ()
    return
  }
}

#map = affine_map<(d0, d1) -> (0, 0)>
#map1 = affine_map<(d0, d1) -> (0, 0, 0)>
module attributes {stable_mosaic.version = 14 : i64} {
  func.func @seg_sum(%arg0: i32, %arg1: i32, %arg2: memref<10112x128xf32, #tpu.memory_space<hbm>>, %arg3: memref<2560x128xi32, #tpu.memory_space<hbm>>, %arg4: memref<2560x128xi32, #tpu.memory_space<hbm>>, %arg5: memref<2x10112x128xf32, #tpu.memory_space<hbm>>, %arg6: memref<128xi32, #tpu.memory_space<vmem>>, %arg7: memref<128xi32, #tpu.memory_space<vmem>>, %arg8: memref<128xi32, #tpu.memory_space<vmem>>, %arg9: memref<128xi32, #tpu.memory_space<vmem>>, %arg10: memref<128x128xf32, #tpu.memory_space<vmem>>, %arg11: memref<128x128xf32, #tpu.memory_space<vmem>>, %arg12: memref<10112x128xf32, #tpu.memory_space<vmem_shared>>, %arg13: memref<!tpu.dma_semaphore, #tpu.memory_space<semaphore_mem>>, %arg14: memref<!tpu.dma_semaphore, #tpu.memory_space<semaphore_mem>>, %arg15: memref<!tpu.dma_semaphore, #tpu.memory_space<semaphore_mem>>, %arg16: memref<!tpu.dma_semaphore, #tpu.memory_space<semaphore_mem>>, %arg17: memref<!tpu.dma_semaphore, #tpu.memory_space<semaphore_mem>>, %arg18: memref<!tpu.dma_semaphore, #tpu.memory_space<semaphore_mem>>, %arg19: memref<!tpu.dma_semaphore, #tpu.memory_space<semaphore_mem>>, %arg20: memref<!tpu.dma_semaphore, #tpu.memory_space<semaphore_mem>>, %arg21: memref<!tpu.dma_semaphore, #tpu.memory_space<semaphore_mem>>) attributes {dimension_semantics = [#tpu.dimension_semantics<core_parallel>, #tpu.dimension_semantics<subcore_parallel>], iteration_bounds = array<i64: 2, 16>, scalar_prefetch = 0 : i64, scratch_operands = 16 : i64, tpu.core_type = #tpu.core_type<sc_vector_subcore>, window_params = [{transform_indices = #map}, {transform_indices = #map}, {transform_indices = #map}, {transform_indices = #map1}]} {
    %mul3A = arith.constant 632 : i32
    %mul3A_0 = arith.muli %arg1, %mul3A : i32
    %broadcast_in_dim3A = arith.constant 0.000000e+00 : f32
    %broadcast_in_dim3A_1 = vector.broadcast %broadcast_in_dim3A : f32 to vector<16xf32>
    %scan3A = arith.constant 0 : i32
    %scan3A_2 = arith.constant 0 : i32
    %scan3A_3 = arith.constant 128 : i32
    %scan3A_4 = arith.addi %scan3A_2, %scan3A_3 : i32
    %scan3A_5 = arith.constant 1 : i32
    scf.for %scan3A_83 = %scan3A_2 to %scan3A_4 step %scan3A_5  : i32 {
      %swap3A = arith.index_cast %scan3A_83 : i32 to index
      %swap3A_84 = arith.constant 0 : index
      %swap3A_85 = tpu.vector_load %arg10[%swap3A, %swap3A_84] {strides = array<i32>} : memref<128x128xf32, #tpu.memory_space<vmem>>, vector<1x16xf32>,
      %swap3A_86 = vector.shape_cast %swap3A_85 : vector<1x16xf32> to vector<16xf32>
      %swap3A_87 = vector.shape_cast %broadcast_in_dim3A_1 : vector<16xf32> to vector<1x16xf32>
      tpu.vector_store %arg10[%swap3A, %swap3A_84], %swap3A_87 {strides = array<i32>} : memref<128x128xf32, #tpu.memory_space<vmem>>, vector<1x16xf32>,
      %swap3A_88 = arith.index_cast %scan3A_83 : i32 to index
      %swap3A_89 = arith.constant 16 : index
      %swap3A_90 = tpu.vector_load %arg10[%swap3A_88, %swap3A_89] {strides = array<i32>} : memref<128x128xf32, #tpu.memory_space<vmem>>, vector<1x16xf32>,
      %swap3A_91 = vector.shape_cast %swap3A_90 : vector<1x16xf32> to vector<16xf32>
      %swap3A_92 = vector.shape_cast %broadcast_in_dim3A_1 : vector<16xf32> to vector<1x16xf32>
      tpu.vector_store %arg10[%swap3A_88, %swap3A_89], %swap3A_92 {strides = array<i32>} : memref<128x128xf32, #tpu.memory_space<vmem>>, vector<1x16xf32>,
      %swap3A_93 = arith.index_cast %scan3A_83 : i32 to index
      %swap3A_94 = arith.constant 32 : index
      %swap3A_95 = tpu.vector_load %arg10[%swap3A_93, %swap3A_94] {strides = array<i32>} : memref<128x128xf32, #tpu.memory_space<vmem>>, vector<1x16xf32>,
      %swap3A_96 = vector.shape_cast %swap3A_95 : vector<1x16xf32> to vector<16xf32>
      %swap3A_97 = vector.shape_cast %broadcast_in_dim3A_1 : vector<16xf32> to vector<1x16xf32>
      tpu.vector_store %arg10[%swap3A_93, %swap3A_94], %swap3A_97 {strides = array<i32>} : memref<128x128xf32, #tpu.memory_space<vmem>>, vector<1x16xf32>,
      %swap3A_98 = arith.index_cast %scan3A_83 : i32 to index
      %swap3A_99 = arith.constant 48 : index
      %swap3A_100 = tpu.vector_load %arg10[%swap3A_98, %swap3A_99] {strides = array<i32>} : memref<128x128xf32, #tpu.memory_space<vmem>>, vector<1x16xf32>,
      %swap3A_101 = vector.shape_cast %swap3A_100 : vector<1x16xf32> to vector<16xf32>
      %swap3A_102 = vector.shape_cast %broadcast_in_dim3A_1 : vector<16xf32> to vector<1x16xf32>
      tpu.vector_store %arg10[%swap3A_98, %swap3A_99], %swap3A_102 {strides = array<i32>} : memref<128x128xf32, #tpu.memory_space<vmem>>, vector<1x16xf32>,
      %swap3A_103 = arith.index_cast %scan3A_83 : i32 to index
      %swap3A_104 = arith.constant 64 : index
      %swap3A_105 = tpu.vector_load %arg10[%swap3A_103, %swap3A_104] {strides = array<i32>} : memref<128x128xf32, #tpu.memory_space<vmem>>, vector<1x16xf32>,
      %swap3A_106 = vector.shape_cast %swap3A_105 : vector<1x16xf32> to vector<16xf32>
      %swap3A_107 = vector.shape_cast %broadcast_in_dim3A_1 : vector<16xf32> to vector<1x16xf32>
      tpu.vector_store %arg10[%swap3A_103, %swap3A_104], %swap3A_107 {strides = array<i32>} : memref<128x128xf32, #tpu.memory_space<vmem>>, vector<1x16xf32>,
      %swap3A_108 = arith.index_cast %scan3A_83 : i32 to index
      %swap3A_109 = arith.constant 80 : index
      %swap3A_110 = tpu.vector_load %arg10[%swap3A_108, %swap3A_109] {strides = array<i32>} : memref<128x128xf32, #tpu.memory_space<vmem>>, vector<1x16xf32>,
      %swap3A_111 = vector.shape_cast %swap3A_110 : vector<1x16xf32> to vector<16xf32>
      %swap3A_112 = vector.shape_cast %broadcast_in_dim3A_1 : vector<16xf32> to vector<1x16xf32>
      tpu.vector_store %arg10[%swap3A_108, %swap3A_109], %swap3A_112 {strides = array<i32>} : memref<128x128xf32, #tpu.memory_space<vmem>>, vector<1x16xf32>,
      %swap3A_113 = arith.index_cast %scan3A_83 : i32 to index
      %swap3A_114 = arith.constant 96 : index
      %swap3A_115 = tpu.vector_load %arg10[%swap3A_113, %swap3A_114] {strides = array<i32>} : memref<128x128xf32, #tpu.memory_space<vmem>>, vector<1x16xf32>,
      %swap3A_116 = vector.shape_cast %swap3A_115 : vector<1x16xf32> to vector<16xf32>
      %swap3A_117 = vector.shape_cast %broadcast_in_dim3A_1 : vector<16xf32> to vector<1x16xf32>
      tpu.vector_store %arg10[%swap3A_113, %swap3A_114], %swap3A_117 {strides = array<i32>} : memref<128x128xf32, #tpu.memory_space<vmem>>, vector<1x16xf32>,
      %swap3A_118 = arith.index_cast %scan3A_83 : i32 to index
      %swap3A_119 = arith.constant 112 : index
      %swap3A_120 = tpu.vector_load %arg10[%swap3A_118, %swap3A_119] {strides = array<i32>} : memref<128x128xf32, #tpu.memory_space<vmem>>, vector<1x16xf32>,
      %swap3A_121 = vector.shape_cast %swap3A_120 : vector<1x16xf32> to vector<16xf32>
      %swap3A_122 = vector.shape_cast %broadcast_in_dim3A_1 : vector<16xf32> to vector<1x16xf32>
      tpu.vector_store %arg10[%swap3A_118, %swap3A_119], %swap3A_122 {strides = array<i32>} : memref<128x128xf32, #tpu.memory_space<vmem>>, vector<1x16xf32>,
    }
    %scan3A_6 = arith.constant 128 : i32
    %add3A = arith.constant 0 : i32
    %add3A_7 = arith.addi %mul3A_0, %add3A : i32
    %dma_start3A = arith.constant 0 : i32
    %dma_start3A_8 = tpu.memref_slice %arg12[%add3A_7, %dma_start3A] : memref<10112x128xf32, #tpu.memory_space<vmem_shared>> -> memref<128x128xf32, #tpu.memory_space<vmem_shared>>
    %dma_start3A_9 = arith.constant 0 : i32
    %dma_start3A_10 = tpu.memref_slice %arg12[%add3A_7, %dma_start3A_9] : memref<10112x128xf32, #tpu.memory_space<vmem_shared>> -> memref<128x128xf32, #tpu.memory_space<vmem_shared>>
    tpu.enqueue_dma source(%arg10 : memref<128x128xf32, #tpu.memory_space<vmem>>) target(%dma_start3A_10 : memref<128x128xf32, #tpu.memory_space<vmem_shared>>) target_semaphore(%arg21 : memref<!tpu.dma_semaphore, #tpu.memory_space<semaphore_mem>>)
    %add3A_11 = arith.constant 128 : i32
    %add3A_12 = arith.addi %mul3A_0, %add3A_11 : i32
    %dma_start3A_13 = arith.constant 0 : i32
    %dma_start3A_14 = tpu.memref_slice %arg12[%add3A_12, %dma_start3A_13] : memref<10112x128xf32, #tpu.memory_space<vmem_shared>> -> memref<128x128xf32, #tpu.memory_space<vmem_shared>>
    %dma_start3A_15 = arith.constant 0 : i32
    %dma_start3A_16 = tpu.memref_slice %arg12[%add3A_12, %dma_start3A_15] : memref<10112x128xf32, #tpu.memory_space<vmem_shared>> -> memref<128x128xf32, #tpu.memory_space<vmem_shared>>
    tpu.enqueue_dma source(%arg10 : memref<128x128xf32, #tpu.memory_space<vmem>>) target(%dma_start3A_16 : memref<128x128xf32, #tpu.memory_space<vmem_shared>>) target_semaphore(%arg21 : memref<!tpu.dma_semaphore, #tpu.memory_space<semaphore_mem>>)
    %add3A_17 = arith.constant 256 : i32
    %add3A_18 = arith.addi %mul3A_0, %add3A_17 : i32
    %dma_start3A_19 = arith.constant 0 : i32
    %dma_start3A_20 = tpu.memref_slice %arg12[%add3A_18, %dma_start3A_19] : memref<10112x128xf32, #tpu.memory_space<vmem_shared>> -> memref<128x128xf32, #tpu.memory_space<vmem_shared>>
    %dma_start3A_21 = arith.constant 0 : i32
    %dma_start3A_22 = tpu.memref_slice %arg12[%add3A_18, %dma_start3A_21] : memref<10112x128xf32, #tpu.memory_space<vmem_shared>> -> memref<128x128xf32, #tpu.memory_space<vmem_shared>>
    tpu.enqueue_dma source(%arg10 : memref<128x128xf32, #tpu.memory_space<vmem>>) target(%dma_start3A_22 : memref<128x128xf32, #tpu.memory_space<vmem_shared>>) target_semaphore(%arg21 : memref<!tpu.dma_semaphore, #tpu.memory_space<semaphore_mem>>)
    %add3A_23 = arith.constant 384 : i32
    %add3A_24 = arith.addi %mul3A_0, %add3A_23 : i32
    %dma_start3A_25 = arith.constant 0 : i32
    %dma_start3A_26 = tpu.memref_slice %arg12[%add3A_24, %dma_start3A_25] : memref<10112x128xf32, #tpu.memory_space<vmem_shared>> -> memref<128x128xf32, #tpu.memory_space<vmem_shared>>
    %dma_start3A_27 = arith.constant 0 : i32
    %dma_start3A_28 = tpu.memref_slice %arg12[%add3A_24, %dma_start3A_27] : memref<10112x128xf32, #tpu.memory_space<vmem_shared>> -> memref<128x128xf32, #tpu.memory_space<vmem_shared>>
    tpu.enqueue_dma source(%arg10 : memref<128x128xf32, #tpu.memory_space<vmem>>) target(%dma_start3A_28 : memref<128x128xf32, #tpu.memory_space<vmem_shared>>) target_semaphore(%arg21 : memref<!tpu.dma_semaphore, #tpu.memory_space<semaphore_mem>>)
    %add3A_29 = arith.constant 512 : i32
    %add3A_30 = arith.addi %mul3A_0, %add3A_29 : i32
    %dma_start3A_31 = arith.constant 0 : i32
    %dma_start3A_32 = arith.constant 0 : i32
    %dma_start3A_33 = tpu.memref_slice %arg10[%dma_start3A_31, %dma_start3A_32] : memref<128x128xf32, #tpu.memory_space<vmem>> -> memref<120x128xf32, #tpu.memory_space<vmem>>
    %dma_start3A_34 = arith.constant 0 : i32
    %dma_start3A_35 = tpu.memref_slice %arg12[%add3A_30, %dma_start3A_34] : memref<10112x128xf32, #tpu.memory_space<vmem_shared>> -> memref<120x128xf32, #tpu.memory_space<vmem_shared>>
    %dma_start3A_36 = arith.constant 0 : i32
    %dma_start3A_37 = tpu.memref_slice %arg12[%add3A_30, %dma_start3A_36] : memref<10112x128xf32, #tpu.memory_space<vmem_shared>> -> memref<120x128xf32, #tpu.memory_space<vmem_shared>>
    %dma_start3A_38 = arith.constant 0 : i32
    %dma_start3A_39 = arith.constant 0 : i32
    %dma_start3A_40 = tpu.memref_slice %arg10[%dma_start3A_38, %dma_start3A_39] : memref<128x128xf32, #tpu.memory_space<vmem>> -> memref<120x128xf32, #tpu.memory_space<vmem>>
    tpu.enqueue_dma source(%dma_start3A_40 : memref<120x128xf32, #tpu.memory_space<vmem>>) target(%dma_start3A_37 : memref<120x128xf32, #tpu.memory_space<vmem_shared>>) target_semaphore(%arg21 : memref<!tpu.dma_semaphore, #tpu.memory_space<semaphore_mem>>)
    %add3A_41 = arith.constant 0 : i32
    %add3A_42 = arith.addi %mul3A_0, %add3A_41 : i32
    %dma_wait3A = arith.constant 0 : i32
    %dma_wait3A_43 = tpu.memref_slice %arg12[%add3A_42, %dma_wait3A] : memref<10112x128xf32, #tpu.memory_space<vmem_shared>> -> memref<128x128xf32, #tpu.memory_space<vmem_shared>>
    %dma_wait3A_44 = arith.constant 0 : i32
    %dma_wait3A_45 = tpu.memref_slice %arg12[%add3A_42, %dma_wait3A_44] : memref<10112x128xf32, #tpu.memory_space<vmem_shared>> -> memref<128x128xf32, #tpu.memory_space<vmem_shared>>
    tpu.wait_dma2 semaphore(%arg21 : memref<!tpu.dma_semaphore, #tpu.memory_space<semaphore_mem>>) src(%arg10 : memref<128x128xf32, #tpu.memory_space<vmem>>) dst(%dma_wait3A_45 : memref<128x128xf32, #tpu.memory_space<vmem_shared>>)
    %add3A_46 = arith.constant 128 : i32
    %add3A_47 = arith.addi %mul3A_0, %add3A_46 : i32
    %dma_wait3A_48 = arith.constant 0 : i32
    %dma_wait3A_49 = tpu.memref_slice %arg12[%add3A_47, %dma_wait3A_48] : memref<10112x128xf32, #tpu.memory_space<vmem_shared>> -> memref<128x128xf32, #tpu.memory_space<vmem_shared>>
    %dma_wait3A_50 = arith.constant 0 : i32
    %dma_wait3A_51 = tpu.memref_slice %arg12[%add3A_47, %dma_wait3A_50] : memref<10112x128xf32, #tpu.memory_space<vmem_shared>> -> memref<128x128xf32, #tpu.memory_space<vmem_shared>>
    tpu.wait_dma2 semaphore(%arg21 : memref<!tpu.dma_semaphore, #tpu.memory_space<semaphore_mem>>) src(%arg10 : memref<128x128xf32, #tpu.memory_space<vmem>>) dst(%dma_wait3A_51 : memref<128x128xf32, #tpu.memory_space<vmem_shared>>)
    %add3A_52 = arith.constant 256 : i32
    %add3A_53 = arith.addi %mul3A_0, %add3A_52 : i32
    %dma_wait3A_54 = arith.constant 0 : i32
    %dma_wait3A_55 = tpu.memref_slice %arg12[%add3A_53, %dma_wait3A_54] : memref<10112x128xf32, #tpu.memory_space<vmem_shared>> -> memref<128x128xf32, #tpu.memory_space<vmem_shared>>
    %dma_wait3A_56 = arith.constant 0 : i32
    %dma_wait3A_57 = tpu.memref_slice %arg12[%add3A_53, %dma_wait3A_56] : memref<10112x128xf32, #tpu.memory_space<vmem_shared>> -> memref<128x128xf32, #tpu.memory_space<vmem_shared>>
    tpu.wait_dma2 semaphore(%arg21 : memref<!tpu.dma_semaphore, #tpu.memory_space<semaphore_mem>>) src(%arg10 : memref<128x128xf32, #tpu.memory_space<vmem>>) dst(%dma_wait3A_57 : memref<128x128xf32, #tpu.memory_space<vmem_shared>>)
    %add3A_58 = arith.constant 384 : i32
    %add3A_59 = arith.addi %mul3A_0, %add3A_58 : i32
    %dma_wait3A_60 = arith.constant 0 : i32
    %dma_wait3A_61 = tpu.memref_slice %arg12[%add3A_59, %dma_wait3A_60] : memref<10112x128xf32, #tpu.memory_space<vmem_shared>> -> memref<128x128xf32, #tpu.memory_space<vmem_shared>>
    %dma_wait3A_62 = arith.constant 0 : i32
    %dma_wait3A_63 = tpu.memref_slice %arg12[%add3A_59, %dma_wait3A_62] : memref<10112x128xf32, #tpu.memory_space<vmem_shared>> -> memref<128x128xf32, #tpu.memory_space<vmem_shared>>
    tpu.wait_dma2 semaphore(%arg21 : memref<!tpu.dma_semaphore, #tpu.memory_space<semaphore_mem>>) src(%arg10 : memref<128x128xf32, #tpu.memory_space<vmem>>) dst(%dma_wait3A_63 : memref<128x128xf32, #tpu.memory_space<vmem_shared>>)
    %add3A_64 = arith.constant 512 : i32
    %add3A_65 = arith.addi %mul3A_0, %add3A_64 : i32
    %dma_wait3A_66 = arith.constant 0 : i32
    %dma_wait3A_67 = arith.constant 0 : i32
    %dma_wait3A_68 = tpu.memref_slice %arg10[%dma_wait3A_66, %dma_wait3A_67] : memref<128x128xf32, #tpu.memory_space<vmem>> -> memref<120x128xf32, #tpu.memory_space<vmem>>
    %dma_wait3A_69 = arith.constant 0 : i32
    %dma_wait3A_70 = tpu.memref_slice %arg12[%add3A_65, %dma_wait3A_69] : memref<10112x128xf32, #tpu.memory_space<vmem_shared>> -> memref<120x128xf32, #tpu.memory_space<vmem_shared>>
    %dma_wait3A_71 = arith.constant 0 : i32
    %dma_wait3A_72 = tpu.memref_slice %arg12[%add3A_65, %dma_wait3A_71] : memref<10112x128xf32, #tpu.memory_space<vmem_shared>> -> memref<120x128xf32, #tpu.memory_space<vmem_shared>>
    %dma_wait3A_73 = arith.constant 0 : i32
    %dma_wait3A_74 = arith.constant 0 : i32
    %dma_wait3A_75 = tpu.memref_slice %arg10[%dma_wait3A_73, %dma_wait3A_74] : memref<128x128xf32, #tpu.memory_space<vmem>> -> memref<120x128xf32, #tpu.memory_space<vmem>>
    tpu.wait_dma2 semaphore(%arg21 : memref<!tpu.dma_semaphore, #tpu.memory_space<semaphore_mem>>) src(%dma_wait3A_75 : memref<120x128xf32, #tpu.memory_space<vmem>>) dst(%dma_wait3A_72 : memref<120x128xf32, #tpu.memory_space<vmem_shared>>)
    %eq3A = arith.constant 0 : i32
    %eq3A_76 = arith.cmpi eq, %arg0, %eq3A : i32
    %convert_element_type3A = arith.extui %eq3A_76 : i1 to i32
    %cond3A = arith.constant 0 : i32
    %cond3A_77 = arith.cmpi ne, %convert_element_type3A, %cond3A : i32
    scf.if %cond3A_77 {
      %mul3A_83 = arith.constant 144 : i32
      %mul3A_84 = arith.muli %arg1, %mul3A_83 : i32
      %dma_start3A_85 = arith.constant 0 : i32
      %dma_start3A_86 = tpu.memref_slice %arg3[%mul3A_84, %dma_start3A_85] : memref<2560x128xi32, #tpu.memory_space<hbm>> -> memref<1x128xi32, #tpu.memory_space<hbm>>
      %dma_start3A_87 = tpu.memref_squeeze %dma_start3A_86 : memref<1x128xi32, #tpu.memory_space<hbm>> -> memref<128xi32, #tpu.memory_space<hbm>>
      %dma_start3A_88 = arith.constant 0 : i32
      %dma_start3A_89 = tpu.memref_slice %arg3[%mul3A_84, %dma_start3A_88] : memref<2560x128xi32, #tpu.memory_space<hbm>> -> memref<1x128xi32, #tpu.memory_space<hbm>>
      %dma_start3A_90 = tpu.memref_squeeze %dma_start3A_89 : memref<1x128xi32, #tpu.memory_space<hbm>> -> memref<128xi32, #tpu.memory_space<hbm>>
      tpu.enqueue_dma source(%dma_start3A_90 : memref<128xi32, #tpu.memory_space<hbm>>) target(%arg6 : memref<128xi32, #tpu.memory_space<vmem>>) target_semaphore(%arg13 : memref<!tpu.dma_semaphore, #tpu.memory_space<semaphore_mem>>)
      %add3A_91 = arith.constant 1 : i32
      %add3A_92 = arith.addi %mul3A_84, %add3A_91 : i32
      %dma_start3A_93 = arith.constant 0 : i32
      %dma_start3A_94 = tpu.memref_slice %arg3[%add3A_92, %dma_start3A_93] : memref<2560x128xi32, #tpu.memory_space<hbm>> -> memref<1x128xi32, #tpu.memory_space<hbm>>
      %dma_start3A_95 = tpu.memref_squeeze %dma_start3A_94 : memref<1x128xi32, #tpu.memory_space<hbm>> -> memref<128xi32, #tpu.memory_space<hbm>>
      %dma_start3A_96 = arith.constant 0 : i32
      %dma_start3A_97 = tpu.memref_slice %arg3[%add3A_92, %dma_start3A_96] : memref<2560x128xi32, #tpu.memory_space<hbm>> -> memref<1x128xi32, #tpu.memory_space<hbm>>
      %dma_start3A_98 = tpu.memref_squeeze %dma_start3A_97 : memref<1x128xi32, #tpu.memory_space<hbm>> -> memref<128xi32, #tpu.memory_space<hbm>>
      tpu.enqueue_dma source(%dma_start3A_98 : memref<128xi32, #tpu.memory_space<hbm>>) target(%arg7 : memref<128xi32, #tpu.memory_space<vmem>>) target_semaphore(%arg14 : memref<!tpu.dma_semaphore, #tpu.memory_space<semaphore_mem>>)
      %dma_start3A_99 = arith.constant 0 : i32
      %dma_start3A_100 = tpu.memref_slice %arg4[%mul3A_84, %dma_start3A_99] : memref<2560x128xi32, #tpu.memory_space<hbm>> -> memref<1x128xi32, #tpu.memory_space<hbm>>
      %dma_start3A_101 = tpu.memref_squeeze %dma_start3A_100 : memref<1x128xi32, #tpu.memory_space<hbm>> -> memref<128xi32, #tpu.memory_space<hbm>>
      %dma_start3A_102 = arith.constant 0 : i32
      %dma_start3A_103 = tpu.memref_slice %arg4[%mul3A_84, %dma_start3A_102] : memref<2560x128xi32, #tpu.memory_space<hbm>> -> memref<1x128xi32, #tpu.memory_space<hbm>>
      %dma_start3A_104 = tpu.memref_squeeze %dma_start3A_103 : memref<1x128xi32, #tpu.memory_space<hbm>> -> memref<128xi32, #tpu.memory_space<hbm>>
      tpu.enqueue_dma source(%dma_start3A_104 : memref<128xi32, #tpu.memory_space<hbm>>) target(%arg8 : memref<128xi32, #tpu.memory_space<vmem>>) target_semaphore(%arg15 : memref<!tpu.dma_semaphore, #tpu.memory_space<semaphore_mem>>)
      %add3A_105 = arith.constant 1 : i32
      %add3A_106 = arith.addi %mul3A_84, %add3A_105 : i32
      %dma_start3A_107 = arith.constant 0 : i32
      %dma_start3A_108 = tpu.memref_slice %arg4[%add3A_106, %dma_start3A_107] : memref<2560x128xi32, #tpu.memory_space<hbm>> -> memref<1x128xi32, #tpu.memory_space<hbm>>
      %dma_start3A_109 = tpu.memref_squeeze %dma_start3A_108 : memref<1x128xi32, #tpu.memory_space<hbm>> -> memref<128xi32, #tpu.memory_space<hbm>>
      %dma_start3A_110 = arith.constant 0 : i32
      %dma_start3A_111 = tpu.memref_slice %arg4[%add3A_106, %dma_start3A_110] : memref<2560x128xi32, #tpu.memory_space<hbm>> -> memref<1x128xi32, #tpu.memory_space<hbm>>
      %dma_start3A_112 = tpu.memref_squeeze %dma_start3A_111 : memref<1x128xi32, #tpu.memory_space<hbm>> -> memref<128xi32, #tpu.memory_space<hbm>>
      tpu.enqueue_dma source(%dma_start3A_112 : memref<128xi32, #tpu.memory_space<hbm>>) target(%arg9 : memref<128xi32, #tpu.memory_space<vmem>>) target_semaphore(%arg16 : memref<!tpu.dma_semaphore, #tpu.memory_space<semaphore_mem>>)
      %barrier3A = arith.constant 0 : index
      tpu.barrier barrier_id(%barrier3A)
      %dma_wait3A_113 = arith.constant 0 : i32
      %dma_wait3A_114 = tpu.memref_slice %arg3[%mul3A_84, %dma_wait3A_113] : memref<2560x128xi32, #tpu.memory_space<hbm>> -> memref<1x128xi32, #tpu.memory_space<hbm>>
      %dma_wait3A_115 = tpu.memref_squeeze %dma_wait3A_114 : memref<1x128xi32, #tpu.memory_space<hbm>> -> memref<128xi32, #tpu.memory_space<hbm>>
      %dma_wait3A_116 = arith.constant 0 : i32
      %dma_wait3A_117 = tpu.memref_slice %arg3[%mul3A_84, %dma_wait3A_116] : memref<2560x128xi32, #tpu.memory_space<hbm>> -> memref<1x128xi32, #tpu.memory_space<hbm>>
      %dma_wait3A_118 = tpu.memref_squeeze %dma_wait3A_117 : memref<1x128xi32, #tpu.memory_space<hbm>> -> memref<128xi32, #tpu.memory_space<hbm>>
      tpu.wait_dma2 semaphore(%arg13 : memref<!tpu.dma_semaphore, #tpu.memory_space<semaphore_mem>>) src(%dma_wait3A_118 : memref<128xi32, #tpu.memory_space<hbm>>) dst(%arg6 : memref<128xi32, #tpu.memory_space<vmem>>)
      %dma_start3A_119 = arith.constant 0 : i32
      %dma_start3A_120 = arith.constant 0 : i32
      %dma_start3A_121 = tpu.memref_slice %arg2[%dma_start3A_119, %dma_start3A_120] : memref<10112x128xf32, #tpu.memory_space<hbm>> -> memref<10112x128xf32, #tpu.memory_space<hbm>>
      tpu.enqueue_indirect_dma source(%dma_start3A_121 : memref<10112x128xf32, #tpu.memory_space<hbm>>) target(%arg10 : memref<128x128xf32, #tpu.memory_space<vmem>>) offsets(%arg6 : memref<128xi32, #tpu.memory_space<vmem>>) semaphore(%arg17 : memref<!tpu.dma_semaphore, #tpu.memory_space<semaphore_mem>>)
      %add3A_122 = arith.constant 1 : i32
      %add3A_123 = arith.addi %mul3A_84, %add3A_122 : i32
      %dma_wait3A_124 = arith.constant 0 : i32
      %dma_wait3A_125 = tpu.memref_slice %arg3[%add3A_123, %dma_wait3A_124] : memref<2560x128xi32, #tpu.memory_space<hbm>> -> memref<1x128xi32, #tpu.memory_space<hbm>>
      %dma_wait3A_126 = tpu.memref_squeeze %dma_wait3A_125 : memref<1x128xi32, #tpu.memory_space<hbm>> -> memref<128xi32, #tpu.memory_space<hbm>>
      %dma_wait3A_127 = arith.constant 0 : i32
      %dma_wait3A_128 = tpu.memref_slice %arg3[%add3A_123, %dma_wait3A_127] : memref<2560x128xi32, #tpu.memory_space<hbm>> -> memref<1x128xi32, #tpu.memory_space<hbm>>
      %dma_wait3A_129 = tpu.memref_squeeze %dma_wait3A_128 : memref<1x128xi32, #tpu.memory_space<hbm>> -> memref<128xi32, #tpu.memory_space<hbm>>
      tpu.wait_dma2 semaphore(%arg14 : memref<!tpu.dma_semaphore, #tpu.memory_space<semaphore_mem>>) src(%dma_wait3A_129 : memref<128xi32, #tpu.memory_space<hbm>>) dst(%arg7 : memref<128xi32, #tpu.memory_space<vmem>>)
      %dma_start3A_130 = arith.constant 0 : i32
      %dma_start3A_131 = arith.constant 0 : i32
      %dma_start3A_132 = tpu.memref_slice %arg2[%dma_start3A_130, %dma_start3A_131] : memref<10112x128xf32, #tpu.memory_space<hbm>> -> memref<10112x128xf32, #tpu.memory_space<hbm>>
      tpu.enqueue_indirect_dma source(%dma_start3A_132 : memref<10112x128xf32, #tpu.memory_space<hbm>>) target(%arg11 : memref<128x128xf32, #tpu.memory_space<vmem>>) offsets(%arg7 : memref<128xi32, #tpu.memory_space<vmem>>) semaphore(%arg18 : memref<!tpu.dma_semaphore, #tpu.memory_space<semaphore_mem>>)
      %scan3A_133 = arith.constant 0 : i32
      %scan3A_134 = arith.constant 0 : i32
      %scan3A_135 = arith.constant 71 : i32
      %scan3A_136 = arith.addi %scan3A_134, %scan3A_135 : i32
      %scan3A_137 = arith.constant 1 : i32
      scf.for %scan3A_175 = %scan3A_134 to %scan3A_136 step %scan3A_137  : i32 {
        %mul3A_176 = arith.constant 2 : i32
        %mul3A_177 = arith.muli %mul3A_176, %scan3A_175 : i32
        %dma_wait3A_178 = arith.constant 0 : i32
        %dma_wait3A_179 = arith.constant 0 : i32
        %dma_wait3A_180 = tpu.memref_slice %arg2[%dma_wait3A_178, %dma_wait3A_179] : memref<10112x128xf32, #tpu.memory_space<hbm>> -> memref<10112x128xf32, #tpu.memory_space<hbm>>
        tpu.wait_indirect_dma semaphore(%arg17 : memref<!tpu.dma_semaphore, #tpu.memory_space<semaphore_mem>>) src(%dma_wait3A_180 : memref<10112x128xf32, #tpu.memory_space<hbm>>) dst(%arg10 : memref<128x128xf32, #tpu.memory_space<vmem>>)
        %add3A_181 = arith.addi %mul3A_84, %mul3A_177 : i32
        %add3A_182 = arith.constant 2 : i32
        %add3A_183 = arith.addi %add3A_181, %add3A_182 : i32
        %dma_start3A_184 = arith.constant 0 : i32
        %dma_start3A_185 = tpu.memref_slice %arg3[%add3A_183, %dma_start3A_184] : memref<2560x128xi32, #tpu.memory_space<hbm>> -> memref<1x128xi32, #tpu.memory_space<hbm>>
        %dma_start3A_186 = tpu.memref_squeeze %dma_start3A_185 : memref<1x128xi32, #tpu.memory_space<hbm>> -> memref<128xi32, #tpu.memory_space<hbm>>
        %dma_start3A_187 = arith.constant 0 : i32
        %dma_start3A_188 = tpu.memref_slice %arg3[%add3A_183, %dma_start3A_187] : memref<2560x128xi32, #tpu.memory_space<hbm>> -> memref<1x128xi32, #tpu.memory_space<hbm>>
        %dma_start3A_189 = tpu.memref_squeeze %dma_start3A_188 : memref<1x128xi32, #tpu.memory_space<hbm>> -> memref<128xi32, #tpu.memory_space<hbm>>
        tpu.enqueue_dma source(%dma_start3A_189 : memref<128xi32, #tpu.memory_space<hbm>>) target(%arg6 : memref<128xi32, #tpu.memory_space<vmem>>) target_semaphore(%arg13 : memref<!tpu.dma_semaphore, #tpu.memory_space<semaphore_mem>>)
        %add3A_190 = arith.addi %mul3A_84, %mul3A_177 : i32
        %dma_wait3A_191 = arith.constant 0 : i32
        %dma_wait3A_192 = tpu.memref_slice %arg4[%add3A_190, %dma_wait3A_191] : memref<2560x128xi32, #tpu.memory_space<hbm>> -> memref<1x128xi32, #tpu.memory_space<hbm>>
        %dma_wait3A_193 = tpu.memref_squeeze %dma_wait3A_192 : memref<1x128xi32, #tpu.memory_space<hbm>> -> memref<128xi32, #tpu.memory_space<hbm>>
        %dma_wait3A_194 = arith.constant 0 : i32
        %dma_wait3A_195 = tpu.memref_slice %arg4[%add3A_190, %dma_wait3A_194] : memref<2560x128xi32, #tpu.memory_space<hbm>> -> memref<1x128xi32, #tpu.memory_space<hbm>>
        %dma_wait3A_196 = tpu.memref_squeeze %dma_wait3A_195 : memref<1x128xi32, #tpu.memory_space<hbm>> -> memref<128xi32, #tpu.memory_space<hbm>>
        tpu.wait_dma2 semaphore(%arg15 : memref<!tpu.dma_semaphore, #tpu.memory_space<semaphore_mem>>) src(%dma_wait3A_196 : memref<128xi32, #tpu.memory_space<hbm>>) dst(%arg8 : memref<128xi32, #tpu.memory_space<vmem>>)
        %dma_start3A_197 = arith.constant 0 : i32
        %dma_start3A_198 = arith.constant 0 : i32
        %dma_start3A_199 = tpu.memref_slice %arg12[%dma_start3A_197, %dma_start3A_198] : memref<10112x128xf32, #tpu.memory_space<vmem_shared>> -> memref<10112x128xf32, #tpu.memory_space<vmem_shared>>
        tpu.enqueue_indirect_dma source(%arg10 : memref<128x128xf32, #tpu.memory_space<vmem>>) target(%dma_start3A_199 : memref<10112x128xf32, #tpu.memory_space<vmem_shared>>) offsets(%arg8 : memref<128xi32, #tpu.memory_space<vmem>>) semaphore(%arg19 : memref<!tpu.dma_semaphore, #tpu.memory_space<semaphore_mem>>) {add = true}
        %dma_wait3A_200 = arith.constant 0 : i32
        %dma_wait3A_201 = arith.constant 0 : i32
        %dma_wait3A_202 = tpu.memref_slice %arg2[%dma_wait3A_200, %dma_wait3A_201] : memref<10112x128xf32, #tpu.memory_space<hbm>> -> memref<10112x128xf32, #tpu.memory_space<hbm>>
        tpu.wait_indirect_dma semaphore(%arg18 : memref<!tpu.dma_semaphore, #tpu.memory_space<semaphore_mem>>) src(%dma_wait3A_202 : memref<10112x128xf32, #tpu.memory_space<hbm>>) dst(%arg11 : memref<128x128xf32, #tpu.memory_space<vmem>>)
        %add3A_203 = arith.addi %mul3A_84, %mul3A_177 : i32
        %add3A_204 = arith.constant 3 : i32
        %add3A_205 = arith.addi %add3A_203, %add3A_204 : i32
        %dma_start3A_206 = arith.constant 0 : i32
        %dma_start3A_207 = tpu.memref_slice %arg3[%add3A_205, %dma_start3A_206] : memref<2560x128xi32, #tpu.memory_space<hbm>> -> memref<1x128xi32, #tpu.memory_space<hbm>>
        %dma_start3A_208 = tpu.memref_squeeze %dma_start3A_207 : memref<1x128xi32, #tpu.memory_space<hbm>> -> memref<128xi32, #tpu.memory_space<hbm>>
        %dma_start3A_209 = arith.constant 0 : i32
        %dma_start3A_210 = tpu.memref_slice %arg3[%add3A_205, %dma_start3A_209] : memref<2560x128xi32, #tpu.memory_space<hbm>> -> memref<1x128xi32, #tpu.memory_space<hbm>>
        %dma_start3A_211 = tpu.memref_squeeze %dma_start3A_210 : memref<1x128xi32, #tpu.memory_space<hbm>> -> memref<128xi32, #tpu.memory_space<hbm>>
        tpu.enqueue_dma source(%dma_start3A_211 : memref<128xi32, #tpu.memory_space<hbm>>) target(%arg7 : memref<128xi32, #tpu.memory_space<vmem>>) target_semaphore(%arg14 : memref<!tpu.dma_semaphore, #tpu.memory_space<semaphore_mem>>)
        %add3A_212 = arith.addi %mul3A_84, %mul3A_177 : i32
        %add3A_213 = arith.constant 1 : i32
        %add3A_214 = arith.addi %add3A_212, %add3A_213 : i32
        %dma_wait3A_215 = arith.constant 0 : i32
        %dma_wait3A_216 = tpu.memref_slice %arg4[%add3A_214, %dma_wait3A_215] : memref<2560x128xi32, #tpu.memory_space<hbm>> -> memref<1x128xi32, #tpu.memory_space<hbm>>
        %dma_wait3A_217 = tpu.memref_squeeze %dma_wait3A_216 : memref<1x128xi32, #tpu.memory_space<hbm>> -> memref<128xi32, #tpu.memory_space<hbm>>
        %dma_wait3A_218 = arith.constant 0 : i32
        %dma_wait3A_219 = tpu.memref_slice %arg4[%add3A_214, %dma_wait3A_218] : memref<2560x128xi32, #tpu.memory_space<hbm>> -> memref<1x128xi32, #tpu.memory_space<hbm>>
        %dma_wait3A_220 = tpu.memref_squeeze %dma_wait3A_219 : memref<1x128xi32, #tpu.memory_space<hbm>> -> memref<128xi32, #tpu.memory_space<hbm>>
        tpu.wait_dma2 semaphore(%arg16 : memref<!tpu.dma_semaphore, #tpu.memory_space<semaphore_mem>>) src(%dma_wait3A_220 : memref<128xi32, #tpu.memory_space<hbm>>) dst(%arg9 : memref<128xi32, #tpu.memory_space<vmem>>)
        %dma_start3A_221 = arith.constant 0 : i32
        %dma_start3A_222 = arith.constant 0 : i32
        %dma_start3A_223 = tpu.memref_slice %arg12[%dma_start3A_221, %dma_start3A_222] : memref<10112x128xf32, #tpu.memory_space<vmem_shared>> -> memref<10112x128xf32, #tpu.memory_space<vmem_shared>>
        tpu.enqueue_indirect_dma source(%arg11 : memref<128x128xf32, #tpu.memory_space<vmem>>) target(%dma_start3A_223 : memref<10112x128xf32, #tpu.memory_space<vmem_shared>>) offsets(%arg9 : memref<128xi32, #tpu.memory_space<vmem>>) semaphore(%arg20 : memref<!tpu.dma_semaphore, #tpu.memory_space<semaphore_mem>>) {add = true}
        %dma_wait3A_224 = arith.constant 0 : i32
        %dma_wait3A_225 = arith.constant 0 : i32
        %dma_wait3A_226 = tpu.memref_slice %arg12[%dma_wait3A_224, %dma_wait3A_225] : memref<10112x128xf32, #tpu.memory_space<vmem_shared>> -> memref<10112x128xf32, #tpu.memory_space<vmem_shared>>
        tpu.wait_indirect_dma semaphore(%arg19 : memref<!tpu.dma_semaphore, #tpu.memory_space<semaphore_mem>>) src(%arg10 : memref<128x128xf32, #tpu.memory_space<vmem>>) dst(%dma_wait3A_226 : memref<10112x128xf32, #tpu.memory_space<vmem_shared>>)
        %add3A_227 = arith.addi %mul3A_84, %mul3A_177 : i32
        %add3A_228 = arith.constant 2 : i32
        %add3A_229 = arith.addi %add3A_227, %add3A_228 : i32
        %dma_start3A_230 = arith.constant 0 : i32
        %dma_start3A_231 = tpu.memref_slice %arg4[%add3A_229, %dma_start3A_230] : memref<2560x128xi32, #tpu.memory_space<hbm>> -> memref<1x128xi32, #tpu.memory_space<hbm>>
        %dma_start3A_232 = tpu.memref_squeeze %dma_start3A_231 : memref<1x128xi32, #tpu.memory_space<hbm>> -> memref<128xi32, #tpu.memory_space<hbm>>
        %dma_start3A_233 = arith.constant 0 : i32
        %dma_start3A_234 = tpu.memref_slice %arg4[%add3A_229, %dma_start3A_233] : memref<2560x128xi32, #tpu.memory_space<hbm>> -> memref<1x128xi32, #tpu.memory_space<hbm>>
        %dma_start3A_235 = tpu.memref_squeeze %dma_start3A_234 : memref<1x128xi32, #tpu.memory_space<hbm>> -> memref<128xi32, #tpu.memory_space<hbm>>
        tpu.enqueue_dma source(%dma_start3A_235 : memref<128xi32, #tpu.memory_space<hbm>>) target(%arg8 : memref<128xi32, #tpu.memory_space<vmem>>) target_semaphore(%arg15 : memref<!tpu.dma_semaphore, #tpu.memory_space<semaphore_mem>>)
        %add3A_236 = arith.addi %mul3A_84, %mul3A_177 : i32
        %add3A_237 = arith.constant 2 : i32
        %add3A_238 = arith.addi %add3A_236, %add3A_237 : i32
        %dma_wait3A_239 = arith.constant 0 : i32
        %dma_wait3A_240 = tpu.memref_slice %arg3[%add3A_238, %dma_wait3A_239] : memref<2560x128xi32, #tpu.memory_space<hbm>> -> memref<1x128xi32, #tpu.memory_space<hbm>>
        %dma_wait3A_241 = tpu.memref_squeeze %dma_wait3A_240 : memref<1x128xi32, #tpu.memory_space<hbm>> -> memref<128xi32, #tpu.memory_space<hbm>>
        %dma_wait3A_242 = arith.constant 0 : i32
        %dma_wait3A_243 = tpu.memref_slice %arg3[%add3A_238, %dma_wait3A_242] : memref<2560x128xi32, #tpu.memory_space<hbm>> -> memref<1x128xi32, #tpu.memory_space<hbm>>
        %dma_wait3A_244 = tpu.memref_squeeze %dma_wait3A_243 : memref<1x128xi32, #tpu.memory_space<hbm>> -> memref<128xi32, #tpu.memory_space<hbm>>
        tpu.wait_dma2 semaphore(%arg13 : memref<!tpu.dma_semaphore, #tpu.memory_space<semaphore_mem>>) src(%dma_wait3A_244 : memref<128xi32, #tpu.memory_space<hbm>>) dst(%arg6 : memref<128xi32, #tpu.memory_space<vmem>>)
        %dma_start3A_245 = arith.constant 0 : i32
        %dma_start3A_246 = arith.constant 0 : i32
        %dma_start3A_247 = tpu.memref_slice %arg2[%dma_start3A_245, %dma_start3A_246] : memref<10112x128xf32, #tpu.memory_space<hbm>> -> memref<10112x128xf32, #tpu.memory_space<hbm>>
        tpu.enqueue_indirect_dma source(%dma_start3A_247 : memref<10112x128xf32, #tpu.memory_space<hbm>>) target(%arg10 : memref<128x128xf32, #tpu.memory_space<vmem>>) offsets(%arg6 : memref<128xi32, #tpu.memory_space<vmem>>) semaphore(%arg17 : memref<!tpu.dma_semaphore, #tpu.memory_space<semaphore_mem>>)
        %dma_wait3A_248 = arith.constant 0 : i32
        %dma_wait3A_249 = arith.constant 0 : i32
        %dma_wait3A_250 = tpu.memref_slice %arg12[%dma_wait3A_248, %dma_wait3A_249] : memref<10112x128xf32, #tpu.memory_space<vmem_shared>> -> memref<10112x128xf32, #tpu.memory_space<vmem_shared>>
        tpu.wait_indirect_dma semaphore(%arg20 : memref<!tpu.dma_semaphore, #tpu.memory_space<semaphore_mem>>) src(%arg11 : memref<128x128xf32, #tpu.memory_space<vmem>>) dst(%dma_wait3A_250 : memref<10112x128xf32, #tpu.memory_space<vmem_shared>>)
        %add3A_251 = arith.addi %mul3A_84, %mul3A_177 : i32
        %add3A_252 = arith.constant 3 : i32
        %add3A_253 = arith.addi %add3A_251, %add3A_252 : i32
        %dma_start3A_254 = arith.constant 0 : i32
        %dma_start3A_255 = tpu.memref_slice %arg4[%add3A_253, %dma_start3A_254] : memref<2560x128xi32, #tpu.memory_space<hbm>> -> memref<1x128xi32, #tpu.memory_space<hbm>>
        %dma_start3A_256 = tpu.memref_squeeze %dma_start3A_255 : memref<1x128xi32, #tpu.memory_space<hbm>> -> memref<128xi32, #tpu.memory_space<hbm>>
        %dma_start3A_257 = arith.constant 0 : i32
        %dma_start3A_258 = tpu.memref_slice %arg4[%add3A_253, %dma_start3A_257] : memref<2560x128xi32, #tpu.memory_space<hbm>> -> memref<1x128xi32, #tpu.memory_space<hbm>>
        %dma_start3A_259 = tpu.memref_squeeze %dma_start3A_258 : memref<1x128xi32, #tpu.memory_space<hbm>> -> memref<128xi32, #tpu.memory_space<hbm>>
        tpu.enqueue_dma source(%dma_start3A_259 : memref<128xi32, #tpu.memory_space<hbm>>) target(%arg9 : memref<128xi32, #tpu.memory_space<vmem>>) target_semaphore(%arg16 : memref<!tpu.dma_semaphore, #tpu.memory_space<semaphore_mem>>)
        %add3A_260 = arith.addi %mul3A_84, %mul3A_177 : i32
        %add3A_261 = arith.constant 3 : i32
        %add3A_262 = arith.addi %add3A_260, %add3A_261 : i32
        %dma_wait3A_263 = arith.constant 0 : i32
        %dma_wait3A_264 = tpu.memref_slice %arg3[%add3A_262, %dma_wait3A_263] : memref<2560x128xi32, #tpu.memory_space<hbm>> -> memref<1x128xi32, #tpu.memory_space<hbm>>
        %dma_wait3A_265 = tpu.memref_squeeze %dma_wait3A_264 : memref<1x128xi32, #tpu.memory_space<hbm>> -> memref<128xi32, #tpu.memory_space<hbm>>
        %dma_wait3A_266 = arith.constant 0 : i32
        %dma_wait3A_267 = tpu.memref_slice %arg3[%add3A_262, %dma_wait3A_266] : memref<2560x128xi32, #tpu.memory_space<hbm>> -> memref<1x128xi32, #tpu.memory_space<hbm>>
        %dma_wait3A_268 = tpu.memref_squeeze %dma_wait3A_267 : memref<1x128xi32, #tpu.memory_space<hbm>> -> memref<128xi32, #tpu.memory_space<hbm>>
        tpu.wait_dma2 semaphore(%arg14 : memref<!tpu.dma_semaphore, #tpu.memory_space<semaphore_mem>>) src(%dma_wait3A_268 : memref<128xi32, #tpu.memory_space<hbm>>) dst(%arg7 : memref<128xi32, #tpu.memory_space<vmem>>)
        %dma_start3A_269 = arith.constant 0 : i32
        %dma_start3A_270 = arith.constant 0 : i32
        %dma_start3A_271 = tpu.memref_slice %arg2[%dma_start3A_269, %dma_start3A_270] : memref<10112x128xf32, #tpu.memory_space<hbm>> -> memref<10112x128xf32, #tpu.memory_space<hbm>>
        tpu.enqueue_indirect_dma source(%dma_start3A_271 : memref<10112x128xf32, #tpu.memory_space<hbm>>) target(%arg11 : memref<128x128xf32, #tpu.memory_space<vmem>>) offsets(%arg7 : memref<128xi32, #tpu.memory_space<vmem>>) semaphore(%arg18 : memref<!tpu.dma_semaphore, #tpu.memory_space<semaphore_mem>>)
      }
      %scan3A_138 = arith.constant 71 : i32
      %add3A_139 = arith.constant 144 : i32
      %add3A_140 = arith.addi %mul3A_84, %add3A_139 : i32
      %sub3A = arith.constant 2 : i32
      %sub3A_141 = arith.subi %add3A_140, %sub3A : i32
      %dma_wait3A_142 = arith.constant 0 : i32
      %dma_wait3A_143 = arith.constant 0 : i32
      %dma_wait3A_144 = tpu.memref_slice %arg2[%dma_wait3A_142, %dma_wait3A_143] : memref<10112x128xf32, #tpu.memory_space<hbm>> -> memref<10112x128xf32, #tpu.memory_space<hbm>>
      tpu.wait_indirect_dma semaphore(%arg17 : memref<!tpu.dma_semaphore, #tpu.memory_space<semaphore_mem>>) src(%dma_wait3A_144 : memref<10112x128xf32, #tpu.memory_space<hbm>>) dst(%arg10 : memref<128x128xf32, #tpu.memory_space<vmem>>)
      %dma_wait3A_145 = arith.constant 0 : i32
      %dma_wait3A_146 = tpu.memref_slice %arg4[%sub3A_141, %dma_wait3A_145] : memref<2560x128xi32, #tpu.memory_space<hbm>> -> memref<1x128xi32, #tpu.memory_space<hbm>>
      %dma_wait3A_147 = tpu.memref_squeeze %dma_wait3A_146 : memref<1x128xi32, #tpu.memory_space<hbm>> -> memref<128xi32, #tpu.memory_space<hbm>>
      %dma_wait3A_148 = arith.constant 0 : i32
      %dma_wait3A_149 = tpu.memref_slice %arg4[%sub3A_141, %dma_wait3A_148] : memref<2560x128xi32, #tpu.memory_space<hbm>> -> memref<1x128xi32, #tpu.memory_space<hbm>>
      %dma_wait3A_150 = tpu.memref_squeeze %dma_wait3A_149 : memref<1x128xi32, #tpu.memory_space<hbm>> -> memref<128xi32, #tpu.memory_space<hbm>>
      tpu.wait_dma2 semaphore(%arg15 : memref<!tpu.dma_semaphore, #tpu.memory_space<semaphore_mem>>) src(%dma_wait3A_150 : memref<128xi32, #tpu.memory_space<hbm>>) dst(%arg8 : memref<128xi32, #tpu.memory_space<vmem>>)
      %dma_start3A_151 = arith.constant 0 : i32
      %dma_start3A_152 = arith.constant 0 : i32
      %dma_start3A_153 = tpu.memref_slice %arg12[%dma_start3A_151, %dma_start3A_152] : memref<10112x128xf32, #tpu.memory_space<vmem_shared>> -> memref<10112x128xf32, #tpu.memory_space<vmem_shared>>
      tpu.enqueue_indirect_dma source(%arg10 : memref<128x128xf32, #tpu.memory_space<vmem>>) target(%dma_start3A_153 : memref<10112x128xf32, #tpu.memory_space<vmem_shared>>) offsets(%arg8 : memref<128xi32, #tpu.memory_space<vmem>>) semaphore(%arg19 : memref<!tpu.dma_semaphore, #tpu.memory_space<semaphore_mem>>) {add = true}
      %dma_wait3A_154 = arith.constant 0 : i32
      %dma_wait3A_155 = arith.constant 0 : i32
      %dma_wait3A_156 = tpu.memref_slice %arg2[%dma_wait3A_154, %dma_wait3A_155] : memref<10112x128xf32, #tpu.memory_space<hbm>> -> memref<10112x128xf32, #tpu.memory_space<hbm>>
      tpu.wait_indirect_dma semaphore(%arg18 : memref<!tpu.dma_semaphore, #tpu.memory_space<semaphore_mem>>) src(%dma_wait3A_156 : memref<10112x128xf32, #tpu.memory_space<hbm>>) dst(%arg11 : memref<128x128xf32, #tpu.memory_space<vmem>>)
      %add3A_157 = arith.constant 1 : i32
      %add3A_158 = arith.addi %sub3A_141, %add3A_157 : i32
      %dma_wait3A_159 = arith.constant 0 : i32
      %dma_wait3A_160 = tpu.memref_slice %arg4[%add3A_158, %dma_wait3A_159] : memref<2560x128xi32, #tpu.memory_space<hbm>> -> memref<1x128xi32, #tpu.memory_space<hbm>>
      %dma_wait3A_161 = tpu.memref_squeeze %dma_wait3A_160 : memref<1x128xi32, #tpu.memory_space<hbm>> -> memref<128xi32, #tpu.memory_space<hbm>>
      %dma_wait3A_162 = arith.constant 0 : i32
      %dma_wait3A_163 = tpu.memref_slice %arg4[%add3A_158, %dma_wait3A_162] : memref<2560x128xi32, #tpu.memory_space<hbm>> -> memref<1x128xi32, #tpu.memory_space<hbm>>
      %dma_wait3A_164 = tpu.memref_squeeze %dma_wait3A_163 : memref<1x128xi32, #tpu.memory_space<hbm>> -> memref<128xi32, #tpu.memory_space<hbm>>
      tpu.wait_dma2 semaphore(%arg16 : memref<!tpu.dma_semaphore, #tpu.memory_space<semaphore_mem>>) src(%dma_wait3A_164 : memref<128xi32, #tpu.memory_space<hbm>>) dst(%arg9 : memref<128xi32, #tpu.memory_space<vmem>>)
      %dma_start3A_165 = arith.constant 0 : i32
      %dma_start3A_166 = arith.constant 0 : i32
      %dma_start3A_167 = tpu.memref_slice %arg12[%dma_start3A_165, %dma_start3A_166] : memref<10112x128xf32, #tpu.memory_space<vmem_shared>> -> memref<10112x128xf32, #tpu.memory_space<vmem_shared>>
      tpu.enqueue_indirect_dma source(%arg11 : memref<128x128xf32, #tpu.memory_space<vmem>>) target(%dma_start3A_167 : memref<10112x128xf32, #tpu.memory_space<vmem_shared>>) offsets(%arg9 : memref<128xi32, #tpu.memory_space<vmem>>) semaphore(%arg20 : memref<!tpu.dma_semaphore, #tpu.memory_space<semaphore_mem>>) {add = true}
      %dma_wait3A_168 = arith.constant 0 : i32
      %dma_wait3A_169 = arith.constant 0 : i32
      %dma_wait3A_170 = tpu.memref_slice %arg12[%dma_wait3A_168, %dma_wait3A_169] : memref<10112x128xf32, #tpu.memory_space<vmem_shared>> -> memref<10112x128xf32, #tpu.memory_space<vmem_shared>>
      tpu.wait_indirect_dma semaphore(%arg19 : memref<!tpu.dma_semaphore, #tpu.memory_space<semaphore_mem>>) src(%arg10 : memref<128x128xf32, #tpu.memory_space<vmem>>) dst(%dma_wait3A_170 : memref<10112x128xf32, #tpu.memory_space<vmem_shared>>)
      %dma_wait3A_171 = arith.constant 0 : i32
      %dma_wait3A_172 = arith.constant 0 : i32
      %dma_wait3A_173 = tpu.memref_slice %arg12[%dma_wait3A_171, %dma_wait3A_172] : memref<10112x128xf32, #tpu.memory_space<vmem_shared>> -> memref<10112x128xf32, #tpu.memory_space<vmem_shared>>
      tpu.wait_indirect_dma semaphore(%arg20 : memref<!tpu.dma_semaphore, #tpu.memory_space<semaphore_mem>>) src(%arg11 : memref<128x128xf32, #tpu.memory_space<vmem>>) dst(%dma_wait3A_173 : memref<10112x128xf32, #tpu.memory_space<vmem_shared>>)
      %barrier3A_174 = arith.constant 0 : index
      tpu.barrier barrier_id(%barrier3A_174)
    } else {
    }
    %eq3A_78 = arith.constant 1 : i32
    %eq3A_79 = arith.cmpi eq, %arg0, %eq3A_78 : i32
    %convert_element_type3A_80 = arith.extui %eq3A_79 : i1 to i32
    %cond3A_81 = arith.constant 0 : i32
    %cond3A_82 = arith.cmpi ne, %convert_element_type3A_80, %cond3A_81 : i32
    scf.if %cond3A_82 {
      %mul3A_83 = arith.constant 16 : i32
      %mul3A_84 = arith.muli %arg1, %mul3A_83 : i32
      %add3A_85 = arith.constant 2304 : i32
      %add3A_86 = arith.addi %add3A_85, %mul3A_84 : i32
      %dma_start3A_87 = arith.constant 0 : i32
      %dma_start3A_88 = tpu.memref_slice %arg3[%add3A_86, %dma_start3A_87] : memref<2560x128xi32, #tpu.memory_space<hbm>> -> memref<1x128xi32, #tpu.memory_space<hbm>>
      %dma_start3A_89 = tpu.memref_squeeze %dma_start3A_88 : memref<1x128xi32, #tpu.memory_space<hbm>> -> memref<128xi32, #tpu.memory_space<hbm>>
      %dma_start3A_90 = arith.constant 0 : i32
      %dma_start3A_91 = tpu.memref_slice %arg3[%add3A_86, %dma_start3A_90] : memref<2560x128xi32, #tpu.memory_space<hbm>> -> memref<1x128xi32, #tpu.memory_space<hbm>>
      %dma_start3A_92 = tpu.memref_squeeze %dma_start3A_91 : memref<1x128xi32, #tpu.memory_space<hbm>> -> memref<128xi32, #tpu.memory_space<hbm>>
      tpu.enqueue_dma source(%dma_start3A_92 : memref<128xi32, #tpu.memory_space<hbm>>) target(%arg6 : memref<128xi32, #tpu.memory_space<vmem>>) target_semaphore(%arg13 : memref<!tpu.dma_semaphore, #tpu.memory_space<semaphore_mem>>)
      %add3A_93 = arith.constant 1 : i32
      %add3A_94 = arith.addi %add3A_86, %add3A_93 : i32
      %dma_start3A_95 = arith.constant 0 : i32
      %dma_start3A_96 = tpu.memref_slice %arg3[%add3A_94, %dma_start3A_95] : memref<2560x128xi32, #tpu.memory_space<hbm>> -> memref<1x128xi32, #tpu.memory_space<hbm>>
      %dma_start3A_97 = tpu.memref_squeeze %dma_start3A_96 : memref<1x128xi32, #tpu.memory_space<hbm>> -> memref<128xi32, #tpu.memory_space<hbm>>
      %dma_start3A_98 = arith.constant 0 : i32
      %dma_start3A_99 = tpu.memref_slice %arg3[%add3A_94, %dma_start3A_98] : memref<2560x128xi32, #tpu.memory_space<hbm>> -> memref<1x128xi32, #tpu.memory_space<hbm>>
      %dma_start3A_100 = tpu.memref_squeeze %dma_start3A_99 : memref<1x128xi32, #tpu.memory_space<hbm>> -> memref<128xi32, #tpu.memory_space<hbm>>
      tpu.enqueue_dma source(%dma_start3A_100 : memref<128xi32, #tpu.memory_space<hbm>>) target(%arg7 : memref<128xi32, #tpu.memory_space<vmem>>) target_semaphore(%arg14 : memref<!tpu.dma_semaphore, #tpu.memory_space<semaphore_mem>>)
      %dma_start3A_101 = arith.constant 0 : i32
      %dma_start3A_102 = tpu.memref_slice %arg4[%add3A_86, %dma_start3A_101] : memref<2560x128xi32, #tpu.memory_space<hbm>> -> memref<1x128xi32, #tpu.memory_space<hbm>>
      %dma_start3A_103 = tpu.memref_squeeze %dma_start3A_102 : memref<1x128xi32, #tpu.memory_space<hbm>> -> memref<128xi32, #tpu.memory_space<hbm>>
      %dma_start3A_104 = arith.constant 0 : i32
      %dma_start3A_105 = tpu.memref_slice %arg4[%add3A_86, %dma_start3A_104] : memref<2560x128xi32, #tpu.memory_space<hbm>> -> memref<1x128xi32, #tpu.memory_space<hbm>>
      %dma_start3A_106 = tpu.memref_squeeze %dma_start3A_105 : memref<1x128xi32, #tpu.memory_space<hbm>> -> memref<128xi32, #tpu.memory_space<hbm>>
      tpu.enqueue_dma source(%dma_start3A_106 : memref<128xi32, #tpu.memory_space<hbm>>) target(%arg8 : memref<128xi32, #tpu.memory_space<vmem>>) target_semaphore(%arg15 : memref<!tpu.dma_semaphore, #tpu.memory_space<semaphore_mem>>)
      %add3A_107 = arith.constant 1 : i32
      %add3A_108 = arith.addi %add3A_86, %add3A_107 : i32
      %dma_start3A_109 = arith.constant 0 : i32
      %dma_start3A_110 = tpu.memref_slice %arg4[%add3A_108, %dma_start3A_109] : memref<2560x128xi32, #tpu.memory_space<hbm>> -> memref<1x128xi32, #tpu.memory_space<hbm>>
      %dma_start3A_111 = tpu.memref_squeeze %dma_start3A_110 : memref<1x128xi32, #tpu.memory_space<hbm>> -> memref<128xi32, #tpu.memory_space<hbm>>
      %dma_start3A_112 = arith.constant 0 : i32
      %dma_start3A_113 = tpu.memref_slice %arg4[%add3A_108, %dma_start3A_112] : memref<2560x128xi32, #tpu.memory_space<hbm>> -> memref<1x128xi32, #tpu.memory_space<hbm>>
      %dma_start3A_114 = tpu.memref_squeeze %dma_start3A_113 : memref<1x128xi32, #tpu.memory_space<hbm>> -> memref<128xi32, #tpu.memory_space<hbm>>
      tpu.enqueue_dma source(%dma_start3A_114 : memref<128xi32, #tpu.memory_space<hbm>>) target(%arg9 : memref<128xi32, #tpu.memory_space<vmem>>) target_semaphore(%arg16 : memref<!tpu.dma_semaphore, #tpu.memory_space<semaphore_mem>>)
      %barrier3A = arith.constant 0 : index
      tpu.barrier barrier_id(%barrier3A)
      %dma_wait3A_115 = arith.constant 0 : i32
      %dma_wait3A_116 = tpu.memref_slice %arg3[%add3A_86, %dma_wait3A_115] : memref<2560x128xi32, #tpu.memory_space<hbm>> -> memref<1x128xi32, #tpu.memory_space<hbm>>
      %dma_wait3A_117 = tpu.memref_squeeze %dma_wait3A_116 : memref<1x128xi32, #tpu.memory_space<hbm>> -> memref<128xi32, #tpu.memory_space<hbm>>
      %dma_wait3A_118 = arith.constant 0 : i32
      %dma_wait3A_119 = tpu.memref_slice %arg3[%add3A_86, %dma_wait3A_118] : memref<2560x128xi32, #tpu.memory_space<hbm>> -> memref<1x128xi32, #tpu.memory_space<hbm>>
      %dma_wait3A_120 = tpu.memref_squeeze %dma_wait3A_119 : memref<1x128xi32, #tpu.memory_space<hbm>> -> memref<128xi32, #tpu.memory_space<hbm>>
      tpu.wait_dma2 semaphore(%arg13 : memref<!tpu.dma_semaphore, #tpu.memory_space<semaphore_mem>>) src(%dma_wait3A_120 : memref<128xi32, #tpu.memory_space<hbm>>) dst(%arg6 : memref<128xi32, #tpu.memory_space<vmem>>)
      %dma_start3A_121 = arith.constant 0 : i32
      %dma_start3A_122 = arith.constant 0 : i32
      %dma_start3A_123 = tpu.memref_slice %arg2[%dma_start3A_121, %dma_start3A_122] : memref<10112x128xf32, #tpu.memory_space<hbm>> -> memref<10112x128xf32, #tpu.memory_space<hbm>>
      tpu.enqueue_indirect_dma source(%dma_start3A_123 : memref<10112x128xf32, #tpu.memory_space<hbm>>) target(%arg10 : memref<128x128xf32, #tpu.memory_space<vmem>>) offsets(%arg6 : memref<128xi32, #tpu.memory_space<vmem>>) semaphore(%arg17 : memref<!tpu.dma_semaphore, #tpu.memory_space<semaphore_mem>>)
      %add3A_124 = arith.constant 1 : i32
      %add3A_125 = arith.addi %add3A_86, %add3A_124 : i32
      %dma_wait3A_126 = arith.constant 0 : i32
      %dma_wait3A_127 = tpu.memref_slice %arg3[%add3A_125, %dma_wait3A_126] : memref<2560x128xi32, #tpu.memory_space<hbm>> -> memref<1x128xi32, #tpu.memory_space<hbm>>
      %dma_wait3A_128 = tpu.memref_squeeze %dma_wait3A_127 : memref<1x128xi32, #tpu.memory_space<hbm>> -> memref<128xi32, #tpu.memory_space<hbm>>
      %dma_wait3A_129 = arith.constant 0 : i32
      %dma_wait3A_130 = tpu.memref_slice %arg3[%add3A_125, %dma_wait3A_129] : memref<2560x128xi32, #tpu.memory_space<hbm>> -> memref<1x128xi32, #tpu.memory_space<hbm>>
      %dma_wait3A_131 = tpu.memref_squeeze %dma_wait3A_130 : memref<1x128xi32, #tpu.memory_space<hbm>> -> memref<128xi32, #tpu.memory_space<hbm>>
      tpu.wait_dma2 semaphore(%arg14 : memref<!tpu.dma_semaphore, #tpu.memory_space<semaphore_mem>>) src(%dma_wait3A_131 : memref<128xi32, #tpu.memory_space<hbm>>) dst(%arg7 : memref<128xi32, #tpu.memory_space<vmem>>)
      %dma_start3A_132 = arith.constant 0 : i32
      %dma_start3A_133 = arith.constant 0 : i32
      %dma_start3A_134 = tpu.memref_slice %arg2[%dma_start3A_132, %dma_start3A_133] : memref<10112x128xf32, #tpu.memory_space<hbm>> -> memref<10112x128xf32, #tpu.memory_space<hbm>>
      tpu.enqueue_indirect_dma source(%dma_start3A_134 : memref<10112x128xf32, #tpu.memory_space<hbm>>) target(%arg11 : memref<128x128xf32, #tpu.memory_space<vmem>>) offsets(%arg7 : memref<128xi32, #tpu.memory_space<vmem>>) semaphore(%arg18 : memref<!tpu.dma_semaphore, #tpu.memory_space<semaphore_mem>>)
      %scan3A_135 = arith.constant 0 : i32
      %scan3A_136 = arith.constant 0 : i32
      %scan3A_137 = arith.constant 7 : i32
      %scan3A_138 = arith.addi %scan3A_136, %scan3A_137 : i32
      %scan3A_139 = arith.constant 1 : i32
      scf.for %scan3A_177 = %scan3A_136 to %scan3A_138 step %scan3A_139  : i32 {
        %mul3A_178 = arith.constant 2 : i32
        %mul3A_179 = arith.muli %mul3A_178, %scan3A_177 : i32
        %dma_wait3A_180 = arith.constant 0 : i32
        %dma_wait3A_181 = arith.constant 0 : i32
        %dma_wait3A_182 = tpu.memref_slice %arg2[%dma_wait3A_180, %dma_wait3A_181] : memref<10112x128xf32, #tpu.memory_space<hbm>> -> memref<10112x128xf32, #tpu.memory_space<hbm>>
        tpu.wait_indirect_dma semaphore(%arg17 : memref<!tpu.dma_semaphore, #tpu.memory_space<semaphore_mem>>) src(%dma_wait3A_182 : memref<10112x128xf32, #tpu.memory_space<hbm>>) dst(%arg10 : memref<128x128xf32, #tpu.memory_space<vmem>>)
        %add3A_183 = arith.addi %add3A_86, %mul3A_179 : i32
        %add3A_184 = arith.constant 2 : i32
        %add3A_185 = arith.addi %add3A_183, %add3A_184 : i32
        %dma_start3A_186 = arith.constant 0 : i32
        %dma_start3A_187 = tpu.memref_slice %arg3[%add3A_185, %dma_start3A_186] : memref<2560x128xi32, #tpu.memory_space<hbm>> -> memref<1x128xi32, #tpu.memory_space<hbm>>
        %dma_start3A_188 = tpu.memref_squeeze %dma_start3A_187 : memref<1x128xi32, #tpu.memory_space<hbm>> -> memref<128xi32, #tpu.memory_space<hbm>>
        %dma_start3A_189 = arith.constant 0 : i32
        %dma_start3A_190 = tpu.memref_slice %arg3[%add3A_185, %dma_start3A_189] : memref<2560x128xi32, #tpu.memory_space<hbm>> -> memref<1x128xi32, #tpu.memory_space<hbm>>
        %dma_start3A_191 = tpu.memref_squeeze %dma_start3A_190 : memref<1x128xi32, #tpu.memory_space<hbm>> -> memref<128xi32, #tpu.memory_space<hbm>>
        tpu.enqueue_dma source(%dma_start3A_191 : memref<128xi32, #tpu.memory_space<hbm>>) target(%arg6 : memref<128xi32, #tpu.memory_space<vmem>>) target_semaphore(%arg13 : memref<!tpu.dma_semaphore, #tpu.memory_space<semaphore_mem>>)
        %add3A_192 = arith.addi %add3A_86, %mul3A_179 : i32
        %dma_wait3A_193 = arith.constant 0 : i32
        %dma_wait3A_194 = tpu.memref_slice %arg4[%add3A_192, %dma_wait3A_193] : memref<2560x128xi32, #tpu.memory_space<hbm>> -> memref<1x128xi32, #tpu.memory_space<hbm>>
        %dma_wait3A_195 = tpu.memref_squeeze %dma_wait3A_194 : memref<1x128xi32, #tpu.memory_space<hbm>> -> memref<128xi32, #tpu.memory_space<hbm>>
        %dma_wait3A_196 = arith.constant 0 : i32
        %dma_wait3A_197 = tpu.memref_slice %arg4[%add3A_192, %dma_wait3A_196] : memref<2560x128xi32, #tpu.memory_space<hbm>> -> memref<1x128xi32, #tpu.memory_space<hbm>>
        %dma_wait3A_198 = tpu.memref_squeeze %dma_wait3A_197 : memref<1x128xi32, #tpu.memory_space<hbm>> -> memref<128xi32, #tpu.memory_space<hbm>>
        tpu.wait_dma2 semaphore(%arg15 : memref<!tpu.dma_semaphore, #tpu.memory_space<semaphore_mem>>) src(%dma_wait3A_198 : memref<128xi32, #tpu.memory_space<hbm>>) dst(%arg8 : memref<128xi32, #tpu.memory_space<vmem>>)
        %dma_start3A_199 = arith.constant 0 : i32
        %dma_start3A_200 = arith.constant 0 : i32
        %dma_start3A_201 = tpu.memref_slice %arg12[%dma_start3A_199, %dma_start3A_200] : memref<10112x128xf32, #tpu.memory_space<vmem_shared>> -> memref<10112x128xf32, #tpu.memory_space<vmem_shared>>
        tpu.enqueue_indirect_dma source(%arg10 : memref<128x128xf32, #tpu.memory_space<vmem>>) target(%dma_start3A_201 : memref<10112x128xf32, #tpu.memory_space<vmem_shared>>) offsets(%arg8 : memref<128xi32, #tpu.memory_space<vmem>>) semaphore(%arg19 : memref<!tpu.dma_semaphore, #tpu.memory_space<semaphore_mem>>) {add = true}
        %dma_wait3A_202 = arith.constant 0 : i32
        %dma_wait3A_203 = arith.constant 0 : i32
        %dma_wait3A_204 = tpu.memref_slice %arg2[%dma_wait3A_202, %dma_wait3A_203] : memref<10112x128xf32, #tpu.memory_space<hbm>> -> memref<10112x128xf32, #tpu.memory_space<hbm>>
        tpu.wait_indirect_dma semaphore(%arg18 : memref<!tpu.dma_semaphore, #tpu.memory_space<semaphore_mem>>) src(%dma_wait3A_204 : memref<10112x128xf32, #tpu.memory_space<hbm>>) dst(%arg11 : memref<128x128xf32, #tpu.memory_space<vmem>>)
        %add3A_205 = arith.addi %add3A_86, %mul3A_179 : i32
        %add3A_206 = arith.constant 3 : i32
        %add3A_207 = arith.addi %add3A_205, %add3A_206 : i32
        %dma_start3A_208 = arith.constant 0 : i32
        %dma_start3A_209 = tpu.memref_slice %arg3[%add3A_207, %dma_start3A_208] : memref<2560x128xi32, #tpu.memory_space<hbm>> -> memref<1x128xi32, #tpu.memory_space<hbm>>
        %dma_start3A_210 = tpu.memref_squeeze %dma_start3A_209 : memref<1x128xi32, #tpu.memory_space<hbm>> -> memref<128xi32, #tpu.memory_space<hbm>>
        %dma_start3A_211 = arith.constant 0 : i32
        %dma_start3A_212 = tpu.memref_slice %arg3[%add3A_207, %dma_start3A_211] : memref<2560x128xi32, #tpu.memory_space<hbm>> -> memref<1x128xi32, #tpu.memory_space<hbm>>
        %dma_start3A_213 = tpu.memref_squeeze %dma_start3A_212 : memref<1x128xi32, #tpu.memory_space<hbm>> -> memref<128xi32, #tpu.memory_space<hbm>>
        tpu.enqueue_dma source(%dma_start3A_213 : memref<128xi32, #tpu.memory_space<hbm>>) target(%arg7 : memref<128xi32, #tpu.memory_space<vmem>>) target_semaphore(%arg14 : memref<!tpu.dma_semaphore, #tpu.memory_space<semaphore_mem>>)
        %add3A_214 = arith.addi %add3A_86, %mul3A_179 : i32
        %add3A_215 = arith.constant 1 : i32
        %add3A_216 = arith.addi %add3A_214, %add3A_215 : i32
        %dma_wait3A_217 = arith.constant 0 : i32
        %dma_wait3A_218 = tpu.memref_slice %arg4[%add3A_216, %dma_wait3A_217] : memref<2560x128xi32, #tpu.memory_space<hbm>> -> memref<1x128xi32, #tpu.memory_space<hbm>>
        %dma_wait3A_219 = tpu.memref_squeeze %dma_wait3A_218 : memref<1x128xi32, #tpu.memory_space<hbm>> -> memref<128xi32, #tpu.memory_space<hbm>>
        %dma_wait3A_220 = arith.constant 0 : i32
        %dma_wait3A_221 = tpu.memref_slice %arg4[%add3A_216, %dma_wait3A_220] : memref<2560x128xi32, #tpu.memory_space<hbm>> -> memref<1x128xi32, #tpu.memory_space<hbm>>
        %dma_wait3A_222 = tpu.memref_squeeze %dma_wait3A_221 : memref<1x128xi32, #tpu.memory_space<hbm>> -> memref<128xi32, #tpu.memory_space<hbm>>
        tpu.wait_dma2 semaphore(%arg16 : memref<!tpu.dma_semaphore, #tpu.memory_space<semaphore_mem>>) src(%dma_wait3A_222 : memref<128xi32, #tpu.memory_space<hbm>>) dst(%arg9 : memref<128xi32, #tpu.memory_space<vmem>>)
        %dma_start3A_223 = arith.constant 0 : i32
        %dma_start3A_224 = arith.constant 0 : i32
        %dma_start3A_225 = tpu.memref_slice %arg12[%dma_start3A_223, %dma_start3A_224] : memref<10112x128xf32, #tpu.memory_space<vmem_shared>> -> memref<10112x128xf32, #tpu.memory_space<vmem_shared>>
        tpu.enqueue_indirect_dma source(%arg11 : memref<128x128xf32, #tpu.memory_space<vmem>>) target(%dma_start3A_225 : memref<10112x128xf32, #tpu.memory_space<vmem_shared>>) offsets(%arg9 : memref<128xi32, #tpu.memory_space<vmem>>) semaphore(%arg20 : memref<!tpu.dma_semaphore, #tpu.memory_space<semaphore_mem>>) {add = true}
        %dma_wait3A_226 = arith.constant 0 : i32
        %dma_wait3A_227 = arith.constant 0 : i32
        %dma_wait3A_228 = tpu.memref_slice %arg12[%dma_wait3A_226, %dma_wait3A_227] : memref<10112x128xf32, #tpu.memory_space<vmem_shared>> -> memref<10112x128xf32, #tpu.memory_space<vmem_shared>>
        tpu.wait_indirect_dma semaphore(%arg19 : memref<!tpu.dma_semaphore, #tpu.memory_space<semaphore_mem>>) src(%arg10 : memref<128x128xf32, #tpu.memory_space<vmem>>) dst(%dma_wait3A_228 : memref<10112x128xf32, #tpu.memory_space<vmem_shared>>)
        %add3A_229 = arith.addi %add3A_86, %mul3A_179 : i32
        %add3A_230 = arith.constant 2 : i32
        %add3A_231 = arith.addi %add3A_229, %add3A_230 : i32
        %dma_start3A_232 = arith.constant 0 : i32
        %dma_start3A_233 = tpu.memref_slice %arg4[%add3A_231, %dma_start3A_232] : memref<2560x128xi32, #tpu.memory_space<hbm>> -> memref<1x128xi32, #tpu.memory_space<hbm>>
        %dma_start3A_234 = tpu.memref_squeeze %dma_start3A_233 : memref<1x128xi32, #tpu.memory_space<hbm>> -> memref<128xi32, #tpu.memory_space<hbm>>
        %dma_start3A_235 = arith.constant 0 : i32
        %dma_start3A_236 = tpu.memref_slice %arg4[%add3A_231, %dma_start3A_235] : memref<2560x128xi32, #tpu.memory_space<hbm>> -> memref<1x128xi32, #tpu.memory_space<hbm>>
        %dma_start3A_237 = tpu.memref_squeeze %dma_start3A_236 : memref<1x128xi32, #tpu.memory_space<hbm>> -> memref<128xi32, #tpu.memory_space<hbm>>
        tpu.enqueue_dma source(%dma_start3A_237 : memref<128xi32, #tpu.memory_space<hbm>>) target(%arg8 : memref<128xi32, #tpu.memory_space<vmem>>) target_semaphore(%arg15 : memref<!tpu.dma_semaphore, #tpu.memory_space<semaphore_mem>>)
        %add3A_238 = arith.addi %add3A_86, %mul3A_179 : i32
        %add3A_239 = arith.constant 2 : i32
        %add3A_240 = arith.addi %add3A_238, %add3A_239 : i32
        %dma_wait3A_241 = arith.constant 0 : i32
        %dma_wait3A_242 = tpu.memref_slice %arg3[%add3A_240, %dma_wait3A_241] : memref<2560x128xi32, #tpu.memory_space<hbm>> -> memref<1x128xi32, #tpu.memory_space<hbm>>
        %dma_wait3A_243 = tpu.memref_squeeze %dma_wait3A_242 : memref<1x128xi32, #tpu.memory_space<hbm>> -> memref<128xi32, #tpu.memory_space<hbm>>
        %dma_wait3A_244 = arith.constant 0 : i32
        %dma_wait3A_245 = tpu.memref_slice %arg3[%add3A_240, %dma_wait3A_244] : memref<2560x128xi32, #tpu.memory_space<hbm>> -> memref<1x128xi32, #tpu.memory_space<hbm>>
        %dma_wait3A_246 = tpu.memref_squeeze %dma_wait3A_245 : memref<1x128xi32, #tpu.memory_space<hbm>> -> memref<128xi32, #tpu.memory_space<hbm>>
        tpu.wait_dma2 semaphore(%arg13 : memref<!tpu.dma_semaphore, #tpu.memory_space<semaphore_mem>>) src(%dma_wait3A_246 : memref<128xi32, #tpu.memory_space<hbm>>) dst(%arg6 : memref<128xi32, #tpu.memory_space<vmem>>)
        %dma_start3A_247 = arith.constant 0 : i32
        %dma_start3A_248 = arith.constant 0 : i32
        %dma_start3A_249 = tpu.memref_slice %arg2[%dma_start3A_247, %dma_start3A_248] : memref<10112x128xf32, #tpu.memory_space<hbm>> -> memref<10112x128xf32, #tpu.memory_space<hbm>>
        tpu.enqueue_indirect_dma source(%dma_start3A_249 : memref<10112x128xf32, #tpu.memory_space<hbm>>) target(%arg10 : memref<128x128xf32, #tpu.memory_space<vmem>>) offsets(%arg6 : memref<128xi32, #tpu.memory_space<vmem>>) semaphore(%arg17 : memref<!tpu.dma_semaphore, #tpu.memory_space<semaphore_mem>>)
        %dma_wait3A_250 = arith.constant 0 : i32
        %dma_wait3A_251 = arith.constant 0 : i32
        %dma_wait3A_252 = tpu.memref_slice %arg12[%dma_wait3A_250, %dma_wait3A_251] : memref<10112x128xf32, #tpu.memory_space<vmem_shared>> -> memref<10112x128xf32, #tpu.memory_space<vmem_shared>>
        tpu.wait_indirect_dma semaphore(%arg20 : memref<!tpu.dma_semaphore, #tpu.memory_space<semaphore_mem>>) src(%arg11 : memref<128x128xf32, #tpu.memory_space<vmem>>) dst(%dma_wait3A_252 : memref<10112x128xf32, #tpu.memory_space<vmem_shared>>)
        %add3A_253 = arith.addi %add3A_86, %mul3A_179 : i32
        %add3A_254 = arith.constant 3 : i32
        %add3A_255 = arith.addi %add3A_253, %add3A_254 : i32
        %dma_start3A_256 = arith.constant 0 : i32
        %dma_start3A_257 = tpu.memref_slice %arg4[%add3A_255, %dma_start3A_256] : memref<2560x128xi32, #tpu.memory_space<hbm>> -> memref<1x128xi32, #tpu.memory_space<hbm>>
        %dma_start3A_258 = tpu.memref_squeeze %dma_start3A_257 : memref<1x128xi32, #tpu.memory_space<hbm>> -> memref<128xi32, #tpu.memory_space<hbm>>
        %dma_start3A_259 = arith.constant 0 : i32
        %dma_start3A_260 = tpu.memref_slice %arg4[%add3A_255, %dma_start3A_259] : memref<2560x128xi32, #tpu.memory_space<hbm>> -> memref<1x128xi32, #tpu.memory_space<hbm>>
        %dma_start3A_261 = tpu.memref_squeeze %dma_start3A_260 : memref<1x128xi32, #tpu.memory_space<hbm>> -> memref<128xi32, #tpu.memory_space<hbm>>
        tpu.enqueue_dma source(%dma_start3A_261 : memref<128xi32, #tpu.memory_space<hbm>>) target(%arg9 : memref<128xi32, #tpu.memory_space<vmem>>) target_semaphore(%arg16 : memref<!tpu.dma_semaphore, #tpu.memory_space<semaphore_mem>>)
        %add3A_262 = arith.addi %add3A_86, %mul3A_179 : i32
        %add3A_263 = arith.constant 3 : i32
        %add3A_264 = arith.addi %add3A_262, %add3A_263 : i32
        %dma_wait3A_265 = arith.constant 0 : i32
        %dma_wait3A_266 = tpu.memref_slice %arg3[%add3A_264, %dma_wait3A_265] : memref<2560x128xi32, #tpu.memory_space<hbm>> -> memref<1x128xi32, #tpu.memory_space<hbm>>
        %dma_wait3A_267 = tpu.memref_squeeze %dma_wait3A_266 : memref<1x128xi32, #tpu.memory_space<hbm>> -> memref<128xi32, #tpu.memory_space<hbm>>
        %dma_wait3A_268 = arith.constant 0 : i32
        %dma_wait3A_269 = tpu.memref_slice %arg3[%add3A_264, %dma_wait3A_268] : memref<2560x128xi32, #tpu.memory_space<hbm>> -> memref<1x128xi32, #tpu.memory_space<hbm>>
        %dma_wait3A_270 = tpu.memref_squeeze %dma_wait3A_269 : memref<1x128xi32, #tpu.memory_space<hbm>> -> memref<128xi32, #tpu.memory_space<hbm>>
        tpu.wait_dma2 semaphore(%arg14 : memref<!tpu.dma_semaphore, #tpu.memory_space<semaphore_mem>>) src(%dma_wait3A_270 : memref<128xi32, #tpu.memory_space<hbm>>) dst(%arg7 : memref<128xi32, #tpu.memory_space<vmem>>)
        %dma_start3A_271 = arith.constant 0 : i32
        %dma_start3A_272 = arith.constant 0 : i32
        %dma_start3A_273 = tpu.memref_slice %arg2[%dma_start3A_271, %dma_start3A_272] : memref<10112x128xf32, #tpu.memory_space<hbm>> -> memref<10112x128xf32, #tpu.memory_space<hbm>>
        tpu.enqueue_indirect_dma source(%dma_start3A_273 : memref<10112x128xf32, #tpu.memory_space<hbm>>) target(%arg11 : memref<128x128xf32, #tpu.memory_space<vmem>>) offsets(%arg7 : memref<128xi32, #tpu.memory_space<vmem>>) semaphore(%arg18 : memref<!tpu.dma_semaphore, #tpu.memory_space<semaphore_mem>>)
      }
      %scan3A_140 = arith.constant 7 : i32
      %add3A_141 = arith.constant 16 : i32
      %add3A_142 = arith.addi %add3A_86, %add3A_141 : i32
      %sub3A = arith.constant 2 : i32
      %sub3A_143 = arith.subi %add3A_142, %sub3A : i32
      %dma_wait3A_144 = arith.constant 0 : i32
      %dma_wait3A_145 = arith.constant 0 : i32
      %dma_wait3A_146 = tpu.memref_slice %arg2[%dma_wait3A_144, %dma_wait3A_145] : memref<10112x128xf32, #tpu.memory_space<hbm>> -> memref<10112x128xf32, #tpu.memory_space<hbm>>
      tpu.wait_indirect_dma semaphore(%arg17 : memref<!tpu.dma_semaphore, #tpu.memory_space<semaphore_mem>>) src(%dma_wait3A_146 : memref<10112x128xf32, #tpu.memory_space<hbm>>) dst(%arg10 : memref<128x128xf32, #tpu.memory_space<vmem>>)
      %dma_wait3A_147 = arith.constant 0 : i32
      %dma_wait3A_148 = tpu.memref_slice %arg4[%sub3A_143, %dma_wait3A_147] : memref<2560x128xi32, #tpu.memory_space<hbm>> -> memref<1x128xi32, #tpu.memory_space<hbm>>
      %dma_wait3A_149 = tpu.memref_squeeze %dma_wait3A_148 : memref<1x128xi32, #tpu.memory_space<hbm>> -> memref<128xi32, #tpu.memory_space<hbm>>
      %dma_wait3A_150 = arith.constant 0 : i32
      %dma_wait3A_151 = tpu.memref_slice %arg4[%sub3A_143, %dma_wait3A_150] : memref<2560x128xi32, #tpu.memory_space<hbm>> -> memref<1x128xi32, #tpu.memory_space<hbm>>
      %dma_wait3A_152 = tpu.memref_squeeze %dma_wait3A_151 : memref<1x128xi32, #tpu.memory_space<hbm>> -> memref<128xi32, #tpu.memory_space<hbm>>
      tpu.wait_dma2 semaphore(%arg15 : memref<!tpu.dma_semaphore, #tpu.memory_space<semaphore_mem>>) src(%dma_wait3A_152 : memref<128xi32, #tpu.memory_space<hbm>>) dst(%arg8 : memref<128xi32, #tpu.memory_space<vmem>>)
      %dma_start3A_153 = arith.constant 0 : i32
      %dma_start3A_154 = arith.constant 0 : i32
      %dma_start3A_155 = tpu.memref_slice %arg12[%dma_start3A_153, %dma_start3A_154] : memref<10112x128xf32, #tpu.memory_space<vmem_shared>> -> memref<10112x128xf32, #tpu.memory_space<vmem_shared>>
      tpu.enqueue_indirect_dma source(%arg10 : memref<128x128xf32, #tpu.memory_space<vmem>>) target(%dma_start3A_155 : memref<10112x128xf32, #tpu.memory_space<vmem_shared>>) offsets(%arg8 : memref<128xi32, #tpu.memory_space<vmem>>) semaphore(%arg19 : memref<!tpu.dma_semaphore, #tpu.memory_space<semaphore_mem>>) {add = true}
      %dma_wait3A_156 = arith.constant 0 : i32
      %dma_wait3A_157 = arith.constant 0 : i32
      %dma_wait3A_158 = tpu.memref_slice %arg2[%dma_wait3A_156, %dma_wait3A_157] : memref<10112x128xf32, #tpu.memory_space<hbm>> -> memref<10112x128xf32, #tpu.memory_space<hbm>>
      tpu.wait_indirect_dma semaphore(%arg18 : memref<!tpu.dma_semaphore, #tpu.memory_space<semaphore_mem>>) src(%dma_wait3A_158 : memref<10112x128xf32, #tpu.memory_space<hbm>>) dst(%arg11 : memref<128x128xf32, #tpu.memory_space<vmem>>)
      %add3A_159 = arith.constant 1 : i32
      %add3A_160 = arith.addi %sub3A_143, %add3A_159 : i32
      %dma_wait3A_161 = arith.constant 0 : i32
      %dma_wait3A_162 = tpu.memref_slice %arg4[%add3A_160, %dma_wait3A_161] : memref<2560x128xi32, #tpu.memory_space<hbm>> -> memref<1x128xi32, #tpu.memory_space<hbm>>
      %dma_wait3A_163 = tpu.memref_squeeze %dma_wait3A_162 : memref<1x128xi32, #tpu.memory_space<hbm>> -> memref<128xi32, #tpu.memory_space<hbm>>
      %dma_wait3A_164 = arith.constant 0 : i32
      %dma_wait3A_165 = tpu.memref_slice %arg4[%add3A_160, %dma_wait3A_164] : memref<2560x128xi32, #tpu.memory_space<hbm>> -> memref<1x128xi32, #tpu.memory_space<hbm>>
      %dma_wait3A_166 = tpu.memref_squeeze %dma_wait3A_165 : memref<1x128xi32, #tpu.memory_space<hbm>> -> memref<128xi32, #tpu.memory_space<hbm>>
      tpu.wait_dma2 semaphore(%arg16 : memref<!tpu.dma_semaphore, #tpu.memory_space<semaphore_mem>>) src(%dma_wait3A_166 : memref<128xi32, #tpu.memory_space<hbm>>) dst(%arg9 : memref<128xi32, #tpu.memory_space<vmem>>)
      %dma_start3A_167 = arith.constant 0 : i32
      %dma_start3A_168 = arith.constant 0 : i32
      %dma_start3A_169 = tpu.memref_slice %arg12[%dma_start3A_167, %dma_start3A_168] : memref<10112x128xf32, #tpu.memory_space<vmem_shared>> -> memref<10112x128xf32, #tpu.memory_space<vmem_shared>>
      tpu.enqueue_indirect_dma source(%arg11 : memref<128x128xf32, #tpu.memory_space<vmem>>) target(%dma_start3A_169 : memref<10112x128xf32, #tpu.memory_space<vmem_shared>>) offsets(%arg9 : memref<128xi32, #tpu.memory_space<vmem>>) semaphore(%arg20 : memref<!tpu.dma_semaphore, #tpu.memory_space<semaphore_mem>>) {add = true}
      %dma_wait3A_170 = arith.constant 0 : i32
      %dma_wait3A_171 = arith.constant 0 : i32
      %dma_wait3A_172 = tpu.memref_slice %arg12[%dma_wait3A_170, %dma_wait3A_171] : memref<10112x128xf32, #tpu.memory_space<vmem_shared>> -> memref<10112x128xf32, #tpu.memory_space<vmem_shared>>
      tpu.wait_indirect_dma semaphore(%arg19 : memref<!tpu.dma_semaphore, #tpu.memory_space<semaphore_mem>>) src(%arg10 : memref<128x128xf32, #tpu.memory_space<vmem>>) dst(%dma_wait3A_172 : memref<10112x128xf32, #tpu.memory_space<vmem_shared>>)
      %dma_wait3A_173 = arith.constant 0 : i32
      %dma_wait3A_174 = arith.constant 0 : i32
      %dma_wait3A_175 = tpu.memref_slice %arg12[%dma_wait3A_173, %dma_wait3A_174] : memref<10112x128xf32, #tpu.memory_space<vmem_shared>> -> memref<10112x128xf32, #tpu.memory_space<vmem_shared>>
      tpu.wait_indirect_dma semaphore(%arg20 : memref<!tpu.dma_semaphore, #tpu.memory_space<semaphore_mem>>) src(%arg11 : memref<128x128xf32, #tpu.memory_space<vmem>>) dst(%dma_wait3A_175 : memref<10112x128xf32, #tpu.memory_space<vmem_shared>>)
      %barrier3A_176 = arith.constant 0 : index
      tpu.barrier barrier_id(%barrier3A_176)
    } else {
    }
    "tpu.region"() ({
      %run_scoped3A = tpu.sem_alloc : memref<!tpu.dma_semaphore, #tpu.memory_space<semaphore_mem>>
      %dma_start3A_83 = arith.constant 0 : i32
      %dma_start3A_84 = tpu.memref_slice %arg5[%arg0, %mul3A_0, %dma_start3A_83] : memref<2x10112x128xf32, #tpu.memory_space<hbm>> -> memref<1x632x128xf32, #tpu.memory_space<hbm>>
      %dma_start3A_85 = tpu.memref_squeeze %dma_start3A_84 : memref<1x632x128xf32, #tpu.memory_space<hbm>> -> memref<632x128xf32, #tpu.memory_space<hbm>>
      %dma_start3A_86 = arith.constant 0 : i32
      %dma_start3A_87 = tpu.memref_slice %arg12[%mul3A_0, %dma_start3A_86] : memref<10112x128xf32, #tpu.memory_space<vmem_shared>> -> memref<632x128xf32, #tpu.memory_space<vmem_shared>>
      tpu.enqueue_dma source(%dma_start3A_87 : memref<632x128xf32, #tpu.memory_space<vmem_shared>>) target(%dma_start3A_85 : memref<632x128xf32, #tpu.memory_space<hbm>>) target_semaphore(%run_scoped3A : memref<!tpu.dma_semaphore, #tpu.memory_space<semaphore_mem>>)
      %dma_wait3A_88 = arith.constant 0 : i32
      %dma_wait3A_89 = tpu.memref_slice %arg5[%arg0, %mul3A_0, %dma_wait3A_88] : memref<2x10112x128xf32, #tpu.memory_space<hbm>> -> memref<1x632x128xf32, #tpu.memory_space<hbm>>
      %dma_wait3A_90 = tpu.memref_squeeze %dma_wait3A_89 : memref<1x632x128xf32, #tpu.memory_space<hbm>> -> memref<632x128xf32, #tpu.memory_space<hbm>>
      %dma_wait3A_91 = arith.constant 0 : i32
      %dma_wait3A_92 = tpu.memref_slice %arg12[%mul3A_0, %dma_wait3A_91] : memref<10112x128xf32, #tpu.memory_space<vmem_shared>> -> memref<632x128xf32, #tpu.memory_space<vmem_shared>>
      tpu.wait_dma2 semaphore(%run_scoped3A : memref<!tpu.dma_semaphore, #tpu.memory_space<semaphore_mem>>) src(%dma_wait3A_92 : memref<632x128xf32, #tpu.memory_space<vmem_shared>>) dst(%dma_wait3A_90 : memref<632x128xf32, #tpu.memory_space<hbm>>)
      tpu.yield
    }) : () -> ()
    return
  }
}

module attributes {stable_mosaic.version = 14 : i64} {
  func.func @_stage_a_body(%arg0: i32, %arg1: memref<1264x128xf32, #tpu.memory_space<vmem>>, %arg2: memref<128x128xf32, #tpu.memory_space<vmem>>, %arg3: memref<128x128xf32, #tpu.memory_space<vmem>>, %arg4: memref<1x128xf32, #tpu.memory_space<vmem>>, %arg5: memref<1264x128xf32, #tpu.memory_space<vmem>>, %arg6: memref<1264x128xf32, #tpu.memory_space<vmem>>) attributes {dimension_semantics = [#tpu.dimension_semantics<arbitrary>], iteration_bounds = array<i64: 8>, scalar_prefetch = 0 : i64, scratch_operands = 0 : i64, tpu.core_type = #tpu.core_type<tc>, window_params = [{transform_indices = @transform_0, window_bounds = array<i64: 1264, 128>}, {pipeline_mode = #tpu.pipeline_mode<synchronous>, transform_indices = @transform_1, window_bounds = array<i64: 128, 128>}, {pipeline_mode = #tpu.pipeline_mode<synchronous>, transform_indices = @transform_2, window_bounds = array<i64: 128, 128>}, {pipeline_mode = #tpu.pipeline_mode<synchronous>, transform_indices = @transform_3, window_bounds = array<i64: 1, 128>}, {transform_indices = @transform_4, window_bounds = array<i64: 1264, 128>}, {transform_indices = @transform_5, window_bounds = array<i64: 1264, 128>}]} {
    %get3A = arith.constant 0 : index
    %get3A_0 = arith.constant 0 : index
    %get3A_1 = vector.load %arg1[%get3A, %get3A_0] : memref<1264x128xf32, #tpu.memory_space<vmem>>, vector<1264x128xf32>
    %get3A_2 = arith.constant 0 : index
    %get3A_3 = arith.constant 0 : index
    %get3A_4 = vector.load %arg2[%get3A_2, %get3A_3] : memref<128x128xf32, #tpu.memory_space<vmem>>, vector<128x128xf32>
    %dot_general3A = arith.constant dense<0.000000e+00> : vector<1264x128xf32>
    %dot_general3A_5 = tpu.matmul %get3A_1, %get3A_4, %dot_general3A {dimension_numbers = #tpu.dot_dimension_numbers<[1], [0], [0], [1], [0, 0, 1, 1], [], []>, transpose_lhs_hint = false} : vector<1264x128xf32>, vector<128x128xf32>, vector<1264x128xf32> -> vector<1264x128xf32>
    %swap3A = arith.constant 0 : index
    %swap3A_6 = arith.constant 0 : index
    %swap3A_7 = vector.load %arg5[%swap3A, %swap3A_6] : memref<1264x128xf32, #tpu.memory_space<vmem>>, vector<1264x128xf32>
    tpu.vector_store %arg5[%swap3A, %swap3A_6], %dot_general3A_5 {strides = array<i32>} : memref<1264x128xf32, #tpu.memory_space<vmem>>, vector<1264x128xf32>,
    %get3A_8 = arith.constant 0 : index
    %get3A_9 = arith.constant 0 : index
    %get3A_10 = vector.load %arg3[%get3A_8, %get3A_9] : memref<128x128xf32, #tpu.memory_space<vmem>>, vector<128x128xf32>
    %dot_general3A_11 = arith.constant dense<0.000000e+00> : vector<1264x128xf32>
    %dot_general3A_12 = tpu.matmul %get3A_1, %get3A_10, %dot_general3A_11 {dimension_numbers = #tpu.dot_dimension_numbers<[1], [0], [0], [1], [0, 0, 1, 1], [], []>, transpose_lhs_hint = false} : vector<1264x128xf32>, vector<128x128xf32>, vector<1264x128xf32> -> vector<1264x128xf32>
    %get3A_13 = arith.constant 0 : index
    %get3A_14 = arith.constant 0 : index
    %get3A_15 = vector.load %arg4[%get3A_13, %get3A_14] : memref<1x128xf32, #tpu.memory_space<vmem>>, vector<1x128xf32>
    %add3A = vector.broadcast %get3A_15 : vector<1x128xf32> to vector<1264x128xf32>
    %add3A_16 = arith.addf %dot_general3A_12, %add3A : vector<1264x128xf32>
    %swap3A_17 = arith.constant 0 : index
    %swap3A_18 = arith.constant 0 : index
    %swap3A_19 = vector.load %arg6[%swap3A_17, %swap3A_18] : memref<1264x128xf32, #tpu.memory_space<vmem>>, vector<1264x128xf32>
    tpu.vector_store %arg6[%swap3A_17, %swap3A_18], %add3A_16 {strides = array<i32>} : memref<1264x128xf32, #tpu.memory_space<vmem>>, vector<1264x128xf32>,
    return
  }
  func.func @transform_0(%arg0: i32) -> (i32, i32) {
    %c0_i32 = arith.constant 0 : i32
    %c0_i32_0 = arith.constant 0 : i32
    return %arg0, %c0_i32 : i32, i32
  }
  func.func @transform_1(%arg0: i32) -> (i32, i32) {
    %c0_i32 = arith.constant 0 : i32
    %c0_i32_0 = arith.constant 0 : i32
    %c0_i32_1 = arith.constant 0 : i32
    return %c0_i32, %c0_i32_0 : i32, i32
  }
  func.func @transform_2(%arg0: i32) -> (i32, i32) {
    %c0_i32 = arith.constant 0 : i32
    %c0_i32_0 = arith.constant 0 : i32
    %c0_i32_1 = arith.constant 0 : i32
    return %c0_i32, %c0_i32_0 : i32, i32
  }
  func.func @transform_3(%arg0: i32) -> (i32, i32) {
    %c0_i32 = arith.constant 0 : i32
    %c0_i32_0 = arith.constant 0 : i32
    %c0_i32_1 = arith.constant 0 : i32
    return %c0_i32, %c0_i32_0 : i32, i32
  }
  func.func @transform_4(%arg0: i32) -> (i32, i32) {
    %c0_i32 = arith.constant 0 : i32
    %c0_i32_0 = arith.constant 0 : i32
    return %arg0, %c0_i32 : i32, i32
  }
  func.func @transform_5(%arg0: i32) -> (i32, i32) {
    %c0_i32 = arith.constant 0 : i32
    %c0_i32_0 = arith.constant 0 : i32
    return %arg0, %c0_i32 : i32, i32
  }
}

module attributes {stable_mosaic.version = 14 : i64} {
  func.func @_stage_b_body(%arg0: i32, %arg1: memref<1264x128xf32, #tpu.memory_space<vmem>>, %arg2: memref<1264x128xf32, #tpu.memory_space<vmem>>, %arg3: memref<1x128xf32, #tpu.memory_space<vmem>>, %arg4: memref<128x48xf32, #tpu.memory_space<vmem>>, %arg5: memref<128x128xf32, #tpu.memory_space<vmem>>, %arg6: memref<1264x48xf32, #tpu.memory_space<vmem>>, %arg7: memref<1264x128xf32, #tpu.memory_space<vmem>>) attributes {dimension_semantics = [#tpu.dimension_semantics<arbitrary>], iteration_bounds = array<i64: 8>, scalar_prefetch = 0 : i64, scratch_operands = 0 : i64, tpu.core_type = #tpu.core_type<tc>, window_params = [{transform_indices = @transform_0, window_bounds = array<i64: 1264, 128>}, {transform_indices = @transform_1, window_bounds = array<i64: 1264, 128>}, {pipeline_mode = #tpu.pipeline_mode<synchronous>, transform_indices = @transform_2, window_bounds = array<i64: 1, 128>}, {pipeline_mode = #tpu.pipeline_mode<synchronous>, transform_indices = @transform_3, window_bounds = array<i64: 128, 48>}, {pipeline_mode = #tpu.pipeline_mode<synchronous>, transform_indices = @transform_4, window_bounds = array<i64: 128, 128>}, {transform_indices = @transform_5, window_bounds = array<i64: 1264, 48>}, {transform_indices = @transform_6, window_bounds = array<i64: 1264, 128>}]} {
    %get3A = arith.constant 0 : index
    %get3A_0 = arith.constant 0 : index
    %get3A_1 = vector.load %arg1[%get3A, %get3A_0] : memref<1264x128xf32, #tpu.memory_space<vmem>>, vector<1264x128xf32>
    %get3A_2 = arith.constant 0 : index
    %get3A_3 = arith.constant 0 : index
    %get3A_4 = vector.load %arg2[%get3A_2, %get3A_3] : memref<1264x128xf32, #tpu.memory_space<vmem>>, vector<1264x128xf32>
    %add3A = arith.addf %get3A_1, %get3A_4 : vector<1264x128xf32>
    %get3A_5 = arith.constant 0 : index
    %get3A_6 = arith.constant 0 : index
    %get3A_7 = vector.load %arg3[%get3A_5, %get3A_6] : memref<1x128xf32, #tpu.memory_space<vmem>>, vector<1x128xf32>
    %add3A_8 = vector.broadcast %get3A_7 : vector<1x128xf32> to vector<1264x128xf32>
    %add3A_9 = arith.addf %add3A, %add3A_8 : vector<1264x128xf32>
    %max3A = arith.constant 0.000000e+00 : f32
    %max3A_10 = vector.broadcast %max3A : f32 to vector<1264x128xf32>
    %max3A_11 = arith.maximumf %add3A_9, %max3A_10 : vector<1264x128xf32>
    %get3A_12 = arith.constant 0 : index
    %get3A_13 = arith.constant 0 : index
    %get3A_14 = vector.load %arg4[%get3A_12, %get3A_13] : memref<128x48xf32, #tpu.memory_space<vmem>>, vector<128x48xf32>
    %dot_general3A = arith.constant dense<0.000000e+00> : vector<1264x48xf32>
    %dot_general3A_15 = tpu.matmul %max3A_11, %get3A_14, %dot_general3A {dimension_numbers = #tpu.dot_dimension_numbers<[1], [0], [0], [1], [0, 0, 1, 1], [], []>, transpose_lhs_hint = false} : vector<1264x128xf32>, vector<128x48xf32>, vector<1264x48xf32> -> vector<1264x48xf32>
    %swap3A = arith.constant 0 : index
    %swap3A_16 = arith.constant 0 : index
    %swap3A_17 = vector.load %arg6[%swap3A, %swap3A_16] : memref<1264x48xf32, #tpu.memory_space<vmem>>, vector<1264x48xf32>
    tpu.vector_store %arg6[%swap3A, %swap3A_16], %dot_general3A_15 {strides = array<i32>} : memref<1264x48xf32, #tpu.memory_space<vmem>>, vector<1264x48xf32>,
    %get3A_18 = arith.constant 0 : index
    %get3A_19 = arith.constant 0 : index
    %get3A_20 = vector.load %arg5[%get3A_18, %get3A_19] : memref<128x128xf32, #tpu.memory_space<vmem>>, vector<128x128xf32>
    %dot_general3A_21 = arith.constant dense<0.000000e+00> : vector<1264x128xf32>
    %dot_general3A_22 = tpu.matmul %max3A_11, %get3A_20, %dot_general3A_21 {dimension_numbers = #tpu.dot_dimension_numbers<[1], [0], [0], [1], [0, 0, 1, 1], [], []>, transpose_lhs_hint = false} : vector<1264x128xf32>, vector<128x128xf32>, vector<1264x128xf32> -> vector<1264x128xf32>
    %swap3A_23 = arith.constant 0 : index
    %swap3A_24 = arith.constant 0 : index
    %swap3A_25 = vector.load %arg7[%swap3A_23, %swap3A_24] : memref<1264x128xf32, #tpu.memory_space<vmem>>, vector<1264x128xf32>
    tpu.vector_store %arg7[%swap3A_23, %swap3A_24], %dot_general3A_22 {strides = array<i32>} : memref<1264x128xf32, #tpu.memory_space<vmem>>, vector<1264x128xf32>,
    return
  }
  func.func @transform_0(%arg0: i32) -> (i32, i32) {
    %c0_i32 = arith.constant 0 : i32
    %c0_i32_0 = arith.constant 0 : i32
    return %arg0, %c0_i32 : i32, i32
  }
  func.func @transform_1(%arg0: i32) -> (i32, i32) {
    %c0_i32 = arith.constant 0 : i32
    %c0_i32_0 = arith.constant 0 : i32
    return %arg0, %c0_i32 : i32, i32
  }
  func.func @transform_2(%arg0: i32) -> (i32, i32) {
    %c0_i32 = arith.constant 0 : i32
    %c0_i32_0 = arith.constant 0 : i32
    %c0_i32_1 = arith.constant 0 : i32
    return %c0_i32, %c0_i32_0 : i32, i32
  }
  func.func @transform_3(%arg0: i32) -> (i32, i32) {
    %c0_i32 = arith.constant 0 : i32
    %c0_i32_0 = arith.constant 0 : i32
    %c0_i32_1 = arith.constant 0 : i32
    return %c0_i32, %c0_i32_0 : i32, i32
  }
  func.func @transform_4(%arg0: i32) -> (i32, i32) {
    %c0_i32 = arith.constant 0 : i32
    %c0_i32_0 = arith.constant 0 : i32
    %c0_i32_1 = arith.constant 0 : i32
    return %c0_i32, %c0_i32_0 : i32, i32
  }
  func.func @transform_5(%arg0: i32) -> (i32, i32) {
    %c0_i32 = arith.constant 0 : i32
    %c0_i32_0 = arith.constant 0 : i32
    return %arg0, %c0_i32 : i32, i32
  }
  func.func @transform_6(%arg0: i32) -> (i32, i32) {
    %c0_i32 = arith.constant 0 : i32
    %c0_i32_0 = arith.constant 0 : i32
    return %arg0, %c0_i32 : i32, i32
  }
}

module attributes {stable_mosaic.version = 14 : i64} {
  func.func @_stage_c2_body(%arg0: i32, %arg1: memref<1264x48xf32, #tpu.memory_space<vmem>>, %arg2: memref<1264x48xf32, #tpu.memory_space<vmem>>, %arg3: memref<1x40xf32, #tpu.memory_space<vmem>>, %arg4: memref<1264x40xf32, #tpu.memory_space<vmem>>) attributes {dimension_semantics = [#tpu.dimension_semantics<arbitrary>], iteration_bounds = array<i64: 8>, scalar_prefetch = 0 : i64, scratch_operands = 0 : i64, tpu.core_type = #tpu.core_type<tc>, window_params = [{transform_indices = @transform_0, window_bounds = array<i64: 1264, 48>}, {transform_indices = @transform_1, window_bounds = array<i64: 1264, 48>}, {pipeline_mode = #tpu.pipeline_mode<synchronous>, transform_indices = @transform_2, window_bounds = array<i64: 1, 40>}, {transform_indices = @transform_3, window_bounds = array<i64: 1264, 40>}]} {
    %get3A = arith.constant 0 : index
    %get3A_0 = arith.constant 0 : index
    %get3A_1 = vector.load %arg1[%get3A, %get3A_0] : memref<1264x48xf32, #tpu.memory_space<vmem>>, vector<1264x48xf32>
    %get3A_2 = arith.constant 0 : index
    %get3A_3 = arith.constant 0 : index
    %get3A_4 = vector.load %arg2[%get3A_2, %get3A_3] : memref<1264x48xf32, #tpu.memory_space<vmem>>, vector<1264x48xf32>
    %add3A = arith.addf %get3A_1, %get3A_4 : vector<1264x48xf32>
    %slice3A = vector.extract_strided_slice %add3A {offsets = [0, 0], sizes = [1264, 40], strides = [1, 1]} : vector<1264x48xf32> to vector<1264x40xf32>
    %get3A_5 = arith.constant 0 : index
    %get3A_6 = arith.constant 0 : index
    %get3A_7 = vector.load %arg3[%get3A_5, %get3A_6] : memref<1x40xf32, #tpu.memory_space<vmem>>, vector<1x40xf32>
    %add3A_8 = vector.broadcast %get3A_7 : vector<1x40xf32> to vector<1264x40xf32>
    %add3A_9 = arith.addf %slice3A, %add3A_8 : vector<1264x40xf32>
    %reduce_max3A = arith.constant dense<0xFF800000> : vector<1264xf32>
    %reduce_max3A_10 = vector.multi_reduction <maximumf>, %add3A_9, %reduce_max3A [1] : vector<1264x40xf32> to vector<1264xf32>
    %broadcast_in_dim3A = vector.shape_cast %reduce_max3A_10 : vector<1264xf32> to vector<1264x1xf32>
    %sub3A = vector.broadcast %broadcast_in_dim3A : vector<1264x1xf32> to vector<1264x40xf32>
    %sub3A_11 = arith.subf %add3A_9, %sub3A : vector<1264x40xf32>
    %exp3A = math.exp %sub3A_11 : vector<1264x40xf32>
    %reduce_sum3A = arith.constant dense<0.000000e+00> : vector<1264xf32>
    %reduce_sum3A_12 = vector.multi_reduction <add>, %exp3A, %reduce_sum3A [1] : vector<1264x40xf32> to vector<1264xf32>
    %broadcast_in_dim3A_13 = vector.shape_cast %reduce_sum3A_12 : vector<1264xf32> to vector<1264x1xf32>
    %log3A = math.log %broadcast_in_dim3A_13 : vector<1264x1xf32>
    %sub3A_14 = vector.broadcast %log3A : vector<1264x1xf32> to vector<1264x40xf32>
    %sub3A_15 = arith.subf %sub3A_11, %sub3A_14 : vector<1264x40xf32>
    %swap3A = arith.constant 0 : index
    %swap3A_16 = arith.constant 0 : index
    %swap3A_17 = vector.load %arg4[%swap3A, %swap3A_16] : memref<1264x40xf32, #tpu.memory_space<vmem>>, vector<1264x40xf32>
    tpu.vector_store %arg4[%swap3A, %swap3A_16], %sub3A_15 {strides = array<i32>} : memref<1264x40xf32, #tpu.memory_space<vmem>>, vector<1264x40xf32>,
    return
  }
  func.func @transform_0(%arg0: i32) -> (i32, i32) {
    %c0_i32 = arith.constant 0 : i32
    %c0_i32_0 = arith.constant 0 : i32
    return %arg0, %c0_i32 : i32, i32
  }
  func.func @transform_1(%arg0: i32) -> (i32, i32) {
    %c0_i32 = arith.constant 0 : i32
    %c0_i32_0 = arith.constant 0 : i32
    return %arg0, %c0_i32 : i32, i32
  }
  func.func @transform_2(%arg0: i32) -> (i32, i32) {
    %c0_i32 = arith.constant 0 : i32
    %c0_i32_0 = arith.constant 0 : i32
    %c0_i32_1 = arith.constant 0 : i32
    return %c0_i32, %c0_i32_0 : i32, i32
  }
  func.func @transform_3(%arg0: i32) -> (i32, i32) {
    %c0_i32 = arith.constant 0 : i32
    %c0_i32_0 = arith.constant 0 : i32
    return %arg0, %c0_i32 : i32, i32
  }
}

module attributes {stable_mosaic.version = 14 : i64} {
  func.func @_stage_c1_body(%arg0: i32, %arg1: memref<1264x128xf32, #tpu.memory_space<vmem>>, %arg2: memref<1264x128xf32, #tpu.memory_space<vmem>>, %arg3: memref<1264x128xf32, #tpu.memory_space<vmem>>, %arg4: memref<1x128xf32, #tpu.memory_space<vmem>>, %arg5: memref<128x1xf32, #tpu.memory_space<vmem>>, %arg6: memref<1x1xf32, #tpu.memory_space<vmem>>, %arg7: memref<128x64xf32, #tpu.memory_space<vmem>>, %arg8: memref<1x64xf32, #tpu.memory_space<vmem>>, %arg9: memref<1264x1xf32, #tpu.memory_space<vmem>>, %arg10: memref<1264x64xf32, #tpu.memory_space<vmem>>) attributes {dimension_semantics = [#tpu.dimension_semantics<arbitrary>], iteration_bounds = array<i64: 8>, scalar_prefetch = 0 : i64, scratch_operands = 0 : i64, tpu.core_type = #tpu.core_type<tc>, window_params = [{transform_indices = @transform_0, window_bounds = array<i64: 1264, 128>}, {transform_indices = @transform_1, window_bounds = array<i64: 1264, 128>}, {transform_indices = @transform_2, window_bounds = array<i64: 1264, 128>}, {pipeline_mode = #tpu.pipeline_mode<synchronous>, transform_indices = @transform_3, window_bounds = array<i64: 1, 128>}, {pipeline_mode = #tpu.pipeline_mode<synchronous>, transform_indices = @transform_4, window_bounds = array<i64: 128, 1>}, {pipeline_mode = #tpu.pipeline_mode<synchronous>, transform_indices = @transform_5, window_bounds = array<i64: 1, 1>}, {pipeline_mode = #tpu.pipeline_mode<synchronous>, transform_indices = @transform_6, window_bounds = array<i64: 128, 64>}, {pipeline_mode = #tpu.pipeline_mode<synchronous>, transform_indices = @transform_7, window_bounds = array<i64: 1, 64>}, {transform_indices = @transform_8, window_bounds = array<i64: 1264, 1>}, {transform_indices = @transform_9, window_bounds = array<i64: 1264, 64>}]} {
    %get3A = arith.constant 0 : index
    %get3A_0 = arith.constant 0 : index
    %get3A_1 = vector.load %arg1[%get3A, %get3A_0] : memref<1264x128xf32, #tpu.memory_space<vmem>>, vector<1264x128xf32>
    %get3A_2 = arith.constant 0 : index
    %get3A_3 = arith.constant 0 : index
    %get3A_4 = vector.load %arg2[%get3A_2, %get3A_3] : memref<1264x128xf32, #tpu.memory_space<vmem>>, vector<1264x128xf32>
    %add3A = arith.addf %get3A_1, %get3A_4 : vector<1264x128xf32>
    %get3A_5 = arith.constant 0 : index
    %get3A_6 = arith.constant 0 : index
    %get3A_7 = vector.load %arg4[%get3A_5, %get3A_6] : memref<1x128xf32, #tpu.memory_space<vmem>>, vector<1x128xf32>
    %add3A_8 = vector.broadcast %get3A_7 : vector<1x128xf32> to vector<1264x128xf32>
    %add3A_9 = arith.addf %add3A, %add3A_8 : vector<1264x128xf32>
    %max3A = arith.constant 0.000000e+00 : f32
    %max3A_10 = vector.broadcast %max3A : f32 to vector<1264x128xf32>
    %max3A_11 = arith.maximumf %add3A_9, %max3A_10 : vector<1264x128xf32>
    %get3A_12 = arith.constant 0 : index
    %get3A_13 = arith.constant 0 : index
    %get3A_14 = vector.load %arg3[%get3A_12, %get3A_13] : memref<1264x128xf32, #tpu.memory_space<vmem>>, vector<1264x128xf32>
    %add3A_15 = arith.addf %max3A_11, %get3A_14 : vector<1264x128xf32>
    %get3A_16 = arith.constant 0 : index
    %get3A_17 = arith.constant 0 : index
    %get3A_18 = vector.load %arg5[%get3A_16, %get3A_17] : memref<128x1xf32, #tpu.memory_space<vmem>>, vector<128x1xf32>
    %dot_general3A = arith.constant dense<0.000000e+00> : vector<1264x1xf32>
    %dot_general3A_19 = tpu.matmul %add3A_15, %get3A_18, %dot_general3A {dimension_numbers = #tpu.dot_dimension_numbers<[1], [0], [0], [1], [0, 0, 1, 1], [], []>, transpose_lhs_hint = false} : vector<1264x128xf32>, vector<128x1xf32>, vector<1264x1xf32> -> vector<1264x1xf32>
    %get3A_20 = arith.constant 0 : index
    %get3A_21 = arith.constant 0 : index
    %get3A_22 = vector.load %arg6[%get3A_20, %get3A_21] : memref<1x1xf32, #tpu.memory_space<vmem>>, vector<1x1xf32>
    %add3A_23 = vector.broadcast %get3A_22 : vector<1x1xf32> to vector<1264x1xf32>
    %add3A_24 = arith.addf %dot_general3A_19, %add3A_23 : vector<1264x1xf32>
    %swap3A = arith.constant 0 : index
    %swap3A_25 = arith.constant 0 : index
    %swap3A_26 = vector.load %arg9[%swap3A, %swap3A_25] : memref<1264x1xf32, #tpu.memory_space<vmem>>, vector<1264x1xf32>
    tpu.vector_store %arg9[%swap3A, %swap3A_25], %add3A_24 {strides = array<i32>} : memref<1264x1xf32, #tpu.memory_space<vmem>>, vector<1264x1xf32>,
    %get3A_27 = arith.constant 0 : index
    %get3A_28 = arith.constant 0 : index
    %get3A_29 = vector.load %arg7[%get3A_27, %get3A_28] : memref<128x64xf32, #tpu.memory_space<vmem>>, vector<128x64xf32>
    %dot_general3A_30 = arith.constant dense<0.000000e+00> : vector<1264x64xf32>
    %dot_general3A_31 = tpu.matmul %add3A_15, %get3A_29, %dot_general3A_30 {dimension_numbers = #tpu.dot_dimension_numbers<[1], [0], [0], [1], [0, 0, 1, 1], [], []>, transpose_lhs_hint = false} : vector<1264x128xf32>, vector<128x64xf32>, vector<1264x64xf32> -> vector<1264x64xf32>
    %get3A_32 = arith.constant 0 : index
    %get3A_33 = arith.constant 0 : index
    %get3A_34 = vector.load %arg8[%get3A_32, %get3A_33] : memref<1x64xf32, #tpu.memory_space<vmem>>, vector<1x64xf32>
    %add3A_35 = vector.broadcast %get3A_34 : vector<1x64xf32> to vector<1264x64xf32>
    %add3A_36 = arith.addf %dot_general3A_31, %add3A_35 : vector<1264x64xf32>
    %swap3A_37 = arith.constant 0 : index
    %swap3A_38 = arith.constant 0 : index
    %swap3A_39 = vector.load %arg10[%swap3A_37, %swap3A_38] : memref<1264x64xf32, #tpu.memory_space<vmem>>, vector<1264x64xf32>
    tpu.vector_store %arg10[%swap3A_37, %swap3A_38], %add3A_36 {strides = array<i32>} : memref<1264x64xf32, #tpu.memory_space<vmem>>, vector<1264x64xf32>,
    return
  }
  func.func @transform_0(%arg0: i32) -> (i32, i32) {
    %c0_i32 = arith.constant 0 : i32
    %c0_i32_0 = arith.constant 0 : i32
    return %arg0, %c0_i32 : i32, i32
  }
  func.func @transform_1(%arg0: i32) -> (i32, i32) {
    %c0_i32 = arith.constant 0 : i32
    %c0_i32_0 = arith.constant 0 : i32
    return %arg0, %c0_i32 : i32, i32
  }
  func.func @transform_2(%arg0: i32) -> (i32, i32) {
    %c0_i32 = arith.constant 0 : i32
    %c0_i32_0 = arith.constant 0 : i32
    return %arg0, %c0_i32 : i32, i32
  }
  func.func @transform_3(%arg0: i32) -> (i32, i32) {
    %c0_i32 = arith.constant 0 : i32
    %c0_i32_0 = arith.constant 0 : i32
    %c0_i32_1 = arith.constant 0 : i32
    return %c0_i32, %c0_i32_0 : i32, i32
  }
  func.func @transform_4(%arg0: i32) -> (i32, i32) {
    %c0_i32 = arith.constant 0 : i32
    %c0_i32_0 = arith.constant 0 : i32
    %c0_i32_1 = arith.constant 0 : i32
    return %c0_i32, %c0_i32_0 : i32, i32
  }
  func.func @transform_5(%arg0: i32) -> (i32, i32) {
    %c0_i32 = arith.constant 0 : i32
    %c0_i32_0 = arith.constant 0 : i32
    %c0_i32_1 = arith.constant 0 : i32
    return %c0_i32, %c0_i32_0 : i32, i32
  }
  func.func @transform_6(%arg0: i32) -> (i32, i32) {
    %c0_i32 = arith.constant 0 : i32
    %c0_i32_0 = arith.constant 0 : i32
    %c0_i32_1 = arith.constant 0 : i32
    return %c0_i32, %c0_i32_0 : i32, i32
  }
  func.func @transform_7(%arg0: i32) -> (i32, i32) {
    %c0_i32 = arith.constant 0 : i32
    %c0_i32_0 = arith.constant 0 : i32
    %c0_i32_1 = arith.constant 0 : i32
    return %c0_i32, %c0_i32_0 : i32, i32
  }
  func.func @transform_8(%arg0: i32) -> (i32, i32) {
    %c0_i32 = arith.constant 0 : i32
    %c0_i32_0 = arith.constant 0 : i32
    return %arg0, %c0_i32 : i32, i32
  }
  func.func @transform_9(%arg0: i32) -> (i32, i32) {
    %c0_i32 = arith.constant 0 : i32
    %c0_i32_0 = arith.constant 0 : i32
    return %arg0, %c0_i32 : i32, i32
  }
}

</mosaic_0001>

<sc_bundles>
// kernel: kernel.12.cloned.1.call-start
scs
__scs_entry_jumppad:
0x0: {  	(pc) =	sbr.rel $0x88, $3  }
0x1: {  	(tag) =	ssettag $0x0;
	lr =	simm.s32 $0x1  }
0x2: {  	[smem:$0x3F93] =	sst lr;
	_ =	strace $0xD0000000  }
0x3: {  	_ = 	snop  }
0x4: {  	_ = 	snop  }
0x5: {  	_ = 	snop  }
0x6: {  	_ = 	snop  }
0x7: {  	_ = 	snop  }
__scs_overlays_trampoline_lowered:
0x8: {  	[smem:$0x3FA2] =	sst s0  }
0x9: {  	[smem:$0x3FA3] =	sst s1  }
0xa: {  	[smem:$0x3FA4] =	sst s2  }
0xb: {  	[smem:$0x3FA5] =	sst s3  }
0xc: {  	[smem:$0x3FA6] =	sst s4  }
0xd: {  	[smem:$0x3FA7] =	sst s5  }
0xe: {  	[smem:$0x3FA8] =	sst s6  }
0xf: {  	[smem:$0x3FA9] =	sst s7  }
0x10: {  	[smem:$0x3FAA] =	sst s8  }
0x11: {  	[smem:$0x3FAB] =	sst s9;
	s0 =	simm.s32 @!p0 $0x0  }
0x12: {  	s1 =	sld [smem:$0x3F91];
	s0 =	simm.s32 @p0 $0x1  }
0x13: {  	[smem:$0x3FAC] =	sst s0;
	s0 =	simm.s32 @!p1 $0x0  }
0x14: {  	s2 =	sld [smem:$0x3F90];
	s0 =	simm.s32 @p1 $0x1  }
0x15: {  	[smem:$0x3FAD] =	sst s0;
	s0 =	simm.s32 @!p2 $0x0  }
0x16: {  	s3 =	sld [smem:$0x3FDB];
	s0 =	simm.s32 @p2 $0x1  }
0x17: {  	s4 =	simm.s32 $0x1BF5;
	[smem:$0x3FAF] =	sst s0  }
0x18: {  	s0 =	sld [smem:$0x3F92];
	_ =	swait.ge [sflag:s4], $0x0  }
0x19: {  	s7 =	sld [smem:$0x3F93]  }
0x1a: {  	s8 =	sadd.s32 $0xFFFFE003, lr  }
0x1b: {  	s9 =	sadd.s32 $0xFFFFFEF7, lr;
	s5 =	simm.s32 $0xFFFFFFFF;
	p2 =	slt.u32 s8, $0xFFFFF086  }
0x1c: {  	p1 =	slt.u32 s9, $0xF7A;
	s5 =	simm.s32 @!p2 $0x0  }
0x1d: {  	s5 =	simm.s32 @p1 $0x1;
	p0 =	seq.s32 s7, s2  }
0x1e: {  	s7 =	smul.u32 @!p0 $0xF7A, s2;
	p2 =	seq.s32 @!p0 s5, $0x0  }
0x1f: {  	s9 =	smul.u32 $0xF7A, s1;
	s8 =	simm.s32 @!p0 $0x1BF5;
	p2 =	por !p2, p0  }
0x20: {  	[sflag:s8] =	ssyncset.s32 @!p0 $0xFFFFF086;
	s6 =	sadd.s32 @!p0 s3, s7;
	s7 =	simm.s32 @!p0 $0x108  }
0x21: {  	s3 =	sadd.s32 s3, s9;
	s6 =	sadd.s32 @!p0 $0x88, s6;
	s7 =	simm.s32 @p2 $0x1082  }
0x22: {  	[simem:s7], [sflag:s8] =	dma.local @!p0 [hbm:s6], $0xF7A  }
0x23: {  	s9 =	sor.u32 $0xD0000000, s2;
	s6 =	simm.s32 $0x108;
	_ =	swait.ge @!p0 [sflag:s8], $0x0  }
0x24: {  	s3 =	sadd.s32 $0x88, s3;
	s6 =	simm.s32 @!p1 $0x1082;
	[sflag:s4] =	ssyncset.s32 $0xFFFFF086  }
0x25: {  	[simem:s6], [sflag:s4] =	dma.local [hbm:s3], $0xF7A  }
0x26: {  	[smem:$0x3F93] =	sst s1;
	(tag) =	ssettag s2;
	_ =	strace s9  }
0x27: {  	s1 =	sld [smem:$0x3FA3]  }
0x28: {  	s2 =	sld [smem:$0x3FA4]  }
0x29: {  	s4 =	sld [smem:$0x3FA6]  }
0x2a: {  	p0 =	seq.s32 s5, $0x0;
	s5 =	sld [smem:$0x3FA7]  }
0x2b: {  	s6 =	sld [smem:$0x3FA8]  }
0x2c: {  	s7 =	sld [smem:$0x3FA9]  }
0x2d: {  	s3 =	simm.s32 $0x108;
	s8 =	sld [smem:$0x3FAA]  }
0x2e: {  	s3 =	simm.s32 @!p0 $0x1082;
	s9 =	sld [smem:$0x3FAB]  }
0x2f: {  	lr =	sadd.s32 s0, s3;
	s0 =	sld [smem:$0x3FA2]  }
0x30: {  	s3 =	sld [smem:$0x3FA5]  }
0x31: {  	[smem:$0x3FAE] =	sst s10  }
0x32: {  	s10 =	sld [smem:$0x3FAC];
	_ =	sdelay $0x3  }
0x33: {  	p0 =	seq.s32 s10, $0x1;
	s10 =	sld [smem:$0x3FAE];
	_ =	sdelay $0x3  }
0x34: {  	[smem:$0x3FAE] =	sst s10  }
0x35: {  	s10 =	sld [smem:$0x3FAD];
	_ =	sdelay $0x3  }
0x36: {  	p1 =	seq.s32 s10, $0x1;
	s10 =	sld [smem:$0x3FAE];
	_ =	sdelay $0x3  }
0x37: {  	[smem:$0x3FAE] =	sst s10  }
0x38: {  	s10 =	sld [smem:$0x3FAF]  }
0x39: {  	_ = 	snop;
	(pc) =	sbr.ind lr, $3  }
0x3a: {  	_ = 	snop  }
0x3b: {  	_ = 	snop  }
0x3c: {  	p2 =	seq.s32 s10, $0x1;
	s10 =	sld [smem:$0x3FAE]  }
0x3d: {  	_ =	shalt  }
0x3e: {  	_ =	shalt  }
0x3f: {  	_ =	shalt  }
0x40: {  	_ =	shalt  }
0x41: {  	_ =	shalt  }
0x42: {  	_ =	shalt  }
0x43: {  	_ =	shalt  }
0x44: {  	_ =	shalt  }
0x45: {  	_ =	shalt  }
0x46: {  	_ =	shalt  }
0x47: {  	_ =	shalt  }
0x48: {  	_ =	shalt  }
0x49: {  	_ =	shalt  }
0x4a: {  	_ =	shalt  }
0x4b: {  	_ =	shalt  }
0x4c: {  	_ =	shalt  }
0x4d: {  	_ =	shalt  }
0x4e: {  	_ =	shalt  }
0x4f: {  	_ =	shalt  }
0x50: {  	_ =	shalt  }
0x51: {  	_ =	shalt  }
0x52: {  	_ =	shalt  }
0x53: {  	_ =	shalt  }
0x54: {  	_ =	shalt  }
0x55: {  	_ =	shalt  }
0x56: {  	_ =	shalt  }
0x57: {  	_ =	shalt  }
0x58: {  	_ =	shalt  }
0x59: {  	_ =	shalt  }
0x5a: {  	_ =	shalt  }
0x5b: {  	_ =	shalt  }
0x5c: {  	_ =	shalt  }
0x5d: {  	_ =	shalt  }
0x5e: {  	_ =	shalt  }
0x5f: {  	_ =	shalt  }
0x60: {  	_ =	shalt  }
0x61: {  	_ =	shalt  }
0x62: {  	_ =	shalt  }
0x63: {  	_ =	shalt  }
0x64: {  	_ =	shalt  }
0x65: {  	_ =	shalt  }
0x66: {  	_ =	shalt  }
0x67: {  	_ =	shalt  }
0x68: {  	_ =	shalt  }
0x69: {  	_ =	shalt  }
0x6a: {  	_ =	shalt  }
0x6b: {  	_ =	shalt  }
0x6c: {  	_ =	shalt  }
0x6d: {  	_ =	shalt  }
0x6e: {  	_ =	shalt  }
0x6f: {  	_ =	shalt  }
0x70: {  	_ =	shalt  }
0x71: {  	_ =	shalt  }
0x72: {  	_ =	shalt  }
0x73: {  	_ =	shalt  }
0x74: {  	_ =	shalt  }
0x75: {  	_ =	shalt  }
0x76: {  	_ =	shalt  }
0x77: {  	_ =	shalt  }
0x78: {  	_ =	shalt  }
0x79: {  	_ =	shalt  }
0x7a: {  	_ =	shalt  }
0x7b: {  	_ =	shalt  }
0x7c: {  	_ =	shalt  }
0x7d: {  	_ =	shalt  }
0x7e: {  	_ =	shalt  }
0x7f: {  	_ =	shalt  }
0x80: {  	_ =	shalt  }
0x81: {  	_ =	shalt  }
0x82: {  	_ =	shalt  }
0x83: {  	_ =	shalt  }
0x84: {  	_ =	shalt  }
0x85: {  	_ =	shalt  }
0x86: {  	_ =	shalt  }
0x87: {  	_ =	shalt  }
.Lfunc_end0:
.L_simem_size_0:
called_computation.1_lowered:
.L_overlay_start_0:
0x88: {  	s2 =	sld [smem:$0x3FD9]  }
0x89: {  	s3 =	sld [smem:$0x3FFE];
	_ =	sdelay $0x1  }
0x8a: {  	s1 =	srdreg.scid  }
0x8b: {  	s0 =	sand.u32 $0x1, s1  }
0x8c: {  	s17 =	sshll.u32 s0, $0xA;
	s2 =	sadd.s32 s3, s2  }
0x8d: {  	s2 =	sadd.s32 s2, s17  }
0x8e: {  	[smem:$0x3FBA] =	sst s2  }
0x8f: {  	_ = 	snop  }
0x90: {  	(tm) =	ssettm $0x1  }
0x91: {  	s18 =	sld [smem:$0x3FFB];
	_ =	sdelay $0x3  }
0x92: {  	_ =	strace s18  }
0x93: {  	s2 =	sld [smem:$0x3FFC];
	_ =	sdelay $0x3  }
0x94: {  	_ =	strace s2  }
0x95: {  	s2 =	sld [smem:$0x3FFD];
	_ =	sdelay $0x3  }
0x96: {  	_ =	strace s2  }
0x97: {  	_ =	strace $0x8FFFFFFF  }
0x98: {  	s19 =	sld [smem:$0x3FDB];
	_ =	sdelay $0x1  }
0x99: {  	s20 =	simm.s32 $_scs_section_size  }
0x9a: {  	s4 =	simm.s32 $_size__tile_overlayer_lowered;
	s5 =	simm.s32 $_tile_overlayer_lowered  }
0x9b: {  	s6 =	simm.s32 $0x1BFF;
	s21 =	sshll.u32 s5, $0x1;
	s3 =	sadd.s32 s20, s19  }
0x9c: {  	s22 =	simm.s32 $0x0;
	s4 =	sshll.u32 s4, $0x1;
	s5 =	sadd.s32 s21, s3  }
0x9d: {  	[timem:s22], [sflag:s6] =	dma.local [hbm:s5], s4  }
0x9e: {  	_ =	swait.ge [sflag:s6], s4  }
0x9f: {  	s4 =	ssub.s32 $0x0, s4;
	[sflag:s6] =	ssyncset.done $0x0  }
0xa0: {  	[sflag:s6] =	ssyncadd.s32 s4;
	_ =	sdelay $0x1  }
0xa1: {  	s23 =	simm.s32 $0x1B8B  }
0xa2: {  	_ =	swait.ge [sflag:s23], $0x1  }
0xa3: {  	[sflag:s23] =	ssyncset.done $0x0  }
0xa4: {  	[sflag:s23] =	ssyncadd.s32 $0xFFFFFFFF  }
0xa5: {  	s4 =	sld [smem:$0x0]  }
0xa6: {  	s5 =	sand.u32 $0xFFFFFFFE, s1  }
0xa7: {  	p0 =	sne.s32 s1, s5  }
0xa8: {  	s5 =	sshll.u32 @p0 s5, $0xE  }
0xa9: {  	s5 =	sadd.s32 @p0 $0x11B8D, s5;
	s6 =	sshll.u32 @p0 s4, $0x11  }
0xaa: {  	s5 =	sor.u32 @p0 s6, s5  }
0xab: {  	[sflag:s5] =	ssyncadd.remote.s32 @p0 $0x1;
	_ =	sdelay $0x1  }
0xac: {  	s5 =	simm.s32 @p0 $0x1B8D  }
0xad: {  	_ =	swait.eq @p0 [sflag:s5], $0x1  }
0xae: {  	[sflag:s5] =	ssyncadd.s32 @p0 $0xFFFFFFFF  }
0xaf: {  	s6 =	sshll.u32 @!p0 s1, $0xE  }
0xb0: {  	s6 =	sor.u32 @!p0 $0x4000, s6;
	s5 =	simm.s32 @!p0 $0x1B8D  }
0xb1: {  	s4 =	sshll.u32 @!p0 s4, $0x11;
	s6 =	sadd.s32 @!p0 $0x11B8D, s6;
	_ =	swait.eq @!p0 [sflag:s5], $0x1  }
0xb2: {  	s4 =	sor.u32 @!p0 s4, s6;
	[sflag:s5] =	ssyncadd.s32 @!p0 $0xFFFFFFFF  }
0xb3: {  	s25 =	simm.s32 $0x1B8E;
	s24 =	sld [smem:$0x3FFE];
	[sflag:s4] =	ssyncadd.remote.s32 @!p0 $0x1  }
0xb4: {  	s26 =	simm.s32 $execute0_lowered;
	[smem:$0x3FD2] =	sst s25  }
0xb5: {  	s5 =	sshll.u32 s26, $0x1;
	_ =	strace $0x8000004C;
	[dreg:$0x1] =	wrdreg $0xFFFFFFFF  }
0xb6: {  	s28 =	simm.s32 $_size_execute0_lowered;
	s3 =	sadd.s32 s3, s5;
	[dreg:$0x0] =	wrdreg $0x0  }
0xb7: {  	s5 =	sshll.u32 s28, $0x1;
	[dreg:$0x2] =	wrdreg s3  }
0xb8: {  	[dreg:$0x3] =	wrdreg s5  }
0xb9: {  	[dreg:$0x4] =	wrdreg $0xC0  }
0xba: {  	_ =	task [dreg:s22], $0x5FFFF  }
0xbb: {  	[dreg:$0x1] =	wrdreg $0xFFFFFFFF  }
0xbc: {  	[dreg:$0x0] =	wrdreg $0x60  }
0xbd: {  	[dreg:$0x2] =	wrdreg s24  }
0xbe: {  	[dreg:$0x3] =	wrdreg $0x82000  }
0xbf: {  	[dreg:$0x4] =	wrdreg $0x9  }
0xc0: {  	_ =	task.clear_ibuf [dreg:s22], $0x5FFFF;
	_ =	strace $0x9000004C  }
0xc1: {  	s29 =	simm.s32 $0x9;
	_ =	strace $0x8000004E  }
0xc2: {  	_ =	swait.ge [sflag:s29], $0x1  }
0xc3: {  	[sflag:s29] =	ssyncadd.s32 $0xFFFFFFFF  }
0xc4: {  	_ =	strace $0x9000004E  }
0xc5: {  	_ =	sfence  }
0xc6: {  	s30 =	sld [smem:$0x0];
	_ =	sdelay $0x2  }
0xc7: {  	s31 =	sshll.u32 s1, $0xD;
	s1 =	sshrl.u32 s1, $0x2  }
0xc8: {  	s4 =	sand.u32 $0x4000, s31;
	s1 =	sadd.s32 s1, s30  }
0xc9: {  	s0 =	sor.u32 s4, s0;
	s1 =	sshll.u32 s1, $0x11  }
0xca: {  	s0 =	sor.u32 s1, s0  }
0xcb: {  	s0 =	sadd.s32 $0x8F2B, s0  }
0xcc: {  	[sflag:s0] =	ssyncadd.remote.s32 $0x1  }
0xcd: {  	_ =	sfence.sel $0xFFFF  }
0xce: {  	[dreg:$0x0] =	wrdreg $0xFFFFFFFF;
	(pc) =	sbr.abs _section_cstart, $3  }
0xcf: {  	[dreg:$0x1] =	wrdreg $0xFFFFFFFF  }
0xd0: {  	_ =	task.clear_ibuf [dreg:s22], $0x2FFFF;
	_ =	strace $0x9FFFFFFF  }
0xd1: {  	(tm) =	ssettm $0x7FFFFFFF  }
tec
execute0_lowered:
.L_overlay_start_1:
0x0: {  	(tag) =	ssettag $0x1  }
0x1: {  	s0 =	rddreg [dreg:$0x0]  }
0x2: {  	s1 =	rddreg [dreg:$0x1];
	s2 =	srdreg.scid;
	s3 =	simm.s32 $0x0  }
0x3: {  	s14 =	stileid.u32;
	s28 =	simm.s32 $0x1;
	s29 =	simm.s32 $0x2  }
0x4: {  	s30 =	simm.s32 $0x4200;
	s31 =	simm.s32 $0x5;
	s16 =	simm.s32 $0xA  }
0x5: {  	s17 =	simm.s32 $0x0;
	s2 =	sand.u32 $0x1, s2;
	s6 =	smul.u32 $0x13C00, s14  }
0x6: {  	[smem:$0x7FF] =	sst s3;
	s4 =	sadd.s32 $0x20A00, s0;
	s7 =	smul.u32 $0x4F000, s14  }
0x7: {  	s11 =	sadd.s32 $0x16A00, s0;
	s13 =	sadd.s32 $0xCA00, s0;
	s12 =	smul.u32 $0x900, s14  }
0x8: {  	s14 =	sshll.u32 s14, $0x8;
	s5 =	smul.u32 $0x13C000, s2;
	_ =	strace $0x8000004D  }
0x9: {  	s18 =	ssub.s32 $0x2, s2;
	p0 =	seq.s32 s2, $0x1;
	s23 =	sor.u32 $0x9000, s14  }
0xa: {  	s15 =	sor.u32 $0x9010, s14;
	s7 =	sshrl.u32 s7, $0x2;
	s8 =	sshrl.u32 s18, $0x1  }
0xb: {  	s10 =	sadd.s32 s11, s12;
	s21 =	sor.u32 $0x10, s12;
	s12 =	sadd.s32 s13, s12  }
0xc: {  	s24 =	sadd.s32 s11, s23;
	s25 =	sadd.s32 s11, s15;
	s26 =	sadd.s32 s13, s15  }
0xd: {  	s15 =	simm.s32 $0x8;
	s5 =	sadd.s32 s6, s5;
	[dreg:$0x8] =	wrdreg s24  }
0xe: {  	s6 =	ssub.s32 s18, s8;
	s22 =	sadd.s32 s11, s21;
	[dreg:$0x9] =	wrdreg s25  }
0xf: {  	s2 =	sadd.s32 s13, s21;
	[dreg:$0xb] =	wrdreg s26;
	s21 =	sadd.s32 s14, s13  }
0x10: {  	s24 =	simm.s32 $0x80;
	s25 =	simm.s32 $0x100;
	[dreg:$0x6] =	wrdreg s22  }
0x11: {  	s26 =	simm.s32 $0x180;
	s5 =	sshrl.u32 s5, $0x3;
	[dreg:$0x7] =	wrdreg s2  }
0x12: {  	s2 =	sadd.s32 s13, s23;
	s22 =	simm.s32 $0x200;
	s23 =	simm.s32 $0x9  }
0x13: {  	s13 =	simm.s32 $0x4;
	s0 =	sadd.s32 s5, s0;
	s5 =	sadd.s32 s7, s1  }
.Ltmp0:
0x14: {  	[dreg:$0xa] =	wrdreg s2;
	s7 =	sadd.s32 $0x4000, s5;
	(pc) =	sbr.rel .LBB2_1-.Ltmp0, $4  }
0x15: {  	s19 =	sadd.s32 $0x8000, s5;
	s20 =	sadd.s32 $0xC000, s5;
	[dreg:$0x3] =	wrdreg s7  }
0x16: {  	s9 =	sadd.s32 $0x10000, s5;
	s18 =	sadd.s32 $0x8D400, s0;
	[dreg:$0x4] =	wrdreg s19  }
0x17: {  	s0 =	simm.s32 $0x3;
	[dreg:$0x5] =	wrdreg s20;
	s19 =	smax.u32 s6, $0x1  }
0x18: {  	v0 =	vimm.f32 $0.0e+00;
	s20 =	sadd.s32 s14, s11;
	s11 =	simm.s32 $0x6;
	s14 =	simm.s32 $0x7  }
.LBB2_6:
0x19: {  	[tilespmem:s30], [sflag:$0x6] =	stream.indirect.gather [hbm4b:s4+s24], $0x80, s24, s24, $0xb8;
	[tilespmem:$0x1BE00] =	vst v63  }
.LBB2_10:
0x1a: {  	_ =	swait.ge [sflag:s31], $0x4000  }
0x1b: {  	[sflag:s31] =	ssyncset.done $0x0  }
0x1c: {  	[sflag:s31] =	ssyncadd.s32 $0xFFFFC000  }
0x1d: {  	_ =	swait.ge [sflag:s0], $0x80  }
0x1e: {  	[sflag:s0] =	ssyncset.done $0x0  }
0x1f: {  	[sflag:s0] =	ssyncadd.s32 $0xFFFFFF80  }
0x20: {  	[spmem:s1] =	stream.indirect.scatter.add.f32 [tilespmem:s22], [sflag:$0x7], $0x80, s25, s24, $0xb8;
	[tilespmem:$0x1BE00] =	vst v63  }
0x21: {  	_ =	swait.ge [sflag:s11], $0x4000  }
0x22: {  	[sflag:s11] =	ssyncset.done $0x0  }
0x23: {  	[sflag:s11] =	ssyncadd.s32 $0xFFFFC000  }
0x24: {  	_ =	swait.ge [sflag:s13], $0x80  }
0x25: {  	[sflag:s13] =	ssyncset.done $0x0  }
0x26: {  	[sflag:s13] =	ssyncadd.s32 $0xFFFFFF80  }
0x27: {  	[spmem:s1] =	stream.indirect.scatter.add.f32 [tilespmem:s30], [sflag:$0x8], $0x80, s26, s24, $0xb8;
	[tilespmem:$0x1BE00] =	vst v63  }
0x28: {  	_ =	swait.ge [sflag:s14], $0x4000  }
0x29: {  	[sflag:s14] =	ssyncset.done $0x0  }
0x2a: {  	[sflag:s14] =	ssyncadd.s32 $0xFFFFC000  }
0x2b: {  	s2 =	stileid.u32;
	_ =	swait.ge [sflag:s15], $0x4000  }
0x2c: {  	s6 =	sshrl.u32 s5, $0x3;
	s17 =	sadd.s32 $0x1, s17;
	[sflag:s15] =	ssyncset.done $0x0  }
0x2d: {  	s2 =	sshll.u32 s2, $0x6;
	p1 =	sne.s32 s17, s19;
	[sflag:s15] =	ssyncadd.s32 $0xFFFFC000  }
.Ltmp1:
0x2e: {  	s2 =	sor.u32 $0x1C0A, s2;
	[bflag:$0x0] =	sbarrier.arrive $0xFFFF;
	(pc) =	sbr.rel @!p1 .LBB2_11-.Ltmp1, $4  }
0x2f: {  	[hbm:s18], [sflag:s2] =	dma.local [spmem:s6], $0x2780  }
0x30: {  	_ =	swait.ge [sflag:s16], $0x2780  }
0x31: {  	[sflag:s16] =	ssyncset.done $0x0  }
0x32: {  	[sflag:s16] =	ssyncadd.s32 $0xFFFFD880  }
.LBB2_1:
0x33: {  	s2 =	simm.s32 $0x0;
	s6 =	simm.s32 $0x200  }
.LBB2_2:
0x34: {  	p1 =	sne.s32 s6, $0xFE00;
	[tilespmem:s2+$0x270] =	vst v0  }
0x35: {  	[tilespmem:s2+$0x200] =	vst v0  }
0x36: {  	[tilespmem:s2+$0x210] =	vst v0  }
.Ltmp2:
0x37: {  	[tilespmem:s2+$0x220] =	vst v0;
	(pc) =	sbr.rel @p1 .LBB2_2-.Ltmp2, $4  }
0x38: {  	[tilespmem:s2+$0x230] =	vst v0  }
0x39: {  	[tilespmem:s2+$0x240] =	vst v0  }
0x3a: {  	[tilespmem:s2+$0x250] =	vst v0  }
0x3b: {  	[tilespmem:s2+$0x260] =	vst v0;
	s2 =	sshra.s32 s6, $0x2;
	s6 =	sadd.s32 $0x200, s6  }
0x3c: {  	[tilespmem:s2+$0x270] =	vst v0  }
0x3d: {  	[tilespmem:s2+$0x200] =	vst v0  }
0x3e: {  	[tilespmem:s2+$0x210] =	vst v0  }
0x3f: {  	[tilespmem:s2+$0x220] =	vst v0  }
0x40: {  	[tilespmem:s2+$0x230] =	vst v0  }
0x41: {  	[tilespmem:s2+$0x240] =	vst v0  }
0x42: {  	[tilespmem:s2+$0x250] =	vst v0  }
0x43: {  	[tilespmem:s2+$0x260] =	vst v0  }
0x44: {  	[spmem:s5] =	stream.linear.scatter [tilespmem:s22], [sflag:$0x9], $0x4000, $0x38;
	[tilespmem:$0x1BE00] =	vst v63  }
0x45: {  	s6 =	rddreg [dreg:$0x3]  }
0x46: {  	[spmem:s6] =	stream.linear.scatter [tilespmem:s22], [sflag:$0x9], $0x4000, $0x38;
	[tilespmem:$0x1BE00] =	vst v63  }
0x47: {  	s7 =	rddreg [dreg:$0x4]  }
0x48: {  	[spmem:s7] =	stream.linear.scatter [tilespmem:s22], [sflag:$0x9], $0x4000, $0x38;
	[tilespmem:$0x1BE00] =	vst v63  }
0x49: {  	s8 =	rddreg [dreg:$0x5]  }
0x4a: {  	[spmem:s8] =	stream.linear.scatter [tilespmem:s22], [sflag:$0x9], $0x4000, $0x38;
	[tilespmem:$0x1BE00] =	vst v63  }
0x4b: {  	_ = 	snop  }
0x4c: {  	[spmem:s9] =	stream.linear.scatter [tilespmem:s22], [sflag:$0x9], $0x3C00, $0x38;
	[tilespmem:$0x1BE00] =	vst v63  }
0x4d: {  	_ =	swait.ge [sflag:s23], $0x4000  }
0x4e: {  	[sflag:s23] =	ssyncset.done $0x0  }
0x4f: {  	[sflag:s23] =	ssyncadd.s32 $0xFFFFC000  }
0x50: {  	_ =	swait.ge [sflag:s23], $0x4000  }
0x51: {  	[sflag:s23] =	ssyncset.done $0x0  }
0x52: {  	[sflag:s23] =	ssyncadd.s32 $0xFFFFC000  }
0x53: {  	_ =	swait.ge [sflag:s23], $0x4000  }
0x54: {  	[sflag:s23] =	ssyncset.done $0x0  }
0x55: {  	[sflag:s23] =	ssyncadd.s32 $0xFFFFC000  }
0x56: {  	_ =	swait.ge [sflag:s23], $0x4000  }
.Ltmp3:
0x57: {  	[sflag:s23] =	ssyncset.done $0x0;
	(pc) =	sbr.rel @!p0 .LBB2_4-.Ltmp3, $4  }
0x58: {  	[sflag:s23] =	ssyncadd.s32 $0xFFFFC000  }
0x59: {  	_ =	swait.ge [sflag:s23], $0x3C00  }
0x5a: {  	[sflag:s23] =	ssyncset.done $0x0  }
0x5b: {  	[sflag:s23] =	ssyncadd.s32 $0xFFFFC400  }
0x5c: {  	s2 =	rddreg [dreg:$0x8]  }
0x5d: {  	[tilespmem:s3], [sflag:$0x1] =	stream.linear.gather [hbm4b:s2+s3], $0x80, $0x38;
	[tilespmem:$0x1BE00] =	vst v63  }
0x5e: {  	s8 =	rddreg [dreg:$0x9]  }
0x5f: {  	[tilespmem:s24], [sflag:$0x2] =	stream.linear.gather [hbm4b:s8+s3], $0x80, $0x38;
	[tilespmem:$0x1BE00] =	vst v63  }
0x60: {  	s6 =	rddreg [dreg:$0xa]  }
0x61: {  	[tilespmem:s25], [sflag:$0x3] =	stream.linear.gather [hbm4b:s6+s3], $0x80, $0x38;
	[tilespmem:$0x1BE00] =	vst v63  }
0x62: {  	s7 =	rddreg [dreg:$0xb]  }
0x63: {  	[tilespmem:s26], [sflag:$0x4] =	stream.linear.gather [hbm4b:s7+s3], $0x80, $0x38;
	[tilespmem:$0x1BE00] =	vst v63  }
0x64: {  	[bflag:$0x0] =	sbarrier.arrive $0xFFFF  }
0x65: {  	_ =	swait.ge [sflag:s28], $0x80  }
0x66: {  	[sflag:s28] =	ssyncset.done $0x0  }
0x67: {  	[sflag:s28] =	ssyncadd.s32 $0xFFFFFF80  }
0x68: {  	[tilespmem:s22], [sflag:$0x5] =	stream.indirect.gather [hbm4b:s4+s24], $0x80, s3, s24, $0xb8;
	[tilespmem:$0x1BE00] =	vst v63  }
0x69: {  	_ =	swait.ge [sflag:s29], $0x80  }
0x6a: {  	[sflag:s29] =	ssyncset.done $0x0  }
0x6b: {  	[sflag:s29] =	ssyncadd.s32 $0xFFFFFF80  }
0x6c: {  	[tilespmem:s30], [sflag:$0x6] =	stream.indirect.gather [hbm4b:s4+s24], $0x80, s24, s24, $0xb8;
	[tilespmem:$0x1BE00] =	vst v63  }
0x6d: {  	_ =	swait.ge [sflag:s31], $0x4000  }
0x6e: {  	s8 =	sadd.s32 $0xFFFFFF20, s20;
	[sflag:s31] =	ssyncset.done $0x0  }
0x6f: {  	s6 =	sadd.s32 $0x9100, s8;
	[sflag:s31] =	ssyncadd.s32 $0xFFFFC000  }
0x70: {  	[tilespmem:s3], [sflag:$0x1] =	stream.linear.gather [hbm4b:s6+s3], $0x80, $0x38;
	[tilespmem:$0x1BE00] =	vst v63  }
0x71: {  	_ =	swait.ge [sflag:s0], $0x80  }
0x72: {  	[sflag:s0] =	ssyncset.done $0x0  }
0x73: {  	[sflag:s0] =	ssyncadd.s32 $0xFFFFFF80  }
0x74: {  	[spmem:s1] =	stream.indirect.scatter.add.f32 [tilespmem:s22], [sflag:$0x7], $0x80, s25, s24, $0xb8;
	[tilespmem:$0x1BE00] =	vst v63  }
0x75: {  	_ =	swait.ge [sflag:s11], $0x4000  }
0x76: {  	[sflag:s11] =	ssyncset.done $0x0  }
0x77: {  	s2 =	sadd.s32 $0x9110, s8;
	[sflag:s11] =	ssyncadd.s32 $0xFFFFC000  }
0x78: {  	[tilespmem:s24], [sflag:$0x2] =	stream.linear.gather [hbm4b:s2+s3], $0x80, $0x38;
	[tilespmem:$0x1BE00] =	vst v63  }
0x79: {  	_ =	swait.ge [sflag:s13], $0x80  }
0x7a: {  	[sflag:s13] =	ssyncset.done $0x0  }
0x7b: {  	[sflag:s13] =	ssyncadd.s32 $0xFFFFFF80  }
0x7c: {  	[spmem:s1] =	stream.indirect.scatter.add.f32 [tilespmem:s30], [sflag:$0x8], $0x80, s26, s24, $0xb8;
	[tilespmem:$0x1BE00] =	vst v63  }
0x7d: {  	_ =	swait.ge [sflag:s14], $0x4000  }
0x7e: {  	s7 =	sadd.s32 $0xFFFFFF20, s21;
	[sflag:s14] =	ssyncset.done $0x0  }
0x7f: {  	s8 =	sadd.s32 $0x9100, s7;
	[sflag:s14] =	ssyncadd.s32 $0xFFFFC000  }
0x80: {  	[tilespmem:s25], [sflag:$0x3] =	stream.linear.gather [hbm4b:s8+s3], $0x80, $0x38;
	[tilespmem:$0x1BE00] =	vst v63  }
0x81: {  	_ =	swait.ge [sflag:s28], $0x80  }
0x82: {  	[sflag:s28] =	ssyncset.done $0x0  }
0x83: {  	[sflag:s28] =	ssyncadd.s32 $0xFFFFFF80  }
0x84: {  	[tilespmem:s22], [sflag:$0x5] =	stream.indirect.gather [hbm4b:s4+s24], $0x80, s3, s24, $0xb8;
	[tilespmem:$0x1BE00] =	vst v63  }
0x85: {  	_ =	swait.ge [sflag:s15], $0x4000  }
0x86: {  	[sflag:s15] =	ssyncset.done $0x0  }
0x87: {  	s2 =	sadd.s32 $0x9110, s7;
	[sflag:s15] =	ssyncadd.s32 $0xFFFFC000  }
0x88: {  	[tilespmem:s26], [sflag:$0x4] =	stream.linear.gather [hbm4b:s2+s3], $0x80, $0x38;
	[tilespmem:$0x1BE00] =	vst v63  }
0x89: {  	_ =	swait.ge [sflag:s29], $0x80  }
0x8a: {  	[sflag:s29] =	ssyncset.done $0x0  }
0x8b: {  	s2 =	simm.s32 $0xFFFFFF40;
	[sflag:s29] =	ssyncadd.s32 $0xFFFFFF80  }
.LBB2_8:
0x8c: {  	[tilespmem:s30], [sflag:$0x6] =	stream.indirect.gather [hbm4b:s4+s24], $0x80, s24, s24, $0xb8;
	[tilespmem:$0x1BE00] =	vst v63  }
0x8d: {  	s6 =	smov.u32 s2  }
0x8e: {  	p1 =	sne.s32 s2, $0xFFFFFFE0;
	s2 =	sadd.s32 $0x20, s2;
	_ =	swait.ge [sflag:s31], $0x4000  }
0x8f: {  	s7 =	sadd.s32 s6, s20;
	[sflag:s31] =	ssyncset.done $0x0  }
0x90: {  	s8 =	sadd.s32 $0x9100, s7;
	[sflag:s31] =	ssyncadd.s32 $0xFFFFC000  }
0x91: {  	[tilespmem:s3], [sflag:$0x1] =	stream.linear.gather [hbm4b:s8+s3], $0x80, $0x38;
	[tilespmem:$0x1BE00] =	vst v63  }
0x92: {  	_ =	swait.ge [sflag:s0], $0x80  }
0x93: {  	[sflag:s0] =	ssyncset.done $0x0  }
0x94: {  	[sflag:s0] =	ssyncadd.s32 $0xFFFFFF80  }
0x95: {  	[spmem:s1] =	stream.indirect.scatter.add.f32 [tilespmem:s22], [sflag:$0x7], $0x80, s25, s24, $0xb8;
	[tilespmem:$0x1BE00] =	vst v63  }
0x96: {  	_ =	swait.ge [sflag:s11], $0x4000  }
0x97: {  	[sflag:s11] =	ssyncset.done $0x0  }
0x98: {  	s7 =	sadd.s32 $0x9110, s7;
	[sflag:s11] =	ssyncadd.s32 $0xFFFFC000  }
0x99: {  	[tilespmem:s24], [sflag:$0x2] =	stream.linear.gather [hbm4b:s7+s3], $0x80, $0x38;
	[tilespmem:$0x1BE00] =	vst v63  }
0x9a: {  	_ =	swait.ge [sflag:s13], $0x80  }
0x9b: {  	[sflag:s13] =	ssyncset.done $0x0  }
0x9c: {  	[sflag:s13] =	ssyncadd.s32 $0xFFFFFF80  }
0x9d: {  	[spmem:s1] =	stream.indirect.scatter.add.f32 [tilespmem:s30], [sflag:$0x8], $0x80, s26, s24, $0xb8;
	[tilespmem:$0x1BE00] =	vst v63  }
0x9e: {  	_ =	swait.ge [sflag:s14], $0x4000  }
0x9f: {  	s6 =	sadd.s32 s6, s21;
	[sflag:s14] =	ssyncset.done $0x0  }
0xa0: {  	s7 =	sadd.s32 $0x9100, s6;
	[sflag:s14] =	ssyncadd.s32 $0xFFFFC000  }
0xa1: {  	[tilespmem:s25], [sflag:$0x3] =	stream.linear.gather [hbm4b:s7+s3], $0x80, $0x38;
	[tilespmem:$0x1BE00] =	vst v63  }
0xa2: {  	_ =	swait.ge [sflag:s28], $0x80  }
0xa3: {  	[sflag:s28] =	ssyncset.done $0x0  }
0xa4: {  	[sflag:s28] =	ssyncadd.s32 $0xFFFFFF80  }
0xa5: {  	[tilespmem:s22], [sflag:$0x5] =	stream.indirect.gather [hbm4b:s4+s24], $0x80, s3, s24, $0xb8;
	[tilespmem:$0x1BE00] =	vst v63  }
0xa6: {  	_ =	swait.ge [sflag:s15], $0x4000  }
0xa7: {  	[sflag:s15] =	ssyncset.done $0x0  }
.Ltmp4:
0xa8: {  	s6 =	sadd.s32 $0x9110, s6;
	[sflag:s15] =	ssyncadd.s32 $0xFFFFC000;
	(pc) =	sbr.rel @p1 .LBB2_8-.Ltmp4, $4  }
0xa9: {  	[tilespmem:s26], [sflag:$0x4] =	stream.linear.gather [hbm4b:s6+s3], $0x80, $0x38;
	[tilespmem:$0x1BE00] =	vst v63  }
0xaa: {  	_ =	swait.ge [sflag:s29], $0x80  }
0xab: {  	[sflag:s29] =	ssyncset.done $0x0  }
0xac: {  	[sflag:s29] =	ssyncadd.s32 $0xFFFFFF80  }
.Ltmp5:
0xad: {  	(pc) =	sbr.rel .LBB2_10-.Ltmp5, $2  }
0xae: {  	_ =	sdelay $0x2  }
0xaf: {  	[tilespmem:s30], [sflag:$0x6] =	stream.indirect.gather [hbm4b:s4+s24], $0x80, s24, s24, $0xb8;
	[tilespmem:$0x1BE00] =	vst v63  }
.LBB2_4:
0xb0: {  	[tilespmem:s3], [sflag:$0x1] =	stream.linear.gather [hbm4b:s10+s3], $0x80, $0x38;
	[tilespmem:$0x1BE00] =	vst v63  }
0xb1: {  	s2 =	rddreg [dreg:$0x6]  }
0xb2: {  	[tilespmem:s24], [sflag:$0x2] =	stream.linear.gather [hbm4b:s2+s3], $0x80, $0x38;
	[tilespmem:$0x1BE00] =	vst v63  }
0xb3: {  	_ = 	snop  }
0xb4: {  	[tilespmem:s25], [sflag:$0x3] =	stream.linear.gather [hbm4b:s12+s3], $0x80, $0x38;
	[tilespmem:$0x1BE00] =	vst v63  }
0xb5: {  	s7 =	rddreg [dreg:$0x7]  }
0xb6: {  	[tilespmem:s26], [sflag:$0x4] =	stream.linear.gather [hbm4b:s7+s3], $0x80, $0x38;
	[tilespmem:$0x1BE00] =	vst v63  }
0xb7: {  	[bflag:$0x0] =	sbarrier.arrive $0xFFFF  }
0xb8: {  	_ =	swait.ge [sflag:s28], $0x80  }
0xb9: {  	[sflag:s28] =	ssyncset.done $0x0  }
0xba: {  	[sflag:s28] =	ssyncadd.s32 $0xFFFFFF80  }
0xbb: {  	[tilespmem:s22], [sflag:$0x5] =	stream.indirect.gather [hbm4b:s4+s24], $0x80, s3, s24, $0xb8;
	[tilespmem:$0x1BE00] =	vst v63  }
0xbc: {  	_ =	swait.ge [sflag:s29], $0x80  }
0xbd: {  	[sflag:s29] =	ssyncset.done $0x0  }
0xbe: {  	[sflag:s29] =	ssyncadd.s32 $0xFFFFFF80  }
0xbf: {  	[tilespmem:s30], [sflag:$0x6] =	stream.indirect.gather [hbm4b:s4+s24], $0x80, s24, s24, $0xb8;
	[tilespmem:$0x1BE00] =	vst v63  }
0xc0: {  	_ =	swait.ge [sflag:s31], $0x4000  }
0xc1: {  	s8 =	sadd.s32 $0xFFFFF720, s10;
	[sflag:s31] =	ssyncset.done $0x0  }
0xc2: {  	s6 =	sadd.s32 $0x900, s8;
	[sflag:s31] =	ssyncadd.s32 $0xFFFFC000  }
0xc3: {  	[tilespmem:s3], [sflag:$0x1] =	stream.linear.gather [hbm4b:s6+s3], $0x80, $0x38;
	[tilespmem:$0x1BE00] =	vst v63  }
0xc4: {  	_ =	swait.ge [sflag:s0], $0x80  }
0xc5: {  	[sflag:s0] =	ssyncset.done $0x0  }
0xc6: {  	[sflag:s0] =	ssyncadd.s32 $0xFFFFFF80  }
0xc7: {  	[spmem:s1] =	stream.indirect.scatter.add.f32 [tilespmem:s22], [sflag:$0x7], $0x80, s25, s24, $0xb8;
	[tilespmem:$0x1BE00] =	vst v63  }
0xc8: {  	_ =	swait.ge [sflag:s11], $0x4000  }
0xc9: {  	[sflag:s11] =	ssyncset.done $0x0  }
0xca: {  	s2 =	sadd.s32 $0x910, s8;
	[sflag:s11] =	ssyncadd.s32 $0xFFFFC000  }
0xcb: {  	[tilespmem:s24], [sflag:$0x2] =	stream.linear.gather [hbm4b:s2+s3], $0x80, $0x38;
	[tilespmem:$0x1BE00] =	vst v63  }
0xcc: {  	_ =	swait.ge [sflag:s13], $0x80  }
0xcd: {  	[sflag:s13] =	ssyncset.done $0x0  }
0xce: {  	[sflag:s13] =	ssyncadd.s32 $0xFFFFFF80  }
0xcf: {  	[spmem:s1] =	stream.indirect.scatter.add.f32 [tilespmem:s30], [sflag:$0x8], $0x80, s26, s24, $0xb8;
	[tilespmem:$0x1BE00] =	vst v63  }
0xd0: {  	_ =	swait.ge [sflag:s14], $0x4000  }
0xd1: {  	s7 =	sadd.s32 $0xFFFFF720, s12;
	[sflag:s14] =	ssyncset.done $0x0  }
0xd2: {  	s8 =	sadd.s32 $0x900, s7;
	[sflag:s14] =	ssyncadd.s32 $0xFFFFC000  }
0xd3: {  	[tilespmem:s25], [sflag:$0x3] =	stream.linear.gather [hbm4b:s8+s3], $0x80, $0x38;
	[tilespmem:$0x1BE00] =	vst v63  }
0xd4: {  	_ =	swait.ge [sflag:s28], $0x80  }
0xd5: {  	[sflag:s28] =	ssyncset.done $0x0  }
0xd6: {  	[sflag:s28] =	ssyncadd.s32 $0xFFFFFF80  }
0xd7: {  	[tilespmem:s22], [sflag:$0x5] =	stream.indirect.gather [hbm4b:s4+s24], $0x80, s3, s24, $0xb8;
	[tilespmem:$0x1BE00] =	vst v63  }
0xd8: {  	_ =	swait.ge [sflag:s15], $0x4000  }
0xd9: {  	[sflag:s15] =	ssyncset.done $0x0  }
0xda: {  	s2 =	sadd.s32 $0x910, s7;
	[sflag:s15] =	ssyncadd.s32 $0xFFFFC000  }
0xdb: {  	[tilespmem:s26], [sflag:$0x4] =	stream.linear.gather [hbm4b:s2+s3], $0x80, $0x38;
	[tilespmem:$0x1BE00] =	vst v63  }
0xdc: {  	_ =	swait.ge [sflag:s29], $0x80  }
0xdd: {  	[sflag:s29] =	ssyncset.done $0x0  }
0xde: {  	s2 =	simm.s32 $0xFFFFF740;
	[sflag:s29] =	ssyncadd.s32 $0xFFFFFF80  }
.LBB2_5:
0xdf: {  	[tilespmem:s30], [sflag:$0x6] =	stream.indirect.gather [hbm4b:s4+s24], $0x80, s24, s24, $0xb8;
	[tilespmem:$0x1BE00] =	vst v63  }
0xe0: {  	s6 =	smov.u32 s2  }
0xe1: {  	p1 =	seq.s32 s2, $0xFFFFFFE0;
	s2 =	sadd.s32 $0x20, s2;
	_ =	swait.ge [sflag:s31], $0x4000  }
0xe2: {  	s7 =	sadd.s32 s6, s10;
	[sflag:s31] =	ssyncset.done $0x0  }
0xe3: {  	s8 =	sadd.s32 $0x900, s7;
	[sflag:s31] =	ssyncadd.s32 $0xFFFFC000  }
0xe4: {  	[tilespmem:s3], [sflag:$0x1] =	stream.linear.gather [hbm4b:s8+s3], $0x80, $0x38;
	[tilespmem:$0x1BE00] =	vst v63  }
0xe5: {  	_ =	swait.ge [sflag:s0], $0x80  }
0xe6: {  	[sflag:s0] =	ssyncset.done $0x0  }
0xe7: {  	[sflag:s0] =	ssyncadd.s32 $0xFFFFFF80  }
0xe8: {  	[spmem:s1] =	stream.indirect.scatter.add.f32 [tilespmem:s22], [sflag:$0x7], $0x80, s25, s24, $0xb8;
	[tilespmem:$0x1BE00] =	vst v63  }
0xe9: {  	_ =	swait.ge [sflag:s11], $0x4000  }
0xea: {  	[sflag:s11] =	ssyncset.done $0x0  }
0xeb: {  	s7 =	sadd.s32 $0x910, s7;
	[sflag:s11] =	ssyncadd.s32 $0xFFFFC000  }
0xec: {  	[tilespmem:s24], [sflag:$0x2] =	stream.linear.gather [hbm4b:s7+s3], $0x80, $0x38;
	[tilespmem:$0x1BE00] =	vst v63  }
0xed: {  	_ =	swait.ge [sflag:s13], $0x80  }
0xee: {  	[sflag:s13] =	ssyncset.done $0x0  }
0xef: {  	[sflag:s13] =	ssyncadd.s32 $0xFFFFFF80  }
0xf0: {  	[spmem:s1] =	stream.indirect.scatter.add.f32 [tilespmem:s30], [sflag:$0x8], $0x80, s26, s24, $0xb8;
	[tilespmem:$0x1BE00] =	vst v63  }
0xf1: {  	_ =	swait.ge [sflag:s14], $0x4000  }
0xf2: {  	s6 =	sadd.s32 s6, s12;
	[sflag:s14] =	ssyncset.done $0x0  }
0xf3: {  	s7 =	sadd.s32 $0x900, s6;
	[sflag:s14] =	ssyncadd.s32 $0xFFFFC000  }
0xf4: {  	[tilespmem:s25], [sflag:$0x3] =	stream.linear.gather [hbm4b:s7+s3], $0x80, $0x38;
	[tilespmem:$0x1BE00] =	vst v63  }
0xf5: {  	_ =	swait.ge [sflag:s28], $0x80  }
0xf6: {  	[sflag:s28] =	ssyncset.done $0x0  }
0xf7: {  	[sflag:s28] =	ssyncadd.s32 $0xFFFFFF80  }
0xf8: {  	[tilespmem:s22], [sflag:$0x5] =	stream.indirect.gather [hbm4b:s4+s24], $0x80, s3, s24, $0xb8;
	[tilespmem:$0x1BE00] =	vst v63  }
0xf9: {  	_ =	swait.ge [sflag:s15], $0x4000  }
0xfa: {  	[sflag:s15] =	ssyncset.done $0x0  }
.Ltmp6:
0xfb: {  	s6 =	sadd.s32 $0x910, s6;
	[sflag:s15] =	ssyncadd.s32 $0xFFFFC000;
	(pc) =	sbr.rel @!p1 .LBB2_5-.Ltmp6, $4  }
0xfc: {  	[tilespmem:s26], [sflag:$0x4] =	stream.linear.gather [hbm4b:s6+s3], $0x80, $0x38;
	[tilespmem:$0x1BE00] =	vst v63  }
0xfd: {  	_ =	swait.ge [sflag:s29], $0x80  }
0xfe: {  	[sflag:s29] =	ssyncset.done $0x0  }
0xff: {  	[sflag:s29] =	ssyncadd.s32 $0xFFFFFF80  }
.Ltmp7:
0x100: {  	_ = 	snop;
	(pc) =	sbr.rel .LBB2_6-.Ltmp7, $1  }
0x101: {  	_ =	sdelay $0x3  }
.LBB2_11:
0x102: {  	_ =	sfence.sel $0x180000  }
0x103: {  	[bflag:$0x0] =	sbarrier.arrive $0xFFFF  }
0x104: {  	_ =	strace $0x9000004D  }
0x105: {  	s0 =	stileid.u32;
	[bflag:$0x2] =	sbarrier.arrive $0xFFFF  }
0x106: {  	p0 =	sne.s32 s0, $0x0;
	s0 =	rddreg [dreg:$0x2]  }
0x107: {  	s0 =	sadd.s32 @!p0 $0x100000, s0  }
0x108: {  	[sflag:s0] =	ssyncadd.tile.s32 @!p0 $0x1;
	_ =	shalt  }
.Lfunc_end2:
_tile_overlayer_lowered:
.L_overlay_start_2:
0x109: {  	(tag) =	ssettag $0x2  }
0x10a: {  	s0 =	rddreg [dreg:$0x0];
	s2 =	stileid.u32  }
0x10b: {  	s1 =	rddreg [dreg:$0x1];
	p0 =	sne.s32 s2, $0x0  }
0x10c: {  	s3 =	rddreg [dreg:$0x2];
	[bflag:$0x3] =	sbarrier.arrive $0xFFFF;
	s2 =	simm.s32 @!p0 $0x1C0A  }
0x10d: {  	[timem:s3], [sflag:s2] =	dma.local @!p0 [hbm:s0], s1  }
0x10e: {  	s0 =	simm.s32 @!p0 $0xA  }
0x10f: {  	_ =	swait.ge @!p0 [sflag:s0], s1  }
0x110: {  	s1 =	ssub.s32 @!p0 $0x0, s1;
	[sflag:s0] =	ssyncset.done @!p0 $0x0  }
0x111: {  	[sflag:s0] =	ssyncadd.s32 @!p0 s1  }
0x112: {  	[bflag:$0x3] =	sbarrier.arrive $0xFFFF  }
0x113: {  	_ =	shalt  }

// kernel: kernel.15.cloned.1.call-start
scs
__scs_entry_jumppad:
0x0: {  	(pc) =	sbr.rel $0x88, $3  }
0x1: {  	(tag) =	ssettag $0x0;
	lr =	simm.s32 $0x1  }
0x2: {  	[smem:$0x3F93] =	sst lr;
	_ =	strace $0xD0000000  }
0x3: {  	_ = 	snop  }
0x4: {  	_ = 	snop  }
0x5: {  	_ = 	snop  }
0x6: {  	_ = 	snop  }
0x7: {  	_ = 	snop  }
__scs_overlays_trampoline_lowered:
0x8: {  	[smem:$0x3FA2] =	sst s0  }
0x9: {  	[smem:$0x3FA3] =	sst s1  }
0xa: {  	[smem:$0x3FA4] =	sst s2  }
0xb: {  	[smem:$0x3FA5] =	sst s3  }
0xc: {  	[smem:$0x3FA6] =	sst s4  }
0xd: {  	[smem:$0x3FA7] =	sst s5  }
0xe: {  	[smem:$0x3FA8] =	sst s6  }
0xf: {  	[smem:$0x3FA9] =	sst s7  }
0x10: {  	[smem:$0x3FAA] =	sst s8  }
0x11: {  	[smem:$0x3FAB] =	sst s9;
	s0 =	simm.s32 @!p0 $0x0  }
0x12: {  	s1 =	sld [smem:$0x3F91];
	s0 =	simm.s32 @p0 $0x1  }
0x13: {  	[smem:$0x3FAC] =	sst s0;
	s0 =	simm.s32 @!p1 $0x0  }
0x14: {  	s2 =	sld [smem:$0x3F90];
	s0 =	simm.s32 @p1 $0x1  }
0x15: {  	[smem:$0x3FAD] =	sst s0;
	s0 =	simm.s32 @!p2 $0x0  }
0x16: {  	s3 =	sld [smem:$0x3FDB];
	s0 =	simm.s32 @p2 $0x1  }
0x17: {  	s4 =	simm.s32 $0x1BF5;
	[smem:$0x3FAF] =	sst s0  }
0x18: {  	s0 =	sld [smem:$0x3F92];
	_ =	swait.ge [sflag:s4], $0x0  }
0x19: {  	s7 =	sld [smem:$0x3F93]  }
0x1a: {  	s8 =	sadd.s32 $0xFFFFE003, lr  }
0x1b: {  	s9 =	sadd.s32 $0xFFFFFEF7, lr;
	s5 =	simm.s32 $0xFFFFFFFF;
	p2 =	slt.u32 s8, $0xFFFFF086  }
0x1c: {  	p1 =	slt.u32 s9, $0xF7A;
	s5 =	simm.s32 @!p2 $0x0  }
0x1d: {  	s5 =	simm.s32 @p1 $0x1;
	p0 =	seq.s32 s7, s2  }
0x1e: {  	s7 =	smul.u32 @!p0 $0xF7A, s2;
	p2 =	seq.s32 @!p0 s5, $0x0  }
0x1f: {  	s9 =	smul.u32 $0xF7A, s1;
	s8 =	simm.s32 @!p0 $0x1BF5;
	p2 =	por !p2, p0  }
0x20: {  	[sflag:s8] =	ssyncset.s32 @!p0 $0xFFFFF086;
	s6 =	sadd.s32 @!p0 s3, s7;
	s7 =	simm.s32 @!p0 $0x108  }
0x21: {  	s3 =	sadd.s32 s3, s9;
	s6 =	sadd.s32 @!p0 $0x88, s6;
	s7 =	simm.s32 @p2 $0x1082  }
0x22: {  	[simem:s7], [sflag:s8] =	dma.local @!p0 [hbm:s6], $0xF7A  }
0x23: {  	s9 =	sor.u32 $0xD0000000, s2;
	s6 =	simm.s32 $0x108;
	_ =	swait.ge @!p0 [sflag:s8], $0x0  }
0x24: {  	s3 =	sadd.s32 $0x88, s3;
	s6 =	simm.s32 @!p1 $0x1082;
	[sflag:s4] =	ssyncset.s32 $0xFFFFF086  }
0x25: {  	[simem:s6], [sflag:s4] =	dma.local [hbm:s3], $0xF7A  }
0x26: {  	[smem:$0x3F93] =	sst s1;
	(tag) =	ssettag s2;
	_ =	strace s9  }
0x27: {  	s1 =	sld [smem:$0x3FA3]  }
0x28: {  	s2 =	sld [smem:$0x3FA4]  }
0x29: {  	s4 =	sld [smem:$0x3FA6]  }
0x2a: {  	p0 =	seq.s32 s5, $0x0;
	s5 =	sld [smem:$0x3FA7]  }
0x2b: {  	s6 =	sld [smem:$0x3FA8]  }
0x2c: {  	s7 =	sld [smem:$0x3FA9]  }
0x2d: {  	s3 =	simm.s32 $0x108;
	s8 =	sld [smem:$0x3FAA]  }
0x2e: {  	s3 =	simm.s32 @!p0 $0x1082;
	s9 =	sld [smem:$0x3FAB]  }
0x2f: {  	lr =	sadd.s32 s0, s3;
	s0 =	sld [smem:$0x3FA2]  }
0x30: {  	s3 =	sld [smem:$0x3FA5]  }
0x31: {  	[smem:$0x3FAE] =	sst s10  }
0x32: {  	s10 =	sld [smem:$0x3FAC];
	_ =	sdelay $0x3  }
0x33: {  	p0 =	seq.s32 s10, $0x1;
	s10 =	sld [smem:$0x3FAE];
	_ =	sdelay $0x3  }
0x34: {  	[smem:$0x3FAE] =	sst s10  }
0x35: {  	s10 =	sld [smem:$0x3FAD];
	_ =	sdelay $0x3  }
0x36: {  	p1 =	seq.s32 s10, $0x1;
	s10 =	sld [smem:$0x3FAE];
	_ =	sdelay $0x3  }
0x37: {  	[smem:$0x3FAE] =	sst s10  }
0x38: {  	s10 =	sld [smem:$0x3FAF]  }
0x39: {  	_ = 	snop;
	(pc) =	sbr.ind lr, $3  }
0x3a: {  	_ = 	snop  }
0x3b: {  	_ = 	snop  }
0x3c: {  	p2 =	seq.s32 s10, $0x1;
	s10 =	sld [smem:$0x3FAE]  }
0x3d: {  	_ =	shalt  }
0x3e: {  	_ =	shalt  }
0x3f: {  	_ =	shalt  }
0x40: {  	_ =	shalt  }
0x41: {  	_ =	shalt  }
0x42: {  	_ =	shalt  }
0x43: {  	_ =	shalt  }
0x44: {  	_ =	shalt  }
0x45: {  	_ =	shalt  }
0x46: {  	_ =	shalt  }
0x47: {  	_ =	shalt  }
0x48: {  	_ =	shalt  }
0x49: {  	_ =	shalt  }
0x4a: {  	_ =	shalt  }
0x4b: {  	_ =	shalt  }
0x4c: {  	_ =	shalt  }
0x4d: {  	_ =	shalt  }
0x4e: {  	_ =	shalt  }
0x4f: {  	_ =	shalt  }
0x50: {  	_ =	shalt  }
0x51: {  	_ =	shalt  }
0x52: {  	_ =	shalt  }
0x53: {  	_ =	shalt  }
0x54: {  	_ =	shalt  }
0x55: {  	_ =	shalt  }
0x56: {  	_ =	shalt  }
0x57: {  	_ =	shalt  }
0x58: {  	_ =	shalt  }
0x59: {  	_ =	shalt  }
0x5a: {  	_ =	shalt  }
0x5b: {  	_ =	shalt  }
0x5c: {  	_ =	shalt  }
0x5d: {  	_ =	shalt  }
0x5e: {  	_ =	shalt  }
0x5f: {  	_ =	shalt  }
0x60: {  	_ =	shalt  }
0x61: {  	_ =	shalt  }
0x62: {  	_ =	shalt  }
0x63: {  	_ =	shalt  }
0x64: {  	_ =	shalt  }
0x65: {  	_ =	shalt  }
0x66: {  	_ =	shalt  }
0x67: {  	_ =	shalt  }
0x68: {  	_ =	shalt  }
0x69: {  	_ =	shalt  }
0x6a: {  	_ =	shalt  }
0x6b: {  	_ =	shalt  }
0x6c: {  	_ =	shalt  }
0x6d: {  	_ =	shalt  }
0x6e: {  	_ =	shalt  }
0x6f: {  	_ =	shalt  }
0x70: {  	_ =	shalt  }
0x71: {  	_ =	shalt  }
0x72: {  	_ =	shalt  }
0x73: {  	_ =	shalt  }
0x74: {  	_ =	shalt  }
0x75: {  	_ =	shalt  }
0x76: {  	_ =	shalt  }
0x77: {  	_ =	shalt  }
0x78: {  	_ =	shalt  }
0x79: {  	_ =	shalt  }
0x7a: {  	_ =	shalt  }
0x7b: {  	_ =	shalt  }
0x7c: {  	_ =	shalt  }
0x7d: {  	_ =	shalt  }
0x7e: {  	_ =	shalt  }
0x7f: {  	_ =	shalt  }
0x80: {  	_ =	shalt  }
0x81: {  	_ =	shalt  }
0x82: {  	_ =	shalt  }
0x83: {  	_ =	shalt  }
0x84: {  	_ =	shalt  }
0x85: {  	_ =	shalt  }
0x86: {  	_ =	shalt  }
0x87: {  	_ =	shalt  }
.Lfunc_end0:
.L_simem_size_0:
called_computation.2_lowered:
.L_overlay_start_0:
0x88: {  	s2 =	sld [smem:$0x3FD9]  }
0x89: {  	s3 =	sld [smem:$0x3FFE];
	_ =	sdelay $0x1  }
0x8a: {  	s1 =	srdreg.scid  }
0x8b: {  	s0 =	sand.u32 $0x1, s1  }
0x8c: {  	s14 =	sshll.u32 s0, $0xA;
	s2 =	sadd.s32 s3, s2  }
0x8d: {  	s2 =	sadd.s32 s2, s14  }
0x8e: {  	[smem:$0x3FBA] =	sst s2  }
0x8f: {  	_ = 	snop  }
0x90: {  	s2 =	sld [smem:$0x3FD0];
	_ =	sdelay $0x2  }
0x91: {  	s15 =	simm.s32 $0xB;
	s4 =	simm.s32 $0x10  }
0x92: {  	[smem:s4], [sflag:s15] =	dma.local [hbm:s2], $0x1  }
0x93: {  	_ =	swait.eq [sflag:s15], $0x1  }
0x94: {  	[sflag:s15] =	ssyncset.done $0x0  }
0x95: {  	s16 =	sld [smem:$0x10];
	[sflag:s15] =	ssyncadd.s32 $0xFFFFFFFF  }
0x96: {  	s17 =	sld [smem:$0x12];
	(tm) =	ssettm $0x1  }
0x97: {  	s18 =	sld [smem:$0x3FFB];
	_ =	sdelay $0x3  }
0x98: {  	_ =	strace s18  }
0x99: {  	s4 =	sld [smem:$0x3FFC];
	_ =	sdelay $0x3  }
0x9a: {  	_ =	strace s4  }
0x9b: {  	s4 =	sld [smem:$0x3FFD];
	_ =	sdelay $0x3  }
0x9c: {  	_ =	strace s4  }
0x9d: {  	_ =	strace $0x8FFFFFFF  }
0x9e: {  	s19 =	sld [smem:$0x3FDB];
	_ =	sdelay $0x1  }
0x9f: {  	s5 =	simm.s32 $_scs_section_size  }
0xa0: {  	s6 =	simm.s32 $_size__tile_overlayer_lowered;
	s7 =	simm.s32 $_tile_overlayer_lowered  }
0xa1: {  	s22 =	simm.s32 $0x1BFF;
	s21 =	sshll.u32 s7, $0x1;
	s4 =	sadd.s32 s5, s19  }
0xa2: {  	s8 =	simm.s32 $0x0;
	s20 =	sshll.u32 s6, $0x1;
	s6 =	sadd.s32 s21, s4  }
0xa3: {  	[timem:s8], [sflag:s22] =	dma.local [hbm:s6], s20  }
0xa4: {  	_ =	swait.ge [sflag:s22], s20  }
0xa5: {  	s5 =	ssub.s32 $0x0, s20;
	[sflag:s22] =	ssyncset.done $0x0  }
0xa6: {  	[sflag:s22] =	ssyncadd.s32 s5;
	_ =	sdelay $0x1  }
0xa7: {  	s23 =	simm.s32 $0x1B8B  }
0xa8: {  	_ =	swait.ge [sflag:s23], $0x1  }
0xa9: {  	[sflag:s23] =	ssyncset.done $0x0  }
0xaa: {  	s25 =	simm.s32 $0x1B8E;
	s24 =	sld [smem:$0x3FFE];
	[sflag:s23] =	ssyncadd.s32 $0xFFFFFFFF  }
0xab: {  	s26 =	simm.s32 $execute0_lowered;
	[smem:$0x3FD2] =	sst s25  }
0xac: {  	s6 =	sshll.u32 s26, $0x1;
	_ =	strace $0x80000049;
	[dreg:$0x1] =	wrdreg $0xFFFFFFFF  }
0xad: {  	s28 =	simm.s32 $_size_execute0_lowered;
	s4 =	sadd.s32 s4, s6;
	[dreg:$0x0] =	wrdreg $0x0  }
0xae: {  	s6 =	sshll.u32 s28, $0x1;
	[dreg:$0x2] =	wrdreg s4  }
0xaf: {  	[dreg:$0x3] =	wrdreg s6  }
0xb0: {  	[dreg:$0x4] =	wrdreg $0xC0  }
0xb1: {  	_ =	task [dreg:s8], $0x5FFFF  }
0xb2: {  	[dreg:$0x1] =	wrdreg $0xFFFFFFFF  }
0xb3: {  	[dreg:$0x0] =	wrdreg $0x60  }
0xb4: {  	[dreg:$0x2] =	wrdreg s17  }
0xb5: {  	[dreg:$0x3] =	wrdreg s24  }
0xb6: {  	[dreg:$0x4] =	wrdreg s16  }
0xb7: {  	[dreg:$0x5] =	wrdreg $0x32000  }
0xb8: {  	[dreg:$0x6] =	wrdreg $0xA  }
0xb9: {  	_ =	task.clear_ibuf [dreg:s8], $0x7FFFF;
	_ =	strace $0x90000049  }
0xba: {  	s29 =	simm.s32 $0xA;
	_ =	strace $0x8000004B  }
0xbb: {  	_ =	swait.ge [sflag:s29], $0x1  }
0xbc: {  	[sflag:s29] =	ssyncadd.s32 $0xFFFFFFFF  }
0xbd: {  	_ =	strace $0x9000004B  }
0xbe: {  	_ =	sfence  }
0xbf: {  	s30 =	sld [smem:$0x0];
	_ =	sdelay $0x2  }
0xc0: {  	s31 =	sshll.u32 s1, $0xD;
	s1 =	sshrl.u32 s1, $0x2  }
0xc1: {  	s3 =	sand.u32 $0x4000, s31;
	s1 =	sadd.s32 s1, s30  }
0xc2: {  	s0 =	sor.u32 s3, s0;
	s1 =	sshll.u32 s1, $0x11  }
0xc3: {  	s0 =	sor.u32 s1, s0  }
0xc4: {  	s0 =	sadd.s32 $0x8F2B, s0  }
0xc5: {  	[sflag:s0] =	ssyncadd.remote.s32 $0x1  }
0xc6: {  	_ =	sfence.sel $0xFFFF  }
0xc7: {  	[dreg:$0x0] =	wrdreg $0xFFFFFFFF;
	(pc) =	sbr.abs _section_cstart, $3  }
0xc8: {  	[dreg:$0x1] =	wrdreg $0xFFFFFFFF  }
0xc9: {  	_ =	task.clear_ibuf [dreg:s8], $0x2FFFF;
	_ =	strace $0x9FFFFFFF  }
0xca: {  	(tm) =	ssettm $0x7FFFFFFF  }
0xcb: {  	_ =	shalt  }
tec
execute0_lowered:
.L_overlay_start_1:
0x0: {  	(tag) =	ssettag $0x1  }
0x1: {  	s1 =	rddreg [dreg:$0x0]  }
0x2: {  	s0 =	rddreg [dreg:$0x1]  }
0x3: {  	s2 =	rddreg [dreg:$0x2]  }
0x4: {  	s3 =	rddreg [dreg:$0x3];
	s5 =	srdreg.scid  }
0x5: {  	s14 =	stileid.u32;
	s4 =	simm.s32 $0x0;
	s28 =	simm.s32 $0x1  }
0x6: {  	s29 =	simm.s32 $0x2;
	s30 =	simm.s32 $0x1A00;
	s16 =	smul.u32 $0x7680, s14  }
0x7: {  	s31 =	simm.s32 $0x5;
	s6 =	sand.u32 $0x1, s5;
	s8 =	smul.u32 $0x1DA00, s14  }
0x8: {  	[smem:$0x7FF] =	sst s4;
	s11 =	sadd.s32 $0x2A00, s0;
	s12 =	smul.u32 $0x900, s14  }
0x9: {  	s14 =	sshll.u32 s14, $0x8;
	s7 =	smul.u32 $0x76800, s6;
	_ =	strace $0x8000004A  }
0xa: {  	s9 =	ssub.s32 $0x2, s6;
	p0 =	seq.s32 s6, $0x1;
	s23 =	sor.u32 $0x9000, s14  }
0xb: {  	s15 =	sor.u32 $0x9010, s14;
	s10 =	sshrl.u32 s9, $0x1;
	s8 =	sshrl.u32 s8, $0x2  }
0xc: {  	s5 =	sadd.s32 s16, s3;
	s21 =	sor.u32 $0x10, s12;
	s24 =	sadd.s32 s11, s23  }
0xd: {  	s25 =	sadd.s32 s11, s15;
	s26 =	sadd.s32 s2, s15;
	s15 =	simm.s32 $0x8  }
0xe: {  	s7 =	sadd.s32 s16, s7;
	s13 =	ssub.s32 s9, s10;
	s17 =	sadd.s32 s8, s3  }
0xf: {  	s10 =	sadd.s32 s11, s12;
	s22 =	sadd.s32 s11, s21;
	[dreg:$0xa] =	wrdreg s24  }
0x10: {  	s12 =	sadd.s32 s2, s12;
	s6 =	sadd.s32 s2, s21;
	[dreg:$0xb] =	wrdreg s25  }
0x11: {  	[dreg:$0xd] =	wrdreg s26;
	s21 =	sadd.s32 s14, s11;
	s24 =	simm.s32 $0x80  }
0x12: {  	s25 =	simm.s32 $0x100;
	s26 =	simm.s32 $0x180;
	s11 =	simm.s32 $0x6  }
0x13: {  	s16 =	simm.s32 $0xA;
	s7 =	sshrl.u32 s7, $0x3;
	[dreg:$0x8] =	wrdreg s22  }
0x14: {  	s18 =	sadd.s32 $0x1800, s17;
	s19 =	sadd.s32 $0x3000, s17;
	[dreg:$0x9] =	wrdreg s6  }
0x15: {  	s20 =	sadd.s32 $0x4800, s17;
	s9 =	sadd.s32 $0x6000, s17;
	[dreg:$0x5] =	wrdreg s18  }
.Ltmp0:
0x16: {  	s6 =	sadd.s32 s2, s23;
	[dreg:$0x6] =	wrdreg s19;
	(pc) =	sbr.rel .LBB2_1-.Ltmp0, $4  }
0x17: {  	s22 =	simm.s32 $0x200;
	s23 =	simm.s32 $0x9;
	[dreg:$0x7] =	wrdreg s20  }
0x18: {  	s17 =	simm.s32 $0x0;
	s0 =	sadd.s32 s7, s0;
	[dreg:$0xc] =	wrdreg s6  }
0x19: {  	s19 =	smax.u32 s13, $0x1;
	s20 =	sadd.s32 s14, s2;
	s13 =	simm.s32 $0x4  }
0x1a: {  	v0 =	vimm.f32 $0.0e+00;
	s14 =	simm.s32 $0x7;
	s18 =	sadd.s32 $0x6FA00, s0;
	s0 =	simm.s32 $0x3  }
.LBB2_6:
0x1b: {  	[tilespmem:s30], [sflag:$0x6] =	stream.indirect.gather [hbm4b:s1+s24], $0x30, s24, s24, $0xb8;
	[tilespmem:$0xA880] =	vst v63  }
.LBB2_10:
0x1c: {  	_ =	swait.ge [sflag:s31], $0x1800  }
0x1d: {  	[sflag:s31] =	ssyncset.done $0x0  }
0x1e: {  	[sflag:s31] =	ssyncadd.s32 $0xFFFFE800  }
0x1f: {  	_ =	swait.ge [sflag:s0], $0x80  }
0x20: {  	[sflag:s0] =	ssyncset.done $0x0  }
0x21: {  	[sflag:s0] =	ssyncadd.s32 $0xFFFFFF80  }
0x22: {  	[spmem:s3] =	stream.indirect.scatter.add.f32 [tilespmem:s22], [sflag:$0x7], $0x30, s25, s24, $0xb8;
	[tilespmem:$0xA880] =	vst v63  }
0x23: {  	_ =	swait.ge [sflag:s11], $0x1800  }
0x24: {  	[sflag:s11] =	ssyncset.done $0x0  }
0x25: {  	[sflag:s11] =	ssyncadd.s32 $0xFFFFE800  }
0x26: {  	_ =	swait.ge [sflag:s13], $0x80  }
0x27: {  	[sflag:s13] =	ssyncset.done $0x0  }
0x28: {  	[sflag:s13] =	ssyncadd.s32 $0xFFFFFF80  }
0x29: {  	[spmem:s3] =	stream.indirect.scatter.add.f32 [tilespmem:s30], [sflag:$0x8], $0x30, s26, s24, $0xb8;
	[tilespmem:$0xA880] =	vst v63  }
0x2a: {  	_ =	swait.ge [sflag:s14], $0x1800  }
0x2b: {  	[sflag:s14] =	ssyncset.done $0x0  }
0x2c: {  	[sflag:s14] =	ssyncadd.s32 $0xFFFFE800  }
0x2d: {  	s2 =	stileid.u32;
	_ =	swait.ge [sflag:s15], $0x1800  }
0x2e: {  	s6 =	sshrl.u32 s5, $0x3;
	s17 =	sadd.s32 $0x1, s17;
	[sflag:s15] =	ssyncset.done $0x0  }
0x2f: {  	s2 =	sshll.u32 s2, $0x6;
	p1 =	sne.s32 s17, s19;
	[sflag:s15] =	ssyncadd.s32 $0xFFFFE800  }
.Ltmp1:
0x30: {  	s2 =	sor.u32 $0x1C0A, s2;
	[bflag:$0x0] =	sbarrier.arrive $0xFFFF;
	(pc) =	sbr.rel @!p1 .LBB2_11-.Ltmp1, $4  }
0x31: {  	[hbm:s18], [sflag:s2] =	dma.local [spmem:s6], $0xED0  }
0x32: {  	_ =	swait.ge [sflag:s16], $0xED0  }
0x33: {  	[sflag:s16] =	ssyncset.done $0x0  }
0x34: {  	[sflag:s16] =	ssyncadd.s32 $0xFFFFF130  }
.LBB2_1:
0x35: {  	s2 =	simm.s32 $0xC0;
	s6 =	simm.s32 $0x0  }
.LBB2_2:
0x36: {  	p1 =	sne.s32 s2, $0x5F40;
	[tilespmem:s6+$0x220] =	vst v0;
	s7 =	smov.u32 s2;
	s2 =	sadd.s32 $0xC0, s2  }
.Ltmp2:
0x37: {  	[tilespmem:s6+$0x200] =	vst v0;
	(pc) =	sbr.rel @p1 .LBB2_2-.Ltmp2, $2  }
0x38: {  	[tilespmem:s6+$0x210] =	vst v0;
	_ =	sdelay $0x2  }
0x39: {  	s6 =	sshra.s32 s7, $0x2  }
0x3a: {  	[tilespmem:s6+$0x220] =	vst v0  }
0x3b: {  	[tilespmem:s6+$0x200] =	vst v0  }
0x3c: {  	[tilespmem:s6+$0x210] =	vst v0  }
0x3d: {  	[spmem:s5] =	stream.linear.scatter [tilespmem:s22], [sflag:$0x9], $0x1800, $0x38;
	[tilespmem:$0xA880] =	vst v63  }
0x3e: {  	s2 =	rddreg [dreg:$0x5]  }
0x3f: {  	[spmem:s2] =	stream.linear.scatter [tilespmem:s22], [sflag:$0x9], $0x1800, $0x38;
	[tilespmem:$0xA880] =	vst v63  }
0x40: {  	s7 =	rddreg [dreg:$0x6]  }
0x41: {  	[spmem:s7] =	stream.linear.scatter [tilespmem:s22], [sflag:$0x9], $0x1800, $0x38;
	[tilespmem:$0xA880] =	vst v63  }
0x42: {  	s8 =	rddreg [dreg:$0x7]  }
0x43: {  	[spmem:s8] =	stream.linear.scatter [tilespmem:s22], [sflag:$0x9], $0x1800, $0x38;
	[tilespmem:$0xA880] =	vst v63  }
0x44: {  	_ = 	snop  }
0x45: {  	[spmem:s9] =	stream.linear.scatter [tilespmem:s22], [sflag:$0x9], $0x1680, $0x38;
	[tilespmem:$0xA880] =	vst v63  }
0x46: {  	_ =	swait.ge [sflag:s23], $0x1800  }
0x47: {  	[sflag:s23] =	ssyncset.done $0x0  }
0x48: {  	[sflag:s23] =	ssyncadd.s32 $0xFFFFE800  }
0x49: {  	_ =	swait.ge [sflag:s23], $0x1800  }
0x4a: {  	[sflag:s23] =	ssyncset.done $0x0  }
0x4b: {  	[sflag:s23] =	ssyncadd.s32 $0xFFFFE800  }
0x4c: {  	_ =	swait.ge [sflag:s23], $0x1800  }
0x4d: {  	[sflag:s23] =	ssyncset.done $0x0  }
0x4e: {  	[sflag:s23] =	ssyncadd.s32 $0xFFFFE800  }
0x4f: {  	_ =	swait.ge [sflag:s23], $0x1800  }
.Ltmp3:
0x50: {  	[sflag:s23] =	ssyncset.done $0x0;
	(pc) =	sbr.rel @!p0 .LBB2_4-.Ltmp3, $4  }
0x51: {  	[sflag:s23] =	ssyncadd.s32 $0xFFFFE800  }
0x52: {  	_ =	swait.ge [sflag:s23], $0x1680  }
0x53: {  	[sflag:s23] =	ssyncset.done $0x0  }
0x54: {  	[sflag:s23] =	ssyncadd.s32 $0xFFFFE980  }
0x55: {  	s2 =	rddreg [dreg:$0xa]  }
0x56: {  	[tilespmem:s4], [sflag:$0x1] =	stream.linear.gather [hbm4b:s2+s4], $0x80, $0x38;
	[tilespmem:$0xA880] =	vst v63  }
0x57: {  	s8 =	rddreg [dreg:$0xb]  }
0x58: {  	[tilespmem:s24], [sflag:$0x2] =	stream.linear.gather [hbm4b:s8+s4], $0x80, $0x38;
	[tilespmem:$0xA880] =	vst v63  }
0x59: {  	s6 =	rddreg [dreg:$0xc]  }
0x5a: {  	[tilespmem:s25], [sflag:$0x3] =	stream.linear.gather [hbm4b:s6+s4], $0x80, $0x38;
	[tilespmem:$0xA880] =	vst v63  }
0x5b: {  	s7 =	rddreg [dreg:$0xd]  }
0x5c: {  	[tilespmem:s26], [sflag:$0x4] =	stream.linear.gather [hbm4b:s7+s4], $0x80, $0x38;
	[tilespmem:$0xA880] =	vst v63  }
0x5d: {  	[bflag:$0x0] =	sbarrier.arrive $0xFFFF  }
0x5e: {  	_ =	swait.ge [sflag:s28], $0x80  }
0x5f: {  	[sflag:s28] =	ssyncset.done $0x0  }
0x60: {  	[sflag:s28] =	ssyncadd.s32 $0xFFFFFF80  }
0x61: {  	[tilespmem:s22], [sflag:$0x5] =	stream.indirect.gather [hbm4b:s1+s24], $0x30, s4, s24, $0xb8;
	[tilespmem:$0xA880] =	vst v63  }
0x62: {  	_ =	swait.ge [sflag:s29], $0x80  }
0x63: {  	[sflag:s29] =	ssyncset.done $0x0  }
0x64: {  	[sflag:s29] =	ssyncadd.s32 $0xFFFFFF80  }
0x65: {  	[tilespmem:s30], [sflag:$0x6] =	stream.indirect.gather [hbm4b:s1+s24], $0x30, s24, s24, $0xb8;
	[tilespmem:$0xA880] =	vst v63  }
0x66: {  	_ =	swait.ge [sflag:s31], $0x1800  }
0x67: {  	s8 =	sadd.s32 $0xFFFFFF20, s21;
	[sflag:s31] =	ssyncset.done $0x0  }
0x68: {  	s6 =	sadd.s32 $0x9100, s8;
	[sflag:s31] =	ssyncadd.s32 $0xFFFFE800  }
0x69: {  	[tilespmem:s4], [sflag:$0x1] =	stream.linear.gather [hbm4b:s6+s4], $0x80, $0x38;
	[tilespmem:$0xA880] =	vst v63  }
0x6a: {  	_ =	swait.ge [sflag:s0], $0x80  }
0x6b: {  	[sflag:s0] =	ssyncset.done $0x0  }
0x6c: {  	[sflag:s0] =	ssyncadd.s32 $0xFFFFFF80  }
0x6d: {  	[spmem:s3] =	stream.indirect.scatter.add.f32 [tilespmem:s22], [sflag:$0x7], $0x30, s25, s24, $0xb8;
	[tilespmem:$0xA880] =	vst v63  }
0x6e: {  	_ =	swait.ge [sflag:s11], $0x1800  }
0x6f: {  	[sflag:s11] =	ssyncset.done $0x0  }
0x70: {  	s2 =	sadd.s32 $0x9110, s8;
	[sflag:s11] =	ssyncadd.s32 $0xFFFFE800  }
0x71: {  	[tilespmem:s24], [sflag:$0x2] =	stream.linear.gather [hbm4b:s2+s4], $0x80, $0x38;
	[tilespmem:$0xA880] =	vst v63  }
0x72: {  	_ =	swait.ge [sflag:s13], $0x80  }
0x73: {  	[sflag:s13] =	ssyncset.done $0x0  }
0x74: {  	[sflag:s13] =	ssyncadd.s32 $0xFFFFFF80  }
0x75: {  	[spmem:s3] =	stream.indirect.scatter.add.f32 [tilespmem:s30], [sflag:$0x8], $0x30, s26, s24, $0xb8;
	[tilespmem:$0xA880] =	vst v63  }
0x76: {  	_ =	swait.ge [sflag:s14], $0x1800  }
0x77: {  	s7 =	sadd.s32 $0xFFFFFF20, s20;
	[sflag:s14] =	ssyncset.done $0x0  }
0x78: {  	s8 =	sadd.s32 $0x9100, s7;
	[sflag:s14] =	ssyncadd.s32 $0xFFFFE800  }
0x79: {  	[tilespmem:s25], [sflag:$0x3] =	stream.linear.gather [hbm4b:s8+s4], $0x80, $0x38;
	[tilespmem:$0xA880] =	vst v63  }
0x7a: {  	_ =	swait.ge [sflag:s28], $0x80  }
0x7b: {  	[sflag:s28] =	ssyncset.done $0x0  }
0x7c: {  	[sflag:s28] =	ssyncadd.s32 $0xFFFFFF80  }
0x7d: {  	[tilespmem:s22], [sflag:$0x5] =	stream.indirect.gather [hbm4b:s1+s24], $0x30, s4, s24, $0xb8;
	[tilespmem:$0xA880] =	vst v63  }
0x7e: {  	_ =	swait.ge [sflag:s15], $0x1800  }
0x7f: {  	[sflag:s15] =	ssyncset.done $0x0  }
0x80: {  	s2 =	sadd.s32 $0x9110, s7;
	[sflag:s15] =	ssyncadd.s32 $0xFFFFE800  }
0x81: {  	[tilespmem:s26], [sflag:$0x4] =	stream.linear.gather [hbm4b:s2+s4], $0x80, $0x38;
	[tilespmem:$0xA880] =	vst v63  }
0x82: {  	_ =	swait.ge [sflag:s29], $0x80  }
0x83: {  	[sflag:s29] =	ssyncset.done $0x0  }
0x84: {  	s2 =	simm.s32 $0xFFFFFF40;
	[sflag:s29] =	ssyncadd.s32 $0xFFFFFF80  }
.LBB2_8:
0x85: {  	[tilespmem:s30], [sflag:$0x6] =	stream.indirect.gather [hbm4b:s1+s24], $0x30, s24, s24, $0xb8;
	[tilespmem:$0xA880] =	vst v63  }
0x86: {  	s6 =	smov.u32 s2  }
0x87: {  	p1 =	sne.s32 s2, $0xFFFFFFE0;
	s2 =	sadd.s32 $0x20, s2;
	_ =	swait.ge [sflag:s31], $0x1800  }
0x88: {  	s7 =	sadd.s32 s6, s21;
	[sflag:s31] =	ssyncset.done $0x0  }
0x89: {  	s8 =	sadd.s32 $0x9100, s7;
	[sflag:s31] =	ssyncadd.s32 $0xFFFFE800  }
0x8a: {  	[tilespmem:s4], [sflag:$0x1] =	stream.linear.gather [hbm4b:s8+s4], $0x80, $0x38;
	[tilespmem:$0xA880] =	vst v63  }
0x8b: {  	_ =	swait.ge [sflag:s0], $0x80  }
0x8c: {  	[sflag:s0] =	ssyncset.done $0x0  }
0x8d: {  	[sflag:s0] =	ssyncadd.s32 $0xFFFFFF80  }
0x8e: {  	[spmem:s3] =	stream.indirect.scatter.add.f32 [tilespmem:s22], [sflag:$0x7], $0x30, s25, s24, $0xb8;
	[tilespmem:$0xA880] =	vst v63  }
0x8f: {  	_ =	swait.ge [sflag:s11], $0x1800  }
0x90: {  	[sflag:s11] =	ssyncset.done $0x0  }
0x91: {  	s7 =	sadd.s32 $0x9110, s7;
	[sflag:s11] =	ssyncadd.s32 $0xFFFFE800  }
0x92: {  	[tilespmem:s24], [sflag:$0x2] =	stream.linear.gather [hbm4b:s7+s4], $0x80, $0x38;
	[tilespmem:$0xA880] =	vst v63  }
0x93: {  	_ =	swait.ge [sflag:s13], $0x80  }
0x94: {  	[sflag:s13] =	ssyncset.done $0x0  }
0x95: {  	[sflag:s13] =	ssyncadd.s32 $0xFFFFFF80  }
0x96: {  	[spmem:s3] =	stream.indirect.scatter.add.f32 [tilespmem:s30], [sflag:$0x8], $0x30, s26, s24, $0xb8;
	[tilespmem:$0xA880] =	vst v63  }
0x97: {  	_ =	swait.ge [sflag:s14], $0x1800  }
0x98: {  	s6 =	sadd.s32 s6, s20;
	[sflag:s14] =	ssyncset.done $0x0  }
0x99: {  	s7 =	sadd.s32 $0x9100, s6;
	[sflag:s14] =	ssyncadd.s32 $0xFFFFE800  }
0x9a: {  	[tilespmem:s25], [sflag:$0x3] =	stream.linear.gather [hbm4b:s7+s4], $0x80, $0x38;
	[tilespmem:$0xA880] =	vst v63  }
0x9b: {  	_ =	swait.ge [sflag:s28], $0x80  }
0x9c: {  	[sflag:s28] =	ssyncset.done $0x0  }
0x9d: {  	[sflag:s28] =	ssyncadd.s32 $0xFFFFFF80  }
0x9e: {  	[tilespmem:s22], [sflag:$0x5] =	stream.indirect.gather [hbm4b:s1+s24], $0x30, s4, s24, $0xb8;
	[tilespmem:$0xA880] =	vst v63  }
0x9f: {  	_ =	swait.ge [sflag:s15], $0x1800  }
0xa0: {  	[sflag:s15] =	ssyncset.done $0x0  }
.Ltmp4:
0xa1: {  	s6 =	sadd.s32 $0x9110, s6;
	[sflag:s15] =	ssyncadd.s32 $0xFFFFE800;
	(pc) =	sbr.rel @p1 .LBB2_8-.Ltmp4, $4  }
0xa2: {  	[tilespmem:s26], [sflag:$0x4] =	stream.linear.gather [hbm4b:s6+s4], $0x80, $0x38;
	[tilespmem:$0xA880] =	vst v63  }
0xa3: {  	_ =	swait.ge [sflag:s29], $0x80  }
0xa4: {  	[sflag:s29] =	ssyncset.done $0x0  }
0xa5: {  	[sflag:s29] =	ssyncadd.s32 $0xFFFFFF80  }
.Ltmp5:
0xa6: {  	(pc) =	sbr.rel .LBB2_10-.Ltmp5, $2  }
0xa7: {  	_ =	sdelay $0x2  }
0xa8: {  	[tilespmem:s30], [sflag:$0x6] =	stream.indirect.gather [hbm4b:s1+s24], $0x30, s24, s24, $0xb8;
	[tilespmem:$0xA880] =	vst v63  }
.LBB2_4:
0xa9: {  	[tilespmem:s4], [sflag:$0x1] =	stream.linear.gather [hbm4b:s10+s4], $0x80, $0x38;
	[tilespmem:$0xA880] =	vst v63  }
0xaa: {  	s2 =	rddreg [dreg:$0x8]  }
0xab: {  	[tilespmem:s24], [sflag:$0x2] =	stream.linear.gather [hbm4b:s2+s4], $0x80, $0x38;
	[tilespmem:$0xA880] =	vst v63  }
0xac: {  	_ = 	snop  }
0xad: {  	[tilespmem:s25], [sflag:$0x3] =	stream.linear.gather [hbm4b:s12+s4], $0x80, $0x38;
	[tilespmem:$0xA880] =	vst v63  }
0xae: {  	s7 =	rddreg [dreg:$0x9]  }
0xaf: {  	[tilespmem:s26], [sflag:$0x4] =	stream.linear.gather [hbm4b:s7+s4], $0x80, $0x38;
	[tilespmem:$0xA880] =	vst v63  }
0xb0: {  	[bflag:$0x0] =	sbarrier.arrive $0xFFFF  }
0xb1: {  	_ =	swait.ge [sflag:s28], $0x80  }
0xb2: {  	[sflag:s28] =	ssyncset.done $0x0  }
0xb3: {  	[sflag:s28] =	ssyncadd.s32 $0xFFFFFF80  }
0xb4: {  	[tilespmem:s22], [sflag:$0x5] =	stream.indirect.gather [hbm4b:s1+s24], $0x30, s4, s24, $0xb8;
	[tilespmem:$0xA880] =	vst v63  }
0xb5: {  	_ =	swait.ge [sflag:s29], $0x80  }
0xb6: {  	[sflag:s29] =	ssyncset.done $0x0  }
0xb7: {  	[sflag:s29] =	ssyncadd.s32 $0xFFFFFF80  }
0xb8: {  	[tilespmem:s30], [sflag:$0x6] =	stream.indirect.gather [hbm4b:s1+s24], $0x30, s24, s24, $0xb8;
	[tilespmem:$0xA880] =	vst v63  }
0xb9: {  	_ =	swait.ge [sflag:s31], $0x1800  }
0xba: {  	s8 =	sadd.s32 $0xFFFFF720, s10;
	[sflag:s31] =	ssyncset.done $0x0  }
0xbb: {  	s6 =	sadd.s32 $0x900, s8;
	[sflag:s31] =	ssyncadd.s32 $0xFFFFE800  }
0xbc: {  	[tilespmem:s4], [sflag:$0x1] =	stream.linear.gather [hbm4b:s6+s4], $0x80, $0x38;
	[tilespmem:$0xA880] =	vst v63  }
0xbd: {  	_ =	swait.ge [sflag:s0], $0x80  }
0xbe: {  	[sflag:s0] =	ssyncset.done $0x0  }
0xbf: {  	[sflag:s0] =	ssyncadd.s32 $0xFFFFFF80  }
0xc0: {  	[spmem:s3] =	stream.indirect.scatter.add.f32 [tilespmem:s22], [sflag:$0x7], $0x30, s25, s24, $0xb8;
	[tilespmem:$0xA880] =	vst v63  }
0xc1: {  	_ =	swait.ge [sflag:s11], $0x1800  }
0xc2: {  	[sflag:s11] =	ssyncset.done $0x0  }
0xc3: {  	s2 =	sadd.s32 $0x910, s8;
	[sflag:s11] =	ssyncadd.s32 $0xFFFFE800  }
0xc4: {  	[tilespmem:s24], [sflag:$0x2] =	stream.linear.gather [hbm4b:s2+s4], $0x80, $0x38;
	[tilespmem:$0xA880] =	vst v63  }
0xc5: {  	_ =	swait.ge [sflag:s13], $0x80  }
0xc6: {  	[sflag:s13] =	ssyncset.done $0x0  }
0xc7: {  	[sflag:s13] =	ssyncadd.s32 $0xFFFFFF80  }
0xc8: {  	[spmem:s3] =	stream.indirect.scatter.add.f32 [tilespmem:s30], [sflag:$0x8], $0x30, s26, s24, $0xb8;
	[tilespmem:$0xA880] =	vst v63  }
0xc9: {  	_ =	swait.ge [sflag:s14], $0x1800  }
0xca: {  	s7 =	sadd.s32 $0xFFFFF720, s12;
	[sflag:s14] =	ssyncset.done $0x0  }
0xcb: {  	s8 =	sadd.s32 $0x900, s7;
	[sflag:s14] =	ssyncadd.s32 $0xFFFFE800  }
0xcc: {  	[tilespmem:s25], [sflag:$0x3] =	stream.linear.gather [hbm4b:s8+s4], $0x80, $0x38;
	[tilespmem:$0xA880] =	vst v63  }
0xcd: {  	_ =	swait.ge [sflag:s28], $0x80  }
0xce: {  	[sflag:s28] =	ssyncset.done $0x0  }
0xcf: {  	[sflag:s28] =	ssyncadd.s32 $0xFFFFFF80  }
0xd0: {  	[tilespmem:s22], [sflag:$0x5] =	stream.indirect.gather [hbm4b:s1+s24], $0x30, s4, s24, $0xb8;
	[tilespmem:$0xA880] =	vst v63  }
0xd1: {  	_ =	swait.ge [sflag:s15], $0x1800  }
0xd2: {  	[sflag:s15] =	ssyncset.done $0x0  }
0xd3: {  	s2 =	sadd.s32 $0x910, s7;
	[sflag:s15] =	ssyncadd.s32 $0xFFFFE800  }
0xd4: {  	[tilespmem:s26], [sflag:$0x4] =	stream.linear.gather [hbm4b:s2+s4], $0x80, $0x38;
	[tilespmem:$0xA880] =	vst v63  }
0xd5: {  	_ =	swait.ge [sflag:s29], $0x80  }
0xd6: {  	[sflag:s29] =	ssyncset.done $0x0  }
0xd7: {  	s2 =	simm.s32 $0xFFFFF740;
	[sflag:s29] =	ssyncadd.s32 $0xFFFFFF80  }
.LBB2_5:
0xd8: {  	[tilespmem:s30], [sflag:$0x6] =	stream.indirect.gather [hbm4b:s1+s24], $0x30, s24, s24, $0xb8;
	[tilespmem:$0xA880] =	vst v63  }
0xd9: {  	s6 =	smov.u32 s2  }
0xda: {  	p1 =	seq.s32 s2, $0xFFFFFFE0;
	s2 =	sadd.s32 $0x20, s2;
	_ =	swait.ge [sflag:s31], $0x1800  }
0xdb: {  	s7 =	sadd.s32 s6, s10;
	[sflag:s31] =	ssyncset.done $0x0  }
0xdc: {  	s8 =	sadd.s32 $0x900, s7;
	[sflag:s31] =	ssyncadd.s32 $0xFFFFE800  }
0xdd: {  	[tilespmem:s4], [sflag:$0x1] =	stream.linear.gather [hbm4b:s8+s4], $0x80, $0x38;
	[tilespmem:$0xA880] =	vst v63  }
0xde: {  	_ =	swait.ge [sflag:s0], $0x80  }
0xdf: {  	[sflag:s0] =	ssyncset.done $0x0  }
0xe0: {  	[sflag:s0] =	ssyncadd.s32 $0xFFFFFF80  }
0xe1: {  	[spmem:s3] =	stream.indirect.scatter.add.f32 [tilespmem:s22], [sflag:$0x7], $0x30, s25, s24, $0xb8;
	[tilespmem:$0xA880] =	vst v63  }
0xe2: {  	_ =	swait.ge [sflag:s11], $0x1800  }
0xe3: {  	[sflag:s11] =	ssyncset.done $0x0  }
0xe4: {  	s7 =	sadd.s32 $0x910, s7;
	[sflag:s11] =	ssyncadd.s32 $0xFFFFE800  }
0xe5: {  	[tilespmem:s24], [sflag:$0x2] =	stream.linear.gather [hbm4b:s7+s4], $0x80, $0x38;
	[tilespmem:$0xA880] =	vst v63  }
0xe6: {  	_ =	swait.ge [sflag:s13], $0x80  }
0xe7: {  	[sflag:s13] =	ssyncset.done $0x0  }
0xe8: {  	[sflag:s13] =	ssyncadd.s32 $0xFFFFFF80  }
0xe9: {  	[spmem:s3] =	stream.indirect.scatter.add.f32 [tilespmem:s30], [sflag:$0x8], $0x30, s26, s24, $0xb8;
	[tilespmem:$0xA880] =	vst v63  }
0xea: {  	_ =	swait.ge [sflag:s14], $0x1800  }
0xeb: {  	s6 =	sadd.s32 s6, s12;
	[sflag:s14] =	ssyncset.done $0x0  }
0xec: {  	s7 =	sadd.s32 $0x900, s6;
	[sflag:s14] =	ssyncadd.s32 $0xFFFFE800  }
0xed: {  	[tilespmem:s25], [sflag:$0x3] =	stream.linear.gather [hbm4b:s7+s4], $0x80, $0x38;
	[tilespmem:$0xA880] =	vst v63  }
0xee: {  	_ =	swait.ge [sflag:s28], $0x80  }
0xef: {  	[sflag:s28] =	ssyncset.done $0x0  }
0xf0: {  	[sflag:s28] =	ssyncadd.s32 $0xFFFFFF80  }
0xf1: {  	[tilespmem:s22], [sflag:$0x5] =	stream.indirect.gather [hbm4b:s1+s24], $0x30, s4, s24, $0xb8;
	[tilespmem:$0xA880] =	vst v63  }
0xf2: {  	_ =	swait.ge [sflag:s15], $0x1800  }
0xf3: {  	[sflag:s15] =	ssyncset.done $0x0  }
.Ltmp6:
0xf4: {  	s6 =	sadd.s32 $0x910, s6;
	[sflag:s15] =	ssyncadd.s32 $0xFFFFE800;
	(pc) =	sbr.rel @!p1 .LBB2_5-.Ltmp6, $4  }
0xf5: {  	[tilespmem:s26], [sflag:$0x4] =	stream.linear.gather [hbm4b:s6+s4], $0x80, $0x38;
	[tilespmem:$0xA880] =	vst v63  }
0xf6: {  	_ =	swait.ge [sflag:s29], $0x80  }
0xf7: {  	[sflag:s29] =	ssyncset.done $0x0  }
0xf8: {  	[sflag:s29] =	ssyncadd.s32 $0xFFFFFF80  }
.Ltmp7:
0xf9: {  	_ = 	snop;
	(pc) =	sbr.rel .LBB2_6-.Ltmp7, $1  }
0xfa: {  	_ =	sdelay $0x3  }
.LBB2_11:
0xfb: {  	_ =	sfence.sel $0x180000  }
0xfc: {  	[bflag:$0x0] =	sbarrier.arrive $0xFFFF  }
0xfd: {  	_ =	strace $0x9000004A  }
0xfe: {  	s0 =	stileid.u32;
	[bflag:$0x2] =	sbarrier.arrive $0xFFFF  }
0xff: {  	p0 =	sne.s32 s0, $0x0;
	s0 =	rddreg [dreg:$0x4]  }
0x100: {  	s0 =	sadd.s32 @!p0 $0x100000, s0  }
0x101: {  	[sflag:s0] =	ssyncadd.tile.s32 @!p0 $0x1;
	_ =	shalt  }
.Lfunc_end2:
_tile_overlayer_lowered:
.L_overlay_start_2:
0x102: {  	(tag) =	ssettag $0x2  }
0x103: {  	s0 =	rddreg [dreg:$0x0];
	s2 =	stileid.u32  }
0x104: {  	s1 =	rddreg [dreg:$0x1];
	p0 =	sne.s32 s2, $0x0  }
0x105: {  	s3 =	rddreg [dreg:$0x2];
	[bflag:$0x3] =	sbarrier.arrive $0xFFFF;
	s2 =	simm.s32 @!p0 $0x1C0A  }
0x106: {  	[timem:s3], [sflag:s2] =	dma.local @!p0 [hbm:s0], s1  }
0x107: {  	s0 =	simm.s32 @!p0 $0xA  }
0x108: {  	_ =	swait.ge @!p0 [sflag:s0], s1  }
0x109: {  	s1 =	ssub.s32 @!p0 $0x0, s1;
	[sflag:s0] =	ssyncset.done @!p0 $0x0  }
0x10a: {  	[sflag:s0] =	ssyncadd.s32 @!p0 s1  }
0x10b: {  	[bflag:$0x3] =	sbarrier.arrive $0xFFFF  }
0x10c: {  	_ =	shalt  }

// kernel: kernel.9.cloned.1.call-start
scs
__scs_entry_jumppad:
0x0: {  	(pc) =	sbr.rel $0x88, $3  }
0x1: {  	(tag) =	ssettag $0x0;
	lr =	simm.s32 $0x1  }
0x2: {  	[smem:$0x3F93] =	sst lr;
	_ =	strace $0xD0000000  }
0x3: {  	_ = 	snop  }
0x4: {  	_ = 	snop  }
0x5: {  	_ = 	snop  }
0x6: {  	_ = 	snop  }
0x7: {  	_ = 	snop  }
__scs_overlays_trampoline_lowered:
0x8: {  	[smem:$0x3FA2] =	sst s0  }
0x9: {  	[smem:$0x3FA3] =	sst s1  }
0xa: {  	[smem:$0x3FA4] =	sst s2  }
0xb: {  	[smem:$0x3FA5] =	sst s3  }
0xc: {  	[smem:$0x3FA6] =	sst s4  }
0xd: {  	[smem:$0x3FA7] =	sst s5  }
0xe: {  	[smem:$0x3FA8] =	sst s6  }
0xf: {  	[smem:$0x3FA9] =	sst s7  }
0x10: {  	[smem:$0x3FAA] =	sst s8  }
0x11: {  	[smem:$0x3FAB] =	sst s9;
	s0 =	simm.s32 @!p0 $0x0  }
0x12: {  	s1 =	sld [smem:$0x3F91];
	s0 =	simm.s32 @p0 $0x1  }
0x13: {  	[smem:$0x3FAC] =	sst s0;
	s0 =	simm.s32 @!p1 $0x0  }
0x14: {  	s2 =	sld [smem:$0x3F90];
	s0 =	simm.s32 @p1 $0x1  }
0x15: {  	[smem:$0x3FAD] =	sst s0;
	s0 =	simm.s32 @!p2 $0x0  }
0x16: {  	s3 =	sld [smem:$0x3FDB];
	s0 =	simm.s32 @p2 $0x1  }
0x17: {  	s4 =	simm.s32 $0x1BF5;
	[smem:$0x3FAF] =	sst s0  }
0x18: {  	s0 =	sld [smem:$0x3F92];
	_ =	swait.ge [sflag:s4], $0x0  }
0x19: {  	s7 =	sld [smem:$0x3F93]  }
0x1a: {  	s8 =	sadd.s32 $0xFFFFE003, lr  }
0x1b: {  	s9 =	sadd.s32 $0xFFFFFEF7, lr;
	s5 =	simm.s32 $0xFFFFFFFF;
	p2 =	slt.u32 s8, $0xFFFFF086  }
0x1c: {  	p1 =	slt.u32 s9, $0xF7A;
	s5 =	simm.s32 @!p2 $0x0  }
0x1d: {  	s5 =	simm.s32 @p1 $0x1;
	p0 =	seq.s32 s7, s2  }
0x1e: {  	s7 =	smul.u32 @!p0 $0xF7A, s2;
	p2 =	seq.s32 @!p0 s5, $0x0  }
0x1f: {  	s9 =	smul.u32 $0xF7A, s1;
	s8 =	simm.s32 @!p0 $0x1BF5;
	p2 =	por !p2, p0  }
0x20: {  	[sflag:s8] =	ssyncset.s32 @!p0 $0xFFFFF086;
	s6 =	sadd.s32 @!p0 s3, s7;
	s7 =	simm.s32 @!p0 $0x108  }
0x21: {  	s3 =	sadd.s32 s3, s9;
	s6 =	sadd.s32 @!p0 $0x88, s6;
	s7 =	simm.s32 @p2 $0x1082  }
0x22: {  	[simem:s7], [sflag:s8] =	dma.local @!p0 [hbm:s6], $0xF7A  }
0x23: {  	s9 =	sor.u32 $0xD0000000, s2;
	s6 =	simm.s32 $0x108;
	_ =	swait.ge @!p0 [sflag:s8], $0x0  }
0x24: {  	s3 =	sadd.s32 $0x88, s3;
	s6 =	simm.s32 @!p1 $0x1082;
	[sflag:s4] =	ssyncset.s32 $0xFFFFF086  }
0x25: {  	[simem:s6], [sflag:s4] =	dma.local [hbm:s3], $0xF7A  }
0x26: {  	[smem:$0x3F93] =	sst s1;
	(tag) =	ssettag s2;
	_ =	strace s9  }
0x27: {  	s1 =	sld [smem:$0x3FA3]  }
0x28: {  	s2 =	sld [smem:$0x3FA4]  }
0x29: {  	s4 =	sld [smem:$0x3FA6]  }
0x2a: {  	p0 =	seq.s32 s5, $0x0;
	s5 =	sld [smem:$0x3FA7]  }
0x2b: {  	s6 =	sld [smem:$0x3FA8]  }
0x2c: {  	s7 =	sld [smem:$0x3FA9]  }
0x2d: {  	s3 =	simm.s32 $0x108;
	s8 =	sld [smem:$0x3FAA]  }
0x2e: {  	s3 =	simm.s32 @!p0 $0x1082;
	s9 =	sld [smem:$0x3FAB]  }
0x2f: {  	lr =	sadd.s32 s0, s3;
	s0 =	sld [smem:$0x3FA2]  }
0x30: {  	s3 =	sld [smem:$0x3FA5]  }
0x31: {  	[smem:$0x3FAE] =	sst s10  }
0x32: {  	s10 =	sld [smem:$0x3FAC];
	_ =	sdelay $0x3  }
0x33: {  	p0 =	seq.s32 s10, $0x1;
	s10 =	sld [smem:$0x3FAE];
	_ =	sdelay $0x3  }
0x34: {  	[smem:$0x3FAE] =	sst s10  }
0x35: {  	s10 =	sld [smem:$0x3FAD];
	_ =	sdelay $0x3  }
0x36: {  	p1 =	seq.s32 s10, $0x1;
	s10 =	sld [smem:$0x3FAE];
	_ =	sdelay $0x3  }
0x37: {  	[smem:$0x3FAE] =	sst s10  }
0x38: {  	s10 =	sld [smem:$0x3FAF]  }
0x39: {  	_ = 	snop;
	(pc) =	sbr.ind lr, $3  }
0x3a: {  	_ = 	snop  }
0x3b: {  	_ = 	snop  }
0x3c: {  	p2 =	seq.s32 s10, $0x1;
	s10 =	sld [smem:$0x3FAE]  }
0x3d: {  	_ =	shalt  }
0x3e: {  	_ =	shalt  }
0x3f: {  	_ =	shalt  }
0x40: {  	_ =	shalt  }
0x41: {  	_ =	shalt  }
0x42: {  	_ =	shalt  }
0x43: {  	_ =	shalt  }
0x44: {  	_ =	shalt  }
0x45: {  	_ =	shalt  }
0x46: {  	_ =	shalt  }
0x47: {  	_ =	shalt  }
0x48: {  	_ =	shalt  }
0x49: {  	_ =	shalt  }
0x4a: {  	_ =	shalt  }
0x4b: {  	_ =	shalt  }
0x4c: {  	_ =	shalt  }
0x4d: {  	_ =	shalt  }
0x4e: {  	_ =	shalt  }
0x4f: {  	_ =	shalt  }
0x50: {  	_ =	shalt  }
0x51: {  	_ =	shalt  }
0x52: {  	_ =	shalt  }
0x53: {  	_ =	shalt  }
0x54: {  	_ =	shalt  }
0x55: {  	_ =	shalt  }
0x56: {  	_ =	shalt  }
0x57: {  	_ =	shalt  }
0x58: {  	_ =	shalt  }
0x59: {  	_ =	shalt  }
0x5a: {  	_ =	shalt  }
0x5b: {  	_ =	shalt  }
0x5c: {  	_ =	shalt  }
0x5d: {  	_ =	shalt  }
0x5e: {  	_ =	shalt  }
0x5f: {  	_ =	shalt  }
0x60: {  	_ =	shalt  }
0x61: {  	_ =	shalt  }
0x62: {  	_ =	shalt  }
0x63: {  	_ =	shalt  }
0x64: {  	_ =	shalt  }
0x65: {  	_ =	shalt  }
0x66: {  	_ =	shalt  }
0x67: {  	_ =	shalt  }
0x68: {  	_ =	shalt  }
0x69: {  	_ =	shalt  }
0x6a: {  	_ =	shalt  }
0x6b: {  	_ =	shalt  }
0x6c: {  	_ =	shalt  }
0x6d: {  	_ =	shalt  }
0x6e: {  	_ =	shalt  }
0x6f: {  	_ =	shalt  }
0x70: {  	_ =	shalt  }
0x71: {  	_ =	shalt  }
0x72: {  	_ =	shalt  }
0x73: {  	_ =	shalt  }
0x74: {  	_ =	shalt  }
0x75: {  	_ =	shalt  }
0x76: {  	_ =	shalt  }
0x77: {  	_ =	shalt  }
0x78: {  	_ =	shalt  }
0x79: {  	_ =	shalt  }
0x7a: {  	_ =	shalt  }
0x7b: {  	_ =	shalt  }
0x7c: {  	_ =	shalt  }
0x7d: {  	_ =	shalt  }
0x7e: {  	_ =	shalt  }
0x7f: {  	_ =	shalt  }
0x80: {  	_ =	shalt  }
0x81: {  	_ =	shalt  }
0x82: {  	_ =	shalt  }
0x83: {  	_ =	shalt  }
0x84: {  	_ =	shalt  }
0x85: {  	_ =	shalt  }
0x86: {  	_ =	shalt  }
0x87: {  	_ =	shalt  }
.Lfunc_end0:
.L_simem_size_0:
called_computation_lowered:
.L_overlay_start_0:
0x88: {  	s2 =	sld [smem:$0x3FD9]  }
0x89: {  	s3 =	sld [smem:$0x3FFE];
	_ =	sdelay $0x1  }
0x8a: {  	s1 =	srdreg.scid  }
0x8b: {  	s0 =	sand.u32 $0x1, s1  }
0x8c: {  	s16 =	sshll.u32 s0, $0xA;
	s2 =	sadd.s32 s3, s2  }
0x8d: {  	s2 =	sadd.s32 s2, s16  }
0x8e: {  	[smem:$0x3FBA] =	sst s2  }
0x8f: {  	_ = 	snop  }
0x90: {  	(tm) =	ssettm $0x1  }
0x91: {  	s17 =	sld [smem:$0x3FFB];
	_ =	sdelay $0x3  }
0x92: {  	_ =	strace s17  }
0x93: {  	s2 =	sld [smem:$0x3FFC];
	_ =	sdelay $0x3  }
0x94: {  	_ =	strace s2  }
0x95: {  	s2 =	sld [smem:$0x3FFD];
	_ =	sdelay $0x3  }
0x96: {  	_ =	strace s2  }
0x97: {  	_ =	strace $0x8FFFFFFF  }
0x98: {  	s18 =	sld [smem:$0x3FDB];
	_ =	sdelay $0x1  }
0x99: {  	s19 =	simm.s32 $_scs_section_size  }
0x9a: {  	s4 =	simm.s32 $_size__tile_overlayer_lowered;
	s5 =	simm.s32 $_tile_overlayer_lowered  }
0x9b: {  	s22 =	simm.s32 $0x1BFF;
	s21 =	sshll.u32 s5, $0x1;
	s2 =	sadd.s32 s19, s18  }
0x9c: {  	s6 =	simm.s32 $0x0;
	s20 =	sshll.u32 s4, $0x1;
	s4 =	sadd.s32 s21, s2  }
0x9d: {  	[timem:s6], [sflag:s22] =	dma.local [hbm:s4], s20  }
0x9e: {  	_ =	swait.ge [sflag:s22], s20  }
0x9f: {  	s3 =	ssub.s32 $0x0, s20;
	[sflag:s22] =	ssyncset.done $0x0  }
0xa0: {  	[sflag:s22] =	ssyncadd.s32 s3;
	_ =	sdelay $0x1  }
0xa1: {  	s23 =	simm.s32 $0x1B8B  }
0xa2: {  	_ =	swait.ge [sflag:s23], $0x1  }
0xa3: {  	[sflag:s23] =	ssyncset.done $0x0  }
0xa4: {  	s25 =	simm.s32 $0x1B8E;
	s24 =	sld [smem:$0x3FFE];
	[sflag:s23] =	ssyncadd.s32 $0xFFFFFFFF  }
0xa5: {  	s26 =	simm.s32 $execute0_lowered;
	[smem:$0x3FD2] =	sst s25  }
0xa6: {  	s4 =	sshll.u32 s26, $0x1;
	_ =	strace $0x80000046;
	[dreg:$0x1] =	wrdreg $0xFFFFFFFF  }
0xa7: {  	s28 =	simm.s32 $_size_execute0_lowered;
	s2 =	sadd.s32 s2, s4;
	[dreg:$0x0] =	wrdreg $0x0  }
0xa8: {  	s4 =	sshll.u32 s28, $0x1;
	[dreg:$0x2] =	wrdreg s2  }
0xa9: {  	[dreg:$0x3] =	wrdreg s4  }
0xaa: {  	[dreg:$0x4] =	wrdreg $0xC0  }
0xab: {  	_ =	task [dreg:s6], $0x5FFFF  }
0xac: {  	[dreg:$0x1] =	wrdreg $0xFFFFFFFF  }
0xad: {  	[dreg:$0x0] =	wrdreg $0x60  }
0xae: {  	[dreg:$0x2] =	wrdreg s24  }
0xaf: {  	[dreg:$0x3] =	wrdreg $0x82000  }
0xb0: {  	[dreg:$0x4] =	wrdreg $0x9  }
0xb1: {  	_ =	task.clear_ibuf [dreg:s6], $0x5FFFF;
	_ =	strace $0x90000046  }
0xb2: {  	s29 =	simm.s32 $0x9;
	_ =	strace $0x80000048  }
0xb3: {  	_ =	swait.ge [sflag:s29], $0x1  }
0xb4: {  	[sflag:s29] =	ssyncadd.s32 $0xFFFFFFFF  }
0xb5: {  	_ =	strace $0x90000048  }
0xb6: {  	_ =	sfence  }
0xb7: {  	s30 =	sld [smem:$0x0];
	_ =	sdelay $0x2  }
0xb8: {  	s31 =	sshll.u32 s1, $0xD;
	s1 =	sshrl.u32 s1, $0x2  }
0xb9: {  	s3 =	sand.u32 $0x4000, s31;
	s1 =	sadd.s32 s1, s30  }
0xba: {  	s0 =	sor.u32 s3, s0;
	s1 =	sshll.u32 s1, $0x11  }
0xbb: {  	s0 =	sor.u32 s1, s0  }
0xbc: {  	s0 =	sadd.s32 $0x8F2B, s0  }
0xbd: {  	[sflag:s0] =	ssyncadd.remote.s32 $0x1  }
0xbe: {  	_ =	sfence.sel $0xFFFF  }
0xbf: {  	[dreg:$0x0] =	wrdreg $0xFFFFFFFF;
	(pc) =	sbr.abs _section_cstart, $3  }
0xc0: {  	[dreg:$0x1] =	wrdreg $0xFFFFFFFF  }
0xc1: {  	_ =	task.clear_ibuf [dreg:s6], $0x2FFFF;
	_ =	strace $0x9FFFFFFF  }
0xc2: {  	(tm) =	ssettm $0x7FFFFFFF  }
0xc3: {  	_ =	shalt  }
tec
execute0_lowered:
.L_overlay_start_1:
0x0: {  	(tag) =	ssettag $0x1  }
0x1: {  	s0 =	rddreg [dreg:$0x0]  }
0x2: {  	s1 =	rddreg [dreg:$0x1];
	s2 =	srdreg.scid;
	s3 =	simm.s32 $0x0  }
0x3: {  	s14 =	stileid.u32;
	s28 =	simm.s32 $0x1;
	s29 =	simm.s32 $0x2  }
0x4: {  	s30 =	simm.s32 $0x4200;
	s31 =	simm.s32 $0x5;
	s16 =	simm.s32 $0xA  }
0x5: {  	s17 =	simm.s32 $0x0;
	s2 =	sand.u32 $0x1, s2;
	s6 =	smul.u32 $0x13C00, s14  }
0x6: {  	[smem:$0x7FF] =	sst s3;
	s4 =	sadd.s32 $0x20A00, s0;
	s7 =	smul.u32 $0x4F000, s14  }
0x7: {  	s11 =	sadd.s32 $0x16A00, s0;
	s13 =	sadd.s32 $0xCA00, s0;
	s12 =	smul.u32 $0x900, s14  }
0x8: {  	s14 =	sshll.u32 s14, $0x8;
	s5 =	smul.u32 $0x13C000, s2;
	_ =	strace $0x80000047  }
0x9: {  	s18 =	ssub.s32 $0x2, s2;
	p0 =	seq.s32 s2, $0x1;
	s23 =	sor.u32 $0x9000, s14  }
0xa: {  	s15 =	sor.u32 $0x9010, s14;
	s7 =	sshrl.u32 s7, $0x2;
	s8 =	sshrl.u32 s18, $0x1  }
0xb: {  	s10 =	sadd.s32 s11, s12;
	s21 =	sor.u32 $0x10, s12;
	s12 =	sadd.s32 s13, s12  }
0xc: {  	s24 =	sadd.s32 s11, s23;
	s25 =	sadd.s32 s11, s15;
	s26 =	sadd.s32 s13, s15  }
0xd: {  	s15 =	simm.s32 $0x8;
	s5 =	sadd.s32 s6, s5;
	[dreg:$0x8] =	wrdreg s24  }
0xe: {  	s6 =	ssub.s32 s18, s8;
	s22 =	sadd.s32 s11, s21;
	[dreg:$0x9] =	wrdreg s25  }
0xf: {  	s2 =	sadd.s32 s13, s21;
	[dreg:$0xb] =	wrdreg s26;
	s21 =	sadd.s32 s14, s13  }
0x10: {  	s24 =	simm.s32 $0x80;
	s25 =	simm.s32 $0x100;
	[dreg:$0x6] =	wrdreg s22  }
0x11: {  	s26 =	simm.s32 $0x180;
	s5 =	sshrl.u32 s5, $0x3;
	[dreg:$0x7] =	wrdreg s2  }
0x12: {  	s2 =	sadd.s32 s13, s23;
	s22 =	simm.s32 $0x200;
	s23 =	simm.s32 $0x9  }
0x13: {  	s13 =	simm.s32 $0x4;
	s0 =	sadd.s32 s5, s0;
	s5 =	sadd.s32 s7, s1  }
.Ltmp0:
0x14: {  	[dreg:$0xa] =	wrdreg s2;
	s7 =	sadd.s32 $0x4000, s5;
	(pc) =	sbr.rel .LBB2_1-.Ltmp0, $4  }
0x15: {  	s19 =	sadd.s32 $0x8000, s5;
	s20 =	sadd.s32 $0xC000, s5;
	[dreg:$0x3] =	wrdreg s7  }
0x16: {  	s9 =	sadd.s32 $0x10000, s5;
	s18 =	sadd.s32 $0x6FA00, s0;
	[dreg:$0x4] =	wrdreg s19  }
0x17: {  	s0 =	simm.s32 $0x3;
	[dreg:$0x5] =	wrdreg s20;
	s19 =	smax.u32 s6, $0x1  }
0x18: {  	v0 =	vimm.f32 $0.0e+00;
	s20 =	sadd.s32 s14, s11;
	s11 =	simm.s32 $0x6;
	s14 =	simm.s32 $0x7  }
.LBB2_6:
0x19: {  	[tilespmem:s30], [sflag:$0x6] =	stream.indirect.gather [hbm4b:s4+s24], $0x80, s24, s24, $0xb8;
	[tilespmem:$0x1BE00] =	vst v63  }
.LBB2_10:
0x1a: {  	_ =	swait.ge [sflag:s31], $0x4000  }
0x1b: {  	[sflag:s31] =	ssyncset.done $0x0  }
0x1c: {  	[sflag:s31] =	ssyncadd.s32 $0xFFFFC000  }
0x1d: {  	_ =	swait.ge [sflag:s0], $0x80  }
0x1e: {  	[sflag:s0] =	ssyncset.done $0x0  }
0x1f: {  	[sflag:s0] =	ssyncadd.s32 $0xFFFFFF80  }
0x20: {  	[spmem:s1] =	stream.indirect.scatter.add.f32 [tilespmem:s22], [sflag:$0x7], $0x80, s25, s24, $0xb8;
	[tilespmem:$0x1BE00] =	vst v63  }
0x21: {  	_ =	swait.ge [sflag:s11], $0x4000  }
0x22: {  	[sflag:s11] =	ssyncset.done $0x0  }
0x23: {  	[sflag:s11] =	ssyncadd.s32 $0xFFFFC000  }
0x24: {  	_ =	swait.ge [sflag:s13], $0x80  }
0x25: {  	[sflag:s13] =	ssyncset.done $0x0  }
0x26: {  	[sflag:s13] =	ssyncadd.s32 $0xFFFFFF80  }
0x27: {  	[spmem:s1] =	stream.indirect.scatter.add.f32 [tilespmem:s30], [sflag:$0x8], $0x80, s26, s24, $0xb8;
	[tilespmem:$0x1BE00] =	vst v63  }
0x28: {  	_ =	swait.ge [sflag:s14], $0x4000  }
0x29: {  	[sflag:s14] =	ssyncset.done $0x0  }
0x2a: {  	[sflag:s14] =	ssyncadd.s32 $0xFFFFC000  }
0x2b: {  	s2 =	stileid.u32;
	_ =	swait.ge [sflag:s15], $0x4000  }
0x2c: {  	s6 =	sshrl.u32 s5, $0x3;
	s17 =	sadd.s32 $0x1, s17;
	[sflag:s15] =	ssyncset.done $0x0  }
0x2d: {  	s2 =	sshll.u32 s2, $0x6;
	p1 =	sne.s32 s17, s19;
	[sflag:s15] =	ssyncadd.s32 $0xFFFFC000  }
.Ltmp1:
0x2e: {  	s2 =	sor.u32 $0x1C0A, s2;
	[bflag:$0x0] =	sbarrier.arrive $0xFFFF;
	(pc) =	sbr.rel @!p1 .LBB2_11-.Ltmp1, $4  }
0x2f: {  	[hbm:s18], [sflag:s2] =	dma.local [spmem:s6], $0x2780  }
0x30: {  	_ =	swait.ge [sflag:s16], $0x2780  }
0x31: {  	[sflag:s16] =	ssyncset.done $0x0  }
0x32: {  	[sflag:s16] =	ssyncadd.s32 $0xFFFFD880  }
.LBB2_1:
0x33: {  	s2 =	simm.s32 $0x0;
	s6 =	simm.s32 $0x200  }
.LBB2_2:
0x34: {  	p1 =	sne.s32 s6, $0xFE00;
	[tilespmem:s2+$0x270] =	vst v0  }
0x35: {  	[tilespmem:s2+$0x200] =	vst v0  }
0x36: {  	[tilespmem:s2+$0x210] =	vst v0  }
.Ltmp2:
0x37: {  	[tilespmem:s2+$0x220] =	vst v0;
	(pc) =	sbr.rel @p1 .LBB2_2-.Ltmp2, $4  }
0x38: {  	[tilespmem:s2+$0x230] =	vst v0  }
0x39: {  	[tilespmem:s2+$0x240] =	vst v0  }
0x3a: {  	[tilespmem:s2+$0x250] =	vst v0  }
0x3b: {  	[tilespmem:s2+$0x260] =	vst v0;
	s2 =	sshra.s32 s6, $0x2;
	s6 =	sadd.s32 $0x200, s6  }
0x3c: {  	[tilespmem:s2+$0x270] =	vst v0  }
0x3d: {  	[tilespmem:s2+$0x200] =	vst v0  }
0x3e: {  	[tilespmem:s2+$0x210] =	vst v0  }
0x3f: {  	[tilespmem:s2+$0x220] =	vst v0  }
0x40: {  	[tilespmem:s2+$0x230] =	vst v0  }
0x41: {  	[tilespmem:s2+$0x240] =	vst v0  }
0x42: {  	[tilespmem:s2+$0x250] =	vst v0  }
0x43: {  	[tilespmem:s2+$0x260] =	vst v0  }
0x44: {  	[spmem:s5] =	stream.linear.scatter [tilespmem:s22], [sflag:$0x9], $0x4000, $0x38;
	[tilespmem:$0x1BE00] =	vst v63  }
0x45: {  	s6 =	rddreg [dreg:$0x3]  }
0x46: {  	[spmem:s6] =	stream.linear.scatter [tilespmem:s22], [sflag:$0x9], $0x4000, $0x38;
	[tilespmem:$0x1BE00] =	vst v63  }
0x47: {  	s7 =	rddreg [dreg:$0x4]  }
0x48: {  	[spmem:s7] =	stream.linear.scatter [tilespmem:s22], [sflag:$0x9], $0x4000, $0x38;
	[tilespmem:$0x1BE00] =	vst v63  }
0x49: {  	s8 =	rddreg [dreg:$0x5]  }
0x4a: {  	[spmem:s8] =	stream.linear.scatter [tilespmem:s22], [sflag:$0x9], $0x4000, $0x38;
	[tilespmem:$0x1BE00] =	vst v63  }
0x4b: {  	_ = 	snop  }
0x4c: {  	[spmem:s9] =	stream.linear.scatter [tilespmem:s22], [sflag:$0x9], $0x3C00, $0x38;
	[tilespmem:$0x1BE00] =	vst v63  }
0x4d: {  	_ =	swait.ge [sflag:s23], $0x4000  }
0x4e: {  	[sflag:s23] =	ssyncset.done $0x0  }
0x4f: {  	[sflag:s23] =	ssyncadd.s32 $0xFFFFC000  }
0x50: {  	_ =	swait.ge [sflag:s23], $0x4000  }
0x51: {  	[sflag:s23] =	ssyncset.done $0x0  }
0x52: {  	[sflag:s23] =	ssyncadd.s32 $0xFFFFC000  }
0x53: {  	_ =	swait.ge [sflag:s23], $0x4000  }
0x54: {  	[sflag:s23] =	ssyncset.done $0x0  }
0x55: {  	[sflag:s23] =	ssyncadd.s32 $0xFFFFC000  }
0x56: {  	_ =	swait.ge [sflag:s23], $0x4000  }
.Ltmp3:
0x57: {  	[sflag:s23] =	ssyncset.done $0x0;
	(pc) =	sbr.rel @!p0 .LBB2_4-.Ltmp3, $4  }
0x58: {  	[sflag:s23] =	ssyncadd.s32 $0xFFFFC000  }
0x59: {  	_ =	swait.ge [sflag:s23], $0x3C00  }
0x5a: {  	[sflag:s23] =	ssyncset.done $0x0  }
0x5b: {  	[sflag:s23] =	ssyncadd.s32 $0xFFFFC400  }
0x5c: {  	s2 =	rddreg [dreg:$0x8]  }
0x5d: {  	[tilespmem:s3], [sflag:$0x1] =	stream.linear.gather [hbm4b:s2+s3], $0x80, $0x38;
	[tilespmem:$0x1BE00] =	vst v63  }
0x5e: {  	s8 =	rddreg [dreg:$0x9]  }
0x5f: {  	[tilespmem:s24], [sflag:$0x2] =	stream.linear.gather [hbm4b:s8+s3], $0x80, $0x38;
	[tilespmem:$0x1BE00] =	vst v63  }
0x60: {  	s6 =	rddreg [dreg:$0xa]  }
0x61: {  	[tilespmem:s25], [sflag:$0x3] =	stream.linear.gather [hbm4b:s6+s3], $0x80, $0x38;
	[tilespmem:$0x1BE00] =	vst v63  }
0x62: {  	s7 =	rddreg [dreg:$0xb]  }
0x63: {  	[tilespmem:s26], [sflag:$0x4] =	stream.linear.gather [hbm4b:s7+s3], $0x80, $0x38;
	[tilespmem:$0x1BE00] =	vst v63  }
0x64: {  	[bflag:$0x0] =	sbarrier.arrive $0xFFFF  }
0x65: {  	_ =	swait.ge [sflag:s28], $0x80  }
0x66: {  	[sflag:s28] =	ssyncset.done $0x0  }
0x67: {  	[sflag:s28] =	ssyncadd.s32 $0xFFFFFF80  }
0x68: {  	[tilespmem:s22], [sflag:$0x5] =	stream.indirect.gather [hbm4b:s4+s24], $0x80, s3, s24, $0xb8;
	[tilespmem:$0x1BE00] =	vst v63  }
0x69: {  	_ =	swait.ge [sflag:s29], $0x80  }
0x6a: {  	[sflag:s29] =	ssyncset.done $0x0  }
0x6b: {  	[sflag:s29] =	ssyncadd.s32 $0xFFFFFF80  }
0x6c: {  	[tilespmem:s30], [sflag:$0x6] =	stream.indirect.gather [hbm4b:s4+s24], $0x80, s24, s24, $0xb8;
	[tilespmem:$0x1BE00] =	vst v63  }
0x6d: {  	_ =	swait.ge [sflag:s31], $0x4000  }
0x6e: {  	s8 =	sadd.s32 $0xFFFFFF20, s20;
	[sflag:s31] =	ssyncset.done $0x0  }
0x6f: {  	s6 =	sadd.s32 $0x9100, s8;
	[sflag:s31] =	ssyncadd.s32 $0xFFFFC000  }
0x70: {  	[tilespmem:s3], [sflag:$0x1] =	stream.linear.gather [hbm4b:s6+s3], $0x80, $0x38;
	[tilespmem:$0x1BE00] =	vst v63  }
0x71: {  	_ =	swait.ge [sflag:s0], $0x80  }
0x72: {  	[sflag:s0] =	ssyncset.done $0x0  }
0x73: {  	[sflag:s0] =	ssyncadd.s32 $0xFFFFFF80  }
0x74: {  	[spmem:s1] =	stream.indirect.scatter.add.f32 [tilespmem:s22], [sflag:$0x7], $0x80, s25, s24, $0xb8;
	[tilespmem:$0x1BE00] =	vst v63  }
0x75: {  	_ =	swait.ge [sflag:s11], $0x4000  }
0x76: {  	[sflag:s11] =	ssyncset.done $0x0  }
0x77: {  	s2 =	sadd.s32 $0x9110, s8;
	[sflag:s11] =	ssyncadd.s32 $0xFFFFC000  }
0x78: {  	[tilespmem:s24], [sflag:$0x2] =	stream.linear.gather [hbm4b:s2+s3], $0x80, $0x38;
	[tilespmem:$0x1BE00] =	vst v63  }
0x79: {  	_ =	swait.ge [sflag:s13], $0x80  }
0x7a: {  	[sflag:s13] =	ssyncset.done $0x0  }
0x7b: {  	[sflag:s13] =	ssyncadd.s32 $0xFFFFFF80  }
0x7c: {  	[spmem:s1] =	stream.indirect.scatter.add.f32 [tilespmem:s30], [sflag:$0x8], $0x80, s26, s24, $0xb8;
	[tilespmem:$0x1BE00] =	vst v63  }
0x7d: {  	_ =	swait.ge [sflag:s14], $0x4000  }
0x7e: {  	s7 =	sadd.s32 $0xFFFFFF20, s21;
	[sflag:s14] =	ssyncset.done $0x0  }
0x7f: {  	s8 =	sadd.s32 $0x9100, s7;
	[sflag:s14] =	ssyncadd.s32 $0xFFFFC000  }
0x80: {  	[tilespmem:s25], [sflag:$0x3] =	stream.linear.gather [hbm4b:s8+s3], $0x80, $0x38;
	[tilespmem:$0x1BE00] =	vst v63  }
0x81: {  	_ =	swait.ge [sflag:s28], $0x80  }
0x82: {  	[sflag:s28] =	ssyncset.done $0x0  }
0x83: {  	[sflag:s28] =	ssyncadd.s32 $0xFFFFFF80  }
0x84: {  	[tilespmem:s22], [sflag:$0x5] =	stream.indirect.gather [hbm4b:s4+s24], $0x80, s3, s24, $0xb8;
	[tilespmem:$0x1BE00] =	vst v63  }
0x85: {  	_ =	swait.ge [sflag:s15], $0x4000  }
0x86: {  	[sflag:s15] =	ssyncset.done $0x0  }
0x87: {  	s2 =	sadd.s32 $0x9110, s7;
	[sflag:s15] =	ssyncadd.s32 $0xFFFFC000  }
0x88: {  	[tilespmem:s26], [sflag:$0x4] =	stream.linear.gather [hbm4b:s2+s3], $0x80, $0x38;
	[tilespmem:$0x1BE00] =	vst v63  }
0x89: {  	_ =	swait.ge [sflag:s29], $0x80  }
0x8a: {  	[sflag:s29] =	ssyncset.done $0x0  }
0x8b: {  	s2 =	simm.s32 $0xFFFFFF40;
	[sflag:s29] =	ssyncadd.s32 $0xFFFFFF80  }
.LBB2_8:
0x8c: {  	[tilespmem:s30], [sflag:$0x6] =	stream.indirect.gather [hbm4b:s4+s24], $0x80, s24, s24, $0xb8;
	[tilespmem:$0x1BE00] =	vst v63  }
0x8d: {  	s6 =	smov.u32 s2  }
0x8e: {  	p1 =	sne.s32 s2, $0xFFFFFFE0;
	s2 =	sadd.s32 $0x20, s2;
	_ =	swait.ge [sflag:s31], $0x4000  }
0x8f: {  	s7 =	sadd.s32 s6, s20;
	[sflag:s31] =	ssyncset.done $0x0  }
0x90: {  	s8 =	sadd.s32 $0x9100, s7;
	[sflag:s31] =	ssyncadd.s32 $0xFFFFC000  }
0x91: {  	[tilespmem:s3], [sflag:$0x1] =	stream.linear.gather [hbm4b:s8+s3], $0x80, $0x38;
	[tilespmem:$0x1BE00] =	vst v63  }
0x92: {  	_ =	swait.ge [sflag:s0], $0x80  }
0x93: {  	[sflag:s0] =	ssyncset.done $0x0  }
0x94: {  	[sflag:s0] =	ssyncadd.s32 $0xFFFFFF80  }
0x95: {  	[spmem:s1] =	stream.indirect.scatter.add.f32 [tilespmem:s22], [sflag:$0x7], $0x80, s25, s24, $0xb8;
	[tilespmem:$0x1BE00] =	vst v63  }
0x96: {  	_ =	swait.ge [sflag:s11], $0x4000  }
0x97: {  	[sflag:s11] =	ssyncset.done $0x0  }
0x98: {  	s7 =	sadd.s32 $0x9110, s7;
	[sflag:s11] =	ssyncadd.s32 $0xFFFFC000  }
0x99: {  	[tilespmem:s24], [sflag:$0x2] =	stream.linear.gather [hbm4b:s7+s3], $0x80, $0x38;
	[tilespmem:$0x1BE00] =	vst v63  }
0x9a: {  	_ =	swait.ge [sflag:s13], $0x80  }
0x9b: {  	[sflag:s13] =	ssyncset.done $0x0  }
0x9c: {  	[sflag:s13] =	ssyncadd.s32 $0xFFFFFF80  }
0x9d: {  	[spmem:s1] =	stream.indirect.scatter.add.f32 [tilespmem:s30], [sflag:$0x8], $0x80, s26, s24, $0xb8;
	[tilespmem:$0x1BE00] =	vst v63  }
0x9e: {  	_ =	swait.ge [sflag:s14], $0x4000  }
0x9f: {  	s6 =	sadd.s32 s6, s21;
	[sflag:s14] =	ssyncset.done $0x0  }
0xa0: {  	s7 =	sadd.s32 $0x9100, s6;
	[sflag:s14] =	ssyncadd.s32 $0xFFFFC000  }
0xa1: {  	[tilespmem:s25], [sflag:$0x3] =	stream.linear.gather [hbm4b:s7+s3], $0x80, $0x38;
	[tilespmem:$0x1BE00] =	vst v63  }
0xa2: {  	_ =	swait.ge [sflag:s28], $0x80  }
0xa3: {  	[sflag:s28] =	ssyncset.done $0x0  }
0xa4: {  	[sflag:s28] =	ssyncadd.s32 $0xFFFFFF80  }
0xa5: {  	[tilespmem:s22], [sflag:$0x5] =	stream.indirect.gather [hbm4b:s4+s24], $0x80, s3, s24, $0xb8;
	[tilespmem:$0x1BE00] =	vst v63  }
0xa6: {  	_ =	swait.ge [sflag:s15], $0x4000  }
0xa7: {  	[sflag:s15] =	ssyncset.done $0x0  }
.Ltmp4:
0xa8: {  	s6 =	sadd.s32 $0x9110, s6;
	[sflag:s15] =	ssyncadd.s32 $0xFFFFC000;
	(pc) =	sbr.rel @p1 .LBB2_8-.Ltmp4, $4  }
0xa9: {  	[tilespmem:s26], [sflag:$0x4] =	stream.linear.gather [hbm4b:s6+s3], $0x80, $0x38;
	[tilespmem:$0x1BE00] =	vst v63  }
0xaa: {  	_ =	swait.ge [sflag:s29], $0x80  }
0xab: {  	[sflag:s29] =	ssyncset.done $0x0  }
0xac: {  	[sflag:s29] =	ssyncadd.s32 $0xFFFFFF80  }
.Ltmp5:
0xad: {  	(pc) =	sbr.rel .LBB2_10-.Ltmp5, $2  }
0xae: {  	_ =	sdelay $0x2  }
0xaf: {  	[tilespmem:s30], [sflag:$0x6] =	stream.indirect.gather [hbm4b:s4+s24], $0x80, s24, s24, $0xb8;
	[tilespmem:$0x1BE00] =	vst v63  }
.LBB2_4:
0xb0: {  	[tilespmem:s3], [sflag:$0x1] =	stream.linear.gather [hbm4b:s10+s3], $0x80, $0x38;
	[tilespmem:$0x1BE00] =	vst v63  }
0xb1: {  	s2 =	rddreg [dreg:$0x6]  }
0xb2: {  	[tilespmem:s24], [sflag:$0x2] =	stream.linear.gather [hbm4b:s2+s3], $0x80, $0x38;
	[tilespmem:$0x1BE00] =	vst v63  }
0xb3: {  	_ = 	snop  }
0xb4: {  	[tilespmem:s25], [sflag:$0x3] =	stream.linear.gather [hbm4b:s12+s3], $0x80, $0x38;
	[tilespmem:$0x1BE00] =	vst v63  }
0xb5: {  	s7 =	rddreg [dreg:$0x7]  }
0xb6: {  	[tilespmem:s26], [sflag:$0x4] =	stream.linear.gather [hbm4b:s7+s3], $0x80, $0x38;
	[tilespmem:$0x1BE00] =	vst v63  }
0xb7: {  	[bflag:$0x0] =	sbarrier.arrive $0xFFFF  }
0xb8: {  	_ =	swait.ge [sflag:s28], $0x80  }
0xb9: {  	[sflag:s28] =	ssyncset.done $0x0  }
0xba: {  	[sflag:s28] =	ssyncadd.s32 $0xFFFFFF80  }
0xbb: {  	[tilespmem:s22], [sflag:$0x5] =	stream.indirect.gather [hbm4b:s4+s24], $0x80, s3, s24, $0xb8;
	[tilespmem:$0x1BE00] =	vst v63  }
0xbc: {  	_ =	swait.ge [sflag:s29], $0x80  }
0xbd: {  	[sflag:s29] =	ssyncset.done $0x0  }
0xbe: {  	[sflag:s29] =	ssyncadd.s32 $0xFFFFFF80  }
0xbf: {  	[tilespmem:s30], [sflag:$0x6] =	stream.indirect.gather [hbm4b:s4+s24], $0x80, s24, s24, $0xb8;
	[tilespmem:$0x1BE00] =	vst v63  }
0xc0: {  	_ =	swait.ge [sflag:s31], $0x4000  }
0xc1: {  	s8 =	sadd.s32 $0xFFFFF720, s10;
	[sflag:s31] =	ssyncset.done $0x0  }
0xc2: {  	s6 =	sadd.s32 $0x900, s8;
	[sflag:s31] =	ssyncadd.s32 $0xFFFFC000  }
0xc3: {  	[tilespmem:s3], [sflag:$0x1] =	stream.linear.gather [hbm4b:s6+s3], $0x80, $0x38;
	[tilespmem:$0x1BE00] =	vst v63  }
0xc4: {  	_ =	swait.ge [sflag:s0], $0x80  }
0xc5: {  	[sflag:s0] =	ssyncset.done $0x0  }
0xc6: {  	[sflag:s0] =	ssyncadd.s32 $0xFFFFFF80  }
0xc7: {  	[spmem:s1] =	stream.indirect.scatter.add.f32 [tilespmem:s22], [sflag:$0x7], $0x80, s25, s24, $0xb8;
	[tilespmem:$0x1BE00] =	vst v63  }
0xc8: {  	_ =	swait.ge [sflag:s11], $0x4000  }
0xc9: {  	[sflag:s11] =	ssyncset.done $0x0  }
0xca: {  	s2 =	sadd.s32 $0x910, s8;
	[sflag:s11] =	ssyncadd.s32 $0xFFFFC000  }
0xcb: {  	[tilespmem:s24], [sflag:$0x2] =	stream.linear.gather [hbm4b:s2+s3], $0x80, $0x38;
	[tilespmem:$0x1BE00] =	vst v63  }
0xcc: {  	_ =	swait.ge [sflag:s13], $0x80  }
0xcd: {  	[sflag:s13] =	ssyncset.done $0x0  }
0xce: {  	[sflag:s13] =	ssyncadd.s32 $0xFFFFFF80  }
0xcf: {  	[spmem:s1] =	stream.indirect.scatter.add.f32 [tilespmem:s30], [sflag:$0x8], $0x80, s26, s24, $0xb8;
	[tilespmem:$0x1BE00] =	vst v63  }
0xd0: {  	_ =	swait.ge [sflag:s14], $0x4000  }
0xd1: {  	s7 =	sadd.s32 $0xFFFFF720, s12;
	[sflag:s14] =	ssyncset.done $0x0  }
0xd2: {  	s8 =	sadd.s32 $0x900, s7;
	[sflag:s14] =	ssyncadd.s32 $0xFFFFC000  }
0xd3: {  	[tilespmem:s25], [sflag:$0x3] =	stream.linear.gather [hbm4b:s8+s3], $0x80, $0x38;
	[tilespmem:$0x1BE00] =	vst v63  }
0xd4: {  	_ =	swait.ge [sflag:s28], $0x80  }
0xd5: {  	[sflag:s28] =	ssyncset.done $0x0  }
0xd6: {  	[sflag:s28] =	ssyncadd.s32 $0xFFFFFF80  }
0xd7: {  	[tilespmem:s22], [sflag:$0x5] =	stream.indirect.gather [hbm4b:s4+s24], $0x80, s3, s24, $0xb8;
	[tilespmem:$0x1BE00] =	vst v63  }
0xd8: {  	_ =	swait.ge [sflag:s15], $0x4000  }
0xd9: {  	[sflag:s15] =	ssyncset.done $0x0  }
0xda: {  	s2 =	sadd.s32 $0x910, s7;
	[sflag:s15] =	ssyncadd.s32 $0xFFFFC000  }
0xdb: {  	[tilespmem:s26], [sflag:$0x4] =	stream.linear.gather [hbm4b:s2+s3], $0x80, $0x38;
	[tilespmem:$0x1BE00] =	vst v63  }
0xdc: {  	_ =	swait.ge [sflag:s29], $0x80  }
0xdd: {  	[sflag:s29] =	ssyncset.done $0x0  }
0xde: {  	s2 =	simm.s32 $0xFFFFF740;
	[sflag:s29] =	ssyncadd.s32 $0xFFFFFF80  }
.LBB2_5:
0xdf: {  	[tilespmem:s30], [sflag:$0x6] =	stream.indirect.gather [hbm4b:s4+s24], $0x80, s24, s24, $0xb8;
	[tilespmem:$0x1BE00] =	vst v63  }
0xe0: {  	s6 =	smov.u32 s2  }
0xe1: {  	p1 =	seq.s32 s2, $0xFFFFFFE0;
	s2 =	sadd.s32 $0x20, s2;
	_ =	swait.ge [sflag:s31], $0x4000  }
0xe2: {  	s7 =	sadd.s32 s6, s10;
	[sflag:s31] =	ssyncset.done $0x0  }
0xe3: {  	s8 =	sadd.s32 $0x900, s7;
	[sflag:s31] =	ssyncadd.s32 $0xFFFFC000  }
0xe4: {  	[tilespmem:s3], [sflag:$0x1] =	stream.linear.gather [hbm4b:s8+s3], $0x80, $0x38;
	[tilespmem:$0x1BE00] =	vst v63  }
0xe5: {  	_ =	swait.ge [sflag:s0], $0x80  }
0xe6: {  	[sflag:s0] =	ssyncset.done $0x0  }
0xe7: {  	[sflag:s0] =	ssyncadd.s32 $0xFFFFFF80  }
0xe8: {  	[spmem:s1] =	stream.indirect.scatter.add.f32 [tilespmem:s22], [sflag:$0x7], $0x80, s25, s24, $0xb8;
	[tilespmem:$0x1BE00] =	vst v63  }
0xe9: {  	_ =	swait.ge [sflag:s11], $0x4000  }
0xea: {  	[sflag:s11] =	ssyncset.done $0x0  }
0xeb: {  	s7 =	sadd.s32 $0x910, s7;
	[sflag:s11] =	ssyncadd.s32 $0xFFFFC000  }
0xec: {  	[tilespmem:s24], [sflag:$0x2] =	stream.linear.gather [hbm4b:s7+s3], $0x80, $0x38;
	[tilespmem:$0x1BE00] =	vst v63  }
0xed: {  	_ =	swait.ge [sflag:s13], $0x80  }
0xee: {  	[sflag:s13] =	ssyncset.done $0x0  }
0xef: {  	[sflag:s13] =	ssyncadd.s32 $0xFFFFFF80  }
0xf0: {  	[spmem:s1] =	stream.indirect.scatter.add.f32 [tilespmem:s30], [sflag:$0x8], $0x80, s26, s24, $0xb8;
	[tilespmem:$0x1BE00] =	vst v63  }
0xf1: {  	_ =	swait.ge [sflag:s14], $0x4000  }
0xf2: {  	s6 =	sadd.s32 s6, s12;
	[sflag:s14] =	ssyncset.done $0x0  }
0xf3: {  	s7 =	sadd.s32 $0x900, s6;
	[sflag:s14] =	ssyncadd.s32 $0xFFFFC000  }
0xf4: {  	[tilespmem:s25], [sflag:$0x3] =	stream.linear.gather [hbm4b:s7+s3], $0x80, $0x38;
	[tilespmem:$0x1BE00] =	vst v63  }
0xf5: {  	_ =	swait.ge [sflag:s28], $0x80  }
0xf6: {  	[sflag:s28] =	ssyncset.done $0x0  }
0xf7: {  	[sflag:s28] =	ssyncadd.s32 $0xFFFFFF80  }
0xf8: {  	[tilespmem:s22], [sflag:$0x5] =	stream.indirect.gather [hbm4b:s4+s24], $0x80, s3, s24, $0xb8;
	[tilespmem:$0x1BE00] =	vst v63  }
0xf9: {  	_ =	swait.ge [sflag:s15], $0x4000  }
0xfa: {  	[sflag:s15] =	ssyncset.done $0x0  }
.Ltmp6:
0xfb: {  	s6 =	sadd.s32 $0x910, s6;
	[sflag:s15] =	ssyncadd.s32 $0xFFFFC000;
	(pc) =	sbr.rel @!p1 .LBB2_5-.Ltmp6, $4  }
0xfc: {  	[tilespmem:s26], [sflag:$0x4] =	stream.linear.gather [hbm4b:s6+s3], $0x80, $0x38;
	[tilespmem:$0x1BE00] =	vst v63  }
0xfd: {  	_ =	swait.ge [sflag:s29], $0x80  }
0xfe: {  	[sflag:s29] =	ssyncset.done $0x0  }
0xff: {  	[sflag:s29] =	ssyncadd.s32 $0xFFFFFF80  }
.Ltmp7:
0x100: {  	_ = 	snop;
	(pc) =	sbr.rel .LBB2_6-.Ltmp7, $1  }
0x101: {  	_ =	sdelay $0x3  }
.LBB2_11:
0x102: {  	_ =	sfence.sel $0x180000  }
0x103: {  	[bflag:$0x0] =	sbarrier.arrive $0xFFFF  }
0x104: {  	_ =	strace $0x90000047  }
0x105: {  	s0 =	stileid.u32;
	[bflag:$0x2] =	sbarrier.arrive $0xFFFF  }
0x106: {  	p0 =	sne.s32 s0, $0x0;
	s0 =	rddreg [dreg:$0x2]  }
0x107: {  	s0 =	sadd.s32 @!p0 $0x100000, s0  }
0x108: {  	[sflag:s0] =	ssyncadd.tile.s32 @!p0 $0x1;
	_ =	shalt  }
.Lfunc_end2:
_tile_overlayer_lowered:
.L_overlay_start_2:
0x109: {  	(tag) =	ssettag $0x2  }
0x10a: {  	s0 =	rddreg [dreg:$0x0];
	s2 =	stileid.u32  }
0x10b: {  	s1 =	rddreg [dreg:$0x1];
	p0 =	sne.s32 s2, $0x0  }
0x10c: {  	s3 =	rddreg [dreg:$0x2];
	[bflag:$0x3] =	sbarrier.arrive $0xFFFF;
	s2 =	simm.s32 @!p0 $0x1C0A  }
0x10d: {  	[timem:s3], [sflag:s2] =	dma.local @!p0 [hbm:s0], s1  }
0x10e: {  	s0 =	simm.s32 @!p0 $0xA  }
0x10f: {  	_ =	swait.ge @!p0 [sflag:s0], s1  }
0x110: {  	s1 =	ssub.s32 @!p0 $0x0, s1;
	[sflag:s0] =	ssyncset.done @!p0 $0x0  }
0x111: {  	[sflag:s0] =	ssyncadd.s32 @!p0 s1  }
0x112: {  	[bflag:$0x3] =	sbarrier.arrive $0xFFFF  }
0x113: {  	_ =	shalt  }

</sc_bundles>
